<compile_context>
chip_gen: v7x
topology: tpu7x:2x2x1
jax: 0.10.2.dev20260603
libtpu: 0.0.44.dev20260713+nightly
codegen_flags: <defaults>
</compile_context>

<pallas_src>
import functools

import jax
import jax.numpy as jnp
from jax import lax
from jax.experimental import pallas as pl
from jax.experimental.pallas import tpu as pltpu
from jax.experimental.pallas import tpu_sc as plsc

_H = 32
_W = 32
_D = 256
_B = 64
_B_TC = 48
_B_SC = _B - _B_TC


def _tc_kernel(row_ref, col_ref, pose_ref, p_out_ref, m_out_ref, m_buf, sem):
    d = col_ref.shape[1]
    rep, hw, _ = m_buf.shape
    h = _H
    w = hw // h
    B = _B_TC

    cc = col_ref[1 : w + 1, :]
    rr = row_ref[1 : h + 1, :]
    left = jnp.broadcast_to(cc[None, :, :], (h, w, d)).reshape(hw, d)
    right = jnp.broadcast_to(rr[:, None, :], (h, w, d)).reshape(hw, d)
    m = jnp.concatenate([left, right], axis=1)
    m_buf[...] = jnp.broadcast_to(m[None], (rep, hw, 2 * d))

    pe = pose_ref[0, :]
    p2 = jnp.concatenate([pe, pe])
    p_out_ref[...] = jnp.broadcast_to(p2[None, :], (_B, 2 * d))

    copies = [
        pltpu.make_async_copy(m_buf, m_out_ref.at[pl.ds(i, 1)], sem.at[i % 2])
        for i in range(B)
    ]
    for c in copies:
        c.start()
    for c in copies:
        c.wait()


_mesh = plsc.VectorSubcoreMesh(core_axis_name="c", subcore_axis_name="s")


@functools.partial(
    pl.kernel,
    mesh=_mesh,
    out_type=jax.ShapeDtypeStruct((_B_SC, _H * _W, 2 * _D), jnp.float32),
    scratch_types=[
        pltpu.VMEM((_W, 2 * _D), jnp.float32),
        pltpu.SemaphoreType.DMA,
        pltpu.SemaphoreType.DMA,
    ],
)
def _sc_emb(row_hbm, col_hbm, m_out, patbuf, sem_in, sem_out):
    nc = 2
    wid = lax.axis_index("s") * nc + lax.axis_index("c")
    yp1 = wid + 1

    fills = []
    for xi in range(_W):
        fills.append(
            pltpu.make_async_copy(col_hbm.at[xi + 1], patbuf.at[xi, pl.ds(0, _D)], sem_in)
        )
        fills.append(
            pltpu.make_async_copy(row_hbm.at[yp1], patbuf.at[xi, pl.ds(_D, _D)], sem_in)
        )
    for f in fills:
        f.start()
    for f in fills:
        f.wait()

    outs = [
        pltpu.make_async_copy(patbuf, m_out.at[b, pl.ds(wid * _W, _W)], sem_out)
        for b in range(_B_SC)
    ]
    for o in outs:
        o.start()
    for o in outs:
        o.wait()


def kernel(x, row_embed, col_embed, pose_token_embed):
    B = x.shape[0]
    h, w = x.shape[-2], x.shape[-1]
    d = col_embed.shape[1]

    p_emb, m_tc = pl.pallas_call(
        _tc_kernel,
        in_specs=[
            pl.BlockSpec(memory_space=pltpu.VMEM),
            pl.BlockSpec(memory_space=pltpu.VMEM),
            pl.BlockSpec(memory_space=pltpu.VMEM),
        ],
        out_specs=[
            pl.BlockSpec(memory_space=pltpu.VMEM),
            pl.BlockSpec(memory_space=pl.ANY),
        ],
        out_shape=[
            jax.ShapeDtypeStruct((B, 2 * d), jnp.float32),
            jax.ShapeDtypeStruct((_B_TC, h * w, 2 * d), jnp.float32),
        ],
        scratch_shapes=[
            pltpu.VMEM((1, h * w, 2 * d), jnp.float32),
            pltpu.SemaphoreType.DMA((2,)),
        ],
    )(row_embed, col_embed, pose_token_embed)
    m_sc = _sc_emb(row_embed, col_embed)
    m_bhwc = jnp.concatenate([m_tc, m_sc], axis=0)
    m_emb = m_bhwc.reshape(B, h, w, 2 * d).transpose(0, 3, 1, 2)
    return (p_emb, m_emb)

# --- scband reference (transcript-rebuilt; emitter-appended) ---
"""Pipeline reference for scband-position-embedding-learned-with-pose-token-59674275610653 (READ-ONLY COPY).

The authoritative reference and input builder live on the scoring server;
editing this copy changes nothing except your own understanding.
"""

import jax, jax.numpy as jnp
import numpy as np


def setup_inputs(seed: int = 0) -> dict:
    key = jax.random.key(seed)
    k1, k2, k3, k4 = jax.random.split(key, 4)
    x = jax.random.normal(k1, (64, 384, 32, 32), dtype=jnp.float32)
    # nn.init.uniform_ -> U[0,1)
    row_embed = jax.random.uniform(k2, (60, 256), dtype=jnp.float32)
    col_embed = jax.random.uniform(k3, (60, 256), dtype=jnp.float32)
    pose_token_embed = jax.random.uniform(k4, (60, 256), dtype=jnp.float32)
    return {"x": x, "row_embed": row_embed, "col_embed": col_embed, "pose_token_embed": pose_token_embed}


def reference(x, row_embed, col_embed, pose_token_embed):
    B = x.shape[0]
    h, w = x.shape[-2], x.shape[-1]
    i = jnp.arange(w, dtype=jnp.int32) + 1
    j = jnp.arange(h, dtype=jnp.int32) + 1
    p = i[0] - 1  # scalar index 0
    x_emb = jnp.take(col_embed, i, axis=0)  # [w, d]
    y_emb = jnp.take(row_embed, j, axis=0)  # [h, d]
    pe = jnp.take(pose_token_embed, p, axis=0)  # [d]
    p_emb = jnp.tile(jnp.concatenate([pe, pe])[None, :], (B, 1))  # [B, 2d]
    d = x_emb.shape[-1]
    m = jnp.concatenate([
        jnp.broadcast_to(x_emb[None, :, :], (h, w, d)),
        jnp.broadcast_to(y_emb[:, None, :], (h, w, d)),
    ], axis=-1)  # [h, w, 2d]
    m = jnp.transpose(m, (2, 0, 1))  # [2d, h, w]
    m_emb = jnp.broadcast_to(m[None, :, :, :], (B, 2 * d, h, w))
    return (p_emb, m_emb)

if __name__ == "__main__":
    import jax
    _d = setup_inputs()
    print(jax.jit(kernel)(*tuple(_d.values())))

</pallas_src>

<mosaic_0001>
#map = affine_map<(d0, d1) -> (0, 0)>
#map1 = affine_map<(d0, d1) -> (0, 0, 0)>
module attributes {stable_mosaic.version = 14 : i64} {
  func.func @_sc_emb(%arg0: i32, %arg1: i32, %arg2: memref<60x256xf32, #tpu.memory_space<hbm>>, %arg3: memref<60x256xf32, #tpu.memory_space<hbm>>, %arg4: memref<16x1024x512xf32, #tpu.memory_space<hbm>>, %arg5: memref<32x512xf32, #tpu.memory_space<vmem>>, %arg6: memref<!tpu.dma_semaphore, #tpu.memory_space<semaphore_mem>>, %arg7: memref<!tpu.dma_semaphore, #tpu.memory_space<semaphore_mem>>) attributes {dimension_semantics = [#tpu.dimension_semantics<core_parallel>, #tpu.dimension_semantics<subcore_parallel>], iteration_bounds = array<i64: 2, 16>, scalar_prefetch = 0 : i64, scratch_operands = 3 : i64, tpu.core_type = #tpu.core_type<sc_vector_subcore>, window_params = [{transform_indices = #map}, {transform_indices = #map}, {transform_indices = #map1}]} {
    %mul3A = arith.constant 2 : i32
    %mul3A_0 = arith.muli %arg1, %mul3A : i32
    %add3A = arith.addi %mul3A_0, %arg0 : i32
    %add3A_1 = arith.constant 1 : i32
    %add3A_2 = arith.addi %add3A, %add3A_1 : i32
    %dma_start3A = arith.constant 1 : i32
    %dma_start3A_3 = arith.constant 0 : i32
    %dma_start3A_4 = arith.constant 0 : i32
    %dma_start3A_5 = tpu.memref_slice %arg5[%dma_start3A_3, %dma_start3A_4] : memref<32x512xf32, #tpu.memory_space<vmem>> -> memref<1x256xf32, #tpu.memory_space<vmem>>
    %dma_start3A_6 = tpu.memref_squeeze %dma_start3A_5 : memref<1x256xf32, #tpu.memory_space<vmem>> -> memref<256xf32, #tpu.memory_space<vmem>>
    %dma_start3A_7 = arith.constant 0 : i32
    %dma_start3A_8 = tpu.memref_slice %arg3[%dma_start3A, %dma_start3A_7] : memref<60x256xf32, #tpu.memory_space<hbm>> -> memref<1x256xf32, #tpu.memory_space<hbm>>
    %dma_start3A_9 = tpu.memref_squeeze %dma_start3A_8 : memref<1x256xf32, #tpu.memory_space<hbm>> -> memref<256xf32, #tpu.memory_space<hbm>>
    %dma_start3A_10 = arith.constant 0 : i32
    %dma_start3A_11 = tpu.memref_slice %arg5[%dma_start3A_3, %dma_start3A_10] : memref<32x512xf32, #tpu.memory_space<vmem>> -> memref<1x256xf32, #tpu.memory_space<vmem>>
    %dma_start3A_12 = tpu.memref_squeeze %dma_start3A_11 : memref<1x256xf32, #tpu.memory_space<vmem>> -> memref<256xf32, #tpu.memory_space<vmem>>
    %dma_start3A_13 = arith.constant 0 : i32
    %dma_start3A_14 = tpu.memref_slice %arg3[%dma_start3A, %dma_start3A_13] : memref<60x256xf32, #tpu.memory_space<hbm>> -> memref<1x256xf32, #tpu.memory_space<hbm>>
    %dma_start3A_15 = tpu.memref_squeeze %dma_start3A_14 : memref<1x256xf32, #tpu.memory_space<hbm>> -> memref<256xf32, #tpu.memory_space<hbm>>
    tpu.enqueue_dma source(%dma_start3A_15 : memref<256xf32, #tpu.memory_space<hbm>>) target(%dma_start3A_12 : memref<256xf32, #tpu.memory_space<vmem>>) target_semaphore(%arg6 : memref<!tpu.dma_semaphore, #tpu.memory_space<semaphore_mem>>)
    %dma_start3A_16 = arith.constant 0 : i32
    %dma_start3A_17 = arith.constant 256 : i32
    %dma_start3A_18 = tpu.memref_slice %arg5[%dma_start3A_16, %dma_start3A_17] : memref<32x512xf32, #tpu.memory_space<vmem>> -> memref<1x256xf32, #tpu.memory_space<vmem>>
    %dma_start3A_19 = tpu.memref_squeeze %dma_start3A_18 : memref<1x256xf32, #tpu.memory_space<vmem>> -> memref<256xf32, #tpu.memory_space<vmem>>
    %dma_start3A_20 = arith.constant 0 : i32
    %dma_start3A_21 = tpu.memref_slice %arg2[%add3A_2, %dma_start3A_20] : memref<60x256xf32, #tpu.memory_space<hbm>> -> memref<1x256xf32, #tpu.memory_space<hbm>>
    %dma_start3A_22 = tpu.memref_squeeze %dma_start3A_21 : memref<1x256xf32, #tpu.memory_space<hbm>> -> memref<256xf32, #tpu.memory_space<hbm>>
    %dma_start3A_23 = arith.constant 256 : i32
    %dma_start3A_24 = tpu.memref_slice %arg5[%dma_start3A_16, %dma_start3A_23] : memref<32x512xf32, #tpu.memory_space<vmem>> -> memref<1x256xf32, #tpu.memory_space<vmem>>
    %dma_start3A_25 = tpu.memref_squeeze %dma_start3A_24 : memref<1x256xf32, #tpu.memory_space<vmem>> -> memref<256xf32, #tpu.memory_space<vmem>>
    %dma_start3A_26 = arith.constant 0 : i32
    %dma_start3A_27 = tpu.memref_slice %arg2[%add3A_2, %dma_start3A_26] : memref<60x256xf32, #tpu.memory_space<hbm>> -> memref<1x256xf32, #tpu.memory_space<hbm>>
    %dma_start3A_28 = tpu.memref_squeeze %dma_start3A_27 : memref<1x256xf32, #tpu.memory_space<hbm>> -> memref<256xf32, #tpu.memory_space<hbm>>
    tpu.enqueue_dma source(%dma_start3A_28 : memref<256xf32, #tpu.memory_space<hbm>>) target(%dma_start3A_25 : memref<256xf32, #tpu.memory_space<vmem>>) target_semaphore(%arg6 : memref<!tpu.dma_semaphore, #tpu.memory_space<semaphore_mem>>)
    %dma_start3A_29 = arith.constant 2 : i32
    %dma_start3A_30 = arith.constant 1 : i32
    %dma_start3A_31 = arith.constant 0 : i32
    %dma_start3A_32 = tpu.memref_slice %arg5[%dma_start3A_30, %dma_start3A_31] : memref<32x512xf32, #tpu.memory_space<vmem>> -> memref<1x256xf32, #tpu.memory_space<vmem>>
    %dma_start3A_33 = tpu.memref_squeeze %dma_start3A_32 : memref<1x256xf32, #tpu.memory_space<vmem>> -> memref<256xf32, #tpu.memory_space<vmem>>
    %dma_start3A_34 = arith.constant 0 : i32
    %dma_start3A_35 = tpu.memref_slice %arg3[%dma_start3A_29, %dma_start3A_34] : memref<60x256xf32, #tpu.memory_space<hbm>> -> memref<1x256xf32, #tpu.memory_space<hbm>>
    %dma_start3A_36 = tpu.memref_squeeze %dma_start3A_35 : memref<1x256xf32, #tpu.memory_space<hbm>> -> memref<256xf32, #tpu.memory_space<hbm>>
    %dma_start3A_37 = arith.constant 0 : i32
    %dma_start3A_38 = tpu.memref_slice %arg5[%dma_start3A_30, %dma_start3A_37] : memref<32x512xf32, #tpu.memory_space<vmem>> -> memref<1x256xf32, #tpu.memory_space<vmem>>
    %dma_start3A_39 = tpu.memref_squeeze %dma_start3A_38 : memref<1x256xf32, #tpu.memory_space<vmem>> -> memref<256xf32, #tpu.memory_space<vmem>>
    %dma_start3A_40 = arith.constant 0 : i32
    %dma_start3A_41 = tpu.memref_slice %arg3[%dma_start3A_29, %dma_start3A_40] : memref<60x256xf32, #tpu.memory_space<hbm>> -> memref<1x256xf32, #tpu.memory_space<hbm>>
    %dma_start3A_42 = tpu.memref_squeeze %dma_start3A_41 : memref<1x256xf32, #tpu.memory_space<hbm>> -> memref<256xf32, #tpu.memory_space<hbm>>
    tpu.enqueue_dma source(%dma_start3A_42 : memref<256xf32, #tpu.memory_space<hbm>>) target(%dma_start3A_39 : memref<256xf32, #tpu.memory_space<vmem>>) target_semaphore(%arg6 : memref<!tpu.dma_semaphore, #tpu.memory_space<semaphore_mem>>)
    %dma_start3A_43 = arith.constant 1 : i32
    %dma_start3A_44 = arith.constant 256 : i32
    %dma_start3A_45 = tpu.memref_slice %arg5[%dma_start3A_43, %dma_start3A_44] : memref<32x512xf32, #tpu.memory_space<vmem>> -> memref<1x256xf32, #tpu.memory_space<vmem>>
    %dma_start3A_46 = tpu.memref_squeeze %dma_start3A_45 : memref<1x256xf32, #tpu.memory_space<vmem>> -> memref<256xf32, #tpu.memory_space<vmem>>
    %dma_start3A_47 = arith.constant 0 : i32
    %dma_start3A_48 = tpu.memref_slice %arg2[%add3A_2, %dma_start3A_47] : memref<60x256xf32, #tpu.memory_space<hbm>> -> memref<1x256xf32, #tpu.memory_space<hbm>>
    %dma_start3A_49 = tpu.memref_squeeze %dma_start3A_48 : memref<1x256xf32, #tpu.memory_space<hbm>> -> memref<256xf32, #tpu.memory_space<hbm>>
    %dma_start3A_50 = arith.constant 256 : i32
    %dma_start3A_51 = tpu.memref_slice %arg5[%dma_start3A_43, %dma_start3A_50] : memref<32x512xf32, #tpu.memory_space<vmem>> -> memref<1x256xf32, #tpu.memory_space<vmem>>
    %dma_start3A_52 = tpu.memref_squeeze %dma_start3A_51 : memref<1x256xf32, #tpu.memory_space<vmem>> -> memref<256xf32, #tpu.memory_space<vmem>>
    %dma_start3A_53 = arith.constant 0 : i32
    %dma_start3A_54 = tpu.memref_slice %arg2[%add3A_2, %dma_start3A_53] : memref<60x256xf32, #tpu.memory_space<hbm>> -> memref<1x256xf32, #tpu.memory_space<hbm>>
    %dma_start3A_55 = tpu.memref_squeeze %dma_start3A_54 : memref<1x256xf32, #tpu.memory_space<hbm>> -> memref<256xf32, #tpu.memory_space<hbm>>
    tpu.enqueue_dma source(%dma_start3A_55 : memref<256xf32, #tpu.memory_space<hbm>>) target(%dma_start3A_52 : memref<256xf32, #tpu.memory_space<vmem>>) target_semaphore(%arg6 : memref<!tpu.dma_semaphore, #tpu.memory_space<semaphore_mem>>)
    %dma_start3A_56 = arith.constant 3 : i32
    %dma_start3A_57 = arith.constant 2 : i32
    %dma_start3A_58 = arith.constant 0 : i32
    %dma_start3A_59 = tpu.memref_slice %arg5[%dma_start3A_57, %dma_start3A_58] : memref<32x512xf32, #tpu.memory_space<vmem>> -> memref<1x256xf32, #tpu.memory_space<vmem>>
    %dma_start3A_60 = tpu.memref_squeeze %dma_start3A_59 : memref<1x256xf32, #tpu.memory_space<vmem>> -> memref<256xf32, #tpu.memory_space<vmem>>
    %dma_start3A_61 = arith.constant 0 : i32
    %dma_start3A_62 = tpu.memref_slice %arg3[%dma_start3A_56, %dma_start3A_61] : memref<60x256xf32, #tpu.memory_space<hbm>> -> memref<1x256xf32, #tpu.memory_space<hbm>>
    %dma_start3A_63 = tpu.memref_squeeze %dma_start3A_62 : memref<1x256xf32, #tpu.memory_space<hbm>> -> memref<256xf32, #tpu.memory_space<hbm>>
    %dma_start3A_64 = arith.constant 0 : i32
    %dma_start3A_65 = tpu.memref_slice %arg5[%dma_start3A_57, %dma_start3A_64] : memref<32x512xf32, #tpu.memory_space<vmem>> -> memref<1x256xf32, #tpu.memory_space<vmem>>
    %dma_start3A_66 = tpu.memref_squeeze %dma_start3A_65 : memref<1x256xf32, #tpu.memory_space<vmem>> -> memref<256xf32, #tpu.memory_space<vmem>>
    %dma_start3A_67 = arith.constant 0 : i32
    %dma_start3A_68 = tpu.memref_slice %arg3[%dma_start3A_56, %dma_start3A_67] : memref<60x256xf32, #tpu.memory_space<hbm>> -> memref<1x256xf32, #tpu.memory_space<hbm>>
    %dma_start3A_69 = tpu.memref_squeeze %dma_start3A_68 : memref<1x256xf32, #tpu.memory_space<hbm>> -> memref<256xf32, #tpu.memory_space<hbm>>
    tpu.enqueue_dma source(%dma_start3A_69 : memref<256xf32, #tpu.memory_space<hbm>>) target(%dma_start3A_66 : memref<256xf32, #tpu.memory_space<vmem>>) target_semaphore(%arg6 : memref<!tpu.dma_semaphore, #tpu.memory_space<semaphore_mem>>)
    %dma_start3A_70 = arith.constant 2 : i32
    %dma_start3A_71 = arith.constant 256 : i32
    %dma_start3A_72 = tpu.memref_slice %arg5[%dma_start3A_70, %dma_start3A_71] : memref<32x512xf32, #tpu.memory_space<vmem>> -> memref<1x256xf32, #tpu.memory_space<vmem>>
    %dma_start3A_73 = tpu.memref_squeeze %dma_start3A_72 : memref<1x256xf32, #tpu.memory_space<vmem>> -> memref<256xf32, #tpu.memory_space<vmem>>
    %dma_start3A_74 = arith.constant 0 : i32
    %dma_start3A_75 = tpu.memref_slice %arg2[%add3A_2, %dma_start3A_74] : memref<60x256xf32, #tpu.memory_space<hbm>> -> memref<1x256xf32, #tpu.memory_space<hbm>>
    %dma_start3A_76 = tpu.memref_squeeze %dma_start3A_75 : memref<1x256xf32, #tpu.memory_space<hbm>> -> memref<256xf32, #tpu.memory_space<hbm>>
    %dma_start3A_77 = arith.constant 256 : i32
    %dma_start3A_78 = tpu.memref_slice %arg5[%dma_start3A_70, %dma_start3A_77] : memref<32x512xf32, #tpu.memory_space<vmem>> -> memref<1x256xf32, #tpu.memory_space<vmem>>
    %dma_start3A_79 = tpu.memref_squeeze %dma_start3A_78 : memref<1x256xf32, #tpu.memory_space<vmem>> -> memref<256xf32, #tpu.memory_space<vmem>>
    %dma_start3A_80 = arith.constant 0 : i32
    %dma_start3A_81 = tpu.memref_slice %arg2[%add3A_2, %dma_start3A_80] : memref<60x256xf32, #tpu.memory_space<hbm>> -> memref<1x256xf32, #tpu.memory_space<hbm>>
    %dma_start3A_82 = tpu.memref_squeeze %dma_start3A_81 : memref<1x256xf32, #tpu.memory_space<hbm>> -> memref<256xf32, #tpu.memory_space<hbm>>
    tpu.enqueue_dma source(%dma_start3A_82 : memref<256xf32, #tpu.memory_space<hbm>>) target(%dma_start3A_79 : memref<256xf32, #tpu.memory_space<vmem>>) target_semaphore(%arg6 : memref<!tpu.dma_semaphore, #tpu.memory_space<semaphore_mem>>)
    %dma_start3A_83 = arith.constant 4 : i32
    %dma_start3A_84 = arith.constant 3 : i32
    %dma_start3A_85 = arith.constant 0 : i32
    %dma_start3A_86 = tpu.memref_slice %arg5[%dma_start3A_84, %dma_start3A_85] : memref<32x512xf32, #tpu.memory_space<vmem>> -> memref<1x256xf32, #tpu.memory_space<vmem>>
    %dma_start3A_87 = tpu.memref_squeeze %dma_start3A_86 : memref<1x256xf32, #tpu.memory_space<vmem>> -> memref<256xf32, #tpu.memory_space<vmem>>
    %dma_start3A_88 = arith.constant 0 : i32
    %dma_start3A_89 = tpu.memref_slice %arg3[%dma_start3A_83, %dma_start3A_88] : memref<60x256xf32, #tpu.memory_space<hbm>> -> memref<1x256xf32, #tpu.memory_space<hbm>>
    %dma_start3A_90 = tpu.memref_squeeze %dma_start3A_89 : memref<1x256xf32, #tpu.memory_space<hbm>> -> memref<256xf32, #tpu.memory_space<hbm>>
    %dma_start3A_91 = arith.constant 0 : i32
    %dma_start3A_92 = tpu.memref_slice %arg5[%dma_start3A_84, %dma_start3A_91] : memref<32x512xf32, #tpu.memory_space<vmem>> -> memref<1x256xf32, #tpu.memory_space<vmem>>
    %dma_start3A_93 = tpu.memref_squeeze %dma_start3A_92 : memref<1x256xf32, #tpu.memory_space<vmem>> -> memref<256xf32, #tpu.memory_space<vmem>>
    %dma_start3A_94 = arith.constant 0 : i32
    %dma_start3A_95 = tpu.memref_slice %arg3[%dma_start3A_83, %dma_start3A_94] : memref<60x256xf32, #tpu.memory_space<hbm>> -> memref<1x256xf32, #tpu.memory_space<hbm>>
    %dma_start3A_96 = tpu.memref_squeeze %dma_start3A_95 : memref<1x256xf32, #tpu.memory_space<hbm>> -> memref<256xf32, #tpu.memory_space<hbm>>
    tpu.enqueue_dma source(%dma_start3A_96 : memref<256xf32, #tpu.memory_space<hbm>>) target(%dma_start3A_93 : memref<256xf32, #tpu.memory_space<vmem>>) target_semaphore(%arg6 : memref<!tpu.dma_semaphore, #tpu.memory_space<semaphore_mem>>)
    %dma_start3A_97 = arith.constant 3 : i32
    %dma_start3A_98 = arith.constant 256 : i32
    %dma_start3A_99 = tpu.memref_slice %arg5[%dma_start3A_97, %dma_start3A_98] : memref<32x512xf32, #tpu.memory_space<vmem>> -> memref<1x256xf32, #tpu.memory_space<vmem>>
    %dma_start3A_100 = tpu.memref_squeeze %dma_start3A_99 : memref<1x256xf32, #tpu.memory_space<vmem>> -> memref<256xf32, #tpu.memory_space<vmem>>
    %dma_start3A_101 = arith.constant 0 : i32
    %dma_start3A_102 = tpu.memref_slice %arg2[%add3A_2, %dma_start3A_101] : memref<60x256xf32, #tpu.memory_space<hbm>> -> memref<1x256xf32, #tpu.memory_space<hbm>>
    %dma_start3A_103 = tpu.memref_squeeze %dma_start3A_102 : memref<1x256xf32, #tpu.memory_space<hbm>> -> memref<256xf32, #tpu.memory_space<hbm>>
    %dma_start3A_104 = arith.constant 256 : i32
    %dma_start3A_105 = tpu.memref_slice %arg5[%dma_start3A_97, %dma_start3A_104] : memref<32x512xf32, #tpu.memory_space<vmem>> -> memref<1x256xf32, #tpu.memory_space<vmem>>
    %dma_start3A_106 = tpu.memref_squeeze %dma_start3A_105 : memref<1x256xf32, #tpu.memory_space<vmem>> -> memref<256xf32, #tpu.memory_space<vmem>>
    %dma_start3A_107 = arith.constant 0 : i32
    %dma_start3A_108 = tpu.memref_slice %arg2[%add3A_2, %dma_start3A_107] : memref<60x256xf32, #tpu.memory_space<hbm>> -> memref<1x256xf32, #tpu.memory_space<hbm>>
    %dma_start3A_109 = tpu.memref_squeeze %dma_start3A_108 : memref<1x256xf32, #tpu.memory_space<hbm>> -> memref<256xf32, #tpu.memory_space<hbm>>
    tpu.enqueue_dma source(%dma_start3A_109 : memref<256xf32, #tpu.memory_space<hbm>>) target(%dma_start3A_106 : memref<256xf32, #tpu.memory_space<vmem>>) target_semaphore(%arg6 : memref<!tpu.dma_semaphore, #tpu.memory_space<semaphore_mem>>)
    %dma_start3A_110 = arith.constant 5 : i32
    %dma_start3A_111 = arith.constant 4 : i32
    %dma_start3A_112 = arith.constant 0 : i32
    %dma_start3A_113 = tpu.memref_slice %arg5[%dma_start3A_111, %dma_start3A_112] : memref<32x512xf32, #tpu.memory_space<vmem>> -> memref<1x256xf32, #tpu.memory_space<vmem>>
    %dma_start3A_114 = tpu.memref_squeeze %dma_start3A_113 : memref<1x256xf32, #tpu.memory_space<vmem>> -> memref<256xf32, #tpu.memory_space<vmem>>
    %dma_start3A_115 = arith.constant 0 : i32
    %dma_start3A_116 = tpu.memref_slice %arg3[%dma_start3A_110, %dma_start3A_115] : memref<60x256xf32, #tpu.memory_space<hbm>> -> memref<1x256xf32, #tpu.memory_space<hbm>>
    %dma_start3A_117 = tpu.memref_squeeze %dma_start3A_116 : memref<1x256xf32, #tpu.memory_space<hbm>> -> memref<256xf32, #tpu.memory_space<hbm>>
    %dma_start3A_118 = arith.constant 0 : i32
    %dma_start3A_119 = tpu.memref_slice %arg5[%dma_start3A_111, %dma_start3A_118] : memref<32x512xf32, #tpu.memory_space<vmem>> -> memref<1x256xf32, #tpu.memory_space<vmem>>
    %dma_start3A_120 = tpu.memref_squeeze %dma_start3A_119 : memref<1x256xf32, #tpu.memory_space<vmem>> -> memref<256xf32, #tpu.memory_space<vmem>>
    %dma_start3A_121 = arith.constant 0 : i32
    %dma_start3A_122 = tpu.memref_slice %arg3[%dma_start3A_110, %dma_start3A_121] : memref<60x256xf32, #tpu.memory_space<hbm>> -> memref<1x256xf32, #tpu.memory_space<hbm>>
    %dma_start3A_123 = tpu.memref_squeeze %dma_start3A_122 : memref<1x256xf32, #tpu.memory_space<hbm>> -> memref<256xf32, #tpu.memory_space<hbm>>
    tpu.enqueue_dma source(%dma_start3A_123 : memref<256xf32, #tpu.memory_space<hbm>>) target(%dma_start3A_120 : memref<256xf32, #tpu.memory_space<vmem>>) target_semaphore(%arg6 : memref<!tpu.dma_semaphore, #tpu.memory_space<semaphore_mem>>)
    %dma_start3A_124 = arith.constant 4 : i32
    %dma_start3A_125 = arith.constant 256 : i32
    %dma_start3A_126 = tpu.memref_slice %arg5[%dma_start3A_124, %dma_start3A_125] : memref<32x512xf32, #tpu.memory_space<vmem>> -> memref<1x256xf32, #tpu.memory_space<vmem>>
    %dma_start3A_127 = tpu.memref_squeeze %dma_start3A_126 : memref<1x256xf32, #tpu.memory_space<vmem>> -> memref<256xf32, #tpu.memory_space<vmem>>
    %dma_start3A_128 = arith.constant 0 : i32
    %dma_start3A_129 = tpu.memref_slice %arg2[%add3A_2, %dma_start3A_128] : memref<60x256xf32, #tpu.memory_space<hbm>> -> memref<1x256xf32, #tpu.memory_space<hbm>>
    %dma_start3A_130 = tpu.memref_squeeze %dma_start3A_129 : memref<1x256xf32, #tpu.memory_space<hbm>> -> memref<256xf32, #tpu.memory_space<hbm>>
    %dma_start3A_131 = arith.constant 256 : i32
    %dma_start3A_132 = tpu.memref_slice %arg5[%dma_start3A_124, %dma_start3A_131] : memref<32x512xf32, #tpu.memory_space<vmem>> -> memref<1x256xf32, #tpu.memory_space<vmem>>
    %dma_start3A_133 = tpu.memref_squeeze %dma_start3A_132 : memref<1x256xf32, #tpu.memory_space<vmem>> -> memref<256xf32, #tpu.memory_space<vmem>>
    %dma_start3A_134 = arith.constant 0 : i32
    %dma_start3A_135 = tpu.memref_slice %arg2[%add3A_2, %dma_start3A_134] : memref<60x256xf32, #tpu.memory_space<hbm>> -> memref<1x256xf32, #tpu.memory_space<hbm>>
    %dma_start3A_136 = tpu.memref_squeeze %dma_start3A_135 : memref<1x256xf32, #tpu.memory_space<hbm>> -> memref<256xf32, #tpu.memory_space<hbm>>
    tpu.enqueue_dma source(%dma_start3A_136 : memref<256xf32, #tpu.memory_space<hbm>>) target(%dma_start3A_133 : memref<256xf32, #tpu.memory_space<vmem>>) target_semaphore(%arg6 : memref<!tpu.dma_semaphore, #tpu.memory_space<semaphore_mem>>)
    %dma_start3A_137 = arith.constant 6 : i32
    %dma_start3A_138 = arith.constant 5 : i32
    %dma_start3A_139 = arith.constant 0 : i32
    %dma_start3A_140 = tpu.memref_slice %arg5[%dma_start3A_138, %dma_start3A_139] : memref<32x512xf32, #tpu.memory_space<vmem>> -> memref<1x256xf32, #tpu.memory_space<vmem>>
    %dma_start3A_141 = tpu.memref_squeeze %dma_start3A_140 : memref<1x256xf32, #tpu.memory_space<vmem>> -> memref<256xf32, #tpu.memory_space<vmem>>
    %dma_start3A_142 = arith.constant 0 : i32
    %dma_start3A_143 = tpu.memref_slice %arg3[%dma_start3A_137, %dma_start3A_142] : memref<60x256xf32, #tpu.memory_space<hbm>> -> memref<1x256xf32, #tpu.memory_space<hbm>>
    %dma_start3A_144 = tpu.memref_squeeze %dma_start3A_143 : memref<1x256xf32, #tpu.memory_space<hbm>> -> memref<256xf32, #tpu.memory_space<hbm>>
    %dma_start3A_145 = arith.constant 0 : i32
    %dma_start3A_146 = tpu.memref_slice %arg5[%dma_start3A_138, %dma_start3A_145] : memref<32x512xf32, #tpu.memory_space<vmem>> -> memref<1x256xf32, #tpu.memory_space<vmem>>
    %dma_start3A_147 = tpu.memref_squeeze %dma_start3A_146 : memref<1x256xf32, #tpu.memory_space<vmem>> -> memref<256xf32, #tpu.memory_space<vmem>>
    %dma_start3A_148 = arith.constant 0 : i32
    %dma_start3A_149 = tpu.memref_slice %arg3[%dma_start3A_137, %dma_start3A_148] : memref<60x256xf32, #tpu.memory_space<hbm>> -> memref<1x256xf32, #tpu.memory_space<hbm>>
    %dma_start3A_150 = tpu.memref_squeeze %dma_start3A_149 : memref<1x256xf32, #tpu.memory_space<hbm>> -> memref<256xf32, #tpu.memory_space<hbm>>
    tpu.enqueue_dma source(%dma_start3A_150 : memref<256xf32, #tpu.memory_space<hbm>>) target(%dma_start3A_147 : memref<256xf32, #tpu.memory_space<vmem>>) target_semaphore(%arg6 : memref<!tpu.dma_semaphore, #tpu.memory_space<semaphore_mem>>)
    %dma_start3A_151 = arith.constant 5 : i32
    %dma_start3A_152 = arith.constant 256 : i32
    %dma_start3A_153 = tpu.memref_slice %arg5[%dma_start3A_151, %dma_start3A_152] : memref<32x512xf32, #tpu.memory_space<vmem>> -> memref<1x256xf32, #tpu.memory_space<vmem>>
    %dma_start3A_154 = tpu.memref_squeeze %dma_start3A_153 : memref<1x256xf32, #tpu.memory_space<vmem>> -> memref<256xf32, #tpu.memory_space<vmem>>
    %dma_start3A_155 = arith.constant 0 : i32
    %dma_start3A_156 = tpu.memref_slice %arg2[%add3A_2, %dma_start3A_155] : memref<60x256xf32, #tpu.memory_space<hbm>> -> memref<1x256xf32, #tpu.memory_space<hbm>>
    %dma_start3A_157 = tpu.memref_squeeze %dma_start3A_156 : memref<1x256xf32, #tpu.memory_space<hbm>> -> memref<256xf32, #tpu.memory_space<hbm>>
    %dma_start3A_158 = arith.constant 256 : i32
    %dma_start3A_159 = tpu.memref_slice %arg5[%dma_start3A_151, %dma_start3A_158] : memref<32x512xf32, #tpu.memory_space<vmem>> -> memref<1x256xf32, #tpu.memory_space<vmem>>
    %dma_start3A_160 = tpu.memref_squeeze %dma_start3A_159 : memref<1x256xf32, #tpu.memory_space<vmem>> -> memref<256xf32, #tpu.memory_space<vmem>>
    %dma_start3A_161 = arith.constant 0 : i32
    %dma_start3A_162 = tpu.memref_slice %arg2[%add3A_2, %dma_start3A_161] : memref<60x256xf32, #tpu.memory_space<hbm>> -> memref<1x256xf32, #tpu.memory_space<hbm>>
    %dma_start3A_163 = tpu.memref_squeeze %dma_start3A_162 : memref<1x256xf32, #tpu.memory_space<hbm>> -> memref<256xf32, #tpu.memory_space<hbm>>
    tpu.enqueue_dma source(%dma_start3A_163 : memref<256xf32, #tpu.memory_space<hbm>>) target(%dma_start3A_160 : memref<256xf32, #tpu.memory_space<vmem>>) target_semaphore(%arg6 : memref<!tpu.dma_semaphore, #tpu.memory_space<semaphore_mem>>)
    %dma_start3A_164 = arith.constant 7 : i32
    %dma_start3A_165 = arith.constant 6 : i32
    %dma_start3A_166 = arith.constant 0 : i32
    %dma_start3A_167 = tpu.memref_slice %arg5[%dma_start3A_165, %dma_start3A_166] : memref<32x512xf32, #tpu.memory_space<vmem>> -> memref<1x256xf32, #tpu.memory_space<vmem>>
    %dma_start3A_168 = tpu.memref_squeeze %dma_start3A_167 : memref<1x256xf32, #tpu.memory_space<vmem>> -> memref<256xf32, #tpu.memory_space<vmem>>
    %dma_start3A_169 = arith.constant 0 : i32
    %dma_start3A_170 = tpu.memref_slice %arg3[%dma_start3A_164, %dma_start3A_169] : memref<60x256xf32, #tpu.memory_space<hbm>> -> memref<1x256xf32, #tpu.memory_space<hbm>>
    %dma_start3A_171 = tpu.memref_squeeze %dma_start3A_170 : memref<1x256xf32, #tpu.memory_space<hbm>> -> memref<256xf32, #tpu.memory_space<hbm>>
    %dma_start3A_172 = arith.constant 0 : i32
    %dma_start3A_173 = tpu.memref_slice %arg5[%dma_start3A_165, %dma_start3A_172] : memref<32x512xf32, #tpu.memory_space<vmem>> -> memref<1x256xf32, #tpu.memory_space<vmem>>
    %dma_start3A_174 = tpu.memref_squeeze %dma_start3A_173 : memref<1x256xf32, #tpu.memory_space<vmem>> -> memref<256xf32, #tpu.memory_space<vmem>>
    %dma_start3A_175 = arith.constant 0 : i32
    %dma_start3A_176 = tpu.memref_slice %arg3[%dma_start3A_164, %dma_start3A_175] : memref<60x256xf32, #tpu.memory_space<hbm>> -> memref<1x256xf32, #tpu.memory_space<hbm>>
    %dma_start3A_177 = tpu.memref_squeeze %dma_start3A_176 : memref<1x256xf32, #tpu.memory_space<hbm>> -> memref<256xf32, #tpu.memory_space<hbm>>
    tpu.enqueue_dma source(%dma_start3A_177 : memref<256xf32, #tpu.memory_space<hbm>>) target(%dma_start3A_174 : memref<256xf32, #tpu.memory_space<vmem>>) target_semaphore(%arg6 : memref<!tpu.dma_semaphore, #tpu.memory_space<semaphore_mem>>)
    %dma_start3A_178 = arith.constant 6 : i32
    %dma_start3A_179 = arith.constant 256 : i32
    %dma_start3A_180 = tpu.memref_slice %arg5[%dma_start3A_178, %dma_start3A_179] : memref<32x512xf32, #tpu.memory_space<vmem>> -> memref<1x256xf32, #tpu.memory_space<vmem>>
    %dma_start3A_181 = tpu.memref_squeeze %dma_start3A_180 : memref<1x256xf32, #tpu.memory_space<vmem>> -> memref<256xf32, #tpu.memory_space<vmem>>
    %dma_start3A_182 = arith.constant 0 : i32
    %dma_start3A_183 = tpu.memref_slice %arg2[%add3A_2, %dma_start3A_182] : memref<60x256xf32, #tpu.memory_space<hbm>> -> memref<1x256xf32, #tpu.memory_space<hbm>>
    %dma_start3A_184 = tpu.memref_squeeze %dma_start3A_183 : memref<1x256xf32, #tpu.memory_space<hbm>> -> memref<256xf32, #tpu.memory_space<hbm>>
    %dma_start3A_185 = arith.constant 256 : i32
    %dma_start3A_186 = tpu.memref_slice %arg5[%dma_start3A_178, %dma_start3A_185] : memref<32x512xf32, #tpu.memory_space<vmem>> -> memref<1x256xf32, #tpu.memory_space<vmem>>
    %dma_start3A_187 = tpu.memref_squeeze %dma_start3A_186 : memref<1x256xf32, #tpu.memory_space<vmem>> -> memref<256xf32, #tpu.memory_space<vmem>>
    %dma_start3A_188 = arith.constant 0 : i32
    %dma_start3A_189 = tpu.memref_slice %arg2[%add3A_2, %dma_start3A_188] : memref<60x256xf32, #tpu.memory_space<hbm>> -> memref<1x256xf32, #tpu.memory_space<hbm>>
    %dma_start3A_190 = tpu.memref_squeeze %dma_start3A_189 : memref<1x256xf32, #tpu.memory_space<hbm>> -> memref<256xf32, #tpu.memory_space<hbm>>
    tpu.enqueue_dma source(%dma_start3A_190 : memref<256xf32, #tpu.memory_space<hbm>>) target(%dma_start3A_187 : memref<256xf32, #tpu.memory_space<vmem>>) target_semaphore(%arg6 : memref<!tpu.dma_semaphore, #tpu.memory_space<semaphore_mem>>)
    %dma_start3A_191 = arith.constant 8 : i32
    %dma_start3A_192 = arith.constant 7 : i32
    %dma_start3A_193 = arith.constant 0 : i32
    %dma_start3A_194 = tpu.memref_slice %arg5[%dma_start3A_192, %dma_start3A_193] : memref<32x512xf32, #tpu.memory_space<vmem>> -> memref<1x256xf32, #tpu.memory_space<vmem>>
    %dma_start3A_195 = tpu.memref_squeeze %dma_start3A_194 : memref<1x256xf32, #tpu.memory_space<vmem>> -> memref<256xf32, #tpu.memory_space<vmem>>
    %dma_start3A_196 = arith.constant 0 : i32
    %dma_start3A_197 = tpu.memref_slice %arg3[%dma_start3A_191, %dma_start3A_196] : memref<60x256xf32, #tpu.memory_space<hbm>> -> memref<1x256xf32, #tpu.memory_space<hbm>>
    %dma_start3A_198 = tpu.memref_squeeze %dma_start3A_197 : memref<1x256xf32, #tpu.memory_space<hbm>> -> memref<256xf32, #tpu.memory_space<hbm>>
    %dma_start3A_199 = arith.constant 0 : i32
    %dma_start3A_200 = tpu.memref_slice %arg5[%dma_start3A_192, %dma_start3A_199] : memref<32x512xf32, #tpu.memory_space<vmem>> -> memref<1x256xf32, #tpu.memory_space<vmem>>
    %dma_start3A_201 = tpu.memref_squeeze %dma_start3A_200 : memref<1x256xf32, #tpu.memory_space<vmem>> -> memref<256xf32, #tpu.memory_space<vmem>>
    %dma_start3A_202 = arith.constant 0 : i32
    %dma_start3A_203 = tpu.memref_slice %arg3[%dma_start3A_191, %dma_start3A_202] : memref<60x256xf32, #tpu.memory_space<hbm>> -> memref<1x256xf32, #tpu.memory_space<hbm>>
    %dma_start3A_204 = tpu.memref_squeeze %dma_start3A_203 : memref<1x256xf32, #tpu.memory_space<hbm>> -> memref<256xf32, #tpu.memory_space<hbm>>
    tpu.enqueue_dma source(%dma_start3A_204 : memref<256xf32, #tpu.memory_space<hbm>>) target(%dma_start3A_201 : memref<256xf32, #tpu.memory_space<vmem>>) target_semaphore(%arg6 : memref<!tpu.dma_semaphore, #tpu.memory_space<semaphore_mem>>)
    %dma_start3A_205 = arith.constant 7 : i32
    %dma_start3A_206 = arith.constant 256 : i32
    %dma_start3A_207 = tpu.memref_slice %arg5[%dma_start3A_205, %dma_start3A_206] : memref<32x512xf32, #tpu.memory_space<vmem>> -> memref<1x256xf32, #tpu.memory_space<vmem>>
    %dma_start3A_208 = tpu.memref_squeeze %dma_start3A_207 : memref<1x256xf32, #tpu.memory_space<vmem>> -> memref<256xf32, #tpu.memory_space<vmem>>
    %dma_start3A_209 = arith.constant 0 : i32
    %dma_start3A_210 = tpu.memref_slice %arg2[%add3A_2, %dma_start3A_209] : memref<60x256xf32, #tpu.memory_space<hbm>> -> memref<1x256xf32, #tpu.memory_space<hbm>>
    %dma_start3A_211 = tpu.memref_squeeze %dma_start3A_210 : memref<1x256xf32, #tpu.memory_space<hbm>> -> memref<256xf32, #tpu.memory_space<hbm>>
    %dma_start3A_212 = arith.constant 256 : i32
    %dma_start3A_213 = tpu.memref_slice %arg5[%dma_start3A_205, %dma_start3A_212] : memref<32x512xf32, #tpu.memory_space<vmem>> -> memref<1x256xf32, #tpu.memory_space<vmem>>
    %dma_start3A_214 = tpu.memref_squeeze %dma_start3A_213 : memref<1x256xf32, #tpu.memory_space<vmem>> -> memref<256xf32, #tpu.memory_space<vmem>>
    %dma_start3A_215 = arith.constant 0 : i32
    %dma_start3A_216 = tpu.memref_slice %arg2[%add3A_2, %dma_start3A_215] : memref<60x256xf32, #tpu.memory_space<hbm>> -> memref<1x256xf32, #tpu.memory_space<hbm>>
    %dma_start3A_217 = tpu.memref_squeeze %dma_start3A_216 : memref<1x256xf32, #tpu.memory_space<hbm>> -> memref<256xf32, #tpu.memory_space<hbm>>
    tpu.enqueue_dma source(%dma_start3A_217 : memref<256xf32, #tpu.memory_space<hbm>>) target(%dma_start3A_214 : memref<256xf32, #tpu.memory_space<vmem>>) target_semaphore(%arg6 : memref<!tpu.dma_semaphore, #tpu.memory_space<semaphore_mem>>)
    %dma_start3A_218 = arith.constant 9 : i32
    %dma_start3A_219 = arith.constant 8 : i32
    %dma_start3A_220 = arith.constant 0 : i32
    %dma_start3A_221 = tpu.memref_slice %arg5[%dma_start3A_219, %dma_start3A_220] : memref<32x512xf32, #tpu.memory_space<vmem>> -> memref<1x256xf32, #tpu.memory_space<vmem>>
    %dma_start3A_222 = tpu.memref_squeeze %dma_start3A_221 : memref<1x256xf32, #tpu.memory_space<vmem>> -> memref<256xf32, #tpu.memory_space<vmem>>
    %dma_start3A_223 = arith.constant 0 : i32
    %dma_start3A_224 = tpu.memref_slice %arg3[%dma_start3A_218, %dma_start3A_223] : memref<60x256xf32, #tpu.memory_space<hbm>> -> memref<1x256xf32, #tpu.memory_space<hbm>>
    %dma_start3A_225 = tpu.memref_squeeze %dma_start3A_224 : memref<1x256xf32, #tpu.memory_space<hbm>> -> memref<256xf32, #tpu.memory_space<hbm>>
    %dma_start3A_226 = arith.constant 0 : i32
    %dma_start3A_227 = tpu.memref_slice %arg5[%dma_start3A_219, %dma_start3A_226] : memref<32x512xf32, #tpu.memory_space<vmem>> -> memref<1x256xf32, #tpu.memory_space<vmem>>
    %dma_start3A_228 = tpu.memref_squeeze %dma_start3A_227 : memref<1x256xf32, #tpu.memory_space<vmem>> -> memref<256xf32, #tpu.memory_space<vmem>>
    %dma_start3A_229 = arith.constant 0 : i32
    %dma_start3A_230 = tpu.memref_slice %arg3[%dma_start3A_218, %dma_start3A_229] : memref<60x256xf32, #tpu.memory_space<hbm>> -> memref<1x256xf32, #tpu.memory_space<hbm>>
    %dma_start3A_231 = tpu.memref_squeeze %dma_start3A_230 : memref<1x256xf32, #tpu.memory_space<hbm>> -> memref<256xf32, #tpu.memory_space<hbm>>
    tpu.enqueue_dma source(%dma_start3A_231 : memref<256xf32, #tpu.memory_space<hbm>>) target(%dma_start3A_228 : memref<256xf32, #tpu.memory_space<vmem>>) target_semaphore(%arg6 : memref<!tpu.dma_semaphore, #tpu.memory_space<semaphore_mem>>)
    %dma_start3A_232 = arith.constant 8 : i32
    %dma_start3A_233 = arith.constant 256 : i32
    %dma_start3A_234 = tpu.memref_slice %arg5[%dma_start3A_232, %dma_start3A_233] : memref<32x512xf32, #tpu.memory_space<vmem>> -> memref<1x256xf32, #tpu.memory_space<vmem>>
    %dma_start3A_235 = tpu.memref_squeeze %dma_start3A_234 : memref<1x256xf32, #tpu.memory_space<vmem>> -> memref<256xf32, #tpu.memory_space<vmem>>
    %dma_start3A_236 = arith.constant 0 : i32
    %dma_start3A_237 = tpu.memref_slice %arg2[%add3A_2, %dma_start3A_236] : memref<60x256xf32, #tpu.memory_space<hbm>> -> memref<1x256xf32, #tpu.memory_space<hbm>>
    %dma_start3A_238 = tpu.memref_squeeze %dma_start3A_237 : memref<1x256xf32, #tpu.memory_space<hbm>> -> memref<256xf32, #tpu.memory_space<hbm>>
    %dma_start3A_239 = arith.constant 256 : i32
    %dma_start3A_240 = tpu.memref_slice %arg5[%dma_start3A_232, %dma_start3A_239] : memref<32x512xf32, #tpu.memory_space<vmem>> -> memref<1x256xf32, #tpu.memory_space<vmem>>
    %dma_start3A_241 = tpu.memref_squeeze %dma_start3A_240 : memref<1x256xf32, #tpu.memory_space<vmem>> -> memref<256xf32, #tpu.memory_space<vmem>>
    %dma_start3A_242 = arith.constant 0 : i32
    %dma_start3A_243 = tpu.memref_slice %arg2[%add3A_2, %dma_start3A_242] : memref<60x256xf32, #tpu.memory_space<hbm>> -> memref<1x256xf32, #tpu.memory_space<hbm>>
    %dma_start3A_244 = tpu.memref_squeeze %dma_start3A_243 : memref<1x256xf32, #tpu.memory_space<hbm>> -> memref<256xf32, #tpu.memory_space<hbm>>
    tpu.enqueue_dma source(%dma_start3A_244 : memref<256xf32, #tpu.memory_space<hbm>>) target(%dma_start3A_241 : memref<256xf32, #tpu.memory_space<vmem>>) target_semaphore(%arg6 : memref<!tpu.dma_semaphore, #tpu.memory_space<semaphore_mem>>)
    %dma_start3A_245 = arith.constant 10 : i32
    %dma_start3A_246 = arith.constant 9 : i32
    %dma_start3A_247 = arith.constant 0 : i32
    %dma_start3A_248 = tpu.memref_slice %arg5[%dma_start3A_246, %dma_start3A_247] : memref<32x512xf32, #tpu.memory_space<vmem>> -> memref<1x256xf32, #tpu.memory_space<vmem>>
    %dma_start3A_249 = tpu.memref_squeeze %dma_start3A_248 : memref<1x256xf32, #tpu.memory_space<vmem>> -> memref<256xf32, #tpu.memory_space<vmem>>
    %dma_start3A_250 = arith.constant 0 : i32
    %dma_start3A_251 = tpu.memref_slice %arg3[%dma_start3A_245, %dma_start3A_250] : memref<60x256xf32, #tpu.memory_space<hbm>> -> memref<1x256xf32, #tpu.memory_space<hbm>>
    %dma_start3A_252 = tpu.memref_squeeze %dma_start3A_251 : memref<1x256xf32, #tpu.memory_space<hbm>> -> memref<256xf32, #tpu.memory_space<hbm>>
    %dma_start3A_253 = arith.constant 0 : i32
    %dma_start3A_254 = tpu.memref_slice %arg5[%dma_start3A_246, %dma_start3A_253] : memref<32x512xf32, #tpu.memory_space<vmem>> -> memref<1x256xf32, #tpu.memory_space<vmem>>
    %dma_start3A_255 = tpu.memref_squeeze %dma_start3A_254 : memref<1x256xf32, #tpu.memory_space<vmem>> -> memref<256xf32, #tpu.memory_space<vmem>>
    %dma_start3A_256 = arith.constant 0 : i32
    %dma_start3A_257 = tpu.memref_slice %arg3[%dma_start3A_245, %dma_start3A_256] : memref<60x256xf32, #tpu.memory_space<hbm>> -> memref<1x256xf32, #tpu.memory_space<hbm>>
    %dma_start3A_258 = tpu.memref_squeeze %dma_start3A_257 : memref<1x256xf32, #tpu.memory_space<hbm>> -> memref<256xf32, #tpu.memory_space<hbm>>
    tpu.enqueue_dma source(%dma_start3A_258 : memref<256xf32, #tpu.memory_space<hbm>>) target(%dma_start3A_255 : memref<256xf32, #tpu.memory_space<vmem>>) target_semaphore(%arg6 : memref<!tpu.dma_semaphore, #tpu.memory_space<semaphore_mem>>)
    %dma_start3A_259 = arith.constant 9 : i32
    %dma_start3A_260 = arith.constant 256 : i32
    %dma_start3A_261 = tpu.memref_slice %arg5[%dma_start3A_259, %dma_start3A_260] : memref<32x512xf32, #tpu.memory_space<vmem>> -> memref<1x256xf32, #tpu.memory_space<vmem>>
    %dma_start3A_262 = tpu.memref_squeeze %dma_start3A_261 : memref<1x256xf32, #tpu.memory_space<vmem>> -> memref<256xf32, #tpu.memory_space<vmem>>
    %dma_start3A_263 = arith.constant 0 : i32
    %dma_start3A_264 = tpu.memref_slice %arg2[%add3A_2, %dma_start3A_263] : memref<60x256xf32, #tpu.memory_space<hbm>> -> memref<1x256xf32, #tpu.memory_space<hbm>>
    %dma_start3A_265 = tpu.memref_squeeze %dma_start3A_264 : memref<1x256xf32, #tpu.memory_space<hbm>> -> memref<256xf32, #tpu.memory_space<hbm>>
    %dma_start3A_266 = arith.constant 256 : i32
    %dma_start3A_267 = tpu.memref_slice %arg5[%dma_start3A_259, %dma_start3A_266] : memref<32x512xf32, #tpu.memory_space<vmem>> -> memref<1x256xf32, #tpu.memory_space<vmem>>
    %dma_start3A_268 = tpu.memref_squeeze %dma_start3A_267 : memref<1x256xf32, #tpu.memory_space<vmem>> -> memref<256xf32, #tpu.memory_space<vmem>>
    %dma_start3A_269 = arith.constant 0 : i32
    %dma_start3A_270 = tpu.memref_slice %arg2[%add3A_2, %dma_start3A_269] : memref<60x256xf32, #tpu.memory_space<hbm>> -> memref<1x256xf32, #tpu.memory_space<hbm>>
    %dma_start3A_271 = tpu.memref_squeeze %dma_start3A_270 : memref<1x256xf32, #tpu.memory_space<hbm>> -> memref<256xf32, #tpu.memory_space<hbm>>
    tpu.enqueue_dma source(%dma_start3A_271 : memref<256xf32, #tpu.memory_space<hbm>>) target(%dma_start3A_268 : memref<256xf32, #tpu.memory_space<vmem>>) target_semaphore(%arg6 : memref<!tpu.dma_semaphore, #tpu.memory_space<semaphore_mem>>)
    %dma_start3A_272 = arith.constant 11 : i32
    %dma_start3A_273 = arith.constant 10 : i32
    %dma_start3A_274 = arith.constant 0 : i32
    %dma_start3A_275 = tpu.memref_slice %arg5[%dma_start3A_273, %dma_start3A_274] : memref<32x512xf32, #tpu.memory_space<vmem>> -> memref<1x256xf32, #tpu.memory_space<vmem>>
    %dma_start3A_276 = tpu.memref_squeeze %dma_start3A_275 : memref<1x256xf32, #tpu.memory_space<vmem>> -> memref<256xf32, #tpu.memory_space<vmem>>
    %dma_start3A_277 = arith.constant 0 : i32
    %dma_start3A_278 = tpu.memref_slice %arg3[%dma_start3A_272, %dma_start3A_277] : memref<60x256xf32, #tpu.memory_space<hbm>> -> memref<1x256xf32, #tpu.memory_space<hbm>>
    %dma_start3A_279 = tpu.memref_squeeze %dma_start3A_278 : memref<1x256xf32, #tpu.memory_space<hbm>> -> memref<256xf32, #tpu.memory_space<hbm>>
    %dma_start3A_280 = arith.constant 0 : i32
    %dma_start3A_281 = tpu.memref_slice %arg5[%dma_start3A_273, %dma_start3A_280] : memref<32x512xf32, #tpu.memory_space<vmem>> -> memref<1x256xf32, #tpu.memory_space<vmem>>
    %dma_start3A_282 = tpu.memref_squeeze %dma_start3A_281 : memref<1x256xf32, #tpu.memory_space<vmem>> -> memref<256xf32, #tpu.memory_space<vmem>>
    %dma_start3A_283 = arith.constant 0 : i32
    %dma_start3A_284 = tpu.memref_slice %arg3[%dma_start3A_272, %dma_start3A_283] : memref<60x256xf32, #tpu.memory_space<hbm>> -> memref<1x256xf32, #tpu.memory_space<hbm>>
    %dma_start3A_285 = tpu.memref_squeeze %dma_start3A_284 : memref<1x256xf32, #tpu.memory_space<hbm>> -> memref<256xf32, #tpu.memory_space<hbm>>
    tpu.enqueue_dma source(%dma_start3A_285 : memref<256xf32, #tpu.memory_space<hbm>>) target(%dma_start3A_282 : memref<256xf32, #tpu.memory_space<vmem>>) target_semaphore(%arg6 : memref<!tpu.dma_semaphore, #tpu.memory_space<semaphore_mem>>)
    %dma_start3A_286 = arith.constant 10 : i32
    %dma_start3A_287 = arith.constant 256 : i32
    %dma_start3A_288 = tpu.memref_slice %arg5[%dma_start3A_286, %dma_start3A_287] : memref<32x512xf32, #tpu.memory_space<vmem>> -> memref<1x256xf32, #tpu.memory_space<vmem>>
    %dma_start3A_289 = tpu.memref_squeeze %dma_start3A_288 : memref<1x256xf32, #tpu.memory_space<vmem>> -> memref<256xf32, #tpu.memory_space<vmem>>
    %dma_start3A_290 = arith.constant 0 : i32
    %dma_start3A_291 = tpu.memref_slice %arg2[%add3A_2, %dma_start3A_290] : memref<60x256xf32, #tpu.memory_space<hbm>> -> memref<1x256xf32, #tpu.memory_space<hbm>>
    %dma_start3A_292 = tpu.memref_squeeze %dma_start3A_291 : memref<1x256xf32, #tpu.memory_space<hbm>> -> memref<256xf32, #tpu.memory_space<hbm>>
    %dma_start3A_293 = arith.constant 256 : i32
    %dma_start3A_294 = tpu.memref_slice %arg5[%dma_start3A_286, %dma_start3A_293] : memref<32x512xf32, #tpu.memory_space<vmem>> -> memref<1x256xf32, #tpu.memory_space<vmem>>
    %dma_start3A_295 = tpu.memref_squeeze %dma_start3A_294 : memref<1x256xf32, #tpu.memory_space<vmem>> -> memref<256xf32, #tpu.memory_space<vmem>>
    %dma_start3A_296 = arith.constant 0 : i32
    %dma_start3A_297 = tpu.memref_slice %arg2[%add3A_2, %dma_start3A_296] : memref<60x256xf32, #tpu.memory_space<hbm>> -> memref<1x256xf32, #tpu.memory_space<hbm>>
    %dma_start3A_298 = tpu.memref_squeeze %dma_start3A_297 : memref<1x256xf32, #tpu.memory_space<hbm>> -> memref<256xf32, #tpu.memory_space<hbm>>
    tpu.enqueue_dma source(%dma_start3A_298 : memref<256xf32, #tpu.memory_space<hbm>>) target(%dma_start3A_295 : memref<256xf32, #tpu.memory_space<vmem>>) target_semaphore(%arg6 : memref<!tpu.dma_semaphore, #tpu.memory_space<semaphore_mem>>)
    %dma_start3A_299 = arith.constant 12 : i32
    %dma_start3A_300 = arith.constant 11 : i32
    %dma_start3A_301 = arith.constant 0 : i32
    %dma_start3A_302 = tpu.memref_slice %arg5[%dma_start3A_300, %dma_start3A_301] : memref<32x512xf32, #tpu.memory_space<vmem>> -> memref<1x256xf32, #tpu.memory_space<vmem>>
    %dma_start3A_303 = tpu.memref_squeeze %dma_start3A_302 : memref<1x256xf32, #tpu.memory_space<vmem>> -> memref<256xf32, #tpu.memory_space<vmem>>
    %dma_start3A_304 = arith.constant 0 : i32
    %dma_start3A_305 = tpu.memref_slice %arg3[%dma_start3A_299, %dma_start3A_304] : memref<60x256xf32, #tpu.memory_space<hbm>> -> memref<1x256xf32, #tpu.memory_space<hbm>>
    %dma_start3A_306 = tpu.memref_squeeze %dma_start3A_305 : memref<1x256xf32, #tpu.memory_space<hbm>> -> memref<256xf32, #tpu.memory_space<hbm>>
    %dma_start3A_307 = arith.constant 0 : i32
    %dma_start3A_308 = tpu.memref_slice %arg5[%dma_start3A_300, %dma_start3A_307] : memref<32x512xf32, #tpu.memory_space<vmem>> -> memref<1x256xf32, #tpu.memory_space<vmem>>
    %dma_start3A_309 = tpu.memref_squeeze %dma_start3A_308 : memref<1x256xf32, #tpu.memory_space<vmem>> -> memref<256xf32, #tpu.memory_space<vmem>>
    %dma_start3A_310 = arith.constant 0 : i32
    %dma_start3A_311 = tpu.memref_slice %arg3[%dma_start3A_299, %dma_start3A_310] : memref<60x256xf32, #tpu.memory_space<hbm>> -> memref<1x256xf32, #tpu.memory_space<hbm>>
    %dma_start3A_312 = tpu.memref_squeeze %dma_start3A_311 : memref<1x256xf32, #tpu.memory_space<hbm>> -> memref<256xf32, #tpu.memory_space<hbm>>
    tpu.enqueue_dma source(%dma_start3A_312 : memref<256xf32, #tpu.memory_space<hbm>>) target(%dma_start3A_309 : memref<256xf32, #tpu.memory_space<vmem>>) target_semaphore(%arg6 : memref<!tpu.dma_semaphore, #tpu.memory_space<semaphore_mem>>)
    %dma_start3A_313 = arith.constant 11 : i32
    %dma_start3A_314 = arith.constant 256 : i32
    %dma_start3A_315 = tpu.memref_slice %arg5[%dma_start3A_313, %dma_start3A_314] : memref<32x512xf32, #tpu.memory_space<vmem>> -> memref<1x256xf32, #tpu.memory_space<vmem>>
    %dma_start3A_316 = tpu.memref_squeeze %dma_start3A_315 : memref<1x256xf32, #tpu.memory_space<vmem>> -> memref<256xf32, #tpu.memory_space<vmem>>
    %dma_start3A_317 = arith.constant 0 : i32
    %dma_start3A_318 = tpu.memref_slice %arg2[%add3A_2, %dma_start3A_317] : memref<60x256xf32, #tpu.memory_space<hbm>> -> memref<1x256xf32, #tpu.memory_space<hbm>>
    %dma_start3A_319 = tpu.memref_squeeze %dma_start3A_318 : memref<1x256xf32, #tpu.memory_space<hbm>> -> memref<256xf32, #tpu.memory_space<hbm>>
    %dma_start3A_320 = arith.constant 256 : i32
    %dma_start3A_321 = tpu.memref_slice %arg5[%dma_start3A_313, %dma_start3A_320] : memref<32x512xf32, #tpu.memory_space<vmem>> -> memref<1x256xf32, #tpu.memory_space<vmem>>
    %dma_start3A_322 = tpu.memref_squeeze %dma_start3A_321 : memref<1x256xf32, #tpu.memory_space<vmem>> -> memref<256xf32, #tpu.memory_space<vmem>>
    %dma_start3A_323 = arith.constant 0 : i32
    %dma_start3A_324 = tpu.memref_slice %arg2[%add3A_2, %dma_start3A_323] : memref<60x256xf32, #tpu.memory_space<hbm>> -> memref<1x256xf32, #tpu.memory_space<hbm>>
    %dma_start3A_325 = tpu.memref_squeeze %dma_start3A_324 : memref<1x256xf32, #tpu.memory_space<hbm>> -> memref<256xf32, #tpu.memory_space<hbm>>
    tpu.enqueue_dma source(%dma_start3A_325 : memref<256xf32, #tpu.memory_space<hbm>>) target(%dma_start3A_322 : memref<256xf32, #tpu.memory_space<vmem>>) target_semaphore(%arg6 : memref<!tpu.dma_semaphore, #tpu.memory_space<semaphore_mem>>)
    %dma_start3A_326 = arith.constant 13 : i32
    %dma_start3A_327 = arith.constant 12 : i32
    %dma_start3A_328 = arith.constant 0 : i32
    %dma_start3A_329 = tpu.memref_slice %arg5[%dma_start3A_327, %dma_start3A_328] : memref<32x512xf32, #tpu.memory_space<vmem>> -> memref<1x256xf32, #tpu.memory_space<vmem>>
    %dma_start3A_330 = tpu.memref_squeeze %dma_start3A_329 : memref<1x256xf32, #tpu.memory_space<vmem>> -> memref<256xf32, #tpu.memory_space<vmem>>
    %dma_start3A_331 = arith.constant 0 : i32
    %dma_start3A_332 = tpu.memref_slice %arg3[%dma_start3A_326, %dma_start3A_331] : memref<60x256xf32, #tpu.memory_space<hbm>> -> memref<1x256xf32, #tpu.memory_space<hbm>>
    %dma_start3A_333 = tpu.memref_squeeze %dma_start3A_332 : memref<1x256xf32, #tpu.memory_space<hbm>> -> memref<256xf32, #tpu.memory_space<hbm>>
    %dma_start3A_334 = arith.constant 0 : i32
    %dma_start3A_335 = tpu.memref_slice %arg5[%dma_start3A_327, %dma_start3A_334] : memref<32x512xf32, #tpu.memory_space<vmem>> -> memref<1x256xf32, #tpu.memory_space<vmem>>
    %dma_start3A_336 = tpu.memref_squeeze %dma_start3A_335 : memref<1x256xf32, #tpu.memory_space<vmem>> -> memref<256xf32, #tpu.memory_space<vmem>>
    %dma_start3A_337 = arith.constant 0 : i32
    %dma_start3A_338 = tpu.memref_slice %arg3[%dma_start3A_326, %dma_start3A_337] : memref<60x256xf32, #tpu.memory_space<hbm>> -> memref<1x256xf32, #tpu.memory_space<hbm>>
    %dma_start3A_339 = tpu.memref_squeeze %dma_start3A_338 : memref<1x256xf32, #tpu.memory_space<hbm>> -> memref<256xf32, #tpu.memory_space<hbm>>
    tpu.enqueue_dma source(%dma_start3A_339 : memref<256xf32, #tpu.memory_space<hbm>>) target(%dma_start3A_336 : memref<256xf32, #tpu.memory_space<vmem>>) target_semaphore(%arg6 : memref<!tpu.dma_semaphore, #tpu.memory_space<semaphore_mem>>)
    %dma_start3A_340 = arith.constant 12 : i32
    %dma_start3A_341 = arith.constant 256 : i32
    %dma_start3A_342 = tpu.memref_slice %arg5[%dma_start3A_340, %dma_start3A_341] : memref<32x512xf32, #tpu.memory_space<vmem>> -> memref<1x256xf32, #tpu.memory_space<vmem>>
    %dma_start3A_343 = tpu.memref_squeeze %dma_start3A_342 : memref<1x256xf32, #tpu.memory_space<vmem>> -> memref<256xf32, #tpu.memory_space<vmem>>
    %dma_start3A_344 = arith.constant 0 : i32
    %dma_start3A_345 = tpu.memref_slice %arg2[%add3A_2, %dma_start3A_344] : memref<60x256xf32, #tpu.memory_space<hbm>> -> memref<1x256xf32, #tpu.memory_space<hbm>>
    %dma_start3A_346 = tpu.memref_squeeze %dma_start3A_345 : memref<1x256xf32, #tpu.memory_space<hbm>> -> memref<256xf32, #tpu.memory_space<hbm>>
    %dma_start3A_347 = arith.constant 256 : i32
    %dma_start3A_348 = tpu.memref_slice %arg5[%dma_start3A_340, %dma_start3A_347] : memref<32x512xf32, #tpu.memory_space<vmem>> -> memref<1x256xf32, #tpu.memory_space<vmem>>
    %dma_start3A_349 = tpu.memref_squeeze %dma_start3A_348 : memref<1x256xf32, #tpu.memory_space<vmem>> -> memref<256xf32, #tpu.memory_space<vmem>>
    %dma_start3A_350 = arith.constant 0 : i32
    %dma_start3A_351 = tpu.memref_slice %arg2[%add3A_2, %dma_start3A_350] : memref<60x256xf32, #tpu.memory_space<hbm>> -> memref<1x256xf32, #tpu.memory_space<hbm>>
    %dma_start3A_352 = tpu.memref_squeeze %dma_start3A_351 : memref<1x256xf32, #tpu.memory_space<hbm>> -> memref<256xf32, #tpu.memory_space<hbm>>
    tpu.enqueue_dma source(%dma_start3A_352 : memref<256xf32, #tpu.memory_space<hbm>>) target(%dma_start3A_349 : memref<256xf32, #tpu.memory_space<vmem>>) target_semaphore(%arg6 : memref<!tpu.dma_semaphore, #tpu.memory_space<semaphore_mem>>)
    %dma_start3A_353 = arith.constant 14 : i32
    %dma_start3A_354 = arith.constant 13 : i32
    %dma_start3A_355 = arith.constant 0 : i32
    %dma_start3A_356 = tpu.memref_slice %arg5[%dma_start3A_354, %dma_start3A_355] : memref<32x512xf32, #tpu.memory_space<vmem>> -> memref<1x256xf32, #tpu.memory_space<vmem>>
    %dma_start3A_357 = tpu.memref_squeeze %dma_start3A_356 : memref<1x256xf32, #tpu.memory_space<vmem>> -> memref<256xf32, #tpu.memory_space<vmem>>
    %dma_start3A_358 = arith.constant 0 : i32
    %dma_start3A_359 = tpu.memref_slice %arg3[%dma_start3A_353, %dma_start3A_358] : memref<60x256xf32, #tpu.memory_space<hbm>> -> memref<1x256xf32, #tpu.memory_space<hbm>>
    %dma_start3A_360 = tpu.memref_squeeze %dma_start3A_359 : memref<1x256xf32, #tpu.memory_space<hbm>> -> memref<256xf32, #tpu.memory_space<hbm>>
    %dma_start3A_361 = arith.constant 0 : i32
    %dma_start3A_362 = tpu.memref_slice %arg5[%dma_start3A_354, %dma_start3A_361] : memref<32x512xf32, #tpu.memory_space<vmem>> -> memref<1x256xf32, #tpu.memory_space<vmem>>
    %dma_start3A_363 = tpu.memref_squeeze %dma_start3A_362 : memref<1x256xf32, #tpu.memory_space<vmem>> -> memref<256xf32, #tpu.memory_space<vmem>>
    %dma_start3A_364 = arith.constant 0 : i32
    %dma_start3A_365 = tpu.memref_slice %arg3[%dma_start3A_353, %dma_start3A_364] : memref<60x256xf32, #tpu.memory_space<hbm>> -> memref<1x256xf32, #tpu.memory_space<hbm>>
    %dma_start3A_366 = tpu.memref_squeeze %dma_start3A_365 : memref<1x256xf32, #tpu.memory_space<hbm>> -> memref<256xf32, #tpu.memory_space<hbm>>
    tpu.enqueue_dma source(%dma_start3A_366 : memref<256xf32, #tpu.memory_space<hbm>>) target(%dma_start3A_363 : memref<256xf32, #tpu.memory_space<vmem>>) target_semaphore(%arg6 : memref<!tpu.dma_semaphore, #tpu.memory_space<semaphore_mem>>)
    %dma_start3A_367 = arith.constant 13 : i32
    %dma_start3A_368 = arith.constant 256 : i32
    %dma_start3A_369 = tpu.memref_slice %arg5[%dma_start3A_367, %dma_start3A_368] : memref<32x512xf32, #tpu.memory_space<vmem>> -> memref<1x256xf32, #tpu.memory_space<vmem>>
    %dma_start3A_370 = tpu.memref_squeeze %dma_start3A_369 : memref<1x256xf32, #tpu.memory_space<vmem>> -> memref<256xf32, #tpu.memory_space<vmem>>
    %dma_start3A_371 = arith.constant 0 : i32
    %dma_start3A_372 = tpu.memref_slice %arg2[%add3A_2, %dma_start3A_371] : memref<60x256xf32, #tpu.memory_space<hbm>> -> memref<1x256xf32, #tpu.memory_space<hbm>>
    %dma_start3A_373 = tpu.memref_squeeze %dma_start3A_372 : memref<1x256xf32, #tpu.memory_space<hbm>> -> memref<256xf32, #tpu.memory_space<hbm>>
    %dma_start3A_374 = arith.constant 256 : i32
    %dma_start3A_375 = tpu.memref_slice %arg5[%dma_start3A_367, %dma_start3A_374] : memref<32x512xf32, #tpu.memory_space<vmem>> -> memref<1x256xf32, #tpu.memory_space<vmem>>
    %dma_start3A_376 = tpu.memref_squeeze %dma_start3A_375 : memref<1x256xf32, #tpu.memory_space<vmem>> -> memref<256xf32, #tpu.memory_space<vmem>>
    %dma_start3A_377 = arith.constant 0 : i32
    %dma_start3A_378 = tpu.memref_slice %arg2[%add3A_2, %dma_start3A_377] : memref<60x256xf32, #tpu.memory_space<hbm>> -> memref<1x256xf32, #tpu.memory_space<hbm>>
    %dma_start3A_379 = tpu.memref_squeeze %dma_start3A_378 : memref<1x256xf32, #tpu.memory_space<hbm>> -> memref<256xf32, #tpu.memory_space<hbm>>
    tpu.enqueue_dma source(%dma_start3A_379 : memref<256xf32, #tpu.memory_space<hbm>>) target(%dma_start3A_376 : memref<256xf32, #tpu.memory_space<vmem>>) target_semaphore(%arg6 : memref<!tpu.dma_semaphore, #tpu.memory_space<semaphore_mem>>)
    %dma_start3A_380 = arith.constant 15 : i32
    %dma_start3A_381 = arith.constant 14 : i32
    %dma_start3A_382 = arith.constant 0 : i32
    %dma_start3A_383 = tpu.memref_slice %arg5[%dma_start3A_381, %dma_start3A_382] : memref<32x512xf32, #tpu.memory_space<vmem>> -> memref<1x256xf32, #tpu.memory_space<vmem>>
    %dma_start3A_384 = tpu.memref_squeeze %dma_start3A_383 : memref<1x256xf32, #tpu.memory_space<vmem>> -> memref<256xf32, #tpu.memory_space<vmem>>
    %dma_start3A_385 = arith.constant 0 : i32
    %dma_start3A_386 = tpu.memref_slice %arg3[%dma_start3A_380, %dma_start3A_385] : memref<60x256xf32, #tpu.memory_space<hbm>> -> memref<1x256xf32, #tpu.memory_space<hbm>>
    %dma_start3A_387 = tpu.memref_squeeze %dma_start3A_386 : memref<1x256xf32, #tpu.memory_space<hbm>> -> memref<256xf32, #tpu.memory_space<hbm>>
    %dma_start3A_388 = arith.constant 0 : i32
    %dma_start3A_389 = tpu.memref_slice %arg5[%dma_start3A_381, %dma_start3A_388] : memref<32x512xf32, #tpu.memory_space<vmem>> -> memref<1x256xf32, #tpu.memory_space<vmem>>
    %dma_start3A_390 = tpu.memref_squeeze %dma_start3A_389 : memref<1x256xf32, #tpu.memory_space<vmem>> -> memref<256xf32, #tpu.memory_space<vmem>>
    %dma_start3A_391 = arith.constant 0 : i32
    %dma_start3A_392 = tpu.memref_slice %arg3[%dma_start3A_380, %dma_start3A_391] : memref<60x256xf32, #tpu.memory_space<hbm>> -> memref<1x256xf32, #tpu.memory_space<hbm>>
    %dma_start3A_393 = tpu.memref_squeeze %dma_start3A_392 : memref<1x256xf32, #tpu.memory_space<hbm>> -> memref<256xf32, #tpu.memory_space<hbm>>
    tpu.enqueue_dma source(%dma_start3A_393 : memref<256xf32, #tpu.memory_space<hbm>>) target(%dma_start3A_390 : memref<256xf32, #tpu.memory_space<vmem>>) target_semaphore(%arg6 : memref<!tpu.dma_semaphore, #tpu.memory_space<semaphore_mem>>)
    %dma_start3A_394 = arith.constant 14 : i32
    %dma_start3A_395 = arith.constant 256 : i32
    %dma_start3A_396 = tpu.memref_slice %arg5[%dma_start3A_394, %dma_start3A_395] : memref<32x512xf32, #tpu.memory_space<vmem>> -> memref<1x256xf32, #tpu.memory_space<vmem>>
    %dma_start3A_397 = tpu.memref_squeeze %dma_start3A_396 : memref<1x256xf32, #tpu.memory_space<vmem>> -> memref<256xf32, #tpu.memory_space<vmem>>
    %dma_start3A_398 = arith.constant 0 : i32
    %dma_start3A_399 = tpu.memref_slice %arg2[%add3A_2, %dma_start3A_398] : memref<60x256xf32, #tpu.memory_space<hbm>> -> memref<1x256xf32, #tpu.memory_space<hbm>>
    %dma_start3A_400 = tpu.memref_squeeze %dma_start3A_399 : memref<1x256xf32, #tpu.memory_space<hbm>> -> memref<256xf32, #tpu.memory_space<hbm>>
    %dma_start3A_401 = arith.constant 256 : i32
    %dma_start3A_402 = tpu.memref_slice %arg5[%dma_start3A_394, %dma_start3A_401] : memref<32x512xf32, #tpu.memory_space<vmem>> -> memref<1x256xf32, #tpu.memory_space<vmem>>
    %dma_start3A_403 = tpu.memref_squeeze %dma_start3A_402 : memref<1x256xf32, #tpu.memory_space<vmem>> -> memref<256xf32, #tpu.memory_space<vmem>>
    %dma_start3A_404 = arith.constant 0 : i32
    %dma_start3A_405 = tpu.memref_slice %arg2[%add3A_2, %dma_start3A_404] : memref<60x256xf32, #tpu.memory_space<hbm>> -> memref<1x256xf32, #tpu.memory_space<hbm>>
    %dma_start3A_406 = tpu.memref_squeeze %dma_start3A_405 : memref<1x256xf32, #tpu.memory_space<hbm>> -> memref<256xf32, #tpu.memory_space<hbm>>
    tpu.enqueue_dma source(%dma_start3A_406 : memref<256xf32, #tpu.memory_space<hbm>>) target(%dma_start3A_403 : memref<256xf32, #tpu.memory_space<vmem>>) target_semaphore(%arg6 : memref<!tpu.dma_semaphore, #tpu.memory_space<semaphore_mem>>)
    %dma_start3A_407 = arith.constant 16 : i32
    %dma_start3A_408 = arith.constant 15 : i32
    %dma_start3A_409 = arith.constant 0 : i32
    %dma_start3A_410 = tpu.memref_slice %arg5[%dma_start3A_408, %dma_start3A_409] : memref<32x512xf32, #tpu.memory_space<vmem>> -> memref<1x256xf32, #tpu.memory_space<vmem>>
    %dma_start3A_411 = tpu.memref_squeeze %dma_start3A_410 : memref<1x256xf32, #tpu.memory_space<vmem>> -> memref<256xf32, #tpu.memory_space<vmem>>
    %dma_start3A_412 = arith.constant 0 : i32
    %dma_start3A_413 = tpu.memref_slice %arg3[%dma_start3A_407, %dma_start3A_412] : memref<60x256xf32, #tpu.memory_space<hbm>> -> memref<1x256xf32, #tpu.memory_space<hbm>>
    %dma_start3A_414 = tpu.memref_squeeze %dma_start3A_413 : memref<1x256xf32, #tpu.memory_space<hbm>> -> memref<256xf32, #tpu.memory_space<hbm>>
    %dma_start3A_415 = arith.constant 0 : i32
    %dma_start3A_416 = tpu.memref_slice %arg5[%dma_start3A_408, %dma_start3A_415] : memref<32x512xf32, #tpu.memory_space<vmem>> -> memref<1x256xf32, #tpu.memory_space<vmem>>
    %dma_start3A_417 = tpu.memref_squeeze %dma_start3A_416 : memref<1x256xf32, #tpu.memory_space<vmem>> -> memref<256xf32, #tpu.memory_space<vmem>>
    %dma_start3A_418 = arith.constant 0 : i32
    %dma_start3A_419 = tpu.memref_slice %arg3[%dma_start3A_407, %dma_start3A_418] : memref<60x256xf32, #tpu.memory_space<hbm>> -> memref<1x256xf32, #tpu.memory_space<hbm>>
    %dma_start3A_420 = tpu.memref_squeeze %dma_start3A_419 : memref<1x256xf32, #tpu.memory_space<hbm>> -> memref<256xf32, #tpu.memory_space<hbm>>
    tpu.enqueue_dma source(%dma_start3A_420 : memref<256xf32, #tpu.memory_space<hbm>>) target(%dma_start3A_417 : memref<256xf32, #tpu.memory_space<vmem>>) target_semaphore(%arg6 : memref<!tpu.dma_semaphore, #tpu.memory_space<semaphore_mem>>)
    %dma_start3A_421 = arith.constant 15 : i32
    %dma_start3A_422 = arith.constant 256 : i32
    %dma_start3A_423 = tpu.memref_slice %arg5[%dma_start3A_421, %dma_start3A_422] : memref<32x512xf32, #tpu.memory_space<vmem>> -> memref<1x256xf32, #tpu.memory_space<vmem>>
    %dma_start3A_424 = tpu.memref_squeeze %dma_start3A_423 : memref<1x256xf32, #tpu.memory_space<vmem>> -> memref<256xf32, #tpu.memory_space<vmem>>
    %dma_start3A_425 = arith.constant 0 : i32
    %dma_start3A_426 = tpu.memref_slice %arg2[%add3A_2, %dma_start3A_425] : memref<60x256xf32, #tpu.memory_space<hbm>> -> memref<1x256xf32, #tpu.memory_space<hbm>>
    %dma_start3A_427 = tpu.memref_squeeze %dma_start3A_426 : memref<1x256xf32, #tpu.memory_space<hbm>> -> memref<256xf32, #tpu.memory_space<hbm>>
    %dma_start3A_428 = arith.constant 256 : i32
    %dma_start3A_429 = tpu.memref_slice %arg5[%dma_start3A_421, %dma_start3A_428] : memref<32x512xf32, #tpu.memory_space<vmem>> -> memref<1x256xf32, #tpu.memory_space<vmem>>
    %dma_start3A_430 = tpu.memref_squeeze %dma_start3A_429 : memref<1x256xf32, #tpu.memory_space<vmem>> -> memref<256xf32, #tpu.memory_space<vmem>>
    %dma_start3A_431 = arith.constant 0 : i32
    %dma_start3A_432 = tpu.memref_slice %arg2[%add3A_2, %dma_start3A_431] : memref<60x256xf32, #tpu.memory_space<hbm>> -> memref<1x256xf32, #tpu.memory_space<hbm>>
    %dma_start3A_433 = tpu.memref_squeeze %dma_start3A_432 : memref<1x256xf32, #tpu.memory_space<hbm>> -> memref<256xf32, #tpu.memory_space<hbm>>
    tpu.enqueue_dma source(%dma_start3A_433 : memref<256xf32, #tpu.memory_space<hbm>>) target(%dma_start3A_430 : memref<256xf32, #tpu.memory_space<vmem>>) target_semaphore(%arg6 : memref<!tpu.dma_semaphore, #tpu.memory_space<semaphore_mem>>)
    %dma_start3A_434 = arith.constant 17 : i32
    %dma_start3A_435 = arith.constant 16 : i32
    %dma_start3A_436 = arith.constant 0 : i32
    %dma_start3A_437 = tpu.memref_slice %arg5[%dma_start3A_435, %dma_start3A_436] : memref<32x512xf32, #tpu.memory_space<vmem>> -> memref<1x256xf32, #tpu.memory_space<vmem>>
    %dma_start3A_438 = tpu.memref_squeeze %dma_start3A_437 : memref<1x256xf32, #tpu.memory_space<vmem>> -> memref<256xf32, #tpu.memory_space<vmem>>
    %dma_start3A_439 = arith.constant 0 : i32
    %dma_start3A_440 = tpu.memref_slice %arg3[%dma_start3A_434, %dma_start3A_439] : memref<60x256xf32, #tpu.memory_space<hbm>> -> memref<1x256xf32, #tpu.memory_space<hbm>>
    %dma_start3A_441 = tpu.memref_squeeze %dma_start3A_440 : memref<1x256xf32, #tpu.memory_space<hbm>> -> memref<256xf32, #tpu.memory_space<hbm>>
    %dma_start3A_442 = arith.constant 0 : i32
    %dma_start3A_443 = tpu.memref_slice %arg5[%dma_start3A_435, %dma_start3A_442] : memref<32x512xf32, #tpu.memory_space<vmem>> -> memref<1x256xf32, #tpu.memory_space<vmem>>
    %dma_start3A_444 = tpu.memref_squeeze %dma_start3A_443 : memref<1x256xf32, #tpu.memory_space<vmem>> -> memref<256xf32, #tpu.memory_space<vmem>>
    %dma_start3A_445 = arith.constant 0 : i32
    %dma_start3A_446 = tpu.memref_slice %arg3[%dma_start3A_434, %dma_start3A_445] : memref<60x256xf32, #tpu.memory_space<hbm>> -> memref<1x256xf32, #tpu.memory_space<hbm>>
    %dma_start3A_447 = tpu.memref_squeeze %dma_start3A_446 : memref<1x256xf32, #tpu.memory_space<hbm>> -> memref<256xf32, #tpu.memory_space<hbm>>
    tpu.enqueue_dma source(%dma_start3A_447 : memref<256xf32, #tpu.memory_space<hbm>>) target(%dma_start3A_444 : memref<256xf32, #tpu.memory_space<vmem>>) target_semaphore(%arg6 : memref<!tpu.dma_semaphore, #tpu.memory_space<semaphore_mem>>)
    %dma_start3A_448 = arith.constant 16 : i32
    %dma_start3A_449 = arith.constant 256 : i32
    %dma_start3A_450 = tpu.memref_slice %arg5[%dma_start3A_448, %dma_start3A_449] : memref<32x512xf32, #tpu.memory_space<vmem>> -> memref<1x256xf32, #tpu.memory_space<vmem>>
    %dma_start3A_451 = tpu.memref_squeeze %dma_start3A_450 : memref<1x256xf32, #tpu.memory_space<vmem>> -> memref<256xf32, #tpu.memory_space<vmem>>
    %dma_start3A_452 = arith.constant 0 : i32
    %dma_start3A_453 = tpu.memref_slice %arg2[%add3A_2, %dma_start3A_452] : memref<60x256xf32, #tpu.memory_space<hbm>> -> memref<1x256xf32, #tpu.memory_space<hbm>>
    %dma_start3A_454 = tpu.memref_squeeze %dma_start3A_453 : memref<1x256xf32, #tpu.memory_space<hbm>> -> memref<256xf32, #tpu.memory_space<hbm>>
    %dma_start3A_455 = arith.constant 256 : i32
    %dma_start3A_456 = tpu.memref_slice %arg5[%dma_start3A_448, %dma_start3A_455] : memref<32x512xf32, #tpu.memory_space<vmem>> -> memref<1x256xf32, #tpu.memory_space<vmem>>
    %dma_start3A_457 = tpu.memref_squeeze %dma_start3A_456 : memref<1x256xf32, #tpu.memory_space<vmem>> -> memref<256xf32, #tpu.memory_space<vmem>>
    %dma_start3A_458 = arith.constant 0 : i32
    %dma_start3A_459 = tpu.memref_slice %arg2[%add3A_2, %dma_start3A_458] : memref<60x256xf32, #tpu.memory_space<hbm>> -> memref<1x256xf32, #tpu.memory_space<hbm>>
    %dma_start3A_460 = tpu.memref_squeeze %dma_start3A_459 : memref<1x256xf32, #tpu.memory_space<hbm>> -> memref<256xf32, #tpu.memory_space<hbm>>
    tpu.enqueue_dma source(%dma_start3A_460 : memref<256xf32, #tpu.memory_space<hbm>>) target(%dma_start3A_457 : memref<256xf32, #tpu.memory_space<vmem>>) target_semaphore(%arg6 : memref<!tpu.dma_semaphore, #tpu.memory_space<semaphore_mem>>)
    %dma_start3A_461 = arith.constant 18 : i32
    %dma_start3A_462 = arith.constant 17 : i32
    %dma_start3A_463 = arith.constant 0 : i32
    %dma_start3A_464 = tpu.memref_slice %arg5[%dma_start3A_462, %dma_start3A_463] : memref<32x512xf32, #tpu.memory_space<vmem>> -> memref<1x256xf32, #tpu.memory_space<vmem>>
    %dma_start3A_465 = tpu.memref_squeeze %dma_start3A_464 : memref<1x256xf32, #tpu.memory_space<vmem>> -> memref<256xf32, #tpu.memory_space<vmem>>
    %dma_start3A_466 = arith.constant 0 : i32
    %dma_start3A_467 = tpu.memref_slice %arg3[%dma_start3A_461, %dma_start3A_466] : memref<60x256xf32, #tpu.memory_space<hbm>> -> memref<1x256xf32, #tpu.memory_space<hbm>>
    %dma_start3A_468 = tpu.memref_squeeze %dma_start3A_467 : memref<1x256xf32, #tpu.memory_space<hbm>> -> memref<256xf32, #tpu.memory_space<hbm>>
    %dma_start3A_469 = arith.constant 0 : i32
    %dma_start3A_470 = tpu.memref_slice %arg5[%dma_start3A_462, %dma_start3A_469] : memref<32x512xf32, #tpu.memory_space<vmem>> -> memref<1x256xf32, #tpu.memory_space<vmem>>
    %dma_start3A_471 = tpu.memref_squeeze %dma_start3A_470 : memref<1x256xf32, #tpu.memory_space<vmem>> -> memref<256xf32, #tpu.memory_space<vmem>>
    %dma_start3A_472 = arith.constant 0 : i32
    %dma_start3A_473 = tpu.memref_slice %arg3[%dma_start3A_461, %dma_start3A_472] : memref<60x256xf32, #tpu.memory_space<hbm>> -> memref<1x256xf32, #tpu.memory_space<hbm>>
    %dma_start3A_474 = tpu.memref_squeeze %dma_start3A_473 : memref<1x256xf32, #tpu.memory_space<hbm>> -> memref<256xf32, #tpu.memory_space<hbm>>
    tpu.enqueue_dma source(%dma_start3A_474 : memref<256xf32, #tpu.memory_space<hbm>>) target(%dma_start3A_471 : memref<256xf32, #tpu.memory_space<vmem>>) target_semaphore(%arg6 : memref<!tpu.dma_semaphore, #tpu.memory_space<semaphore_mem>>)
    %dma_start3A_475 = arith.constant 17 : i32
    %dma_start3A_476 = arith.constant 256 : i32
    %dma_start3A_477 = tpu.memref_slice %arg5[%dma_start3A_475, %dma_start3A_476] : memref<32x512xf32, #tpu.memory_space<vmem>> -> memref<1x256xf32, #tpu.memory_space<vmem>>
    %dma_start3A_478 = tpu.memref_squeeze %dma_start3A_477 : memref<1x256xf32, #tpu.memory_space<vmem>> -> memref<256xf32, #tpu.memory_space<vmem>>
    %dma_start3A_479 = arith.constant 0 : i32
    %dma_start3A_480 = tpu.memref_slice %arg2[%add3A_2, %dma_start3A_479] : memref<60x256xf32, #tpu.memory_space<hbm>> -> memref<1x256xf32, #tpu.memory_space<hbm>>
    %dma_start3A_481 = tpu.memref_squeeze %dma_start3A_480 : memref<1x256xf32, #tpu.memory_space<hbm>> -> memref<256xf32, #tpu.memory_space<hbm>>
    %dma_start3A_482 = arith.constant 256 : i32
    %dma_start3A_483 = tpu.memref_slice %arg5[%dma_start3A_475, %dma_start3A_482] : memref<32x512xf32, #tpu.memory_space<vmem>> -> memref<1x256xf32, #tpu.memory_space<vmem>>
    %dma_start3A_484 = tpu.memref_squeeze %dma_start3A_483 : memref<1x256xf32, #tpu.memory_space<vmem>> -> memref<256xf32, #tpu.memory_space<vmem>>
    %dma_start3A_485 = arith.constant 0 : i32
    %dma_start3A_486 = tpu.memref_slice %arg2[%add3A_2, %dma_start3A_485] : memref<60x256xf32, #tpu.memory_space<hbm>> -> memref<1x256xf32, #tpu.memory_space<hbm>>
    %dma_start3A_487 = tpu.memref_squeeze %dma_start3A_486 : memref<1x256xf32, #tpu.memory_space<hbm>> -> memref<256xf32, #tpu.memory_space<hbm>>
    tpu.enqueue_dma source(%dma_start3A_487 : memref<256xf32, #tpu.memory_space<hbm>>) target(%dma_start3A_484 : memref<256xf32, #tpu.memory_space<vmem>>) target_semaphore(%arg6 : memref<!tpu.dma_semaphore, #tpu.memory_space<semaphore_mem>>)
    %dma_start3A_488 = arith.constant 19 : i32
    %dma_start3A_489 = arith.constant 18 : i32
    %dma_start3A_490 = arith.constant 0 : i32
    %dma_start3A_491 = tpu.memref_slice %arg5[%dma_start3A_489, %dma_start3A_490] : memref<32x512xf32, #tpu.memory_space<vmem>> -> memref<1x256xf32, #tpu.memory_space<vmem>>
    %dma_start3A_492 = tpu.memref_squeeze %dma_start3A_491 : memref<1x256xf32, #tpu.memory_space<vmem>> -> memref<256xf32, #tpu.memory_space<vmem>>
    %dma_start3A_493 = arith.constant 0 : i32
    %dma_start3A_494 = tpu.memref_slice %arg3[%dma_start3A_488, %dma_start3A_493] : memref<60x256xf32, #tpu.memory_space<hbm>> -> memref<1x256xf32, #tpu.memory_space<hbm>>
    %dma_start3A_495 = tpu.memref_squeeze %dma_start3A_494 : memref<1x256xf32, #tpu.memory_space<hbm>> -> memref<256xf32, #tpu.memory_space<hbm>>
    %dma_start3A_496 = arith.constant 0 : i32
    %dma_start3A_497 = tpu.memref_slice %arg5[%dma_start3A_489, %dma_start3A_496] : memref<32x512xf32, #tpu.memory_space<vmem>> -> memref<1x256xf32, #tpu.memory_space<vmem>>
    %dma_start3A_498 = tpu.memref_squeeze %dma_start3A_497 : memref<1x256xf32, #tpu.memory_space<vmem>> -> memref<256xf32, #tpu.memory_space<vmem>>
    %dma_start3A_499 = arith.constant 0 : i32
    %dma_start3A_500 = tpu.memref_slice %arg3[%dma_start3A_488, %dma_start3A_499] : memref<60x256xf32, #tpu.memory_space<hbm>> -> memref<1x256xf32, #tpu.memory_space<hbm>>
    %dma_start3A_501 = tpu.memref_squeeze %dma_start3A_500 : memref<1x256xf32, #tpu.memory_space<hbm>> -> memref<256xf32, #tpu.memory_space<hbm>>
    tpu.enqueue_dma source(%dma_start3A_501 : memref<256xf32, #tpu.memory_space<hbm>>) target(%dma_start3A_498 : memref<256xf32, #tpu.memory_space<vmem>>) target_semaphore(%arg6 : memref<!tpu.dma_semaphore, #tpu.memory_space<semaphore_mem>>)
    %dma_start3A_502 = arith.constant 18 : i32
    %dma_start3A_503 = arith.constant 256 : i32
    %dma_start3A_504 = tpu.memref_slice %arg5[%dma_start3A_502, %dma_start3A_503] : memref<32x512xf32, #tpu.memory_space<vmem>> -> memref<1x256xf32, #tpu.memory_space<vmem>>
    %dma_start3A_505 = tpu.memref_squeeze %dma_start3A_504 : memref<1x256xf32, #tpu.memory_space<vmem>> -> memref<256xf32, #tpu.memory_space<vmem>>
    %dma_start3A_506 = arith.constant 0 : i32
    %dma_start3A_507 = tpu.memref_slice %arg2[%add3A_2, %dma_start3A_506] : memref<60x256xf32, #tpu.memory_space<hbm>> -> memref<1x256xf32, #tpu.memory_space<hbm>>
    %dma_start3A_508 = tpu.memref_squeeze %dma_start3A_507 : memref<1x256xf32, #tpu.memory_space<hbm>> -> memref<256xf32, #tpu.memory_space<hbm>>
    %dma_start3A_509 = arith.constant 256 : i32
    %dma_start3A_510 = tpu.memref_slice %arg5[%dma_start3A_502, %dma_start3A_509] : memref<32x512xf32, #tpu.memory_space<vmem>> -> memref<1x256xf32, #tpu.memory_space<vmem>>
    %dma_start3A_511 = tpu.memref_squeeze %dma_start3A_510 : memref<1x256xf32, #tpu.memory_space<vmem>> -> memref<256xf32, #tpu.memory_space<vmem>>
    %dma_start3A_512 = arith.constant 0 : i32
    %dma_start3A_513 = tpu.memref_slice %arg2[%add3A_2, %dma_start3A_512] : memref<60x256xf32, #tpu.memory_space<hbm>> -> memref<1x256xf32, #tpu.memory_space<hbm>>
    %dma_start3A_514 = tpu.memref_squeeze %dma_start3A_513 : memref<1x256xf32, #tpu.memory_space<hbm>> -> memref<256xf32, #tpu.memory_space<hbm>>
    tpu.enqueue_dma source(%dma_start3A_514 : memref<256xf32, #tpu.memory_space<hbm>>) target(%dma_start3A_511 : memref<256xf32, #tpu.memory_space<vmem>>) target_semaphore(%arg6 : memref<!tpu.dma_semaphore, #tpu.memory_space<semaphore_mem>>)
    %dma_start3A_515 = arith.constant 20 : i32
    %dma_start3A_516 = arith.constant 19 : i32
    %dma_start3A_517 = arith.constant 0 : i32
    %dma_start3A_518 = tpu.memref_slice %arg5[%dma_start3A_516, %dma_start3A_517] : memref<32x512xf32, #tpu.memory_space<vmem>> -> memref<1x256xf32, #tpu.memory_space<vmem>>
    %dma_start3A_519 = tpu.memref_squeeze %dma_start3A_518 : memref<1x256xf32, #tpu.memory_space<vmem>> -> memref<256xf32, #tpu.memory_space<vmem>>
    %dma_start3A_520 = arith.constant 0 : i32
    %dma_start3A_521 = tpu.memref_slice %arg3[%dma_start3A_515, %dma_start3A_520] : memref<60x256xf32, #tpu.memory_space<hbm>> -> memref<1x256xf32, #tpu.memory_space<hbm>>
    %dma_start3A_522 = tpu.memref_squeeze %dma_start3A_521 : memref<1x256xf32, #tpu.memory_space<hbm>> -> memref<256xf32, #tpu.memory_space<hbm>>
    %dma_start3A_523 = arith.constant 0 : i32
    %dma_start3A_524 = tpu.memref_slice %arg5[%dma_start3A_516, %dma_start3A_523] : memref<32x512xf32, #tpu.memory_space<vmem>> -> memref<1x256xf32, #tpu.memory_space<vmem>>
    %dma_start3A_525 = tpu.memref_squeeze %dma_start3A_524 : memref<1x256xf32, #tpu.memory_space<vmem>> -> memref<256xf32, #tpu.memory_space<vmem>>
    %dma_start3A_526 = arith.constant 0 : i32
    %dma_start3A_527 = tpu.memref_slice %arg3[%dma_start3A_515, %dma_start3A_526] : memref<60x256xf32, #tpu.memory_space<hbm>> -> memref<1x256xf32, #tpu.memory_space<hbm>>
    %dma_start3A_528 = tpu.memref_squeeze %dma_start3A_527 : memref<1x256xf32, #tpu.memory_space<hbm>> -> memref<256xf32, #tpu.memory_space<hbm>>
    tpu.enqueue_dma source(%dma_start3A_528 : memref<256xf32, #tpu.memory_space<hbm>>) target(%dma_start3A_525 : memref<256xf32, #tpu.memory_space<vmem>>) target_semaphore(%arg6 : memref<!tpu.dma_semaphore, #tpu.memory_space<semaphore_mem>>)
    %dma_start3A_529 = arith.constant 19 : i32
    %dma_start3A_530 = arith.constant 256 : i32
    %dma_start3A_531 = tpu.memref_slice %arg5[%dma_start3A_529, %dma_start3A_530] : memref<32x512xf32, #tpu.memory_space<vmem>> -> memref<1x256xf32, #tpu.memory_space<vmem>>
    %dma_start3A_532 = tpu.memref_squeeze %dma_start3A_531 : memref<1x256xf32, #tpu.memory_space<vmem>> -> memref<256xf32, #tpu.memory_space<vmem>>
    %dma_start3A_533 = arith.constant 0 : i32
    %dma_start3A_534 = tpu.memref_slice %arg2[%add3A_2, %dma_start3A_533] : memref<60x256xf32, #tpu.memory_space<hbm>> -> memref<1x256xf32, #tpu.memory_space<hbm>>
    %dma_start3A_535 = tpu.memref_squeeze %dma_start3A_534 : memref<1x256xf32, #tpu.memory_space<hbm>> -> memref<256xf32, #tpu.memory_space<hbm>>
    %dma_start3A_536 = arith.constant 256 : i32
    %dma_start3A_537 = tpu.memref_slice %arg5[%dma_start3A_529, %dma_start3A_536] : memref<32x512xf32, #tpu.memory_space<vmem>> -> memref<1x256xf32, #tpu.memory_space<vmem>>
    %dma_start3A_538 = tpu.memref_squeeze %dma_start3A_537 : memref<1x256xf32, #tpu.memory_space<vmem>> -> memref<256xf32, #tpu.memory_space<vmem>>
    %dma_start3A_539 = arith.constant 0 : i32
    %dma_start3A_540 = tpu.memref_slice %arg2[%add3A_2, %dma_start3A_539] : memref<60x256xf32, #tpu.memory_space<hbm>> -> memref<1x256xf32, #tpu.memory_space<hbm>>
    %dma_start3A_541 = tpu.memref_squeeze %dma_start3A_540 : memref<1x256xf32, #tpu.memory_space<hbm>> -> memref<256xf32, #tpu.memory_space<hbm>>
    tpu.enqueue_dma source(%dma_start3A_541 : memref<256xf32, #tpu.memory_space<hbm>>) target(%dma_start3A_538 : memref<256xf32, #tpu.memory_space<vmem>>) target_semaphore(%arg6 : memref<!tpu.dma_semaphore, #tpu.memory_space<semaphore_mem>>)
    %dma_start3A_542 = arith.constant 21 : i32
    %dma_start3A_543 = arith.constant 20 : i32
    %dma_start3A_544 = arith.constant 0 : i32
    %dma_start3A_545 = tpu.memref_slice %arg5[%dma_start3A_543, %dma_start3A_544] : memref<32x512xf32, #tpu.memory_space<vmem>> -> memref<1x256xf32, #tpu.memory_space<vmem>>
    %dma_start3A_546 = tpu.memref_squeeze %dma_start3A_545 : memref<1x256xf32, #tpu.memory_space<vmem>> -> memref<256xf32, #tpu.memory_space<vmem>>
    %dma_start3A_547 = arith.constant 0 : i32
    %dma_start3A_548 = tpu.memref_slice %arg3[%dma_start3A_542, %dma_start3A_547] : memref<60x256xf32, #tpu.memory_space<hbm>> -> memref<1x256xf32, #tpu.memory_space<hbm>>
    %dma_start3A_549 = tpu.memref_squeeze %dma_start3A_548 : memref<1x256xf32, #tpu.memory_space<hbm>> -> memref<256xf32, #tpu.memory_space<hbm>>
    %dma_start3A_550 = arith.constant 0 : i32
    %dma_start3A_551 = tpu.memref_slice %arg5[%dma_start3A_543, %dma_start3A_550] : memref<32x512xf32, #tpu.memory_space<vmem>> -> memref<1x256xf32, #tpu.memory_space<vmem>>
    %dma_start3A_552 = tpu.memref_squeeze %dma_start3A_551 : memref<1x256xf32, #tpu.memory_space<vmem>> -> memref<256xf32, #tpu.memory_space<vmem>>
    %dma_start3A_553 = arith.constant 0 : i32
    %dma_start3A_554 = tpu.memref_slice %arg3[%dma_start3A_542, %dma_start3A_553] : memref<60x256xf32, #tpu.memory_space<hbm>> -> memref<1x256xf32, #tpu.memory_space<hbm>>
    %dma_start3A_555 = tpu.memref_squeeze %dma_start3A_554 : memref<1x256xf32, #tpu.memory_space<hbm>> -> memref<256xf32, #tpu.memory_space<hbm>>
    tpu.enqueue_dma source(%dma_start3A_555 : memref<256xf32, #tpu.memory_space<hbm>>) target(%dma_start3A_552 : memref<256xf32, #tpu.memory_space<vmem>>) target_semaphore(%arg6 : memref<!tpu.dma_semaphore, #tpu.memory_space<semaphore_mem>>)
    %dma_start3A_556 = arith.constant 20 : i32
    %dma_start3A_557 = arith.constant 256 : i32
    %dma_start3A_558 = tpu.memref_slice %arg5[%dma_start3A_556, %dma_start3A_557] : memref<32x512xf32, #tpu.memory_space<vmem>> -> memref<1x256xf32, #tpu.memory_space<vmem>>
    %dma_start3A_559 = tpu.memref_squeeze %dma_start3A_558 : memref<1x256xf32, #tpu.memory_space<vmem>> -> memref<256xf32, #tpu.memory_space<vmem>>
    %dma_start3A_560 = arith.constant 0 : i32
    %dma_start3A_561 = tpu.memref_slice %arg2[%add3A_2, %dma_start3A_560] : memref<60x256xf32, #tpu.memory_space<hbm>> -> memref<1x256xf32, #tpu.memory_space<hbm>>
    %dma_start3A_562 = tpu.memref_squeeze %dma_start3A_561 : memref<1x256xf32, #tpu.memory_space<hbm>> -> memref<256xf32, #tpu.memory_space<hbm>>
    %dma_start3A_563 = arith.constant 256 : i32
    %dma_start3A_564 = tpu.memref_slice %arg5[%dma_start3A_556, %dma_start3A_563] : memref<32x512xf32, #tpu.memory_space<vmem>> -> memref<1x256xf32, #tpu.memory_space<vmem>>
    %dma_start3A_565 = tpu.memref_squeeze %dma_start3A_564 : memref<1x256xf32, #tpu.memory_space<vmem>> -> memref<256xf32, #tpu.memory_space<vmem>>
    %dma_start3A_566 = arith.constant 0 : i32
    %dma_start3A_567 = tpu.memref_slice %arg2[%add3A_2, %dma_start3A_566] : memref<60x256xf32, #tpu.memory_space<hbm>> -> memref<1x256xf32, #tpu.memory_space<hbm>>
    %dma_start3A_568 = tpu.memref_squeeze %dma_start3A_567 : memref<1x256xf32, #tpu.memory_space<hbm>> -> memref<256xf32, #tpu.memory_space<hbm>>
    tpu.enqueue_dma source(%dma_start3A_568 : memref<256xf32, #tpu.memory_space<hbm>>) target(%dma_start3A_565 : memref<256xf32, #tpu.memory_space<vmem>>) target_semaphore(%arg6 : memref<!tpu.dma_semaphore, #tpu.memory_space<semaphore_mem>>)
    %dma_start3A_569 = arith.constant 22 : i32
    %dma_start3A_570 = arith.constant 21 : i32
    %dma_start3A_571 = arith.constant 0 : i32
    %dma_start3A_572 = tpu.memref_slice %arg5[%dma_start3A_570, %dma_start3A_571] : memref<32x512xf32, #tpu.memory_space<vmem>> -> memref<1x256xf32, #tpu.memory_space<vmem>>
    %dma_start3A_573 = tpu.memref_squeeze %dma_start3A_572 : memref<1x256xf32, #tpu.memory_space<vmem>> -> memref<256xf32, #tpu.memory_space<vmem>>
    %dma_start3A_574 = arith.constant 0 : i32
    %dma_start3A_575 = tpu.memref_slice %arg3[%dma_start3A_569, %dma_start3A_574] : memref<60x256xf32, #tpu.memory_space<hbm>> -> memref<1x256xf32, #tpu.memory_space<hbm>>
    %dma_start3A_576 = tpu.memref_squeeze %dma_start3A_575 : memref<1x256xf32, #tpu.memory_space<hbm>> -> memref<256xf32, #tpu.memory_space<hbm>>
    %dma_start3A_577 = arith.constant 0 : i32
    %dma_start3A_578 = tpu.memref_slice %arg5[%dma_start3A_570, %dma_start3A_577] : memref<32x512xf32, #tpu.memory_space<vmem>> -> memref<1x256xf32, #tpu.memory_space<vmem>>
    %dma_start3A_579 = tpu.memref_squeeze %dma_start3A_578 : memref<1x256xf32, #tpu.memory_space<vmem>> -> memref<256xf32, #tpu.memory_space<vmem>>
    %dma_start3A_580 = arith.constant 0 : i32
    %dma_start3A_581 = tpu.memref_slice %arg3[%dma_start3A_569, %dma_start3A_580] : memref<60x256xf32, #tpu.memory_space<hbm>> -> memref<1x256xf32, #tpu.memory_space<hbm>>
    %dma_start3A_582 = tpu.memref_squeeze %dma_start3A_581 : memref<1x256xf32, #tpu.memory_space<hbm>> -> memref<256xf32, #tpu.memory_space<hbm>>
    tpu.enqueue_dma source(%dma_start3A_582 : memref<256xf32, #tpu.memory_space<hbm>>) target(%dma_start3A_579 : memref<256xf32, #tpu.memory_space<vmem>>) target_semaphore(%arg6 : memref<!tpu.dma_semaphore, #tpu.memory_space<semaphore_mem>>)
    %dma_start3A_583 = arith.constant 21 : i32
    %dma_start3A_584 = arith.constant 256 : i32
    %dma_start3A_585 = tpu.memref_slice %arg5[%dma_start3A_583, %dma_start3A_584] : memref<32x512xf32, #tpu.memory_space<vmem>> -> memref<1x256xf32, #tpu.memory_space<vmem>>
    %dma_start3A_586 = tpu.memref_squeeze %dma_start3A_585 : memref<1x256xf32, #tpu.memory_space<vmem>> -> memref<256xf32, #tpu.memory_space<vmem>>
    %dma_start3A_587 = arith.constant 0 : i32
    %dma_start3A_588 = tpu.memref_slice %arg2[%add3A_2, %dma_start3A_587] : memref<60x256xf32, #tpu.memory_space<hbm>> -> memref<1x256xf32, #tpu.memory_space<hbm>>
    %dma_start3A_589 = tpu.memref_squeeze %dma_start3A_588 : memref<1x256xf32, #tpu.memory_space<hbm>> -> memref<256xf32, #tpu.memory_space<hbm>>
    %dma_start3A_590 = arith.constant 256 : i32
    %dma_start3A_591 = tpu.memref_slice %arg5[%dma_start3A_583, %dma_start3A_590] : memref<32x512xf32, #tpu.memory_space<vmem>> -> memref<1x256xf32, #tpu.memory_space<vmem>>
    %dma_start3A_592 = tpu.memref_squeeze %dma_start3A_591 : memref<1x256xf32, #tpu.memory_space<vmem>> -> memref<256xf32, #tpu.memory_space<vmem>>
    %dma_start3A_593 = arith.constant 0 : i32
    %dma_start3A_594 = tpu.memref_slice %arg2[%add3A_2, %dma_start3A_593] : memref<60x256xf32, #tpu.memory_space<hbm>> -> memref<1x256xf32, #tpu.memory_space<hbm>>
    %dma_start3A_595 = tpu.memref_squeeze %dma_start3A_594 : memref<1x256xf32, #tpu.memory_space<hbm>> -> memref<256xf32, #tpu.memory_space<hbm>>
    tpu.enqueue_dma source(%dma_start3A_595 : memref<256xf32, #tpu.memory_space<hbm>>) target(%dma_start3A_592 : memref<256xf32, #tpu.memory_space<vmem>>) target_semaphore(%arg6 : memref<!tpu.dma_semaphore, #tpu.memory_space<semaphore_mem>>)
    %dma_start3A_596 = arith.constant 23 : i32
    %dma_start3A_597 = arith.constant 22 : i32
    %dma_start3A_598 = arith.constant 0 : i32
    %dma_start3A_599 = tpu.memref_slice %arg5[%dma_start3A_597, %dma_start3A_598] : memref<32x512xf32, #tpu.memory_space<vmem>> -> memref<1x256xf32, #tpu.memory_space<vmem>>
    %dma_start3A_600 = tpu.memref_squeeze %dma_start3A_599 : memref<1x256xf32, #tpu.memory_space<vmem>> -> memref<256xf32, #tpu.memory_space<vmem>>
    %dma_start3A_601 = arith.constant 0 : i32
    %dma_start3A_602 = tpu.memref_slice %arg3[%dma_start3A_596, %dma_start3A_601] : memref<60x256xf32, #tpu.memory_space<hbm>> -> memref<1x256xf32, #tpu.memory_space<hbm>>
    %dma_start3A_603 = tpu.memref_squeeze %dma_start3A_602 : memref<1x256xf32, #tpu.memory_space<hbm>> -> memref<256xf32, #tpu.memory_space<hbm>>
    %dma_start3A_604 = arith.constant 0 : i32
    %dma_start3A_605 = tpu.memref_slice %arg5[%dma_start3A_597, %dma_start3A_604] : memref<32x512xf32, #tpu.memory_space<vmem>> -> memref<1x256xf32, #tpu.memory_space<vmem>>
    %dma_start3A_606 = tpu.memref_squeeze %dma_start3A_605 : memref<1x256xf32, #tpu.memory_space<vmem>> -> memref<256xf32, #tpu.memory_space<vmem>>
    %dma_start3A_607 = arith.constant 0 : i32
    %dma_start3A_608 = tpu.memref_slice %arg3[%dma_start3A_596, %dma_start3A_607] : memref<60x256xf32, #tpu.memory_space<hbm>> -> memref<1x256xf32, #tpu.memory_space<hbm>>
    %dma_start3A_609 = tpu.memref_squeeze %dma_start3A_608 : memref<1x256xf32, #tpu.memory_space<hbm>> -> memref<256xf32, #tpu.memory_space<hbm>>
    tpu.enqueue_dma source(%dma_start3A_609 : memref<256xf32, #tpu.memory_space<hbm>>) target(%dma_start3A_606 : memref<256xf32, #tpu.memory_space<vmem>>) target_semaphore(%arg6 : memref<!tpu.dma_semaphore, #tpu.memory_space<semaphore_mem>>)
    %dma_start3A_610 = arith.constant 22 : i32
    %dma_start3A_611 = arith.constant 256 : i32
    %dma_start3A_612 = tpu.memref_slice %arg5[%dma_start3A_610, %dma_start3A_611] : memref<32x512xf32, #tpu.memory_space<vmem>> -> memref<1x256xf32, #tpu.memory_space<vmem>>
    %dma_start3A_613 = tpu.memref_squeeze %dma_start3A_612 : memref<1x256xf32, #tpu.memory_space<vmem>> -> memref<256xf32, #tpu.memory_space<vmem>>
    %dma_start3A_614 = arith.constant 0 : i32
    %dma_start3A_615 = tpu.memref_slice %arg2[%add3A_2, %dma_start3A_614] : memref<60x256xf32, #tpu.memory_space<hbm>> -> memref<1x256xf32, #tpu.memory_space<hbm>>
    %dma_start3A_616 = tpu.memref_squeeze %dma_start3A_615 : memref<1x256xf32, #tpu.memory_space<hbm>> -> memref<256xf32, #tpu.memory_space<hbm>>
    %dma_start3A_617 = arith.constant 256 : i32
    %dma_start3A_618 = tpu.memref_slice %arg5[%dma_start3A_610, %dma_start3A_617] : memref<32x512xf32, #tpu.memory_space<vmem>> -> memref<1x256xf32, #tpu.memory_space<vmem>>
    %dma_start3A_619 = tpu.memref_squeeze %dma_start3A_618 : memref<1x256xf32, #tpu.memory_space<vmem>> -> memref<256xf32, #tpu.memory_space<vmem>>
    %dma_start3A_620 = arith.constant 0 : i32
    %dma_start3A_621 = tpu.memref_slice %arg2[%add3A_2, %dma_start3A_620] : memref<60x256xf32, #tpu.memory_space<hbm>> -> memref<1x256xf32, #tpu.memory_space<hbm>>
    %dma_start3A_622 = tpu.memref_squeeze %dma_start3A_621 : memref<1x256xf32, #tpu.memory_space<hbm>> -> memref<256xf32, #tpu.memory_space<hbm>>
    tpu.enqueue_dma source(%dma_start3A_622 : memref<256xf32, #tpu.memory_space<hbm>>) target(%dma_start3A_619 : memref<256xf32, #tpu.memory_space<vmem>>) target_semaphore(%arg6 : memref<!tpu.dma_semaphore, #tpu.memory_space<semaphore_mem>>)
    %dma_start3A_623 = arith.constant 24 : i32
    %dma_start3A_624 = arith.constant 23 : i32
    %dma_start3A_625 = arith.constant 0 : i32
    %dma_start3A_626 = tpu.memref_slice %arg5[%dma_start3A_624, %dma_start3A_625] : memref<32x512xf32, #tpu.memory_space<vmem>> -> memref<1x256xf32, #tpu.memory_space<vmem>>
    %dma_start3A_627 = tpu.memref_squeeze %dma_start3A_626 : memref<1x256xf32, #tpu.memory_space<vmem>> -> memref<256xf32, #tpu.memory_space<vmem>>
    %dma_start3A_628 = arith.constant 0 : i32
    %dma_start3A_629 = tpu.memref_slice %arg3[%dma_start3A_623, %dma_start3A_628] : memref<60x256xf32, #tpu.memory_space<hbm>> -> memref<1x256xf32, #tpu.memory_space<hbm>>
    %dma_start3A_630 = tpu.memref_squeeze %dma_start3A_629 : memref<1x256xf32, #tpu.memory_space<hbm>> -> memref<256xf32, #tpu.memory_space<hbm>>
    %dma_start3A_631 = arith.constant 0 : i32
    %dma_start3A_632 = tpu.memref_slice %arg5[%dma_start3A_624, %dma_start3A_631] : memref<32x512xf32, #tpu.memory_space<vmem>> -> memref<1x256xf32, #tpu.memory_space<vmem>>
    %dma_start3A_633 = tpu.memref_squeeze %dma_start3A_632 : memref<1x256xf32, #tpu.memory_space<vmem>> -> memref<256xf32, #tpu.memory_space<vmem>>
    %dma_start3A_634 = arith.constant 0 : i32
    %dma_start3A_635 = tpu.memref_slice %arg3[%dma_start3A_623, %dma_start3A_634] : memref<60x256xf32, #tpu.memory_space<hbm>> -> memref<1x256xf32, #tpu.memory_space<hbm>>
    %dma_start3A_636 = tpu.memref_squeeze %dma_start3A_635 : memref<1x256xf32, #tpu.memory_space<hbm>> -> memref<256xf32, #tpu.memory_space<hbm>>
    tpu.enqueue_dma source(%dma_start3A_636 : memref<256xf32, #tpu.memory_space<hbm>>) target(%dma_start3A_633 : memref<256xf32, #tpu.memory_space<vmem>>) target_semaphore(%arg6 : memref<!tpu.dma_semaphore, #tpu.memory_space<semaphore_mem>>)
    %dma_start3A_637 = arith.constant 23 : i32
    %dma_start3A_638 = arith.constant 256 : i32
    %dma_start3A_639 = tpu.memref_slice %arg5[%dma_start3A_637, %dma_start3A_638] : memref<32x512xf32, #tpu.memory_space<vmem>> -> memref<1x256xf32, #tpu.memory_space<vmem>>
    %dma_start3A_640 = tpu.memref_squeeze %dma_start3A_639 : memref<1x256xf32, #tpu.memory_space<vmem>> -> memref<256xf32, #tpu.memory_space<vmem>>
    %dma_start3A_641 = arith.constant 0 : i32
    %dma_start3A_642 = tpu.memref_slice %arg2[%add3A_2, %dma_start3A_641] : memref<60x256xf32, #tpu.memory_space<hbm>> -> memref<1x256xf32, #tpu.memory_space<hbm>>
    %dma_start3A_643 = tpu.memref_squeeze %dma_start3A_642 : memref<1x256xf32, #tpu.memory_space<hbm>> -> memref<256xf32, #tpu.memory_space<hbm>>
    %dma_start3A_644 = arith.constant 256 : i32
    %dma_start3A_645 = tpu.memref_slice %arg5[%dma_start3A_637, %dma_start3A_644] : memref<32x512xf32, #tpu.memory_space<vmem>> -> memref<1x256xf32, #tpu.memory_space<vmem>>
    %dma_start3A_646 = tpu.memref_squeeze %dma_start3A_645 : memref<1x256xf32, #tpu.memory_space<vmem>> -> memref<256xf32, #tpu.memory_space<vmem>>
    %dma_start3A_647 = arith.constant 0 : i32
    %dma_start3A_648 = tpu.memref_slice %arg2[%add3A_2, %dma_start3A_647] : memref<60x256xf32, #tpu.memory_space<hbm>> -> memref<1x256xf32, #tpu.memory_space<hbm>>
    %dma_start3A_649 = tpu.memref_squeeze %dma_start3A_648 : memref<1x256xf32, #tpu.memory_space<hbm>> -> memref<256xf32, #tpu.memory_space<hbm>>
    tpu.enqueue_dma source(%dma_start3A_649 : memref<256xf32, #tpu.memory_space<hbm>>) target(%dma_start3A_646 : memref<256xf32, #tpu.memory_space<vmem>>) target_semaphore(%arg6 : memref<!tpu.dma_semaphore, #tpu.memory_space<semaphore_mem>>)
    %dma_start3A_650 = arith.constant 25 : i32
    %dma_start3A_651 = arith.constant 24 : i32
    %dma_start3A_652 = arith.constant 0 : i32
    %dma_start3A_653 = tpu.memref_slice %arg5[%dma_start3A_651, %dma_start3A_652] : memref<32x512xf32, #tpu.memory_space<vmem>> -> memref<1x256xf32, #tpu.memory_space<vmem>>
    %dma_start3A_654 = tpu.memref_squeeze %dma_start3A_653 : memref<1x256xf32, #tpu.memory_space<vmem>> -> memref<256xf32, #tpu.memory_space<vmem>>
    %dma_start3A_655 = arith.constant 0 : i32
    %dma_start3A_656 = tpu.memref_slice %arg3[%dma_start3A_650, %dma_start3A_655] : memref<60x256xf32, #tpu.memory_space<hbm>> -> memref<1x256xf32, #tpu.memory_space<hbm>>
    %dma_start3A_657 = tpu.memref_squeeze %dma_start3A_656 : memref<1x256xf32, #tpu.memory_space<hbm>> -> memref<256xf32, #tpu.memory_space<hbm>>
    %dma_start3A_658 = arith.constant 0 : i32
    %dma_start3A_659 = tpu.memref_slice %arg5[%dma_start3A_651, %dma_start3A_658] : memref<32x512xf32, #tpu.memory_space<vmem>> -> memref<1x256xf32, #tpu.memory_space<vmem>>
    %dma_start3A_660 = tpu.memref_squeeze %dma_start3A_659 : memref<1x256xf32, #tpu.memory_space<vmem>> -> memref<256xf32, #tpu.memory_space<vmem>>
    %dma_start3A_661 = arith.constant 0 : i32
    %dma_start3A_662 = tpu.memref_slice %arg3[%dma_start3A_650, %dma_start3A_661] : memref<60x256xf32, #tpu.memory_space<hbm>> -> memref<1x256xf32, #tpu.memory_space<hbm>>
    %dma_start3A_663 = tpu.memref_squeeze %dma_start3A_662 : memref<1x256xf32, #tpu.memory_space<hbm>> -> memref<256xf32, #tpu.memory_space<hbm>>
    tpu.enqueue_dma source(%dma_start3A_663 : memref<256xf32, #tpu.memory_space<hbm>>) target(%dma_start3A_660 : memref<256xf32, #tpu.memory_space<vmem>>) target_semaphore(%arg6 : memref<!tpu.dma_semaphore, #tpu.memory_space<semaphore_mem>>)
    %dma_start3A_664 = arith.constant 24 : i32
    %dma_start3A_665 = arith.constant 256 : i32
    %dma_start3A_666 = tpu.memref_slice %arg5[%dma_start3A_664, %dma_start3A_665] : memref<32x512xf32, #tpu.memory_space<vmem>> -> memref<1x256xf32, #tpu.memory_space<vmem>>
    %dma_start3A_667 = tpu.memref_squeeze %dma_start3A_666 : memref<1x256xf32, #tpu.memory_space<vmem>> -> memref<256xf32, #tpu.memory_space<vmem>>
    %dma_start3A_668 = arith.constant 0 : i32
    %dma_start3A_669 = tpu.memref_slice %arg2[%add3A_2, %dma_start3A_668] : memref<60x256xf32, #tpu.memory_space<hbm>> -> memref<1x256xf32, #tpu.memory_space<hbm>>
    %dma_start3A_670 = tpu.memref_squeeze %dma_start3A_669 : memref<1x256xf32, #tpu.memory_space<hbm>> -> memref<256xf32, #tpu.memory_space<hbm>>
    %dma_start3A_671 = arith.constant 256 : i32
    %dma_start3A_672 = tpu.memref_slice %arg5[%dma_start3A_664, %dma_start3A_671] : memref<32x512xf32, #tpu.memory_space<vmem>> -> memref<1x256xf32, #tpu.memory_space<vmem>>
    %dma_start3A_673 = tpu.memref_squeeze %dma_start3A_672 : memref<1x256xf32, #tpu.memory_space<vmem>> -> memref<256xf32, #tpu.memory_space<vmem>>
    %dma_start3A_674 = arith.constant 0 : i32
    %dma_start3A_675 = tpu.memref_slice %arg2[%add3A_2, %dma_start3A_674] : memref<60x256xf32, #tpu.memory_space<hbm>> -> memref<1x256xf32, #tpu.memory_space<hbm>>
    %dma_start3A_676 = tpu.memref_squeeze %dma_start3A_675 : memref<1x256xf32, #tpu.memory_space<hbm>> -> memref<256xf32, #tpu.memory_space<hbm>>
    tpu.enqueue_dma source(%dma_start3A_676 : memref<256xf32, #tpu.memory_space<hbm>>) target(%dma_start3A_673 : memref<256xf32, #tpu.memory_space<vmem>>) target_semaphore(%arg6 : memref<!tpu.dma_semaphore, #tpu.memory_space<semaphore_mem>>)
    %dma_start3A_677 = arith.constant 26 : i32
    %dma_start3A_678 = arith.constant 25 : i32
    %dma_start3A_679 = arith.constant 0 : i32
    %dma_start3A_680 = tpu.memref_slice %arg5[%dma_start3A_678, %dma_start3A_679] : memref<32x512xf32, #tpu.memory_space<vmem>> -> memref<1x256xf32, #tpu.memory_space<vmem>>
    %dma_start3A_681 = tpu.memref_squeeze %dma_start3A_680 : memref<1x256xf32, #tpu.memory_space<vmem>> -> memref<256xf32, #tpu.memory_space<vmem>>
    %dma_start3A_682 = arith.constant 0 : i32
    %dma_start3A_683 = tpu.memref_slice %arg3[%dma_start3A_677, %dma_start3A_682] : memref<60x256xf32, #tpu.memory_space<hbm>> -> memref<1x256xf32, #tpu.memory_space<hbm>>
    %dma_start3A_684 = tpu.memref_squeeze %dma_start3A_683 : memref<1x256xf32, #tpu.memory_space<hbm>> -> memref<256xf32, #tpu.memory_space<hbm>>
    %dma_start3A_685 = arith.constant 0 : i32
    %dma_start3A_686 = tpu.memref_slice %arg5[%dma_start3A_678, %dma_start3A_685] : memref<32x512xf32, #tpu.memory_space<vmem>> -> memref<1x256xf32, #tpu.memory_space<vmem>>
    %dma_start3A_687 = tpu.memref_squeeze %dma_start3A_686 : memref<1x256xf32, #tpu.memory_space<vmem>> -> memref<256xf32, #tpu.memory_space<vmem>>
    %dma_start3A_688 = arith.constant 0 : i32
    %dma_start3A_689 = tpu.memref_slice %arg3[%dma_start3A_677, %dma_start3A_688] : memref<60x256xf32, #tpu.memory_space<hbm>> -> memref<1x256xf32, #tpu.memory_space<hbm>>
    %dma_start3A_690 = tpu.memref_squeeze %dma_start3A_689 : memref<1x256xf32, #tpu.memory_space<hbm>> -> memref<256xf32, #tpu.memory_space<hbm>>
    tpu.enqueue_dma source(%dma_start3A_690 : memref<256xf32, #tpu.memory_space<hbm>>) target(%dma_start3A_687 : memref<256xf32, #tpu.memory_space<vmem>>) target_semaphore(%arg6 : memref<!tpu.dma_semaphore, #tpu.memory_space<semaphore_mem>>)
    %dma_start3A_691 = arith.constant 25 : i32
    %dma_start3A_692 = arith.constant 256 : i32
    %dma_start3A_693 = tpu.memref_slice %arg5[%dma_start3A_691, %dma_start3A_692] : memref<32x512xf32, #tpu.memory_space<vmem>> -> memref<1x256xf32, #tpu.memory_space<vmem>>
    %dma_start3A_694 = tpu.memref_squeeze %dma_start3A_693 : memref<1x256xf32, #tpu.memory_space<vmem>> -> memref<256xf32, #tpu.memory_space<vmem>>
    %dma_start3A_695 = arith.constant 0 : i32
    %dma_start3A_696 = tpu.memref_slice %arg2[%add3A_2, %dma_start3A_695] : memref<60x256xf32, #tpu.memory_space<hbm>> -> memref<1x256xf32, #tpu.memory_space<hbm>>
    %dma_start3A_697 = tpu.memref_squeeze %dma_start3A_696 : memref<1x256xf32, #tpu.memory_space<hbm>> -> memref<256xf32, #tpu.memory_space<hbm>>
    %dma_start3A_698 = arith.constant 256 : i32
    %dma_start3A_699 = tpu.memref_slice %arg5[%dma_start3A_691, %dma_start3A_698] : memref<32x512xf32, #tpu.memory_space<vmem>> -> memref<1x256xf32, #tpu.memory_space<vmem>>
    %dma_start3A_700 = tpu.memref_squeeze %dma_start3A_699 : memref<1x256xf32, #tpu.memory_space<vmem>> -> memref<256xf32, #tpu.memory_space<vmem>>
    %dma_start3A_701 = arith.constant 0 : i32
    %dma_start3A_702 = tpu.memref_slice %arg2[%add3A_2, %dma_start3A_701] : memref<60x256xf32, #tpu.memory_space<hbm>> -> memref<1x256xf32, #tpu.memory_space<hbm>>
    %dma_start3A_703 = tpu.memref_squeeze %dma_start3A_702 : memref<1x256xf32, #tpu.memory_space<hbm>> -> memref<256xf32, #tpu.memory_space<hbm>>
    tpu.enqueue_dma source(%dma_start3A_703 : memref<256xf32, #tpu.memory_space<hbm>>) target(%dma_start3A_700 : memref<256xf32, #tpu.memory_space<vmem>>) target_semaphore(%arg6 : memref<!tpu.dma_semaphore, #tpu.memory_space<semaphore_mem>>)
    %dma_start3A_704 = arith.constant 27 : i32
    %dma_start3A_705 = arith.constant 26 : i32
    %dma_start3A_706 = arith.constant 0 : i32
    %dma_start3A_707 = tpu.memref_slice %arg5[%dma_start3A_705, %dma_start3A_706] : memref<32x512xf32, #tpu.memory_space<vmem>> -> memref<1x256xf32, #tpu.memory_space<vmem>>
    %dma_start3A_708 = tpu.memref_squeeze %dma_start3A_707 : memref<1x256xf32, #tpu.memory_space<vmem>> -> memref<256xf32, #tpu.memory_space<vmem>>
    %dma_start3A_709 = arith.constant 0 : i32
    %dma_start3A_710 = tpu.memref_slice %arg3[%dma_start3A_704, %dma_start3A_709] : memref<60x256xf32, #tpu.memory_space<hbm>> -> memref<1x256xf32, #tpu.memory_space<hbm>>
    %dma_start3A_711 = tpu.memref_squeeze %dma_start3A_710 : memref<1x256xf32, #tpu.memory_space<hbm>> -> memref<256xf32, #tpu.memory_space<hbm>>
    %dma_start3A_712 = arith.constant 0 : i32
    %dma_start3A_713 = tpu.memref_slice %arg5[%dma_start3A_705, %dma_start3A_712] : memref<32x512xf32, #tpu.memory_space<vmem>> -> memref<1x256xf32, #tpu.memory_space<vmem>>
    %dma_start3A_714 = tpu.memref_squeeze %dma_start3A_713 : memref<1x256xf32, #tpu.memory_space<vmem>> -> memref<256xf32, #tpu.memory_space<vmem>>
    %dma_start3A_715 = arith.constant 0 : i32
    %dma_start3A_716 = tpu.memref_slice %arg3[%dma_start3A_704, %dma_start3A_715] : memref<60x256xf32, #tpu.memory_space<hbm>> -> memref<1x256xf32, #tpu.memory_space<hbm>>
    %dma_start3A_717 = tpu.memref_squeeze %dma_start3A_716 : memref<1x256xf32, #tpu.memory_space<hbm>> -> memref<256xf32, #tpu.memory_space<hbm>>
    tpu.enqueue_dma source(%dma_start3A_717 : memref<256xf32, #tpu.memory_space<hbm>>) target(%dma_start3A_714 : memref<256xf32, #tpu.memory_space<vmem>>) target_semaphore(%arg6 : memref<!tpu.dma_semaphore, #tpu.memory_space<semaphore_mem>>)
    %dma_start3A_718 = arith.constant 26 : i32
    %dma_start3A_719 = arith.constant 256 : i32
    %dma_start3A_720 = tpu.memref_slice %arg5[%dma_start3A_718, %dma_start3A_719] : memref<32x512xf32, #tpu.memory_space<vmem>> -> memref<1x256xf32, #tpu.memory_space<vmem>>
    %dma_start3A_721 = tpu.memref_squeeze %dma_start3A_720 : memref<1x256xf32, #tpu.memory_space<vmem>> -> memref<256xf32, #tpu.memory_space<vmem>>
    %dma_start3A_722 = arith.constant 0 : i32
    %dma_start3A_723 = tpu.memref_slice %arg2[%add3A_2, %dma_start3A_722] : memref<60x256xf32, #tpu.memory_space<hbm>> -> memref<1x256xf32, #tpu.memory_space<hbm>>
    %dma_start3A_724 = tpu.memref_squeeze %dma_start3A_723 : memref<1x256xf32, #tpu.memory_space<hbm>> -> memref<256xf32, #tpu.memory_space<hbm>>
    %dma_start3A_725 = arith.constant 256 : i32
    %dma_start3A_726 = tpu.memref_slice %arg5[%dma_start3A_718, %dma_start3A_725] : memref<32x512xf32, #tpu.memory_space<vmem>> -> memref<1x256xf32, #tpu.memory_space<vmem>>
    %dma_start3A_727 = tpu.memref_squeeze %dma_start3A_726 : memref<1x256xf32, #tpu.memory_space<vmem>> -> memref<256xf32, #tpu.memory_space<vmem>>
    %dma_start3A_728 = arith.constant 0 : i32
    %dma_start3A_729 = tpu.memref_slice %arg2[%add3A_2, %dma_start3A_728] : memref<60x256xf32, #tpu.memory_space<hbm>> -> memref<1x256xf32, #tpu.memory_space<hbm>>
    %dma_start3A_730 = tpu.memref_squeeze %dma_start3A_729 : memref<1x256xf32, #tpu.memory_space<hbm>> -> memref<256xf32, #tpu.memory_space<hbm>>
    tpu.enqueue_dma source(%dma_start3A_730 : memref<256xf32, #tpu.memory_space<hbm>>) target(%dma_start3A_727 : memref<256xf32, #tpu.memory_space<vmem>>) target_semaphore(%arg6 : memref<!tpu.dma_semaphore, #tpu.memory_space<semaphore_mem>>)
    %dma_start3A_731 = arith.constant 28 : i32
    %dma_start3A_732 = arith.constant 27 : i32
    %dma_start3A_733 = arith.constant 0 : i32
    %dma_start3A_734 = tpu.memref_slice %arg5[%dma_start3A_732, %dma_start3A_733] : memref<32x512xf32, #tpu.memory_space<vmem>> -> memref<1x256xf32, #tpu.memory_space<vmem>>
    %dma_start3A_735 = tpu.memref_squeeze %dma_start3A_734 : memref<1x256xf32, #tpu.memory_space<vmem>> -> memref<256xf32, #tpu.memory_space<vmem>>
    %dma_start3A_736 = arith.constant 0 : i32
    %dma_start3A_737 = tpu.memref_slice %arg3[%dma_start3A_731, %dma_start3A_736] : memref<60x256xf32, #tpu.memory_space<hbm>> -> memref<1x256xf32, #tpu.memory_space<hbm>>
    %dma_start3A_738 = tpu.memref_squeeze %dma_start3A_737 : memref<1x256xf32, #tpu.memory_space<hbm>> -> memref<256xf32, #tpu.memory_space<hbm>>
    %dma_start3A_739 = arith.constant 0 : i32
    %dma_start3A_740 = tpu.memref_slice %arg5[%dma_start3A_732, %dma_start3A_739] : memref<32x512xf32, #tpu.memory_space<vmem>> -> memref<1x256xf32, #tpu.memory_space<vmem>>
    %dma_start3A_741 = tpu.memref_squeeze %dma_start3A_740 : memref<1x256xf32, #tpu.memory_space<vmem>> -> memref<256xf32, #tpu.memory_space<vmem>>
    %dma_start3A_742 = arith.constant 0 : i32
    %dma_start3A_743 = tpu.memref_slice %arg3[%dma_start3A_731, %dma_start3A_742] : memref<60x256xf32, #tpu.memory_space<hbm>> -> memref<1x256xf32, #tpu.memory_space<hbm>>
    %dma_start3A_744 = tpu.memref_squeeze %dma_start3A_743 : memref<1x256xf32, #tpu.memory_space<hbm>> -> memref<256xf32, #tpu.memory_space<hbm>>
    tpu.enqueue_dma source(%dma_start3A_744 : memref<256xf32, #tpu.memory_space<hbm>>) target(%dma_start3A_741 : memref<256xf32, #tpu.memory_space<vmem>>) target_semaphore(%arg6 : memref<!tpu.dma_semaphore, #tpu.memory_space<semaphore_mem>>)
    %dma_start3A_745 = arith.constant 27 : i32
    %dma_start3A_746 = arith.constant 256 : i32
    %dma_start3A_747 = tpu.memref_slice %arg5[%dma_start3A_745, %dma_start3A_746] : memref<32x512xf32, #tpu.memory_space<vmem>> -> memref<1x256xf32, #tpu.memory_space<vmem>>
    %dma_start3A_748 = tpu.memref_squeeze %dma_start3A_747 : memref<1x256xf32, #tpu.memory_space<vmem>> -> memref<256xf32, #tpu.memory_space<vmem>>
    %dma_start3A_749 = arith.constant 0 : i32
    %dma_start3A_750 = tpu.memref_slice %arg2[%add3A_2, %dma_start3A_749] : memref<60x256xf32, #tpu.memory_space<hbm>> -> memref<1x256xf32, #tpu.memory_space<hbm>>
    %dma_start3A_751 = tpu.memref_squeeze %dma_start3A_750 : memref<1x256xf32, #tpu.memory_space<hbm>> -> memref<256xf32, #tpu.memory_space<hbm>>
    %dma_start3A_752 = arith.constant 256 : i32
    %dma_start3A_753 = tpu.memref_slice %arg5[%dma_start3A_745, %dma_start3A_752] : memref<32x512xf32, #tpu.memory_space<vmem>> -> memref<1x256xf32, #tpu.memory_space<vmem>>
    %dma_start3A_754 = tpu.memref_squeeze %dma_start3A_753 : memref<1x256xf32, #tpu.memory_space<vmem>> -> memref<256xf32, #tpu.memory_space<vmem>>
    %dma_start3A_755 = arith.constant 0 : i32
    %dma_start3A_756 = tpu.memref_slice %arg2[%add3A_2, %dma_start3A_755] : memref<60x256xf32, #tpu.memory_space<hbm>> -> memref<1x256xf32, #tpu.memory_space<hbm>>
    %dma_start3A_757 = tpu.memref_squeeze %dma_start3A_756 : memref<1x256xf32, #tpu.memory_space<hbm>> -> memref<256xf32, #tpu.memory_space<hbm>>
    tpu.enqueue_dma source(%dma_start3A_757 : memref<256xf32, #tpu.memory_space<hbm>>) target(%dma_start3A_754 : memref<256xf32, #tpu.memory_space<vmem>>) target_semaphore(%arg6 : memref<!tpu.dma_semaphore, #tpu.memory_space<semaphore_mem>>)
    %dma_start3A_758 = arith.constant 29 : i32
    %dma_start3A_759 = arith.constant 28 : i32
    %dma_start3A_760 = arith.constant 0 : i32
    %dma_start3A_761 = tpu.memref_slice %arg5[%dma_start3A_759, %dma_start3A_760] : memref<32x512xf32, #tpu.memory_space<vmem>> -> memref<1x256xf32, #tpu.memory_space<vmem>>
    %dma_start3A_762 = tpu.memref_squeeze %dma_start3A_761 : memref<1x256xf32, #tpu.memory_space<vmem>> -> memref<256xf32, #tpu.memory_space<vmem>>
    %dma_start3A_763 = arith.constant 0 : i32
    %dma_start3A_764 = tpu.memref_slice %arg3[%dma_start3A_758, %dma_start3A_763] : memref<60x256xf32, #tpu.memory_space<hbm>> -> memref<1x256xf32, #tpu.memory_space<hbm>>
    %dma_start3A_765 = tpu.memref_squeeze %dma_start3A_764 : memref<1x256xf32, #tpu.memory_space<hbm>> -> memref<256xf32, #tpu.memory_space<hbm>>
    %dma_start3A_766 = arith.constant 0 : i32
    %dma_start3A_767 = tpu.memref_slice %arg5[%dma_start3A_759, %dma_start3A_766] : memref<32x512xf32, #tpu.memory_space<vmem>> -> memref<1x256xf32, #tpu.memory_space<vmem>>
    %dma_start3A_768 = tpu.memref_squeeze %dma_start3A_767 : memref<1x256xf32, #tpu.memory_space<vmem>> -> memref<256xf32, #tpu.memory_space<vmem>>
    %dma_start3A_769 = arith.constant 0 : i32
    %dma_start3A_770 = tpu.memref_slice %arg3[%dma_start3A_758, %dma_start3A_769] : memref<60x256xf32, #tpu.memory_space<hbm>> -> memref<1x256xf32, #tpu.memory_space<hbm>>
    %dma_start3A_771 = tpu.memref_squeeze %dma_start3A_770 : memref<1x256xf32, #tpu.memory_space<hbm>> -> memref<256xf32, #tpu.memory_space<hbm>>
    tpu.enqueue_dma source(%dma_start3A_771 : memref<256xf32, #tpu.memory_space<hbm>>) target(%dma_start3A_768 : memref<256xf32, #tpu.memory_space<vmem>>) target_semaphore(%arg6 : memref<!tpu.dma_semaphore, #tpu.memory_space<semaphore_mem>>)
    %dma_start3A_772 = arith.constant 28 : i32
    %dma_start3A_773 = arith.constant 256 : i32
    %dma_start3A_774 = tpu.memref_slice %arg5[%dma_start3A_772, %dma_start3A_773] : memref<32x512xf32, #tpu.memory_space<vmem>> -> memref<1x256xf32, #tpu.memory_space<vmem>>
    %dma_start3A_775 = tpu.memref_squeeze %dma_start3A_774 : memref<1x256xf32, #tpu.memory_space<vmem>> -> memref<256xf32, #tpu.memory_space<vmem>>
    %dma_start3A_776 = arith.constant 0 : i32
    %dma_start3A_777 = tpu.memref_slice %arg2[%add3A_2, %dma_start3A_776] : memref<60x256xf32, #tpu.memory_space<hbm>> -> memref<1x256xf32, #tpu.memory_space<hbm>>
    %dma_start3A_778 = tpu.memref_squeeze %dma_start3A_777 : memref<1x256xf32, #tpu.memory_space<hbm>> -> memref<256xf32, #tpu.memory_space<hbm>>
    %dma_start3A_779 = arith.constant 256 : i32
    %dma_start3A_780 = tpu.memref_slice %arg5[%dma_start3A_772, %dma_start3A_779] : memref<32x512xf32, #tpu.memory_space<vmem>> -> memref<1x256xf32, #tpu.memory_space<vmem>>
    %dma_start3A_781 = tpu.memref_squeeze %dma_start3A_780 : memref<1x256xf32, #tpu.memory_space<vmem>> -> memref<256xf32, #tpu.memory_space<vmem>>
    %dma_start3A_782 = arith.constant 0 : i32
    %dma_start3A_783 = tpu.memref_slice %arg2[%add3A_2, %dma_start3A_782] : memref<60x256xf32, #tpu.memory_space<hbm>> -> memref<1x256xf32, #tpu.memory_space<hbm>>
    %dma_start3A_784 = tpu.memref_squeeze %dma_start3A_783 : memref<1x256xf32, #tpu.memory_space<hbm>> -> memref<256xf32, #tpu.memory_space<hbm>>
    tpu.enqueue_dma source(%dma_start3A_784 : memref<256xf32, #tpu.memory_space<hbm>>) target(%dma_start3A_781 : memref<256xf32, #tpu.memory_space<vmem>>) target_semaphore(%arg6 : memref<!tpu.dma_semaphore, #tpu.memory_space<semaphore_mem>>)
    %dma_start3A_785 = arith.constant 30 : i32
    %dma_start3A_786 = arith.constant 29 : i32
    %dma_start3A_787 = arith.constant 0 : i32
    %dma_start3A_788 = tpu.memref_slice %arg5[%dma_start3A_786, %dma_start3A_787] : memref<32x512xf32, #tpu.memory_space<vmem>> -> memref<1x256xf32, #tpu.memory_space<vmem>>
    %dma_start3A_789 = tpu.memref_squeeze %dma_start3A_788 : memref<1x256xf32, #tpu.memory_space<vmem>> -> memref<256xf32, #tpu.memory_space<vmem>>
    %dma_start3A_790 = arith.constant 0 : i32
    %dma_start3A_791 = tpu.memref_slice %arg3[%dma_start3A_785, %dma_start3A_790] : memref<60x256xf32, #tpu.memory_space<hbm>> -> memref<1x256xf32, #tpu.memory_space<hbm>>
    %dma_start3A_792 = tpu.memref_squeeze %dma_start3A_791 : memref<1x256xf32, #tpu.memory_space<hbm>> -> memref<256xf32, #tpu.memory_space<hbm>>
    %dma_start3A_793 = arith.constant 0 : i32
    %dma_start3A_794 = tpu.memref_slice %arg5[%dma_start3A_786, %dma_start3A_793] : memref<32x512xf32, #tpu.memory_space<vmem>> -> memref<1x256xf32, #tpu.memory_space<vmem>>
    %dma_start3A_795 = tpu.memref_squeeze %dma_start3A_794 : memref<1x256xf32, #tpu.memory_space<vmem>> -> memref<256xf32, #tpu.memory_space<vmem>>
    %dma_start3A_796 = arith.constant 0 : i32
    %dma_start3A_797 = tpu.memref_slice %arg3[%dma_start3A_785, %dma_start3A_796] : memref<60x256xf32, #tpu.memory_space<hbm>> -> memref<1x256xf32, #tpu.memory_space<hbm>>
    %dma_start3A_798 = tpu.memref_squeeze %dma_start3A_797 : memref<1x256xf32, #tpu.memory_space<hbm>> -> memref<256xf32, #tpu.memory_space<hbm>>
    tpu.enqueue_dma source(%dma_start3A_798 : memref<256xf32, #tpu.memory_space<hbm>>) target(%dma_start3A_795 : memref<256xf32, #tpu.memory_space<vmem>>) target_semaphore(%arg6 : memref<!tpu.dma_semaphore, #tpu.memory_space<semaphore_mem>>)
    %dma_start3A_799 = arith.constant 29 : i32
    %dma_start3A_800 = arith.constant 256 : i32
    %dma_start3A_801 = tpu.memref_slice %arg5[%dma_start3A_799, %dma_start3A_800] : memref<32x512xf32, #tpu.memory_space<vmem>> -> memref<1x256xf32, #tpu.memory_space<vmem>>
    %dma_start3A_802 = tpu.memref_squeeze %dma_start3A_801 : memref<1x256xf32, #tpu.memory_space<vmem>> -> memref<256xf32, #tpu.memory_space<vmem>>
    %dma_start3A_803 = arith.constant 0 : i32
    %dma_start3A_804 = tpu.memref_slice %arg2[%add3A_2, %dma_start3A_803] : memref<60x256xf32, #tpu.memory_space<hbm>> -> memref<1x256xf32, #tpu.memory_space<hbm>>
    %dma_start3A_805 = tpu.memref_squeeze %dma_start3A_804 : memref<1x256xf32, #tpu.memory_space<hbm>> -> memref<256xf32, #tpu.memory_space<hbm>>
    %dma_start3A_806 = arith.constant 256 : i32
    %dma_start3A_807 = tpu.memref_slice %arg5[%dma_start3A_799, %dma_start3A_806] : memref<32x512xf32, #tpu.memory_space<vmem>> -> memref<1x256xf32, #tpu.memory_space<vmem>>
    %dma_start3A_808 = tpu.memref_squeeze %dma_start3A_807 : memref<1x256xf32, #tpu.memory_space<vmem>> -> memref<256xf32, #tpu.memory_space<vmem>>
    %dma_start3A_809 = arith.constant 0 : i32
    %dma_start3A_810 = tpu.memref_slice %arg2[%add3A_2, %dma_start3A_809] : memref<60x256xf32, #tpu.memory_space<hbm>> -> memref<1x256xf32, #tpu.memory_space<hbm>>
    %dma_start3A_811 = tpu.memref_squeeze %dma_start3A_810 : memref<1x256xf32, #tpu.memory_space<hbm>> -> memref<256xf32, #tpu.memory_space<hbm>>
    tpu.enqueue_dma source(%dma_start3A_811 : memref<256xf32, #tpu.memory_space<hbm>>) target(%dma_start3A_808 : memref<256xf32, #tpu.memory_space<vmem>>) target_semaphore(%arg6 : memref<!tpu.dma_semaphore, #tpu.memory_space<semaphore_mem>>)
    %dma_start3A_812 = arith.constant 31 : i32
    %dma_start3A_813 = arith.constant 30 : i32
    %dma_start3A_814 = arith.constant 0 : i32
    %dma_start3A_815 = tpu.memref_slice %arg5[%dma_start3A_813, %dma_start3A_814] : memref<32x512xf32, #tpu.memory_space<vmem>> -> memref<1x256xf32, #tpu.memory_space<vmem>>
    %dma_start3A_816 = tpu.memref_squeeze %dma_start3A_815 : memref<1x256xf32, #tpu.memory_space<vmem>> -> memref<256xf32, #tpu.memory_space<vmem>>
    %dma_start3A_817 = arith.constant 0 : i32
    %dma_start3A_818 = tpu.memref_slice %arg3[%dma_start3A_812, %dma_start3A_817] : memref<60x256xf32, #tpu.memory_space<hbm>> -> memref<1x256xf32, #tpu.memory_space<hbm>>
    %dma_start3A_819 = tpu.memref_squeeze %dma_start3A_818 : memref<1x256xf32, #tpu.memory_space<hbm>> -> memref<256xf32, #tpu.memory_space<hbm>>
    %dma_start3A_820 = arith.constant 0 : i32
    %dma_start3A_821 = tpu.memref_slice %arg5[%dma_start3A_813, %dma_start3A_820] : memref<32x512xf32, #tpu.memory_space<vmem>> -> memref<1x256xf32, #tpu.memory_space<vmem>>
    %dma_start3A_822 = tpu.memref_squeeze %dma_start3A_821 : memref<1x256xf32, #tpu.memory_space<vmem>> -> memref<256xf32, #tpu.memory_space<vmem>>
    %dma_start3A_823 = arith.constant 0 : i32
    %dma_start3A_824 = tpu.memref_slice %arg3[%dma_start3A_812, %dma_start3A_823] : memref<60x256xf32, #tpu.memory_space<hbm>> -> memref<1x256xf32, #tpu.memory_space<hbm>>
    %dma_start3A_825 = tpu.memref_squeeze %dma_start3A_824 : memref<1x256xf32, #tpu.memory_space<hbm>> -> memref<256xf32, #tpu.memory_space<hbm>>
    tpu.enqueue_dma source(%dma_start3A_825 : memref<256xf32, #tpu.memory_space<hbm>>) target(%dma_start3A_822 : memref<256xf32, #tpu.memory_space<vmem>>) target_semaphore(%arg6 : memref<!tpu.dma_semaphore, #tpu.memory_space<semaphore_mem>>)
    %dma_start3A_826 = arith.constant 30 : i32
    %dma_start3A_827 = arith.constant 256 : i32
    %dma_start3A_828 = tpu.memref_slice %arg5[%dma_start3A_826, %dma_start3A_827] : memref<32x512xf32, #tpu.memory_space<vmem>> -> memref<1x256xf32, #tpu.memory_space<vmem>>
    %dma_start3A_829 = tpu.memref_squeeze %dma_start3A_828 : memref<1x256xf32, #tpu.memory_space<vmem>> -> memref<256xf32, #tpu.memory_space<vmem>>
    %dma_start3A_830 = arith.constant 0 : i32
    %dma_start3A_831 = tpu.memref_slice %arg2[%add3A_2, %dma_start3A_830] : memref<60x256xf32, #tpu.memory_space<hbm>> -> memref<1x256xf32, #tpu.memory_space<hbm>>
    %dma_start3A_832 = tpu.memref_squeeze %dma_start3A_831 : memref<1x256xf32, #tpu.memory_space<hbm>> -> memref<256xf32, #tpu.memory_space<hbm>>
    %dma_start3A_833 = arith.constant 256 : i32
    %dma_start3A_834 = tpu.memref_slice %arg5[%dma_start3A_826, %dma_start3A_833] : memref<32x512xf32, #tpu.memory_space<vmem>> -> memref<1x256xf32, #tpu.memory_space<vmem>>
    %dma_start3A_835 = tpu.memref_squeeze %dma_start3A_834 : memref<1x256xf32, #tpu.memory_space<vmem>> -> memref<256xf32, #tpu.memory_space<vmem>>
    %dma_start3A_836 = arith.constant 0 : i32
    %dma_start3A_837 = tpu.memref_slice %arg2[%add3A_2, %dma_start3A_836] : memref<60x256xf32, #tpu.memory_space<hbm>> -> memref<1x256xf32, #tpu.memory_space<hbm>>
    %dma_start3A_838 = tpu.memref_squeeze %dma_start3A_837 : memref<1x256xf32, #tpu.memory_space<hbm>> -> memref<256xf32, #tpu.memory_space<hbm>>
    tpu.enqueue_dma source(%dma_start3A_838 : memref<256xf32, #tpu.memory_space<hbm>>) target(%dma_start3A_835 : memref<256xf32, #tpu.memory_space<vmem>>) target_semaphore(%arg6 : memref<!tpu.dma_semaphore, #tpu.memory_space<semaphore_mem>>)
    %dma_start3A_839 = arith.constant 32 : i32
    %dma_start3A_840 = arith.constant 31 : i32
    %dma_start3A_841 = arith.constant 0 : i32
    %dma_start3A_842 = tpu.memref_slice %arg5[%dma_start3A_840, %dma_start3A_841] : memref<32x512xf32, #tpu.memory_space<vmem>> -> memref<1x256xf32, #tpu.memory_space<vmem>>
    %dma_start3A_843 = tpu.memref_squeeze %dma_start3A_842 : memref<1x256xf32, #tpu.memory_space<vmem>> -> memref<256xf32, #tpu.memory_space<vmem>>
    %dma_start3A_844 = arith.constant 0 : i32
    %dma_start3A_845 = tpu.memref_slice %arg3[%dma_start3A_839, %dma_start3A_844] : memref<60x256xf32, #tpu.memory_space<hbm>> -> memref<1x256xf32, #tpu.memory_space<hbm>>
    %dma_start3A_846 = tpu.memref_squeeze %dma_start3A_845 : memref<1x256xf32, #tpu.memory_space<hbm>> -> memref<256xf32, #tpu.memory_space<hbm>>
    %dma_start3A_847 = arith.constant 0 : i32
    %dma_start3A_848 = tpu.memref_slice %arg5[%dma_start3A_840, %dma_start3A_847] : memref<32x512xf32, #tpu.memory_space<vmem>> -> memref<1x256xf32, #tpu.memory_space<vmem>>
    %dma_start3A_849 = tpu.memref_squeeze %dma_start3A_848 : memref<1x256xf32, #tpu.memory_space<vmem>> -> memref<256xf32, #tpu.memory_space<vmem>>
    %dma_start3A_850 = arith.constant 0 : i32
    %dma_start3A_851 = tpu.memref_slice %arg3[%dma_start3A_839, %dma_start3A_850] : memref<60x256xf32, #tpu.memory_space<hbm>> -> memref<1x256xf32, #tpu.memory_space<hbm>>
    %dma_start3A_852 = tpu.memref_squeeze %dma_start3A_851 : memref<1x256xf32, #tpu.memory_space<hbm>> -> memref<256xf32, #tpu.memory_space<hbm>>
    tpu.enqueue_dma source(%dma_start3A_852 : memref<256xf32, #tpu.memory_space<hbm>>) target(%dma_start3A_849 : memref<256xf32, #tpu.memory_space<vmem>>) target_semaphore(%arg6 : memref<!tpu.dma_semaphore, #tpu.memory_space<semaphore_mem>>)
    %dma_start3A_853 = arith.constant 31 : i32
    %dma_start3A_854 = arith.constant 256 : i32
    %dma_start3A_855 = tpu.memref_slice %arg5[%dma_start3A_853, %dma_start3A_854] : memref<32x512xf32, #tpu.memory_space<vmem>> -> memref<1x256xf32, #tpu.memory_space<vmem>>
    %dma_start3A_856 = tpu.memref_squeeze %dma_start3A_855 : memref<1x256xf32, #tpu.memory_space<vmem>> -> memref<256xf32, #tpu.memory_space<vmem>>
    %dma_start3A_857 = arith.constant 0 : i32
    %dma_start3A_858 = tpu.memref_slice %arg2[%add3A_2, %dma_start3A_857] : memref<60x256xf32, #tpu.memory_space<hbm>> -> memref<1x256xf32, #tpu.memory_space<hbm>>
    %dma_start3A_859 = tpu.memref_squeeze %dma_start3A_858 : memref<1x256xf32, #tpu.memory_space<hbm>> -> memref<256xf32, #tpu.memory_space<hbm>>
    %dma_start3A_860 = arith.constant 256 : i32
    %dma_start3A_861 = tpu.memref_slice %arg5[%dma_start3A_853, %dma_start3A_860] : memref<32x512xf32, #tpu.memory_space<vmem>> -> memref<1x256xf32, #tpu.memory_space<vmem>>
    %dma_start3A_862 = tpu.memref_squeeze %dma_start3A_861 : memref<1x256xf32, #tpu.memory_space<vmem>> -> memref<256xf32, #tpu.memory_space<vmem>>
    %dma_start3A_863 = arith.constant 0 : i32
    %dma_start3A_864 = tpu.memref_slice %arg2[%add3A_2, %dma_start3A_863] : memref<60x256xf32, #tpu.memory_space<hbm>> -> memref<1x256xf32, #tpu.memory_space<hbm>>
    %dma_start3A_865 = tpu.memref_squeeze %dma_start3A_864 : memref<1x256xf32, #tpu.memory_space<hbm>> -> memref<256xf32, #tpu.memory_space<hbm>>
    tpu.enqueue_dma source(%dma_start3A_865 : memref<256xf32, #tpu.memory_space<hbm>>) target(%dma_start3A_862 : memref<256xf32, #tpu.memory_space<vmem>>) target_semaphore(%arg6 : memref<!tpu.dma_semaphore, #tpu.memory_space<semaphore_mem>>)
    %dma_wait3A = arith.constant 1 : i32
    %dma_wait3A_866 = arith.constant 0 : i32
    %dma_wait3A_867 = arith.constant 0 : i32
    %dma_wait3A_868 = tpu.memref_slice %arg5[%dma_wait3A_866, %dma_wait3A_867] : memref<32x512xf32, #tpu.memory_space<vmem>> -> memref<1x256xf32, #tpu.memory_space<vmem>>
    %dma_wait3A_869 = tpu.memref_squeeze %dma_wait3A_868 : memref<1x256xf32, #tpu.memory_space<vmem>> -> memref<256xf32, #tpu.memory_space<vmem>>
    %dma_wait3A_870 = arith.constant 0 : i32
    %dma_wait3A_871 = tpu.memref_slice %arg3[%dma_wait3A, %dma_wait3A_870] : memref<60x256xf32, #tpu.memory_space<hbm>> -> memref<1x256xf32, #tpu.memory_space<hbm>>
    %dma_wait3A_872 = tpu.memref_squeeze %dma_wait3A_871 : memref<1x256xf32, #tpu.memory_space<hbm>> -> memref<256xf32, #tpu.memory_space<hbm>>
    %dma_wait3A_873 = arith.constant 0 : i32
    %dma_wait3A_874 = tpu.memref_slice %arg5[%dma_wait3A_866, %dma_wait3A_873] : memref<32x512xf32, #tpu.memory_space<vmem>> -> memref<1x256xf32, #tpu.memory_space<vmem>>
    %dma_wait3A_875 = tpu.memref_squeeze %dma_wait3A_874 : memref<1x256xf32, #tpu.memory_space<vmem>> -> memref<256xf32, #tpu.memory_space<vmem>>
    %dma_wait3A_876 = arith.constant 0 : i32
    %dma_wait3A_877 = tpu.memref_slice %arg3[%dma_wait3A, %dma_wait3A_876] : memref<60x256xf32, #tpu.memory_space<hbm>> -> memref<1x256xf32, #tpu.memory_space<hbm>>
    %dma_wait3A_878 = tpu.memref_squeeze %dma_wait3A_877 : memref<1x256xf32, #tpu.memory_space<hbm>> -> memref<256xf32, #tpu.memory_space<hbm>>
    tpu.wait_dma2 semaphore(%arg6 : memref<!tpu.dma_semaphore, #tpu.memory_space<semaphore_mem>>) src(%dma_wait3A_878 : memref<256xf32, #tpu.memory_space<hbm>>) dst(%dma_wait3A_875 : memref<256xf32, #tpu.memory_space<vmem>>)
    %dma_wait3A_879 = arith.constant 0 : i32
    %dma_wait3A_880 = arith.constant 256 : i32
    %dma_wait3A_881 = tpu.memref_slice %arg5[%dma_wait3A_879, %dma_wait3A_880] : memref<32x512xf32, #tpu.memory_space<vmem>> -> memref<1x256xf32, #tpu.memory_space<vmem>>
    %dma_wait3A_882 = tpu.memref_squeeze %dma_wait3A_881 : memref<1x256xf32, #tpu.memory_space<vmem>> -> memref<256xf32, #tpu.memory_space<vmem>>
    %dma_wait3A_883 = arith.constant 0 : i32
    %dma_wait3A_884 = tpu.memref_slice %arg2[%add3A_2, %dma_wait3A_883] : memref<60x256xf32, #tpu.memory_space<hbm>> -> memref<1x256xf32, #tpu.memory_space<hbm>>
    %dma_wait3A_885 = tpu.memref_squeeze %dma_wait3A_884 : memref<1x256xf32, #tpu.memory_space<hbm>> -> memref<256xf32, #tpu.memory_space<hbm>>
    %dma_wait3A_886 = arith.constant 256 : i32
    %dma_wait3A_887 = tpu.memref_slice %arg5[%dma_wait3A_879, %dma_wait3A_886] : memref<32x512xf32, #tpu.memory_space<vmem>> -> memref<1x256xf32, #tpu.memory_space<vmem>>
    %dma_wait3A_888 = tpu.memref_squeeze %dma_wait3A_887 : memref<1x256xf32, #tpu.memory_space<vmem>> -> memref<256xf32, #tpu.memory_space<vmem>>
    %dma_wait3A_889 = arith.constant 0 : i32
    %dma_wait3A_890 = tpu.memref_slice %arg2[%add3A_2, %dma_wait3A_889] : memref<60x256xf32, #tpu.memory_space<hbm>> -> memref<1x256xf32, #tpu.memory_space<hbm>>
    %dma_wait3A_891 = tpu.memref_squeeze %dma_wait3A_890 : memref<1x256xf32, #tpu.memory_space<hbm>> -> memref<256xf32, #tpu.memory_space<hbm>>
    tpu.wait_dma2 semaphore(%arg6 : memref<!tpu.dma_semaphore, #tpu.memory_space<semaphore_mem>>) src(%dma_wait3A_891 : memref<256xf32, #tpu.memory_space<hbm>>) dst(%dma_wait3A_888 : memref<256xf32, #tpu.memory_space<vmem>>)
    %dma_wait3A_892 = arith.constant 2 : i32
    %dma_wait3A_893 = arith.constant 1 : i32
    %dma_wait3A_894 = arith.constant 0 : i32
    %dma_wait3A_895 = tpu.memref_slice %arg5[%dma_wait3A_893, %dma_wait3A_894] : memref<32x512xf32, #tpu.memory_space<vmem>> -> memref<1x256xf32, #tpu.memory_space<vmem>>
    %dma_wait3A_896 = tpu.memref_squeeze %dma_wait3A_895 : memref<1x256xf32, #tpu.memory_space<vmem>> -> memref<256xf32, #tpu.memory_space<vmem>>
    %dma_wait3A_897 = arith.constant 0 : i32
    %dma_wait3A_898 = tpu.memref_slice %arg3[%dma_wait3A_892, %dma_wait3A_897] : memref<60x256xf32, #tpu.memory_space<hbm>> -> memref<1x256xf32, #tpu.memory_space<hbm>>
    %dma_wait3A_899 = tpu.memref_squeeze %dma_wait3A_898 : memref<1x256xf32, #tpu.memory_space<hbm>> -> memref<256xf32, #tpu.memory_space<hbm>>
    %dma_wait3A_900 = arith.constant 0 : i32
    %dma_wait3A_901 = tpu.memref_slice %arg5[%dma_wait3A_893, %dma_wait3A_900] : memref<32x512xf32, #tpu.memory_space<vmem>> -> memref<1x256xf32, #tpu.memory_space<vmem>>
    %dma_wait3A_902 = tpu.memref_squeeze %dma_wait3A_901 : memref<1x256xf32, #tpu.memory_space<vmem>> -> memref<256xf32, #tpu.memory_space<vmem>>
    %dma_wait3A_903 = arith.constant 0 : i32
    %dma_wait3A_904 = tpu.memref_slice %arg3[%dma_wait3A_892, %dma_wait3A_903] : memref<60x256xf32, #tpu.memory_space<hbm>> -> memref<1x256xf32, #tpu.memory_space<hbm>>
    %dma_wait3A_905 = tpu.memref_squeeze %dma_wait3A_904 : memref<1x256xf32, #tpu.memory_space<hbm>> -> memref<256xf32, #tpu.memory_space<hbm>>
    tpu.wait_dma2 semaphore(%arg6 : memref<!tpu.dma_semaphore, #tpu.memory_space<semaphore_mem>>) src(%dma_wait3A_905 : memref<256xf32, #tpu.memory_space<hbm>>) dst(%dma_wait3A_902 : memref<256xf32, #tpu.memory_space<vmem>>)
    %dma_wait3A_906 = arith.constant 1 : i32
    %dma_wait3A_907 = arith.constant 256 : i32
    %dma_wait3A_908 = tpu.memref_slice %arg5[%dma_wait3A_906, %dma_wait3A_907] : memref<32x512xf32, #tpu.memory_space<vmem>> -> memref<1x256xf32, #tpu.memory_space<vmem>>
    %dma_wait3A_909 = tpu.memref_squeeze %dma_wait3A_908 : memref<1x256xf32, #tpu.memory_space<vmem>> -> memref<256xf32, #tpu.memory_space<vmem>>
    %dma_wait3A_910 = arith.constant 0 : i32
    %dma_wait3A_911 = tpu.memref_slice %arg2[%add3A_2, %dma_wait3A_910] : memref<60x256xf32, #tpu.memory_space<hbm>> -> memref<1x256xf32, #tpu.memory_space<hbm>>
    %dma_wait3A_912 = tpu.memref_squeeze %dma_wait3A_911 : memref<1x256xf32, #tpu.memory_space<hbm>> -> memref<256xf32, #tpu.memory_space<hbm>>
    %dma_wait3A_913 = arith.constant 256 : i32
    %dma_wait3A_914 = tpu.memref_slice %arg5[%dma_wait3A_906, %dma_wait3A_913] : memref<32x512xf32, #tpu.memory_space<vmem>> -> memref<1x256xf32, #tpu.memory_space<vmem>>
    %dma_wait3A_915 = tpu.memref_squeeze %dma_wait3A_914 : memref<1x256xf32, #tpu.memory_space<vmem>> -> memref<256xf32, #tpu.memory_space<vmem>>
    %dma_wait3A_916 = arith.constant 0 : i32
    %dma_wait3A_917 = tpu.memref_slice %arg2[%add3A_2, %dma_wait3A_916] : memref<60x256xf32, #tpu.memory_space<hbm>> -> memref<1x256xf32, #tpu.memory_space<hbm>>
    %dma_wait3A_918 = tpu.memref_squeeze %dma_wait3A_917 : memref<1x256xf32, #tpu.memory_space<hbm>> -> memref<256xf32, #tpu.memory_space<hbm>>
    tpu.wait_dma2 semaphore(%arg6 : memref<!tpu.dma_semaphore, #tpu.memory_space<semaphore_mem>>) src(%dma_wait3A_918 : memref<256xf32, #tpu.memory_space<hbm>>) dst(%dma_wait3A_915 : memref<256xf32, #tpu.memory_space<vmem>>)
    %dma_wait3A_919 = arith.constant 3 : i32
    %dma_wait3A_920 = arith.constant 2 : i32
    %dma_wait3A_921 = arith.constant 0 : i32
    %dma_wait3A_922 = tpu.memref_slice %arg5[%dma_wait3A_920, %dma_wait3A_921] : memref<32x512xf32, #tpu.memory_space<vmem>> -> memref<1x256xf32, #tpu.memory_space<vmem>>
    %dma_wait3A_923 = tpu.memref_squeeze %dma_wait3A_922 : memref<1x256xf32, #tpu.memory_space<vmem>> -> memref<256xf32, #tpu.memory_space<vmem>>
    %dma_wait3A_924 = arith.constant 0 : i32
    %dma_wait3A_925 = tpu.memref_slice %arg3[%dma_wait3A_919, %dma_wait3A_924] : memref<60x256xf32, #tpu.memory_space<hbm>> -> memref<1x256xf32, #tpu.memory_space<hbm>>
    %dma_wait3A_926 = tpu.memref_squeeze %dma_wait3A_925 : memref<1x256xf32, #tpu.memory_space<hbm>> -> memref<256xf32, #tpu.memory_space<hbm>>
    %dma_wait3A_927 = arith.constant 0 : i32
    %dma_wait3A_928 = tpu.memref_slice %arg5[%dma_wait3A_920, %dma_wait3A_927] : memref<32x512xf32, #tpu.memory_space<vmem>> -> memref<1x256xf32, #tpu.memory_space<vmem>>
    %dma_wait3A_929 = tpu.memref_squeeze %dma_wait3A_928 : memref<1x256xf32, #tpu.memory_space<vmem>> -> memref<256xf32, #tpu.memory_space<vmem>>
    %dma_wait3A_930 = arith.constant 0 : i32
    %dma_wait3A_931 = tpu.memref_slice %arg3[%dma_wait3A_919, %dma_wait3A_930] : memref<60x256xf32, #tpu.memory_space<hbm>> -> memref<1x256xf32, #tpu.memory_space<hbm>>
    %dma_wait3A_932 = tpu.memref_squeeze %dma_wait3A_931 : memref<1x256xf32, #tpu.memory_space<hbm>> -> memref<256xf32, #tpu.memory_space<hbm>>
    tpu.wait_dma2 semaphore(%arg6 : memref<!tpu.dma_semaphore, #tpu.memory_space<semaphore_mem>>) src(%dma_wait3A_932 : memref<256xf32, #tpu.memory_space<hbm>>) dst(%dma_wait3A_929 : memref<256xf32, #tpu.memory_space<vmem>>)
    %dma_wait3A_933 = arith.constant 2 : i32
    %dma_wait3A_934 = arith.constant 256 : i32
    %dma_wait3A_935 = tpu.memref_slice %arg5[%dma_wait3A_933, %dma_wait3A_934] : memref<32x512xf32, #tpu.memory_space<vmem>> -> memref<1x256xf32, #tpu.memory_space<vmem>>
    %dma_wait3A_936 = tpu.memref_squeeze %dma_wait3A_935 : memref<1x256xf32, #tpu.memory_space<vmem>> -> memref<256xf32, #tpu.memory_space<vmem>>
    %dma_wait3A_937 = arith.constant 0 : i32
    %dma_wait3A_938 = tpu.memref_slice %arg2[%add3A_2, %dma_wait3A_937] : memref<60x256xf32, #tpu.memory_space<hbm>> -> memref<1x256xf32, #tpu.memory_space<hbm>>
    %dma_wait3A_939 = tpu.memref_squeeze %dma_wait3A_938 : memref<1x256xf32, #tpu.memory_space<hbm>> -> memref<256xf32, #tpu.memory_space<hbm>>
    %dma_wait3A_940 = arith.constant 256 : i32
    %dma_wait3A_941 = tpu.memref_slice %arg5[%dma_wait3A_933, %dma_wait3A_940] : memref<32x512xf32, #tpu.memory_space<vmem>> -> memref<1x256xf32, #tpu.memory_space<vmem>>
    %dma_wait3A_942 = tpu.memref_squeeze %dma_wait3A_941 : memref<1x256xf32, #tpu.memory_space<vmem>> -> memref<256xf32, #tpu.memory_space<vmem>>
    %dma_wait3A_943 = arith.constant 0 : i32
    %dma_wait3A_944 = tpu.memref_slice %arg2[%add3A_2, %dma_wait3A_943] : memref<60x256xf32, #tpu.memory_space<hbm>> -> memref<1x256xf32, #tpu.memory_space<hbm>>
    %dma_wait3A_945 = tpu.memref_squeeze %dma_wait3A_944 : memref<1x256xf32, #tpu.memory_space<hbm>> -> memref<256xf32, #tpu.memory_space<hbm>>
    tpu.wait_dma2 semaphore(%arg6 : memref<!tpu.dma_semaphore, #tpu.memory_space<semaphore_mem>>) src(%dma_wait3A_945 : memref<256xf32, #tpu.memory_space<hbm>>) dst(%dma_wait3A_942 : memref<256xf32, #tpu.memory_space<vmem>>)
    %dma_wait3A_946 = arith.constant 4 : i32
    %dma_wait3A_947 = arith.constant 3 : i32
    %dma_wait3A_948 = arith.constant 0 : i32
    %dma_wait3A_949 = tpu.memref_slice %arg5[%dma_wait3A_947, %dma_wait3A_948] : memref<32x512xf32, #tpu.memory_space<vmem>> -> memref<1x256xf32, #tpu.memory_space<vmem>>
    %dma_wait3A_950 = tpu.memref_squeeze %dma_wait3A_949 : memref<1x256xf32, #tpu.memory_space<vmem>> -> memref<256xf32, #tpu.memory_space<vmem>>
    %dma_wait3A_951 = arith.constant 0 : i32
    %dma_wait3A_952 = tpu.memref_slice %arg3[%dma_wait3A_946, %dma_wait3A_951] : memref<60x256xf32, #tpu.memory_space<hbm>> -> memref<1x256xf32, #tpu.memory_space<hbm>>
    %dma_wait3A_953 = tpu.memref_squeeze %dma_wait3A_952 : memref<1x256xf32, #tpu.memory_space<hbm>> -> memref<256xf32, #tpu.memory_space<hbm>>
    %dma_wait3A_954 = arith.constant 0 : i32
    %dma_wait3A_955 = tpu.memref_slice %arg5[%dma_wait3A_947, %dma_wait3A_954] : memref<32x512xf32, #tpu.memory_space<vmem>> -> memref<1x256xf32, #tpu.memory_space<vmem>>
    %dma_wait3A_956 = tpu.memref_squeeze %dma_wait3A_955 : memref<1x256xf32, #tpu.memory_space<vmem>> -> memref<256xf32, #tpu.memory_space<vmem>>
    %dma_wait3A_957 = arith.constant 0 : i32
    %dma_wait3A_958 = tpu.memref_slice %arg3[%dma_wait3A_946, %dma_wait3A_957] : memref<60x256xf32, #tpu.memory_space<hbm>> -> memref<1x256xf32, #tpu.memory_space<hbm>>
    %dma_wait3A_959 = tpu.memref_squeeze %dma_wait3A_958 : memref<1x256xf32, #tpu.memory_space<hbm>> -> memref<256xf32, #tpu.memory_space<hbm>>
    tpu.wait_dma2 semaphore(%arg6 : memref<!tpu.dma_semaphore, #tpu.memory_space<semaphore_mem>>) src(%dma_wait3A_959 : memref<256xf32, #tpu.memory_space<hbm>>) dst(%dma_wait3A_956 : memref<256xf32, #tpu.memory_space<vmem>>)
    %dma_wait3A_960 = arith.constant 3 : i32
    %dma_wait3A_961 = arith.constant 256 : i32
    %dma_wait3A_962 = tpu.memref_slice %arg5[%dma_wait3A_960, %dma_wait3A_961] : memref<32x512xf32, #tpu.memory_space<vmem>> -> memref<1x256xf32, #tpu.memory_space<vmem>>
    %dma_wait3A_963 = tpu.memref_squeeze %dma_wait3A_962 : memref<1x256xf32, #tpu.memory_space<vmem>> -> memref<256xf32, #tpu.memory_space<vmem>>
    %dma_wait3A_964 = arith.constant 0 : i32
    %dma_wait3A_965 = tpu.memref_slice %arg2[%add3A_2, %dma_wait3A_964] : memref<60x256xf32, #tpu.memory_space<hbm>> -> memref<1x256xf32, #tpu.memory_space<hbm>>
    %dma_wait3A_966 = tpu.memref_squeeze %dma_wait3A_965 : memref<1x256xf32, #tpu.memory_space<hbm>> -> memref<256xf32, #tpu.memory_space<hbm>>
    %dma_wait3A_967 = arith.constant 256 : i32
    %dma_wait3A_968 = tpu.memref_slice %arg5[%dma_wait3A_960, %dma_wait3A_967] : memref<32x512xf32, #tpu.memory_space<vmem>> -> memref<1x256xf32, #tpu.memory_space<vmem>>
    %dma_wait3A_969 = tpu.memref_squeeze %dma_wait3A_968 : memref<1x256xf32, #tpu.memory_space<vmem>> -> memref<256xf32, #tpu.memory_space<vmem>>
    %dma_wait3A_970 = arith.constant 0 : i32
    %dma_wait3A_971 = tpu.memref_slice %arg2[%add3A_2, %dma_wait3A_970] : memref<60x256xf32, #tpu.memory_space<hbm>> -> memref<1x256xf32, #tpu.memory_space<hbm>>
    %dma_wait3A_972 = tpu.memref_squeeze %dma_wait3A_971 : memref<1x256xf32, #tpu.memory_space<hbm>> -> memref<256xf32, #tpu.memory_space<hbm>>
    tpu.wait_dma2 semaphore(%arg6 : memref<!tpu.dma_semaphore, #tpu.memory_space<semaphore_mem>>) src(%dma_wait3A_972 : memref<256xf32, #tpu.memory_space<hbm>>) dst(%dma_wait3A_969 : memref<256xf32, #tpu.memory_space<vmem>>)
    %dma_wait3A_973 = arith.constant 5 : i32
    %dma_wait3A_974 = arith.constant 4 : i32
    %dma_wait3A_975 = arith.constant 0 : i32
    %dma_wait3A_976 = tpu.memref_slice %arg5[%dma_wait3A_974, %dma_wait3A_975] : memref<32x512xf32, #tpu.memory_space<vmem>> -> memref<1x256xf32, #tpu.memory_space<vmem>>
    %dma_wait3A_977 = tpu.memref_squeeze %dma_wait3A_976 : memref<1x256xf32, #tpu.memory_space<vmem>> -> memref<256xf32, #tpu.memory_space<vmem>>
    %dma_wait3A_978 = arith.constant 0 : i32
    %dma_wait3A_979 = tpu.memref_slice %arg3[%dma_wait3A_973, %dma_wait3A_978] : memref<60x256xf32, #tpu.memory_space<hbm>> -> memref<1x256xf32, #tpu.memory_space<hbm>>
    %dma_wait3A_980 = tpu.memref_squeeze %dma_wait3A_979 : memref<1x256xf32, #tpu.memory_space<hbm>> -> memref<256xf32, #tpu.memory_space<hbm>>
    %dma_wait3A_981 = arith.constant 0 : i32
    %dma_wait3A_982 = tpu.memref_slice %arg5[%dma_wait3A_974, %dma_wait3A_981] : memref<32x512xf32, #tpu.memory_space<vmem>> -> memref<1x256xf32, #tpu.memory_space<vmem>>
    %dma_wait3A_983 = tpu.memref_squeeze %dma_wait3A_982 : memref<1x256xf32, #tpu.memory_space<vmem>> -> memref<256xf32, #tpu.memory_space<vmem>>
    %dma_wait3A_984 = arith.constant 0 : i32
    %dma_wait3A_985 = tpu.memref_slice %arg3[%dma_wait3A_973, %dma_wait3A_984] : memref<60x256xf32, #tpu.memory_space<hbm>> -> memref<1x256xf32, #tpu.memory_space<hbm>>
    %dma_wait3A_986 = tpu.memref_squeeze %dma_wait3A_985 : memref<1x256xf32, #tpu.memory_space<hbm>> -> memref<256xf32, #tpu.memory_space<hbm>>
    tpu.wait_dma2 semaphore(%arg6 : memref<!tpu.dma_semaphore, #tpu.memory_space<semaphore_mem>>) src(%dma_wait3A_986 : memref<256xf32, #tpu.memory_space<hbm>>) dst(%dma_wait3A_983 : memref<256xf32, #tpu.memory_space<vmem>>)
    %dma_wait3A_987 = arith.constant 4 : i32
    %dma_wait3A_988 = arith.constant 256 : i32
    %dma_wait3A_989 = tpu.memref_slice %arg5[%dma_wait3A_987, %dma_wait3A_988] : memref<32x512xf32, #tpu.memory_space<vmem>> -> memref<1x256xf32, #tpu.memory_space<vmem>>
    %dma_wait3A_990 = tpu.memref_squeeze %dma_wait3A_989 : memref<1x256xf32, #tpu.memory_space<vmem>> -> memref<256xf32, #tpu.memory_space<vmem>>
    %dma_wait3A_991 = arith.constant 0 : i32
    %dma_wait3A_992 = tpu.memref_slice %arg2[%add3A_2, %dma_wait3A_991] : memref<60x256xf32, #tpu.memory_space<hbm>> -> memref<1x256xf32, #tpu.memory_space<hbm>>
    %dma_wait3A_993 = tpu.memref_squeeze %dma_wait3A_992 : memref<1x256xf32, #tpu.memory_space<hbm>> -> memref<256xf32, #tpu.memory_space<hbm>>
    %dma_wait3A_994 = arith.constant 256 : i32
    %dma_wait3A_995 = tpu.memref_slice %arg5[%dma_wait3A_987, %dma_wait3A_994] : memref<32x512xf32, #tpu.memory_space<vmem>> -> memref<1x256xf32, #tpu.memory_space<vmem>>
    %dma_wait3A_996 = tpu.memref_squeeze %dma_wait3A_995 : memref<1x256xf32, #tpu.memory_space<vmem>> -> memref<256xf32, #tpu.memory_space<vmem>>
    %dma_wait3A_997 = arith.constant 0 : i32
    %dma_wait3A_998 = tpu.memref_slice %arg2[%add3A_2, %dma_wait3A_997] : memref<60x256xf32, #tpu.memory_space<hbm>> -> memref<1x256xf32, #tpu.memory_space<hbm>>
    %dma_wait3A_999 = tpu.memref_squeeze %dma_wait3A_998 : memref<1x256xf32, #tpu.memory_space<hbm>> -> memref<256xf32, #tpu.memory_space<hbm>>
    tpu.wait_dma2 semaphore(%arg6 : memref<!tpu.dma_semaphore, #tpu.memory_space<semaphore_mem>>) src(%dma_wait3A_999 : memref<256xf32, #tpu.memory_space<hbm>>) dst(%dma_wait3A_996 : memref<256xf32, #tpu.memory_space<vmem>>)
    %dma_wait3A_1000 = arith.constant 6 : i32
    %dma_wait3A_1001 = arith.constant 5 : i32
    %dma_wait3A_1002 = arith.constant 0 : i32
    %dma_wait3A_1003 = tpu.memref_slice %arg5[%dma_wait3A_1001, %dma_wait3A_1002] : memref<32x512xf32, #tpu.memory_space<vmem>> -> memref<1x256xf32, #tpu.memory_space<vmem>>
    %dma_wait3A_1004 = tpu.memref_squeeze %dma_wait3A_1003 : memref<1x256xf32, #tpu.memory_space<vmem>> -> memref<256xf32, #tpu.memory_space<vmem>>
    %dma_wait3A_1005 = arith.constant 0 : i32
    %dma_wait3A_1006 = tpu.memref_slice %arg3[%dma_wait3A_1000, %dma_wait3A_1005] : memref<60x256xf32, #tpu.memory_space<hbm>> -> memref<1x256xf32, #tpu.memory_space<hbm>>
    %dma_wait3A_1007 = tpu.memref_squeeze %dma_wait3A_1006 : memref<1x256xf32, #tpu.memory_space<hbm>> -> memref<256xf32, #tpu.memory_space<hbm>>
    %dma_wait3A_1008 = arith.constant 0 : i32
    %dma_wait3A_1009 = tpu.memref_slice %arg5[%dma_wait3A_1001, %dma_wait3A_1008] : memref<32x512xf32, #tpu.memory_space<vmem>> -> memref<1x256xf32, #tpu.memory_space<vmem>>
    %dma_wait3A_1010 = tpu.memref_squeeze %dma_wait3A_1009 : memref<1x256xf32, #tpu.memory_space<vmem>> -> memref<256xf32, #tpu.memory_space<vmem>>
    %dma_wait3A_1011 = arith.constant 0 : i32
    %dma_wait3A_1012 = tpu.memref_slice %arg3[%dma_wait3A_1000, %dma_wait3A_1011] : memref<60x256xf32, #tpu.memory_space<hbm>> -> memref<1x256xf32, #tpu.memory_space<hbm>>
    %dma_wait3A_1013 = tpu.memref_squeeze %dma_wait3A_1012 : memref<1x256xf32, #tpu.memory_space<hbm>> -> memref<256xf32, #tpu.memory_space<hbm>>
    tpu.wait_dma2 semaphore(%arg6 : memref<!tpu.dma_semaphore, #tpu.memory_space<semaphore_mem>>) src(%dma_wait3A_1013 : memref<256xf32, #tpu.memory_space<hbm>>) dst(%dma_wait3A_1010 : memref<256xf32, #tpu.memory_space<vmem>>)
    %dma_wait3A_1014 = arith.constant 5 : i32
    %dma_wait3A_1015 = arith.constant 256 : i32
    %dma_wait3A_1016 = tpu.memref_slice %arg5[%dma_wait3A_1014, %dma_wait3A_1015] : memref<32x512xf32, #tpu.memory_space<vmem>> -> memref<1x256xf32, #tpu.memory_space<vmem>>
    %dma_wait3A_1017 = tpu.memref_squeeze %dma_wait3A_1016 : memref<1x256xf32, #tpu.memory_space<vmem>> -> memref<256xf32, #tpu.memory_space<vmem>>
    %dma_wait3A_1018 = arith.constant 0 : i32
    %dma_wait3A_1019 = tpu.memref_slice %arg2[%add3A_2, %dma_wait3A_1018] : memref<60x256xf32, #tpu.memory_space<hbm>> -> memref<1x256xf32, #tpu.memory_space<hbm>>
    %dma_wait3A_1020 = tpu.memref_squeeze %dma_wait3A_1019 : memref<1x256xf32, #tpu.memory_space<hbm>> -> memref<256xf32, #tpu.memory_space<hbm>>
    %dma_wait3A_1021 = arith.constant 256 : i32
    %dma_wait3A_1022 = tpu.memref_slice %arg5[%dma_wait3A_1014, %dma_wait3A_1021] : memref<32x512xf32, #tpu.memory_space<vmem>> -> memref<1x256xf32, #tpu.memory_space<vmem>>
    %dma_wait3A_1023 = tpu.memref_squeeze %dma_wait3A_1022 : memref<1x256xf32, #tpu.memory_space<vmem>> -> memref<256xf32, #tpu.memory_space<vmem>>
    %dma_wait3A_1024 = arith.constant 0 : i32
    %dma_wait3A_1025 = tpu.memref_slice %arg2[%add3A_2, %dma_wait3A_1024] : memref<60x256xf32, #tpu.memory_space<hbm>> -> memref<1x256xf32, #tpu.memory_space<hbm>>
    %dma_wait3A_1026 = tpu.memref_squeeze %dma_wait3A_1025 : memref<1x256xf32, #tpu.memory_space<hbm>> -> memref<256xf32, #tpu.memory_space<hbm>>
    tpu.wait_dma2 semaphore(%arg6 : memref<!tpu.dma_semaphore, #tpu.memory_space<semaphore_mem>>) src(%dma_wait3A_1026 : memref<256xf32, #tpu.memory_space<hbm>>) dst(%dma_wait3A_1023 : memref<256xf32, #tpu.memory_space<vmem>>)
    %dma_wait3A_1027 = arith.constant 7 : i32
    %dma_wait3A_1028 = arith.constant 6 : i32
    %dma_wait3A_1029 = arith.constant 0 : i32
    %dma_wait3A_1030 = tpu.memref_slice %arg5[%dma_wait3A_1028, %dma_wait3A_1029] : memref<32x512xf32, #tpu.memory_space<vmem>> -> memref<1x256xf32, #tpu.memory_space<vmem>>
    %dma_wait3A_1031 = tpu.memref_squeeze %dma_wait3A_1030 : memref<1x256xf32, #tpu.memory_space<vmem>> -> memref<256xf32, #tpu.memory_space<vmem>>
    %dma_wait3A_1032 = arith.constant 0 : i32
    %dma_wait3A_1033 = tpu.memref_slice %arg3[%dma_wait3A_1027, %dma_wait3A_1032] : memref<60x256xf32, #tpu.memory_space<hbm>> -> memref<1x256xf32, #tpu.memory_space<hbm>>
    %dma_wait3A_1034 = tpu.memref_squeeze %dma_wait3A_1033 : memref<1x256xf32, #tpu.memory_space<hbm>> -> memref<256xf32, #tpu.memory_space<hbm>>
    %dma_wait3A_1035 = arith.constant 0 : i32
    %dma_wait3A_1036 = tpu.memref_slice %arg5[%dma_wait3A_1028, %dma_wait3A_1035] : memref<32x512xf32, #tpu.memory_space<vmem>> -> memref<1x256xf32, #tpu.memory_space<vmem>>
    %dma_wait3A_1037 = tpu.memref_squeeze %dma_wait3A_1036 : memref<1x256xf32, #tpu.memory_space<vmem>> -> memref<256xf32, #tpu.memory_space<vmem>>
    %dma_wait3A_1038 = arith.constant 0 : i32
    %dma_wait3A_1039 = tpu.memref_slice %arg3[%dma_wait3A_1027, %dma_wait3A_1038] : memref<60x256xf32, #tpu.memory_space<hbm>> -> memref<1x256xf32, #tpu.memory_space<hbm>>
    %dma_wait3A_1040 = tpu.memref_squeeze %dma_wait3A_1039 : memref<1x256xf32, #tpu.memory_space<hbm>> -> memref<256xf32, #tpu.memory_space<hbm>>
    tpu.wait_dma2 semaphore(%arg6 : memref<!tpu.dma_semaphore, #tpu.memory_space<semaphore_mem>>) src(%dma_wait3A_1040 : memref<256xf32, #tpu.memory_space<hbm>>) dst(%dma_wait3A_1037 : memref<256xf32, #tpu.memory_space<vmem>>)
    %dma_wait3A_1041 = arith.constant 6 : i32
    %dma_wait3A_1042 = arith.constant 256 : i32
    %dma_wait3A_1043 = tpu.memref_slice %arg5[%dma_wait3A_1041, %dma_wait3A_1042] : memref<32x512xf32, #tpu.memory_space<vmem>> -> memref<1x256xf32, #tpu.memory_space<vmem>>
    %dma_wait3A_1044 = tpu.memref_squeeze %dma_wait3A_1043 : memref<1x256xf32, #tpu.memory_space<vmem>> -> memref<256xf32, #tpu.memory_space<vmem>>
    %dma_wait3A_1045 = arith.constant 0 : i32
    %dma_wait3A_1046 = tpu.memref_slice %arg2[%add3A_2, %dma_wait3A_1045] : memref<60x256xf32, #tpu.memory_space<hbm>> -> memref<1x256xf32, #tpu.memory_space<hbm>>
    %dma_wait3A_1047 = tpu.memref_squeeze %dma_wait3A_1046 : memref<1x256xf32, #tpu.memory_space<hbm>> -> memref<256xf32, #tpu.memory_space<hbm>>
    %dma_wait3A_1048 = arith.constant 256 : i32
    %dma_wait3A_1049 = tpu.memref_slice %arg5[%dma_wait3A_1041, %dma_wait3A_1048] : memref<32x512xf32, #tpu.memory_space<vmem>> -> memref<1x256xf32, #tpu.memory_space<vmem>>
    %dma_wait3A_1050 = tpu.memref_squeeze %dma_wait3A_1049 : memref<1x256xf32, #tpu.memory_space<vmem>> -> memref<256xf32, #tpu.memory_space<vmem>>
    %dma_wait3A_1051 = arith.constant 0 : i32
    %dma_wait3A_1052 = tpu.memref_slice %arg2[%add3A_2, %dma_wait3A_1051] : memref<60x256xf32, #tpu.memory_space<hbm>> -> memref<1x256xf32, #tpu.memory_space<hbm>>
    %dma_wait3A_1053 = tpu.memref_squeeze %dma_wait3A_1052 : memref<1x256xf32, #tpu.memory_space<hbm>> -> memref<256xf32, #tpu.memory_space<hbm>>
    tpu.wait_dma2 semaphore(%arg6 : memref<!tpu.dma_semaphore, #tpu.memory_space<semaphore_mem>>) src(%dma_wait3A_1053 : memref<256xf32, #tpu.memory_space<hbm>>) dst(%dma_wait3A_1050 : memref<256xf32, #tpu.memory_space<vmem>>)
    %dma_wait3A_1054 = arith.constant 8 : i32
    %dma_wait3A_1055 = arith.constant 7 : i32
    %dma_wait3A_1056 = arith.constant 0 : i32
    %dma_wait3A_1057 = tpu.memref_slice %arg5[%dma_wait3A_1055, %dma_wait3A_1056] : memref<32x512xf32, #tpu.memory_space<vmem>> -> memref<1x256xf32, #tpu.memory_space<vmem>>
    %dma_wait3A_1058 = tpu.memref_squeeze %dma_wait3A_1057 : memref<1x256xf32, #tpu.memory_space<vmem>> -> memref<256xf32, #tpu.memory_space<vmem>>
    %dma_wait3A_1059 = arith.constant 0 : i32
    %dma_wait3A_1060 = tpu.memref_slice %arg3[%dma_wait3A_1054, %dma_wait3A_1059] : memref<60x256xf32, #tpu.memory_space<hbm>> -> memref<1x256xf32, #tpu.memory_space<hbm>>
    %dma_wait3A_1061 = tpu.memref_squeeze %dma_wait3A_1060 : memref<1x256xf32, #tpu.memory_space<hbm>> -> memref<256xf32, #tpu.memory_space<hbm>>
    %dma_wait3A_1062 = arith.constant 0 : i32
    %dma_wait3A_1063 = tpu.memref_slice %arg5[%dma_wait3A_1055, %dma_wait3A_1062] : memref<32x512xf32, #tpu.memory_space<vmem>> -> memref<1x256xf32, #tpu.memory_space<vmem>>
    %dma_wait3A_1064 = tpu.memref_squeeze %dma_wait3A_1063 : memref<1x256xf32, #tpu.memory_space<vmem>> -> memref<256xf32, #tpu.memory_space<vmem>>
    %dma_wait3A_1065 = arith.constant 0 : i32
    %dma_wait3A_1066 = tpu.memref_slice %arg3[%dma_wait3A_1054, %dma_wait3A_1065] : memref<60x256xf32, #tpu.memory_space<hbm>> -> memref<1x256xf32, #tpu.memory_space<hbm>>
    %dma_wait3A_1067 = tpu.memref_squeeze %dma_wait3A_1066 : memref<1x256xf32, #tpu.memory_space<hbm>> -> memref<256xf32, #tpu.memory_space<hbm>>
    tpu.wait_dma2 semaphore(%arg6 : memref<!tpu.dma_semaphore, #tpu.memory_space<semaphore_mem>>) src(%dma_wait3A_1067 : memref<256xf32, #tpu.memory_space<hbm>>) dst(%dma_wait3A_1064 : memref<256xf32, #tpu.memory_space<vmem>>)
    %dma_wait3A_1068 = arith.constant 7 : i32
    %dma_wait3A_1069 = arith.constant 256 : i32
    %dma_wait3A_1070 = tpu.memref_slice %arg5[%dma_wait3A_1068, %dma_wait3A_1069] : memref<32x512xf32, #tpu.memory_space<vmem>> -> memref<1x256xf32, #tpu.memory_space<vmem>>
    %dma_wait3A_1071 = tpu.memref_squeeze %dma_wait3A_1070 : memref<1x256xf32, #tpu.memory_space<vmem>> -> memref<256xf32, #tpu.memory_space<vmem>>
    %dma_wait3A_1072 = arith.constant 0 : i32
    %dma_wait3A_1073 = tpu.memref_slice %arg2[%add3A_2, %dma_wait3A_1072] : memref<60x256xf32, #tpu.memory_space<hbm>> -> memref<1x256xf32, #tpu.memory_space<hbm>>
    %dma_wait3A_1074 = tpu.memref_squeeze %dma_wait3A_1073 : memref<1x256xf32, #tpu.memory_space<hbm>> -> memref<256xf32, #tpu.memory_space<hbm>>
    %dma_wait3A_1075 = arith.constant 256 : i32
    %dma_wait3A_1076 = tpu.memref_slice %arg5[%dma_wait3A_1068, %dma_wait3A_1075] : memref<32x512xf32, #tpu.memory_space<vmem>> -> memref<1x256xf32, #tpu.memory_space<vmem>>
    %dma_wait3A_1077 = tpu.memref_squeeze %dma_wait3A_1076 : memref<1x256xf32, #tpu.memory_space<vmem>> -> memref<256xf32, #tpu.memory_space<vmem>>
    %dma_wait3A_1078 = arith.constant 0 : i32
    %dma_wait3A_1079 = tpu.memref_slice %arg2[%add3A_2, %dma_wait3A_1078] : memref<60x256xf32, #tpu.memory_space<hbm>> -> memref<1x256xf32, #tpu.memory_space<hbm>>
    %dma_wait3A_1080 = tpu.memref_squeeze %dma_wait3A_1079 : memref<1x256xf32, #tpu.memory_space<hbm>> -> memref<256xf32, #tpu.memory_space<hbm>>
    tpu.wait_dma2 semaphore(%arg6 : memref<!tpu.dma_semaphore, #tpu.memory_space<semaphore_mem>>) src(%dma_wait3A_1080 : memref<256xf32, #tpu.memory_space<hbm>>) dst(%dma_wait3A_1077 : memref<256xf32, #tpu.memory_space<vmem>>)
    %dma_wait3A_1081 = arith.constant 9 : i32
    %dma_wait3A_1082 = arith.constant 8 : i32
    %dma_wait3A_1083 = arith.constant 0 : i32
    %dma_wait3A_1084 = tpu.memref_slice %arg5[%dma_wait3A_1082, %dma_wait3A_1083] : memref<32x512xf32, #tpu.memory_space<vmem>> -> memref<1x256xf32, #tpu.memory_space<vmem>>
    %dma_wait3A_1085 = tpu.memref_squeeze %dma_wait3A_1084 : memref<1x256xf32, #tpu.memory_space<vmem>> -> memref<256xf32, #tpu.memory_space<vmem>>
    %dma_wait3A_1086 = arith.constant 0 : i32
    %dma_wait3A_1087 = tpu.memref_slice %arg3[%dma_wait3A_1081, %dma_wait3A_1086] : memref<60x256xf32, #tpu.memory_space<hbm>> -> memref<1x256xf32, #tpu.memory_space<hbm>>
    %dma_wait3A_1088 = tpu.memref_squeeze %dma_wait3A_1087 : memref<1x256xf32, #tpu.memory_space<hbm>> -> memref<256xf32, #tpu.memory_space<hbm>>
    %dma_wait3A_1089 = arith.constant 0 : i32
    %dma_wait3A_1090 = tpu.memref_slice %arg5[%dma_wait3A_1082, %dma_wait3A_1089] : memref<32x512xf32, #tpu.memory_space<vmem>> -> memref<1x256xf32, #tpu.memory_space<vmem>>
    %dma_wait3A_1091 = tpu.memref_squeeze %dma_wait3A_1090 : memref<1x256xf32, #tpu.memory_space<vmem>> -> memref<256xf32, #tpu.memory_space<vmem>>
    %dma_wait3A_1092 = arith.constant 0 : i32
    %dma_wait3A_1093 = tpu.memref_slice %arg3[%dma_wait3A_1081, %dma_wait3A_1092] : memref<60x256xf32, #tpu.memory_space<hbm>> -> memref<1x256xf32, #tpu.memory_space<hbm>>
    %dma_wait3A_1094 = tpu.memref_squeeze %dma_wait3A_1093 : memref<1x256xf32, #tpu.memory_space<hbm>> -> memref<256xf32, #tpu.memory_space<hbm>>
    tpu.wait_dma2 semaphore(%arg6 : memref<!tpu.dma_semaphore, #tpu.memory_space<semaphore_mem>>) src(%dma_wait3A_1094 : memref<256xf32, #tpu.memory_space<hbm>>) dst(%dma_wait3A_1091 : memref<256xf32, #tpu.memory_space<vmem>>)
    %dma_wait3A_1095 = arith.constant 8 : i32
    %dma_wait3A_1096 = arith.constant 256 : i32
    %dma_wait3A_1097 = tpu.memref_slice %arg5[%dma_wait3A_1095, %dma_wait3A_1096] : memref<32x512xf32, #tpu.memory_space<vmem>> -> memref<1x256xf32, #tpu.memory_space<vmem>>
    %dma_wait3A_1098 = tpu.memref_squeeze %dma_wait3A_1097 : memref<1x256xf32, #tpu.memory_space<vmem>> -> memref<256xf32, #tpu.memory_space<vmem>>
    %dma_wait3A_1099 = arith.constant 0 : i32
    %dma_wait3A_1100 = tpu.memref_slice %arg2[%add3A_2, %dma_wait3A_1099] : memref<60x256xf32, #tpu.memory_space<hbm>> -> memref<1x256xf32, #tpu.memory_space<hbm>>
    %dma_wait3A_1101 = tpu.memref_squeeze %dma_wait3A_1100 : memref<1x256xf32, #tpu.memory_space<hbm>> -> memref<256xf32, #tpu.memory_space<hbm>>
    %dma_wait3A_1102 = arith.constant 256 : i32
    %dma_wait3A_1103 = tpu.memref_slice %arg5[%dma_wait3A_1095, %dma_wait3A_1102] : memref<32x512xf32, #tpu.memory_space<vmem>> -> memref<1x256xf32, #tpu.memory_space<vmem>>
    %dma_wait3A_1104 = tpu.memref_squeeze %dma_wait3A_1103 : memref<1x256xf32, #tpu.memory_space<vmem>> -> memref<256xf32, #tpu.memory_space<vmem>>
    %dma_wait3A_1105 = arith.constant 0 : i32
    %dma_wait3A_1106 = tpu.memref_slice %arg2[%add3A_2, %dma_wait3A_1105] : memref<60x256xf32, #tpu.memory_space<hbm>> -> memref<1x256xf32, #tpu.memory_space<hbm>>
    %dma_wait3A_1107 = tpu.memref_squeeze %dma_wait3A_1106 : memref<1x256xf32, #tpu.memory_space<hbm>> -> memref<256xf32, #tpu.memory_space<hbm>>
    tpu.wait_dma2 semaphore(%arg6 : memref<!tpu.dma_semaphore, #tpu.memory_space<semaphore_mem>>) src(%dma_wait3A_1107 : memref<256xf32, #tpu.memory_space<hbm>>) dst(%dma_wait3A_1104 : memref<256xf32, #tpu.memory_space<vmem>>)
    %dma_wait3A_1108 = arith.constant 10 : i32
    %dma_wait3A_1109 = arith.constant 9 : i32
    %dma_wait3A_1110 = arith.constant 0 : i32
    %dma_wait3A_1111 = tpu.memref_slice %arg5[%dma_wait3A_1109, %dma_wait3A_1110] : memref<32x512xf32, #tpu.memory_space<vmem>> -> memref<1x256xf32, #tpu.memory_space<vmem>>
    %dma_wait3A_1112 = tpu.memref_squeeze %dma_wait3A_1111 : memref<1x256xf32, #tpu.memory_space<vmem>> -> memref<256xf32, #tpu.memory_space<vmem>>
    %dma_wait3A_1113 = arith.constant 0 : i32
    %dma_wait3A_1114 = tpu.memref_slice %arg3[%dma_wait3A_1108, %dma_wait3A_1113] : memref<60x256xf32, #tpu.memory_space<hbm>> -> memref<1x256xf32, #tpu.memory_space<hbm>>
    %dma_wait3A_1115 = tpu.memref_squeeze %dma_wait3A_1114 : memref<1x256xf32, #tpu.memory_space<hbm>> -> memref<256xf32, #tpu.memory_space<hbm>>
    %dma_wait3A_1116 = arith.constant 0 : i32
    %dma_wait3A_1117 = tpu.memref_slice %arg5[%dma_wait3A_1109, %dma_wait3A_1116] : memref<32x512xf32, #tpu.memory_space<vmem>> -> memref<1x256xf32, #tpu.memory_space<vmem>>
    %dma_wait3A_1118 = tpu.memref_squeeze %dma_wait3A_1117 : memref<1x256xf32, #tpu.memory_space<vmem>> -> memref<256xf32, #tpu.memory_space<vmem>>
    %dma_wait3A_1119 = arith.constant 0 : i32
    %dma_wait3A_1120 = tpu.memref_slice %arg3[%dma_wait3A_1108, %dma_wait3A_1119] : memref<60x256xf32, #tpu.memory_space<hbm>> -> memref<1x256xf32, #tpu.memory_space<hbm>>
    %dma_wait3A_1121 = tpu.memref_squeeze %dma_wait3A_1120 : memref<1x256xf32, #tpu.memory_space<hbm>> -> memref<256xf32, #tpu.memory_space<hbm>>
    tpu.wait_dma2 semaphore(%arg6 : memref<!tpu.dma_semaphore, #tpu.memory_space<semaphore_mem>>) src(%dma_wait3A_1121 : memref<256xf32, #tpu.memory_space<hbm>>) dst(%dma_wait3A_1118 : memref<256xf32, #tpu.memory_space<vmem>>)
    %dma_wait3A_1122 = arith.constant 9 : i32
    %dma_wait3A_1123 = arith.constant 256 : i32
    %dma_wait3A_1124 = tpu.memref_slice %arg5[%dma_wait3A_1122, %dma_wait3A_1123] : memref<32x512xf32, #tpu.memory_space<vmem>> -> memref<1x256xf32, #tpu.memory_space<vmem>>
    %dma_wait3A_1125 = tpu.memref_squeeze %dma_wait3A_1124 : memref<1x256xf32, #tpu.memory_space<vmem>> -> memref<256xf32, #tpu.memory_space<vmem>>
    %dma_wait3A_1126 = arith.constant 0 : i32
    %dma_wait3A_1127 = tpu.memref_slice %arg2[%add3A_2, %dma_wait3A_1126] : memref<60x256xf32, #tpu.memory_space<hbm>> -> memref<1x256xf32, #tpu.memory_space<hbm>>
    %dma_wait3A_1128 = tpu.memref_squeeze %dma_wait3A_1127 : memref<1x256xf32, #tpu.memory_space<hbm>> -> memref<256xf32, #tpu.memory_space<hbm>>
    %dma_wait3A_1129 = arith.constant 256 : i32
    %dma_wait3A_1130 = tpu.memref_slice %arg5[%dma_wait3A_1122, %dma_wait3A_1129] : memref<32x512xf32, #tpu.memory_space<vmem>> -> memref<1x256xf32, #tpu.memory_space<vmem>>
    %dma_wait3A_1131 = tpu.memref_squeeze %dma_wait3A_1130 : memref<1x256xf32, #tpu.memory_space<vmem>> -> memref<256xf32, #tpu.memory_space<vmem>>
    %dma_wait3A_1132 = arith.constant 0 : i32
    %dma_wait3A_1133 = tpu.memref_slice %arg2[%add3A_2, %dma_wait3A_1132] : memref<60x256xf32, #tpu.memory_space<hbm>> -> memref<1x256xf32, #tpu.memory_space<hbm>>
    %dma_wait3A_1134 = tpu.memref_squeeze %dma_wait3A_1133 : memref<1x256xf32, #tpu.memory_space<hbm>> -> memref<256xf32, #tpu.memory_space<hbm>>
    tpu.wait_dma2 semaphore(%arg6 : memref<!tpu.dma_semaphore, #tpu.memory_space<semaphore_mem>>) src(%dma_wait3A_1134 : memref<256xf32, #tpu.memory_space<hbm>>) dst(%dma_wait3A_1131 : memref<256xf32, #tpu.memory_space<vmem>>)
    %dma_wait3A_1135 = arith.constant 11 : i32
    %dma_wait3A_1136 = arith.constant 10 : i32
    %dma_wait3A_1137 = arith.constant 0 : i32
    %dma_wait3A_1138 = tpu.memref_slice %arg5[%dma_wait3A_1136, %dma_wait3A_1137] : memref<32x512xf32, #tpu.memory_space<vmem>> -> memref<1x256xf32, #tpu.memory_space<vmem>>
    %dma_wait3A_1139 = tpu.memref_squeeze %dma_wait3A_1138 : memref<1x256xf32, #tpu.memory_space<vmem>> -> memref<256xf32, #tpu.memory_space<vmem>>
    %dma_wait3A_1140 = arith.constant 0 : i32
    %dma_wait3A_1141 = tpu.memref_slice %arg3[%dma_wait3A_1135, %dma_wait3A_1140] : memref<60x256xf32, #tpu.memory_space<hbm>> -> memref<1x256xf32, #tpu.memory_space<hbm>>
    %dma_wait3A_1142 = tpu.memref_squeeze %dma_wait3A_1141 : memref<1x256xf32, #tpu.memory_space<hbm>> -> memref<256xf32, #tpu.memory_space<hbm>>
    %dma_wait3A_1143 = arith.constant 0 : i32
    %dma_wait3A_1144 = tpu.memref_slice %arg5[%dma_wait3A_1136, %dma_wait3A_1143] : memref<32x512xf32, #tpu.memory_space<vmem>> -> memref<1x256xf32, #tpu.memory_space<vmem>>
    %dma_wait3A_1145 = tpu.memref_squeeze %dma_wait3A_1144 : memref<1x256xf32, #tpu.memory_space<vmem>> -> memref<256xf32, #tpu.memory_space<vmem>>
    %dma_wait3A_1146 = arith.constant 0 : i32
    %dma_wait3A_1147 = tpu.memref_slice %arg3[%dma_wait3A_1135, %dma_wait3A_1146] : memref<60x256xf32, #tpu.memory_space<hbm>> -> memref<1x256xf32, #tpu.memory_space<hbm>>
    %dma_wait3A_1148 = tpu.memref_squeeze %dma_wait3A_1147 : memref<1x256xf32, #tpu.memory_space<hbm>> -> memref<256xf32, #tpu.memory_space<hbm>>
    tpu.wait_dma2 semaphore(%arg6 : memref<!tpu.dma_semaphore, #tpu.memory_space<semaphore_mem>>) src(%dma_wait3A_1148 : memref<256xf32, #tpu.memory_space<hbm>>) dst(%dma_wait3A_1145 : memref<256xf32, #tpu.memory_space<vmem>>)
    %dma_wait3A_1149 = arith.constant 10 : i32
    %dma_wait3A_1150 = arith.constant 256 : i32
    %dma_wait3A_1151 = tpu.memref_slice %arg5[%dma_wait3A_1149, %dma_wait3A_1150] : memref<32x512xf32, #tpu.memory_space<vmem>> -> memref<1x256xf32, #tpu.memory_space<vmem>>
    %dma_wait3A_1152 = tpu.memref_squeeze %dma_wait3A_1151 : memref<1x256xf32, #tpu.memory_space<vmem>> -> memref<256xf32, #tpu.memory_space<vmem>>
    %dma_wait3A_1153 = arith.constant 0 : i32
    %dma_wait3A_1154 = tpu.memref_slice %arg2[%add3A_2, %dma_wait3A_1153] : memref<60x256xf32, #tpu.memory_space<hbm>> -> memref<1x256xf32, #tpu.memory_space<hbm>>
    %dma_wait3A_1155 = tpu.memref_squeeze %dma_wait3A_1154 : memref<1x256xf32, #tpu.memory_space<hbm>> -> memref<256xf32, #tpu.memory_space<hbm>>
    %dma_wait3A_1156 = arith.constant 256 : i32
    %dma_wait3A_1157 = tpu.memref_slice %arg5[%dma_wait3A_1149, %dma_wait3A_1156] : memref<32x512xf32, #tpu.memory_space<vmem>> -> memref<1x256xf32, #tpu.memory_space<vmem>>
    %dma_wait3A_1158 = tpu.memref_squeeze %dma_wait3A_1157 : memref<1x256xf32, #tpu.memory_space<vmem>> -> memref<256xf32, #tpu.memory_space<vmem>>
    %dma_wait3A_1159 = arith.constant 0 : i32
    %dma_wait3A_1160 = tpu.memref_slice %arg2[%add3A_2, %dma_wait3A_1159] : memref<60x256xf32, #tpu.memory_space<hbm>> -> memref<1x256xf32, #tpu.memory_space<hbm>>
    %dma_wait3A_1161 = tpu.memref_squeeze %dma_wait3A_1160 : memref<1x256xf32, #tpu.memory_space<hbm>> -> memref<256xf32, #tpu.memory_space<hbm>>
    tpu.wait_dma2 semaphore(%arg6 : memref<!tpu.dma_semaphore, #tpu.memory_space<semaphore_mem>>) src(%dma_wait3A_1161 : memref<256xf32, #tpu.memory_space<hbm>>) dst(%dma_wait3A_1158 : memref<256xf32, #tpu.memory_space<vmem>>)
    %dma_wait3A_1162 = arith.constant 12 : i32
    %dma_wait3A_1163 = arith.constant 11 : i32
    %dma_wait3A_1164 = arith.constant 0 : i32
    %dma_wait3A_1165 = tpu.memref_slice %arg5[%dma_wait3A_1163, %dma_wait3A_1164] : memref<32x512xf32, #tpu.memory_space<vmem>> -> memref<1x256xf32, #tpu.memory_space<vmem>>
    %dma_wait3A_1166 = tpu.memref_squeeze %dma_wait3A_1165 : memref<1x256xf32, #tpu.memory_space<vmem>> -> memref<256xf32, #tpu.memory_space<vmem>>
    %dma_wait3A_1167 = arith.constant 0 : i32
    %dma_wait3A_1168 = tpu.memref_slice %arg3[%dma_wait3A_1162, %dma_wait3A_1167] : memref<60x256xf32, #tpu.memory_space<hbm>> -> memref<1x256xf32, #tpu.memory_space<hbm>>
    %dma_wait3A_1169 = tpu.memref_squeeze %dma_wait3A_1168 : memref<1x256xf32, #tpu.memory_space<hbm>> -> memref<256xf32, #tpu.memory_space<hbm>>
    %dma_wait3A_1170 = arith.constant 0 : i32
    %dma_wait3A_1171 = tpu.memref_slice %arg5[%dma_wait3A_1163, %dma_wait3A_1170] : memref<32x512xf32, #tpu.memory_space<vmem>> -> memref<1x256xf32, #tpu.memory_space<vmem>>
    %dma_wait3A_1172 = tpu.memref_squeeze %dma_wait3A_1171 : memref<1x256xf32, #tpu.memory_space<vmem>> -> memref<256xf32, #tpu.memory_space<vmem>>
    %dma_wait3A_1173 = arith.constant 0 : i32
    %dma_wait3A_1174 = tpu.memref_slice %arg3[%dma_wait3A_1162, %dma_wait3A_1173] : memref<60x256xf32, #tpu.memory_space<hbm>> -> memref<1x256xf32, #tpu.memory_space<hbm>>
    %dma_wait3A_1175 = tpu.memref_squeeze %dma_wait3A_1174 : memref<1x256xf32, #tpu.memory_space<hbm>> -> memref<256xf32, #tpu.memory_space<hbm>>
    tpu.wait_dma2 semaphore(%arg6 : memref<!tpu.dma_semaphore, #tpu.memory_space<semaphore_mem>>) src(%dma_wait3A_1175 : memref<256xf32, #tpu.memory_space<hbm>>) dst(%dma_wait3A_1172 : memref<256xf32, #tpu.memory_space<vmem>>)
    %dma_wait3A_1176 = arith.constant 11 : i32
    %dma_wait3A_1177 = arith.constant 256 : i32
    %dma_wait3A_1178 = tpu.memref_slice %arg5[%dma_wait3A_1176, %dma_wait3A_1177] : memref<32x512xf32, #tpu.memory_space<vmem>> -> memref<1x256xf32, #tpu.memory_space<vmem>>
    %dma_wait3A_1179 = tpu.memref_squeeze %dma_wait3A_1178 : memref<1x256xf32, #tpu.memory_space<vmem>> -> memref<256xf32, #tpu.memory_space<vmem>>
    %dma_wait3A_1180 = arith.constant 0 : i32
    %dma_wait3A_1181 = tpu.memref_slice %arg2[%add3A_2, %dma_wait3A_1180] : memref<60x256xf32, #tpu.memory_space<hbm>> -> memref<1x256xf32, #tpu.memory_space<hbm>>
    %dma_wait3A_1182 = tpu.memref_squeeze %dma_wait3A_1181 : memref<1x256xf32, #tpu.memory_space<hbm>> -> memref<256xf32, #tpu.memory_space<hbm>>
    %dma_wait3A_1183 = arith.constant 256 : i32
    %dma_wait3A_1184 = tpu.memref_slice %arg5[%dma_wait3A_1176, %dma_wait3A_1183] : memref<32x512xf32, #tpu.memory_space<vmem>> -> memref<1x256xf32, #tpu.memory_space<vmem>>
    %dma_wait3A_1185 = tpu.memref_squeeze %dma_wait3A_1184 : memref<1x256xf32, #tpu.memory_space<vmem>> -> memref<256xf32, #tpu.memory_space<vmem>>
    %dma_wait3A_1186 = arith.constant 0 : i32
    %dma_wait3A_1187 = tpu.memref_slice %arg2[%add3A_2, %dma_wait3A_1186] : memref<60x256xf32, #tpu.memory_space<hbm>> -> memref<1x256xf32, #tpu.memory_space<hbm>>
    %dma_wait3A_1188 = tpu.memref_squeeze %dma_wait3A_1187 : memref<1x256xf32, #tpu.memory_space<hbm>> -> memref<256xf32, #tpu.memory_space<hbm>>
    tpu.wait_dma2 semaphore(%arg6 : memref<!tpu.dma_semaphore, #tpu.memory_space<semaphore_mem>>) src(%dma_wait3A_1188 : memref<256xf32, #tpu.memory_space<hbm>>) dst(%dma_wait3A_1185 : memref<256xf32, #tpu.memory_space<vmem>>)
    %dma_wait3A_1189 = arith.constant 13 : i32
    %dma_wait3A_1190 = arith.constant 12 : i32
    %dma_wait3A_1191 = arith.constant 0 : i32
    %dma_wait3A_1192 = tpu.memref_slice %arg5[%dma_wait3A_1190, %dma_wait3A_1191] : memref<32x512xf32, #tpu.memory_space<vmem>> -> memref<1x256xf32, #tpu.memory_space<vmem>>
    %dma_wait3A_1193 = tpu.memref_squeeze %dma_wait3A_1192 : memref<1x256xf32, #tpu.memory_space<vmem>> -> memref<256xf32, #tpu.memory_space<vmem>>
    %dma_wait3A_1194 = arith.constant 0 : i32
    %dma_wait3A_1195 = tpu.memref_slice %arg3[%dma_wait3A_1189, %dma_wait3A_1194] : memref<60x256xf32, #tpu.memory_space<hbm>> -> memref<1x256xf32, #tpu.memory_space<hbm>>
    %dma_wait3A_1196 = tpu.memref_squeeze %dma_wait3A_1195 : memref<1x256xf32, #tpu.memory_space<hbm>> -> memref<256xf32, #tpu.memory_space<hbm>>
    %dma_wait3A_1197 = arith.constant 0 : i32
    %dma_wait3A_1198 = tpu.memref_slice %arg5[%dma_wait3A_1190, %dma_wait3A_1197] : memref<32x512xf32, #tpu.memory_space<vmem>> -> memref<1x256xf32, #tpu.memory_space<vmem>>
    %dma_wait3A_1199 = tpu.memref_squeeze %dma_wait3A_1198 : memref<1x256xf32, #tpu.memory_space<vmem>> -> memref<256xf32, #tpu.memory_space<vmem>>
    %dma_wait3A_1200 = arith.constant 0 : i32
    %dma_wait3A_1201 = tpu.memref_slice %arg3[%dma_wait3A_1189, %dma_wait3A_1200] : memref<60x256xf32, #tpu.memory_space<hbm>> -> memref<1x256xf32, #tpu.memory_space<hbm>>
    %dma_wait3A_1202 = tpu.memref_squeeze %dma_wait3A_1201 : memref<1x256xf32, #tpu.memory_space<hbm>> -> memref<256xf32, #tpu.memory_space<hbm>>
    tpu.wait_dma2 semaphore(%arg6 : memref<!tpu.dma_semaphore, #tpu.memory_space<semaphore_mem>>) src(%dma_wait3A_1202 : memref<256xf32, #tpu.memory_space<hbm>>) dst(%dma_wait3A_1199 : memref<256xf32, #tpu.memory_space<vmem>>)
    %dma_wait3A_1203 = arith.constant 12 : i32
    %dma_wait3A_1204 = arith.constant 256 : i32
    %dma_wait3A_1205 = tpu.memref_slice %arg5[%dma_wait3A_1203, %dma_wait3A_1204] : memref<32x512xf32, #tpu.memory_space<vmem>> -> memref<1x256xf32, #tpu.memory_space<vmem>>
    %dma_wait3A_1206 = tpu.memref_squeeze %dma_wait3A_1205 : memref<1x256xf32, #tpu.memory_space<vmem>> -> memref<256xf32, #tpu.memory_space<vmem>>
    %dma_wait3A_1207 = arith.constant 0 : i32
    %dma_wait3A_1208 = tpu.memref_slice %arg2[%add3A_2, %dma_wait3A_1207] : memref<60x256xf32, #tpu.memory_space<hbm>> -> memref<1x256xf32, #tpu.memory_space<hbm>>
    %dma_wait3A_1209 = tpu.memref_squeeze %dma_wait3A_1208 : memref<1x256xf32, #tpu.memory_space<hbm>> -> memref<256xf32, #tpu.memory_space<hbm>>
    %dma_wait3A_1210 = arith.constant 256 : i32
    %dma_wait3A_1211 = tpu.memref_slice %arg5[%dma_wait3A_1203, %dma_wait3A_1210] : memref<32x512xf32, #tpu.memory_space<vmem>> -> memref<1x256xf32, #tpu.memory_space<vmem>>
    %dma_wait3A_1212 = tpu.memref_squeeze %dma_wait3A_1211 : memref<1x256xf32, #tpu.memory_space<vmem>> -> memref<256xf32, #tpu.memory_space<vmem>>
    %dma_wait3A_1213 = arith.constant 0 : i32
    %dma_wait3A_1214 = tpu.memref_slice %arg2[%add3A_2, %dma_wait3A_1213] : memref<60x256xf32, #tpu.memory_space<hbm>> -> memref<1x256xf32, #tpu.memory_space<hbm>>
    %dma_wait3A_1215 = tpu.memref_squeeze %dma_wait3A_1214 : memref<1x256xf32, #tpu.memory_space<hbm>> -> memref<256xf32, #tpu.memory_space<hbm>>
    tpu.wait_dma2 semaphore(%arg6 : memref<!tpu.dma_semaphore, #tpu.memory_space<semaphore_mem>>) src(%dma_wait3A_1215 : memref<256xf32, #tpu.memory_space<hbm>>) dst(%dma_wait3A_1212 : memref<256xf32, #tpu.memory_space<vmem>>)
    %dma_wait3A_1216 = arith.constant 14 : i32
    %dma_wait3A_1217 = arith.constant 13 : i32
    %dma_wait3A_1218 = arith.constant 0 : i32
    %dma_wait3A_1219 = tpu.memref_slice %arg5[%dma_wait3A_1217, %dma_wait3A_1218] : memref<32x512xf32, #tpu.memory_space<vmem>> -> memref<1x256xf32, #tpu.memory_space<vmem>>
    %dma_wait3A_1220 = tpu.memref_squeeze %dma_wait3A_1219 : memref<1x256xf32, #tpu.memory_space<vmem>> -> memref<256xf32, #tpu.memory_space<vmem>>
    %dma_wait3A_1221 = arith.constant 0 : i32
    %dma_wait3A_1222 = tpu.memref_slice %arg3[%dma_wait3A_1216, %dma_wait3A_1221] : memref<60x256xf32, #tpu.memory_space<hbm>> -> memref<1x256xf32, #tpu.memory_space<hbm>>
    %dma_wait3A_1223 = tpu.memref_squeeze %dma_wait3A_1222 : memref<1x256xf32, #tpu.memory_space<hbm>> -> memref<256xf32, #tpu.memory_space<hbm>>
    %dma_wait3A_1224 = arith.constant 0 : i32
    %dma_wait3A_1225 = tpu.memref_slice %arg5[%dma_wait3A_1217, %dma_wait3A_1224] : memref<32x512xf32, #tpu.memory_space<vmem>> -> memref<1x256xf32, #tpu.memory_space<vmem>>
    %dma_wait3A_1226 = tpu.memref_squeeze %dma_wait3A_1225 : memref<1x256xf32, #tpu.memory_space<vmem>> -> memref<256xf32, #tpu.memory_space<vmem>>
    %dma_wait3A_1227 = arith.constant 0 : i32
    %dma_wait3A_1228 = tpu.memref_slice %arg3[%dma_wait3A_1216, %dma_wait3A_1227] : memref<60x256xf32, #tpu.memory_space<hbm>> -> memref<1x256xf32, #tpu.memory_space<hbm>>
    %dma_wait3A_1229 = tpu.memref_squeeze %dma_wait3A_1228 : memref<1x256xf32, #tpu.memory_space<hbm>> -> memref<256xf32, #tpu.memory_space<hbm>>
    tpu.wait_dma2 semaphore(%arg6 : memref<!tpu.dma_semaphore, #tpu.memory_space<semaphore_mem>>) src(%dma_wait3A_1229 : memref<256xf32, #tpu.memory_space<hbm>>) dst(%dma_wait3A_1226 : memref<256xf32, #tpu.memory_space<vmem>>)
    %dma_wait3A_1230 = arith.constant 13 : i32
    %dma_wait3A_1231 = arith.constant 256 : i32
    %dma_wait3A_1232 = tpu.memref_slice %arg5[%dma_wait3A_1230, %dma_wait3A_1231] : memref<32x512xf32, #tpu.memory_space<vmem>> -> memref<1x256xf32, #tpu.memory_space<vmem>>
    %dma_wait3A_1233 = tpu.memref_squeeze %dma_wait3A_1232 : memref<1x256xf32, #tpu.memory_space<vmem>> -> memref<256xf32, #tpu.memory_space<vmem>>
    %dma_wait3A_1234 = arith.constant 0 : i32
    %dma_wait3A_1235 = tpu.memref_slice %arg2[%add3A_2, %dma_wait3A_1234] : memref<60x256xf32, #tpu.memory_space<hbm>> -> memref<1x256xf32, #tpu.memory_space<hbm>>
    %dma_wait3A_1236 = tpu.memref_squeeze %dma_wait3A_1235 : memref<1x256xf32, #tpu.memory_space<hbm>> -> memref<256xf32, #tpu.memory_space<hbm>>
    %dma_wait3A_1237 = arith.constant 256 : i32
    %dma_wait3A_1238 = tpu.memref_slice %arg5[%dma_wait3A_1230, %dma_wait3A_1237] : memref<32x512xf32, #tpu.memory_space<vmem>> -> memref<1x256xf32, #tpu.memory_space<vmem>>
    %dma_wait3A_1239 = tpu.memref_squeeze %dma_wait3A_1238 : memref<1x256xf32, #tpu.memory_space<vmem>> -> memref<256xf32, #tpu.memory_space<vmem>>
    %dma_wait3A_1240 = arith.constant 0 : i32
    %dma_wait3A_1241 = tpu.memref_slice %arg2[%add3A_2, %dma_wait3A_1240] : memref<60x256xf32, #tpu.memory_space<hbm>> -> memref<1x256xf32, #tpu.memory_space<hbm>>
    %dma_wait3A_1242 = tpu.memref_squeeze %dma_wait3A_1241 : memref<1x256xf32, #tpu.memory_space<hbm>> -> memref<256xf32, #tpu.memory_space<hbm>>
    tpu.wait_dma2 semaphore(%arg6 : memref<!tpu.dma_semaphore, #tpu.memory_space<semaphore_mem>>) src(%dma_wait3A_1242 : memref<256xf32, #tpu.memory_space<hbm>>) dst(%dma_wait3A_1239 : memref<256xf32, #tpu.memory_space<vmem>>)
    %dma_wait3A_1243 = arith.constant 15 : i32
    %dma_wait3A_1244 = arith.constant 14 : i32
    %dma_wait3A_1245 = arith.constant 0 : i32
    %dma_wait3A_1246 = tpu.memref_slice %arg5[%dma_wait3A_1244, %dma_wait3A_1245] : memref<32x512xf32, #tpu.memory_space<vmem>> -> memref<1x256xf32, #tpu.memory_space<vmem>>
    %dma_wait3A_1247 = tpu.memref_squeeze %dma_wait3A_1246 : memref<1x256xf32, #tpu.memory_space<vmem>> -> memref<256xf32, #tpu.memory_space<vmem>>
    %dma_wait3A_1248 = arith.constant 0 : i32
    %dma_wait3A_1249 = tpu.memref_slice %arg3[%dma_wait3A_1243, %dma_wait3A_1248] : memref<60x256xf32, #tpu.memory_space<hbm>> -> memref<1x256xf32, #tpu.memory_space<hbm>>
    %dma_wait3A_1250 = tpu.memref_squeeze %dma_wait3A_1249 : memref<1x256xf32, #tpu.memory_space<hbm>> -> memref<256xf32, #tpu.memory_space<hbm>>
    %dma_wait3A_1251 = arith.constant 0 : i32
    %dma_wait3A_1252 = tpu.memref_slice %arg5[%dma_wait3A_1244, %dma_wait3A_1251] : memref<32x512xf32, #tpu.memory_space<vmem>> -> memref<1x256xf32, #tpu.memory_space<vmem>>
    %dma_wait3A_1253 = tpu.memref_squeeze %dma_wait3A_1252 : memref<1x256xf32, #tpu.memory_space<vmem>> -> memref<256xf32, #tpu.memory_space<vmem>>
    %dma_wait3A_1254 = arith.constant 0 : i32
    %dma_wait3A_1255 = tpu.memref_slice %arg3[%dma_wait3A_1243, %dma_wait3A_1254] : memref<60x256xf32, #tpu.memory_space<hbm>> -> memref<1x256xf32, #tpu.memory_space<hbm>>
    %dma_wait3A_1256 = tpu.memref_squeeze %dma_wait3A_1255 : memref<1x256xf32, #tpu.memory_space<hbm>> -> memref<256xf32, #tpu.memory_space<hbm>>
    tpu.wait_dma2 semaphore(%arg6 : memref<!tpu.dma_semaphore, #tpu.memory_space<semaphore_mem>>) src(%dma_wait3A_1256 : memref<256xf32, #tpu.memory_space<hbm>>) dst(%dma_wait3A_1253 : memref<256xf32, #tpu.memory_space<vmem>>)
    %dma_wait3A_1257 = arith.constant 14 : i32
    %dma_wait3A_1258 = arith.constant 256 : i32
    %dma_wait3A_1259 = tpu.memref_slice %arg5[%dma_wait3A_1257, %dma_wait3A_1258] : memref<32x512xf32, #tpu.memory_space<vmem>> -> memref<1x256xf32, #tpu.memory_space<vmem>>
    %dma_wait3A_1260 = tpu.memref_squeeze %dma_wait3A_1259 : memref<1x256xf32, #tpu.memory_space<vmem>> -> memref<256xf32, #tpu.memory_space<vmem>>
    %dma_wait3A_1261 = arith.constant 0 : i32
    %dma_wait3A_1262 = tpu.memref_slice %arg2[%add3A_2, %dma_wait3A_1261] : memref<60x256xf32, #tpu.memory_space<hbm>> -> memref<1x256xf32, #tpu.memory_space<hbm>>
    %dma_wait3A_1263 = tpu.memref_squeeze %dma_wait3A_1262 : memref<1x256xf32, #tpu.memory_space<hbm>> -> memref<256xf32, #tpu.memory_space<hbm>>
    %dma_wait3A_1264 = arith.constant 256 : i32
    %dma_wait3A_1265 = tpu.memref_slice %arg5[%dma_wait3A_1257, %dma_wait3A_1264] : memref<32x512xf32, #tpu.memory_space<vmem>> -> memref<1x256xf32, #tpu.memory_space<vmem>>
    %dma_wait3A_1266 = tpu.memref_squeeze %dma_wait3A_1265 : memref<1x256xf32, #tpu.memory_space<vmem>> -> memref<256xf32, #tpu.memory_space<vmem>>
    %dma_wait3A_1267 = arith.constant 0 : i32
    %dma_wait3A_1268 = tpu.memref_slice %arg2[%add3A_2, %dma_wait3A_1267] : memref<60x256xf32, #tpu.memory_space<hbm>> -> memref<1x256xf32, #tpu.memory_space<hbm>>
    %dma_wait3A_1269 = tpu.memref_squeeze %dma_wait3A_1268 : memref<1x256xf32, #tpu.memory_space<hbm>> -> memref<256xf32, #tpu.memory_space<hbm>>
    tpu.wait_dma2 semaphore(%arg6 : memref<!tpu.dma_semaphore, #tpu.memory_space<semaphore_mem>>) src(%dma_wait3A_1269 : memref<256xf32, #tpu.memory_space<hbm>>) dst(%dma_wait3A_1266 : memref<256xf32, #tpu.memory_space<vmem>>)
    %dma_wait3A_1270 = arith.constant 16 : i32
    %dma_wait3A_1271 = arith.constant 15 : i32
    %dma_wait3A_1272 = arith.constant 0 : i32
    %dma_wait3A_1273 = tpu.memref_slice %arg5[%dma_wait3A_1271, %dma_wait3A_1272] : memref<32x512xf32, #tpu.memory_space<vmem>> -> memref<1x256xf32, #tpu.memory_space<vmem>>
    %dma_wait3A_1274 = tpu.memref_squeeze %dma_wait3A_1273 : memref<1x256xf32, #tpu.memory_space<vmem>> -> memref<256xf32, #tpu.memory_space<vmem>>
    %dma_wait3A_1275 = arith.constant 0 : i32
    %dma_wait3A_1276 = tpu.memref_slice %arg3[%dma_wait3A_1270, %dma_wait3A_1275] : memref<60x256xf32, #tpu.memory_space<hbm>> -> memref<1x256xf32, #tpu.memory_space<hbm>>
    %dma_wait3A_1277 = tpu.memref_squeeze %dma_wait3A_1276 : memref<1x256xf32, #tpu.memory_space<hbm>> -> memref<256xf32, #tpu.memory_space<hbm>>
    %dma_wait3A_1278 = arith.constant 0 : i32
    %dma_wait3A_1279 = tpu.memref_slice %arg5[%dma_wait3A_1271, %dma_wait3A_1278] : memref<32x512xf32, #tpu.memory_space<vmem>> -> memref<1x256xf32, #tpu.memory_space<vmem>>
    %dma_wait3A_1280 = tpu.memref_squeeze %dma_wait3A_1279 : memref<1x256xf32, #tpu.memory_space<vmem>> -> memref<256xf32, #tpu.memory_space<vmem>>
    %dma_wait3A_1281 = arith.constant 0 : i32
    %dma_wait3A_1282 = tpu.memref_slice %arg3[%dma_wait3A_1270, %dma_wait3A_1281] : memref<60x256xf32, #tpu.memory_space<hbm>> -> memref<1x256xf32, #tpu.memory_space<hbm>>
    %dma_wait3A_1283 = tpu.memref_squeeze %dma_wait3A_1282 : memref<1x256xf32, #tpu.memory_space<hbm>> -> memref<256xf32, #tpu.memory_space<hbm>>
    tpu.wait_dma2 semaphore(%arg6 : memref<!tpu.dma_semaphore, #tpu.memory_space<semaphore_mem>>) src(%dma_wait3A_1283 : memref<256xf32, #tpu.memory_space<hbm>>) dst(%dma_wait3A_1280 : memref<256xf32, #tpu.memory_space<vmem>>)
    %dma_wait3A_1284 = arith.constant 15 : i32
    %dma_wait3A_1285 = arith.constant 256 : i32
    %dma_wait3A_1286 = tpu.memref_slice %arg5[%dma_wait3A_1284, %dma_wait3A_1285] : memref<32x512xf32, #tpu.memory_space<vmem>> -> memref<1x256xf32, #tpu.memory_space<vmem>>
    %dma_wait3A_1287 = tpu.memref_squeeze %dma_wait3A_1286 : memref<1x256xf32, #tpu.memory_space<vmem>> -> memref<256xf32, #tpu.memory_space<vmem>>
    %dma_wait3A_1288 = arith.constant 0 : i32
    %dma_wait3A_1289 = tpu.memref_slice %arg2[%add3A_2, %dma_wait3A_1288] : memref<60x256xf32, #tpu.memory_space<hbm>> -> memref<1x256xf32, #tpu.memory_space<hbm>>
    %dma_wait3A_1290 = tpu.memref_squeeze %dma_wait3A_1289 : memref<1x256xf32, #tpu.memory_space<hbm>> -> memref<256xf32, #tpu.memory_space<hbm>>
    %dma_wait3A_1291 = arith.constant 256 : i32
    %dma_wait3A_1292 = tpu.memref_slice %arg5[%dma_wait3A_1284, %dma_wait3A_1291] : memref<32x512xf32, #tpu.memory_space<vmem>> -> memref<1x256xf32, #tpu.memory_space<vmem>>
    %dma_wait3A_1293 = tpu.memref_squeeze %dma_wait3A_1292 : memref<1x256xf32, #tpu.memory_space<vmem>> -> memref<256xf32, #tpu.memory_space<vmem>>
    %dma_wait3A_1294 = arith.constant 0 : i32
    %dma_wait3A_1295 = tpu.memref_slice %arg2[%add3A_2, %dma_wait3A_1294] : memref<60x256xf32, #tpu.memory_space<hbm>> -> memref<1x256xf32, #tpu.memory_space<hbm>>
    %dma_wait3A_1296 = tpu.memref_squeeze %dma_wait3A_1295 : memref<1x256xf32, #tpu.memory_space<hbm>> -> memref<256xf32, #tpu.memory_space<hbm>>
    tpu.wait_dma2 semaphore(%arg6 : memref<!tpu.dma_semaphore, #tpu.memory_space<semaphore_mem>>) src(%dma_wait3A_1296 : memref<256xf32, #tpu.memory_space<hbm>>) dst(%dma_wait3A_1293 : memref<256xf32, #tpu.memory_space<vmem>>)
    %dma_wait3A_1297 = arith.constant 17 : i32
    %dma_wait3A_1298 = arith.constant 16 : i32
    %dma_wait3A_1299 = arith.constant 0 : i32
    %dma_wait3A_1300 = tpu.memref_slice %arg5[%dma_wait3A_1298, %dma_wait3A_1299] : memref<32x512xf32, #tpu.memory_space<vmem>> -> memref<1x256xf32, #tpu.memory_space<vmem>>
    %dma_wait3A_1301 = tpu.memref_squeeze %dma_wait3A_1300 : memref<1x256xf32, #tpu.memory_space<vmem>> -> memref<256xf32, #tpu.memory_space<vmem>>
    %dma_wait3A_1302 = arith.constant 0 : i32
    %dma_wait3A_1303 = tpu.memref_slice %arg3[%dma_wait3A_1297, %dma_wait3A_1302] : memref<60x256xf32, #tpu.memory_space<hbm>> -> memref<1x256xf32, #tpu.memory_space<hbm>>
    %dma_wait3A_1304 = tpu.memref_squeeze %dma_wait3A_1303 : memref<1x256xf32, #tpu.memory_space<hbm>> -> memref<256xf32, #tpu.memory_space<hbm>>
    %dma_wait3A_1305 = arith.constant 0 : i32
    %dma_wait3A_1306 = tpu.memref_slice %arg5[%dma_wait3A_1298, %dma_wait3A_1305] : memref<32x512xf32, #tpu.memory_space<vmem>> -> memref<1x256xf32, #tpu.memory_space<vmem>>
    %dma_wait3A_1307 = tpu.memref_squeeze %dma_wait3A_1306 : memref<1x256xf32, #tpu.memory_space<vmem>> -> memref<256xf32, #tpu.memory_space<vmem>>
    %dma_wait3A_1308 = arith.constant 0 : i32
    %dma_wait3A_1309 = tpu.memref_slice %arg3[%dma_wait3A_1297, %dma_wait3A_1308] : memref<60x256xf32, #tpu.memory_space<hbm>> -> memref<1x256xf32, #tpu.memory_space<hbm>>
    %dma_wait3A_1310 = tpu.memref_squeeze %dma_wait3A_1309 : memref<1x256xf32, #tpu.memory_space<hbm>> -> memref<256xf32, #tpu.memory_space<hbm>>
    tpu.wait_dma2 semaphore(%arg6 : memref<!tpu.dma_semaphore, #tpu.memory_space<semaphore_mem>>) src(%dma_wait3A_1310 : memref<256xf32, #tpu.memory_space<hbm>>) dst(%dma_wait3A_1307 : memref<256xf32, #tpu.memory_space<vmem>>)
    %dma_wait3A_1311 = arith.constant 16 : i32
    %dma_wait3A_1312 = arith.constant 256 : i32
    %dma_wait3A_1313 = tpu.memref_slice %arg5[%dma_wait3A_1311, %dma_wait3A_1312] : memref<32x512xf32, #tpu.memory_space<vmem>> -> memref<1x256xf32, #tpu.memory_space<vmem>>
    %dma_wait3A_1314 = tpu.memref_squeeze %dma_wait3A_1313 : memref<1x256xf32, #tpu.memory_space<vmem>> -> memref<256xf32, #tpu.memory_space<vmem>>
    %dma_wait3A_1315 = arith.constant 0 : i32
    %dma_wait3A_1316 = tpu.memref_slice %arg2[%add3A_2, %dma_wait3A_1315] : memref<60x256xf32, #tpu.memory_space<hbm>> -> memref<1x256xf32, #tpu.memory_space<hbm>>
    %dma_wait3A_1317 = tpu.memref_squeeze %dma_wait3A_1316 : memref<1x256xf32, #tpu.memory_space<hbm>> -> memref<256xf32, #tpu.memory_space<hbm>>
    %dma_wait3A_1318 = arith.constant 256 : i32
    %dma_wait3A_1319 = tpu.memref_slice %arg5[%dma_wait3A_1311, %dma_wait3A_1318] : memref<32x512xf32, #tpu.memory_space<vmem>> -> memref<1x256xf32, #tpu.memory_space<vmem>>
    %dma_wait3A_1320 = tpu.memref_squeeze %dma_wait3A_1319 : memref<1x256xf32, #tpu.memory_space<vmem>> -> memref<256xf32, #tpu.memory_space<vmem>>
    %dma_wait3A_1321 = arith.constant 0 : i32
    %dma_wait3A_1322 = tpu.memref_slice %arg2[%add3A_2, %dma_wait3A_1321] : memref<60x256xf32, #tpu.memory_space<hbm>> -> memref<1x256xf32, #tpu.memory_space<hbm>>
    %dma_wait3A_1323 = tpu.memref_squeeze %dma_wait3A_1322 : memref<1x256xf32, #tpu.memory_space<hbm>> -> memref<256xf32, #tpu.memory_space<hbm>>
    tpu.wait_dma2 semaphore(%arg6 : memref<!tpu.dma_semaphore, #tpu.memory_space<semaphore_mem>>) src(%dma_wait3A_1323 : memref<256xf32, #tpu.memory_space<hbm>>) dst(%dma_wait3A_1320 : memref<256xf32, #tpu.memory_space<vmem>>)
    %dma_wait3A_1324 = arith.constant 18 : i32
    %dma_wait3A_1325 = arith.constant 17 : i32
    %dma_wait3A_1326 = arith.constant 0 : i32
    %dma_wait3A_1327 = tpu.memref_slice %arg5[%dma_wait3A_1325, %dma_wait3A_1326] : memref<32x512xf32, #tpu.memory_space<vmem>> -> memref<1x256xf32, #tpu.memory_space<vmem>>
    %dma_wait3A_1328 = tpu.memref_squeeze %dma_wait3A_1327 : memref<1x256xf32, #tpu.memory_space<vmem>> -> memref<256xf32, #tpu.memory_space<vmem>>
    %dma_wait3A_1329 = arith.constant 0 : i32
    %dma_wait3A_1330 = tpu.memref_slice %arg3[%dma_wait3A_1324, %dma_wait3A_1329] : memref<60x256xf32, #tpu.memory_space<hbm>> -> memref<1x256xf32, #tpu.memory_space<hbm>>
    %dma_wait3A_1331 = tpu.memref_squeeze %dma_wait3A_1330 : memref<1x256xf32, #tpu.memory_space<hbm>> -> memref<256xf32, #tpu.memory_space<hbm>>
    %dma_wait3A_1332 = arith.constant 0 : i32
    %dma_wait3A_1333 = tpu.memref_slice %arg5[%dma_wait3A_1325, %dma_wait3A_1332] : memref<32x512xf32, #tpu.memory_space<vmem>> -> memref<1x256xf32, #tpu.memory_space<vmem>>
    %dma_wait3A_1334 = tpu.memref_squeeze %dma_wait3A_1333 : memref<1x256xf32, #tpu.memory_space<vmem>> -> memref<256xf32, #tpu.memory_space<vmem>>
    %dma_wait3A_1335 = arith.constant 0 : i32
    %dma_wait3A_1336 = tpu.memref_slice %arg3[%dma_wait3A_1324, %dma_wait3A_1335] : memref<60x256xf32, #tpu.memory_space<hbm>> -> memref<1x256xf32, #tpu.memory_space<hbm>>
    %dma_wait3A_1337 = tpu.memref_squeeze %dma_wait3A_1336 : memref<1x256xf32, #tpu.memory_space<hbm>> -> memref<256xf32, #tpu.memory_space<hbm>>
    tpu.wait_dma2 semaphore(%arg6 : memref<!tpu.dma_semaphore, #tpu.memory_space<semaphore_mem>>) src(%dma_wait3A_1337 : memref<256xf32, #tpu.memory_space<hbm>>) dst(%dma_wait3A_1334 : memref<256xf32, #tpu.memory_space<vmem>>)
    %dma_wait3A_1338 = arith.constant 17 : i32
    %dma_wait3A_1339 = arith.constant 256 : i32
    %dma_wait3A_1340 = tpu.memref_slice %arg5[%dma_wait3A_1338, %dma_wait3A_1339] : memref<32x512xf32, #tpu.memory_space<vmem>> -> memref<1x256xf32, #tpu.memory_space<vmem>>
    %dma_wait3A_1341 = tpu.memref_squeeze %dma_wait3A_1340 : memref<1x256xf32, #tpu.memory_space<vmem>> -> memref<256xf32, #tpu.memory_space<vmem>>
    %dma_wait3A_1342 = arith.constant 0 : i32
    %dma_wait3A_1343 = tpu.memref_slice %arg2[%add3A_2, %dma_wait3A_1342] : memref<60x256xf32, #tpu.memory_space<hbm>> -> memref<1x256xf32, #tpu.memory_space<hbm>>
    %dma_wait3A_1344 = tpu.memref_squeeze %dma_wait3A_1343 : memref<1x256xf32, #tpu.memory_space<hbm>> -> memref<256xf32, #tpu.memory_space<hbm>>
    %dma_wait3A_1345 = arith.constant 256 : i32
    %dma_wait3A_1346 = tpu.memref_slice %arg5[%dma_wait3A_1338, %dma_wait3A_1345] : memref<32x512xf32, #tpu.memory_space<vmem>> -> memref<1x256xf32, #tpu.memory_space<vmem>>
    %dma_wait3A_1347 = tpu.memref_squeeze %dma_wait3A_1346 : memref<1x256xf32, #tpu.memory_space<vmem>> -> memref<256xf32, #tpu.memory_space<vmem>>
    %dma_wait3A_1348 = arith.constant 0 : i32
    %dma_wait3A_1349 = tpu.memref_slice %arg2[%add3A_2, %dma_wait3A_1348] : memref<60x256xf32, #tpu.memory_space<hbm>> -> memref<1x256xf32, #tpu.memory_space<hbm>>
    %dma_wait3A_1350 = tpu.memref_squeeze %dma_wait3A_1349 : memref<1x256xf32, #tpu.memory_space<hbm>> -> memref<256xf32, #tpu.memory_space<hbm>>
    tpu.wait_dma2 semaphore(%arg6 : memref<!tpu.dma_semaphore, #tpu.memory_space<semaphore_mem>>) src(%dma_wait3A_1350 : memref<256xf32, #tpu.memory_space<hbm>>) dst(%dma_wait3A_1347 : memref<256xf32, #tpu.memory_space<vmem>>)
    %dma_wait3A_1351 = arith.constant 19 : i32
    %dma_wait3A_1352 = arith.constant 18 : i32
    %dma_wait3A_1353 = arith.constant 0 : i32
    %dma_wait3A_1354 = tpu.memref_slice %arg5[%dma_wait3A_1352, %dma_wait3A_1353] : memref<32x512xf32, #tpu.memory_space<vmem>> -> memref<1x256xf32, #tpu.memory_space<vmem>>
    %dma_wait3A_1355 = tpu.memref_squeeze %dma_wait3A_1354 : memref<1x256xf32, #tpu.memory_space<vmem>> -> memref<256xf32, #tpu.memory_space<vmem>>
    %dma_wait3A_1356 = arith.constant 0 : i32
    %dma_wait3A_1357 = tpu.memref_slice %arg3[%dma_wait3A_1351, %dma_wait3A_1356] : memref<60x256xf32, #tpu.memory_space<hbm>> -> memref<1x256xf32, #tpu.memory_space<hbm>>
    %dma_wait3A_1358 = tpu.memref_squeeze %dma_wait3A_1357 : memref<1x256xf32, #tpu.memory_space<hbm>> -> memref<256xf32, #tpu.memory_space<hbm>>
    %dma_wait3A_1359 = arith.constant 0 : i32
    %dma_wait3A_1360 = tpu.memref_slice %arg5[%dma_wait3A_1352, %dma_wait3A_1359] : memref<32x512xf32, #tpu.memory_space<vmem>> -> memref<1x256xf32, #tpu.memory_space<vmem>>
    %dma_wait3A_1361 = tpu.memref_squeeze %dma_wait3A_1360 : memref<1x256xf32, #tpu.memory_space<vmem>> -> memref<256xf32, #tpu.memory_space<vmem>>
    %dma_wait3A_1362 = arith.constant 0 : i32
    %dma_wait3A_1363 = tpu.memref_slice %arg3[%dma_wait3A_1351, %dma_wait3A_1362] : memref<60x256xf32, #tpu.memory_space<hbm>> -> memref<1x256xf32, #tpu.memory_space<hbm>>
    %dma_wait3A_1364 = tpu.memref_squeeze %dma_wait3A_1363 : memref<1x256xf32, #tpu.memory_space<hbm>> -> memref<256xf32, #tpu.memory_space<hbm>>
    tpu.wait_dma2 semaphore(%arg6 : memref<!tpu.dma_semaphore, #tpu.memory_space<semaphore_mem>>) src(%dma_wait3A_1364 : memref<256xf32, #tpu.memory_space<hbm>>) dst(%dma_wait3A_1361 : memref<256xf32, #tpu.memory_space<vmem>>)
    %dma_wait3A_1365 = arith.constant 18 : i32
    %dma_wait3A_1366 = arith.constant 256 : i32
    %dma_wait3A_1367 = tpu.memref_slice %arg5[%dma_wait3A_1365, %dma_wait3A_1366] : memref<32x512xf32, #tpu.memory_space<vmem>> -> memref<1x256xf32, #tpu.memory_space<vmem>>
    %dma_wait3A_1368 = tpu.memref_squeeze %dma_wait3A_1367 : memref<1x256xf32, #tpu.memory_space<vmem>> -> memref<256xf32, #tpu.memory_space<vmem>>
    %dma_wait3A_1369 = arith.constant 0 : i32
    %dma_wait3A_1370 = tpu.memref_slice %arg2[%add3A_2, %dma_wait3A_1369] : memref<60x256xf32, #tpu.memory_space<hbm>> -> memref<1x256xf32, #tpu.memory_space<hbm>>
    %dma_wait3A_1371 = tpu.memref_squeeze %dma_wait3A_1370 : memref<1x256xf32, #tpu.memory_space<hbm>> -> memref<256xf32, #tpu.memory_space<hbm>>
    %dma_wait3A_1372 = arith.constant 256 : i32
    %dma_wait3A_1373 = tpu.memref_slice %arg5[%dma_wait3A_1365, %dma_wait3A_1372] : memref<32x512xf32, #tpu.memory_space<vmem>> -> memref<1x256xf32, #tpu.memory_space<vmem>>
    %dma_wait3A_1374 = tpu.memref_squeeze %dma_wait3A_1373 : memref<1x256xf32, #tpu.memory_space<vmem>> -> memref<256xf32, #tpu.memory_space<vmem>>
    %dma_wait3A_1375 = arith.constant 0 : i32
    %dma_wait3A_1376 = tpu.memref_slice %arg2[%add3A_2, %dma_wait3A_1375] : memref<60x256xf32, #tpu.memory_space<hbm>> -> memref<1x256xf32, #tpu.memory_space<hbm>>
    %dma_wait3A_1377 = tpu.memref_squeeze %dma_wait3A_1376 : memref<1x256xf32, #tpu.memory_space<hbm>> -> memref<256xf32, #tpu.memory_space<hbm>>
    tpu.wait_dma2 semaphore(%arg6 : memref<!tpu.dma_semaphore, #tpu.memory_space<semaphore_mem>>) src(%dma_wait3A_1377 : memref<256xf32, #tpu.memory_space<hbm>>) dst(%dma_wait3A_1374 : memref<256xf32, #tpu.memory_space<vmem>>)
    %dma_wait3A_1378 = arith.constant 20 : i32
    %dma_wait3A_1379 = arith.constant 19 : i32
    %dma_wait3A_1380 = arith.constant 0 : i32
    %dma_wait3A_1381 = tpu.memref_slice %arg5[%dma_wait3A_1379, %dma_wait3A_1380] : memref<32x512xf32, #tpu.memory_space<vmem>> -> memref<1x256xf32, #tpu.memory_space<vmem>>
    %dma_wait3A_1382 = tpu.memref_squeeze %dma_wait3A_1381 : memref<1x256xf32, #tpu.memory_space<vmem>> -> memref<256xf32, #tpu.memory_space<vmem>>
    %dma_wait3A_1383 = arith.constant 0 : i32
    %dma_wait3A_1384 = tpu.memref_slice %arg3[%dma_wait3A_1378, %dma_wait3A_1383] : memref<60x256xf32, #tpu.memory_space<hbm>> -> memref<1x256xf32, #tpu.memory_space<hbm>>
    %dma_wait3A_1385 = tpu.memref_squeeze %dma_wait3A_1384 : memref<1x256xf32, #tpu.memory_space<hbm>> -> memref<256xf32, #tpu.memory_space<hbm>>
    %dma_wait3A_1386 = arith.constant 0 : i32
    %dma_wait3A_1387 = tpu.memref_slice %arg5[%dma_wait3A_1379, %dma_wait3A_1386] : memref<32x512xf32, #tpu.memory_space<vmem>> -> memref<1x256xf32, #tpu.memory_space<vmem>>
    %dma_wait3A_1388 = tpu.memref_squeeze %dma_wait3A_1387 : memref<1x256xf32, #tpu.memory_space<vmem>> -> memref<256xf32, #tpu.memory_space<vmem>>
    %dma_wait3A_1389 = arith.constant 0 : i32
    %dma_wait3A_1390 = tpu.memref_slice %arg3[%dma_wait3A_1378, %dma_wait3A_1389] : memref<60x256xf32, #tpu.memory_space<hbm>> -> memref<1x256xf32, #tpu.memory_space<hbm>>
    %dma_wait3A_1391 = tpu.memref_squeeze %dma_wait3A_1390 : memref<1x256xf32, #tpu.memory_space<hbm>> -> memref<256xf32, #tpu.memory_space<hbm>>
    tpu.wait_dma2 semaphore(%arg6 : memref<!tpu.dma_semaphore, #tpu.memory_space<semaphore_mem>>) src(%dma_wait3A_1391 : memref<256xf32, #tpu.memory_space<hbm>>) dst(%dma_wait3A_1388 : memref<256xf32, #tpu.memory_space<vmem>>)
    %dma_wait3A_1392 = arith.constant 19 : i32
    %dma_wait3A_1393 = arith.constant 256 : i32
    %dma_wait3A_1394 = tpu.memref_slice %arg5[%dma_wait3A_1392, %dma_wait3A_1393] : memref<32x512xf32, #tpu.memory_space<vmem>> -> memref<1x256xf32, #tpu.memory_space<vmem>>
    %dma_wait3A_1395 = tpu.memref_squeeze %dma_wait3A_1394 : memref<1x256xf32, #tpu.memory_space<vmem>> -> memref<256xf32, #tpu.memory_space<vmem>>
    %dma_wait3A_1396 = arith.constant 0 : i32
    %dma_wait3A_1397 = tpu.memref_slice %arg2[%add3A_2, %dma_wait3A_1396] : memref<60x256xf32, #tpu.memory_space<hbm>> -> memref<1x256xf32, #tpu.memory_space<hbm>>
    %dma_wait3A_1398 = tpu.memref_squeeze %dma_wait3A_1397 : memref<1x256xf32, #tpu.memory_space<hbm>> -> memref<256xf32, #tpu.memory_space<hbm>>
    %dma_wait3A_1399 = arith.constant 256 : i32
    %dma_wait3A_1400 = tpu.memref_slice %arg5[%dma_wait3A_1392, %dma_wait3A_1399] : memref<32x512xf32, #tpu.memory_space<vmem>> -> memref<1x256xf32, #tpu.memory_space<vmem>>
    %dma_wait3A_1401 = tpu.memref_squeeze %dma_wait3A_1400 : memref<1x256xf32, #tpu.memory_space<vmem>> -> memref<256xf32, #tpu.memory_space<vmem>>
    %dma_wait3A_1402 = arith.constant 0 : i32
    %dma_wait3A_1403 = tpu.memref_slice %arg2[%add3A_2, %dma_wait3A_1402] : memref<60x256xf32, #tpu.memory_space<hbm>> -> memref<1x256xf32, #tpu.memory_space<hbm>>
    %dma_wait3A_1404 = tpu.memref_squeeze %dma_wait3A_1403 : memref<1x256xf32, #tpu.memory_space<hbm>> -> memref<256xf32, #tpu.memory_space<hbm>>
    tpu.wait_dma2 semaphore(%arg6 : memref<!tpu.dma_semaphore, #tpu.memory_space<semaphore_mem>>) src(%dma_wait3A_1404 : memref<256xf32, #tpu.memory_space<hbm>>) dst(%dma_wait3A_1401 : memref<256xf32, #tpu.memory_space<vmem>>)
    %dma_wait3A_1405 = arith.constant 21 : i32
    %dma_wait3A_1406 = arith.constant 20 : i32
    %dma_wait3A_1407 = arith.constant 0 : i32
    %dma_wait3A_1408 = tpu.memref_slice %arg5[%dma_wait3A_1406, %dma_wait3A_1407] : memref<32x512xf32, #tpu.memory_space<vmem>> -> memref<1x256xf32, #tpu.memory_space<vmem>>
    %dma_wait3A_1409 = tpu.memref_squeeze %dma_wait3A_1408 : memref<1x256xf32, #tpu.memory_space<vmem>> -> memref<256xf32, #tpu.memory_space<vmem>>
    %dma_wait3A_1410 = arith.constant 0 : i32
    %dma_wait3A_1411 = tpu.memref_slice %arg3[%dma_wait3A_1405, %dma_wait3A_1410] : memref<60x256xf32, #tpu.memory_space<hbm>> -> memref<1x256xf32, #tpu.memory_space<hbm>>
    %dma_wait3A_1412 = tpu.memref_squeeze %dma_wait3A_1411 : memref<1x256xf32, #tpu.memory_space<hbm>> -> memref<256xf32, #tpu.memory_space<hbm>>
    %dma_wait3A_1413 = arith.constant 0 : i32
    %dma_wait3A_1414 = tpu.memref_slice %arg5[%dma_wait3A_1406, %dma_wait3A_1413] : memref<32x512xf32, #tpu.memory_space<vmem>> -> memref<1x256xf32, #tpu.memory_space<vmem>>
    %dma_wait3A_1415 = tpu.memref_squeeze %dma_wait3A_1414 : memref<1x256xf32, #tpu.memory_space<vmem>> -> memref<256xf32, #tpu.memory_space<vmem>>
    %dma_wait3A_1416 = arith.constant 0 : i32
    %dma_wait3A_1417 = tpu.memref_slice %arg3[%dma_wait3A_1405, %dma_wait3A_1416] : memref<60x256xf32, #tpu.memory_space<hbm>> -> memref<1x256xf32, #tpu.memory_space<hbm>>
    %dma_wait3A_1418 = tpu.memref_squeeze %dma_wait3A_1417 : memref<1x256xf32, #tpu.memory_space<hbm>> -> memref<256xf32, #tpu.memory_space<hbm>>
    tpu.wait_dma2 semaphore(%arg6 : memref<!tpu.dma_semaphore, #tpu.memory_space<semaphore_mem>>) src(%dma_wait3A_1418 : memref<256xf32, #tpu.memory_space<hbm>>) dst(%dma_wait3A_1415 : memref<256xf32, #tpu.memory_space<vmem>>)
    %dma_wait3A_1419 = arith.constant 20 : i32
    %dma_wait3A_1420 = arith.constant 256 : i32
    %dma_wait3A_1421 = tpu.memref_slice %arg5[%dma_wait3A_1419, %dma_wait3A_1420] : memref<32x512xf32, #tpu.memory_space<vmem>> -> memref<1x256xf32, #tpu.memory_space<vmem>>
    %dma_wait3A_1422 = tpu.memref_squeeze %dma_wait3A_1421 : memref<1x256xf32, #tpu.memory_space<vmem>> -> memref<256xf32, #tpu.memory_space<vmem>>
    %dma_wait3A_1423 = arith.constant 0 : i32
    %dma_wait3A_1424 = tpu.memref_slice %arg2[%add3A_2, %dma_wait3A_1423] : memref<60x256xf32, #tpu.memory_space<hbm>> -> memref<1x256xf32, #tpu.memory_space<hbm>>
    %dma_wait3A_1425 = tpu.memref_squeeze %dma_wait3A_1424 : memref<1x256xf32, #tpu.memory_space<hbm>> -> memref<256xf32, #tpu.memory_space<hbm>>
    %dma_wait3A_1426 = arith.constant 256 : i32
    %dma_wait3A_1427 = tpu.memref_slice %arg5[%dma_wait3A_1419, %dma_wait3A_1426] : memref<32x512xf32, #tpu.memory_space<vmem>> -> memref<1x256xf32, #tpu.memory_space<vmem>>
    %dma_wait3A_1428 = tpu.memref_squeeze %dma_wait3A_1427 : memref<1x256xf32, #tpu.memory_space<vmem>> -> memref<256xf32, #tpu.memory_space<vmem>>
    %dma_wait3A_1429 = arith.constant 0 : i32
    %dma_wait3A_1430 = tpu.memref_slice %arg2[%add3A_2, %dma_wait3A_1429] : memref<60x256xf32, #tpu.memory_space<hbm>> -> memref<1x256xf32, #tpu.memory_space<hbm>>
    %dma_wait3A_1431 = tpu.memref_squeeze %dma_wait3A_1430 : memref<1x256xf32, #tpu.memory_space<hbm>> -> memref<256xf32, #tpu.memory_space<hbm>>
    tpu.wait_dma2 semaphore(%arg6 : memref<!tpu.dma_semaphore, #tpu.memory_space<semaphore_mem>>) src(%dma_wait3A_1431 : memref<256xf32, #tpu.memory_space<hbm>>) dst(%dma_wait3A_1428 : memref<256xf32, #tpu.memory_space<vmem>>)
    %dma_wait3A_1432 = arith.constant 22 : i32
    %dma_wait3A_1433 = arith.constant 21 : i32
    %dma_wait3A_1434 = arith.constant 0 : i32
    %dma_wait3A_1435 = tpu.memref_slice %arg5[%dma_wait3A_1433, %dma_wait3A_1434] : memref<32x512xf32, #tpu.memory_space<vmem>> -> memref<1x256xf32, #tpu.memory_space<vmem>>
    %dma_wait3A_1436 = tpu.memref_squeeze %dma_wait3A_1435 : memref<1x256xf32, #tpu.memory_space<vmem>> -> memref<256xf32, #tpu.memory_space<vmem>>
    %dma_wait3A_1437 = arith.constant 0 : i32
    %dma_wait3A_1438 = tpu.memref_slice %arg3[%dma_wait3A_1432, %dma_wait3A_1437] : memref<60x256xf32, #tpu.memory_space<hbm>> -> memref<1x256xf32, #tpu.memory_space<hbm>>
    %dma_wait3A_1439 = tpu.memref_squeeze %dma_wait3A_1438 : memref<1x256xf32, #tpu.memory_space<hbm>> -> memref<256xf32, #tpu.memory_space<hbm>>
    %dma_wait3A_1440 = arith.constant 0 : i32
    %dma_wait3A_1441 = tpu.memref_slice %arg5[%dma_wait3A_1433, %dma_wait3A_1440] : memref<32x512xf32, #tpu.memory_space<vmem>> -> memref<1x256xf32, #tpu.memory_space<vmem>>
    %dma_wait3A_1442 = tpu.memref_squeeze %dma_wait3A_1441 : memref<1x256xf32, #tpu.memory_space<vmem>> -> memref<256xf32, #tpu.memory_space<vmem>>
    %dma_wait3A_1443 = arith.constant 0 : i32
    %dma_wait3A_1444 = tpu.memref_slice %arg3[%dma_wait3A_1432, %dma_wait3A_1443] : memref<60x256xf32, #tpu.memory_space<hbm>> -> memref<1x256xf32, #tpu.memory_space<hbm>>
    %dma_wait3A_1445 = tpu.memref_squeeze %dma_wait3A_1444 : memref<1x256xf32, #tpu.memory_space<hbm>> -> memref<256xf32, #tpu.memory_space<hbm>>
    tpu.wait_dma2 semaphore(%arg6 : memref<!tpu.dma_semaphore, #tpu.memory_space<semaphore_mem>>) src(%dma_wait3A_1445 : memref<256xf32, #tpu.memory_space<hbm>>) dst(%dma_wait3A_1442 : memref<256xf32, #tpu.memory_space<vmem>>)
    %dma_wait3A_1446 = arith.constant 21 : i32
    %dma_wait3A_1447 = arith.constant 256 : i32
    %dma_wait3A_1448 = tpu.memref_slice %arg5[%dma_wait3A_1446, %dma_wait3A_1447] : memref<32x512xf32, #tpu.memory_space<vmem>> -> memref<1x256xf32, #tpu.memory_space<vmem>>
    %dma_wait3A_1449 = tpu.memref_squeeze %dma_wait3A_1448 : memref<1x256xf32, #tpu.memory_space<vmem>> -> memref<256xf32, #tpu.memory_space<vmem>>
    %dma_wait3A_1450 = arith.constant 0 : i32
    %dma_wait3A_1451 = tpu.memref_slice %arg2[%add3A_2, %dma_wait3A_1450] : memref<60x256xf32, #tpu.memory_space<hbm>> -> memref<1x256xf32, #tpu.memory_space<hbm>>
    %dma_wait3A_1452 = tpu.memref_squeeze %dma_wait3A_1451 : memref<1x256xf32, #tpu.memory_space<hbm>> -> memref<256xf32, #tpu.memory_space<hbm>>
    %dma_wait3A_1453 = arith.constant 256 : i32
    %dma_wait3A_1454 = tpu.memref_slice %arg5[%dma_wait3A_1446, %dma_wait3A_1453] : memref<32x512xf32, #tpu.memory_space<vmem>> -> memref<1x256xf32, #tpu.memory_space<vmem>>
    %dma_wait3A_1455 = tpu.memref_squeeze %dma_wait3A_1454 : memref<1x256xf32, #tpu.memory_space<vmem>> -> memref<256xf32, #tpu.memory_space<vmem>>
    %dma_wait3A_1456 = arith.constant 0 : i32
    %dma_wait3A_1457 = tpu.memref_slice %arg2[%add3A_2, %dma_wait3A_1456] : memref<60x256xf32, #tpu.memory_space<hbm>> -> memref<1x256xf32, #tpu.memory_space<hbm>>
    %dma_wait3A_1458 = tpu.memref_squeeze %dma_wait3A_1457 : memref<1x256xf32, #tpu.memory_space<hbm>> -> memref<256xf32, #tpu.memory_space<hbm>>
    tpu.wait_dma2 semaphore(%arg6 : memref<!tpu.dma_semaphore, #tpu.memory_space<semaphore_mem>>) src(%dma_wait3A_1458 : memref<256xf32, #tpu.memory_space<hbm>>) dst(%dma_wait3A_1455 : memref<256xf32, #tpu.memory_space<vmem>>)
    %dma_wait3A_1459 = arith.constant 23 : i32
    %dma_wait3A_1460 = arith.constant 22 : i32
    %dma_wait3A_1461 = arith.constant 0 : i32
    %dma_wait3A_1462 = tpu.memref_slice %arg5[%dma_wait3A_1460, %dma_wait3A_1461] : memref<32x512xf32, #tpu.memory_space<vmem>> -> memref<1x256xf32, #tpu.memory_space<vmem>>
    %dma_wait3A_1463 = tpu.memref_squeeze %dma_wait3A_1462 : memref<1x256xf32, #tpu.memory_space<vmem>> -> memref<256xf32, #tpu.memory_space<vmem>>
    %dma_wait3A_1464 = arith.constant 0 : i32
    %dma_wait3A_1465 = tpu.memref_slice %arg3[%dma_wait3A_1459, %dma_wait3A_1464] : memref<60x256xf32, #tpu.memory_space<hbm>> -> memref<1x256xf32, #tpu.memory_space<hbm>>
    %dma_wait3A_1466 = tpu.memref_squeeze %dma_wait3A_1465 : memref<1x256xf32, #tpu.memory_space<hbm>> -> memref<256xf32, #tpu.memory_space<hbm>>
    %dma_wait3A_1467 = arith.constant 0 : i32
    %dma_wait3A_1468 = tpu.memref_slice %arg5[%dma_wait3A_1460, %dma_wait3A_1467] : memref<32x512xf32, #tpu.memory_space<vmem>> -> memref<1x256xf32, #tpu.memory_space<vmem>>
    %dma_wait3A_1469 = tpu.memref_squeeze %dma_wait3A_1468 : memref<1x256xf32, #tpu.memory_space<vmem>> -> memref<256xf32, #tpu.memory_space<vmem>>
    %dma_wait3A_1470 = arith.constant 0 : i32
    %dma_wait3A_1471 = tpu.memref_slice %arg3[%dma_wait3A_1459, %dma_wait3A_1470] : memref<60x256xf32, #tpu.memory_space<hbm>> -> memref<1x256xf32, #tpu.memory_space<hbm>>
    %dma_wait3A_1472 = tpu.memref_squeeze %dma_wait3A_1471 : memref<1x256xf32, #tpu.memory_space<hbm>> -> memref<256xf32, #tpu.memory_space<hbm>>
    tpu.wait_dma2 semaphore(%arg6 : memref<!tpu.dma_semaphore, #tpu.memory_space<semaphore_mem>>) src(%dma_wait3A_1472 : memref<256xf32, #tpu.memory_space<hbm>>) dst(%dma_wait3A_1469 : memref<256xf32, #tpu.memory_space<vmem>>)
    %dma_wait3A_1473 = arith.constant 22 : i32
    %dma_wait3A_1474 = arith.constant 256 : i32
    %dma_wait3A_1475 = tpu.memref_slice %arg5[%dma_wait3A_1473, %dma_wait3A_1474] : memref<32x512xf32, #tpu.memory_space<vmem>> -> memref<1x256xf32, #tpu.memory_space<vmem>>
    %dma_wait3A_1476 = tpu.memref_squeeze %dma_wait3A_1475 : memref<1x256xf32, #tpu.memory_space<vmem>> -> memref<256xf32, #tpu.memory_space<vmem>>
    %dma_wait3A_1477 = arith.constant 0 : i32
    %dma_wait3A_1478 = tpu.memref_slice %arg2[%add3A_2, %dma_wait3A_1477] : memref<60x256xf32, #tpu.memory_space<hbm>> -> memref<1x256xf32, #tpu.memory_space<hbm>>
    %dma_wait3A_1479 = tpu.memref_squeeze %dma_wait3A_1478 : memref<1x256xf32, #tpu.memory_space<hbm>> -> memref<256xf32, #tpu.memory_space<hbm>>
    %dma_wait3A_1480 = arith.constant 256 : i32
    %dma_wait3A_1481 = tpu.memref_slice %arg5[%dma_wait3A_1473, %dma_wait3A_1480] : memref<32x512xf32, #tpu.memory_space<vmem>> -> memref<1x256xf32, #tpu.memory_space<vmem>>
    %dma_wait3A_1482 = tpu.memref_squeeze %dma_wait3A_1481 : memref<1x256xf32, #tpu.memory_space<vmem>> -> memref<256xf32, #tpu.memory_space<vmem>>
    %dma_wait3A_1483 = arith.constant 0 : i32
    %dma_wait3A_1484 = tpu.memref_slice %arg2[%add3A_2, %dma_wait3A_1483] : memref<60x256xf32, #tpu.memory_space<hbm>> -> memref<1x256xf32, #tpu.memory_space<hbm>>
    %dma_wait3A_1485 = tpu.memref_squeeze %dma_wait3A_1484 : memref<1x256xf32, #tpu.memory_space<hbm>> -> memref<256xf32, #tpu.memory_space<hbm>>
    tpu.wait_dma2 semaphore(%arg6 : memref<!tpu.dma_semaphore, #tpu.memory_space<semaphore_mem>>) src(%dma_wait3A_1485 : memref<256xf32, #tpu.memory_space<hbm>>) dst(%dma_wait3A_1482 : memref<256xf32, #tpu.memory_space<vmem>>)
    %dma_wait3A_1486 = arith.constant 24 : i32
    %dma_wait3A_1487 = arith.constant 23 : i32
    %dma_wait3A_1488 = arith.constant 0 : i32
    %dma_wait3A_1489 = tpu.memref_slice %arg5[%dma_wait3A_1487, %dma_wait3A_1488] : memref<32x512xf32, #tpu.memory_space<vmem>> -> memref<1x256xf32, #tpu.memory_space<vmem>>
    %dma_wait3A_1490 = tpu.memref_squeeze %dma_wait3A_1489 : memref<1x256xf32, #tpu.memory_space<vmem>> -> memref<256xf32, #tpu.memory_space<vmem>>
    %dma_wait3A_1491 = arith.constant 0 : i32
    %dma_wait3A_1492 = tpu.memref_slice %arg3[%dma_wait3A_1486, %dma_wait3A_1491] : memref<60x256xf32, #tpu.memory_space<hbm>> -> memref<1x256xf32, #tpu.memory_space<hbm>>
    %dma_wait3A_1493 = tpu.memref_squeeze %dma_wait3A_1492 : memref<1x256xf32, #tpu.memory_space<hbm>> -> memref<256xf32, #tpu.memory_space<hbm>>
    %dma_wait3A_1494 = arith.constant 0 : i32
    %dma_wait3A_1495 = tpu.memref_slice %arg5[%dma_wait3A_1487, %dma_wait3A_1494] : memref<32x512xf32, #tpu.memory_space<vmem>> -> memref<1x256xf32, #tpu.memory_space<vmem>>
    %dma_wait3A_1496 = tpu.memref_squeeze %dma_wait3A_1495 : memref<1x256xf32, #tpu.memory_space<vmem>> -> memref<256xf32, #tpu.memory_space<vmem>>
    %dma_wait3A_1497 = arith.constant 0 : i32
    %dma_wait3A_1498 = tpu.memref_slice %arg3[%dma_wait3A_1486, %dma_wait3A_1497] : memref<60x256xf32, #tpu.memory_space<hbm>> -> memref<1x256xf32, #tpu.memory_space<hbm>>
    %dma_wait3A_1499 = tpu.memref_squeeze %dma_wait3A_1498 : memref<1x256xf32, #tpu.memory_space<hbm>> -> memref<256xf32, #tpu.memory_space<hbm>>
    tpu.wait_dma2 semaphore(%arg6 : memref<!tpu.dma_semaphore, #tpu.memory_space<semaphore_mem>>) src(%dma_wait3A_1499 : memref<256xf32, #tpu.memory_space<hbm>>) dst(%dma_wait3A_1496 : memref<256xf32, #tpu.memory_space<vmem>>)
    %dma_wait3A_1500 = arith.constant 23 : i32
    %dma_wait3A_1501 = arith.constant 256 : i32
    %dma_wait3A_1502 = tpu.memref_slice %arg5[%dma_wait3A_1500, %dma_wait3A_1501] : memref<32x512xf32, #tpu.memory_space<vmem>> -> memref<1x256xf32, #tpu.memory_space<vmem>>
    %dma_wait3A_1503 = tpu.memref_squeeze %dma_wait3A_1502 : memref<1x256xf32, #tpu.memory_space<vmem>> -> memref<256xf32, #tpu.memory_space<vmem>>
    %dma_wait3A_1504 = arith.constant 0 : i32
    %dma_wait3A_1505 = tpu.memref_slice %arg2[%add3A_2, %dma_wait3A_1504] : memref<60x256xf32, #tpu.memory_space<hbm>> -> memref<1x256xf32, #tpu.memory_space<hbm>>
    %dma_wait3A_1506 = tpu.memref_squeeze %dma_wait3A_1505 : memref<1x256xf32, #tpu.memory_space<hbm>> -> memref<256xf32, #tpu.memory_space<hbm>>
    %dma_wait3A_1507 = arith.constant 256 : i32
    %dma_wait3A_1508 = tpu.memref_slice %arg5[%dma_wait3A_1500, %dma_wait3A_1507] : memref<32x512xf32, #tpu.memory_space<vmem>> -> memref<1x256xf32, #tpu.memory_space<vmem>>
    %dma_wait3A_1509 = tpu.memref_squeeze %dma_wait3A_1508 : memref<1x256xf32, #tpu.memory_space<vmem>> -> memref<256xf32, #tpu.memory_space<vmem>>
    %dma_wait3A_1510 = arith.constant 0 : i32
    %dma_wait3A_1511 = tpu.memref_slice %arg2[%add3A_2, %dma_wait3A_1510] : memref<60x256xf32, #tpu.memory_space<hbm>> -> memref<1x256xf32, #tpu.memory_space<hbm>>
    %dma_wait3A_1512 = tpu.memref_squeeze %dma_wait3A_1511 : memref<1x256xf32, #tpu.memory_space<hbm>> -> memref<256xf32, #tpu.memory_space<hbm>>
    tpu.wait_dma2 semaphore(%arg6 : memref<!tpu.dma_semaphore, #tpu.memory_space<semaphore_mem>>) src(%dma_wait3A_1512 : memref<256xf32, #tpu.memory_space<hbm>>) dst(%dma_wait3A_1509 : memref<256xf32, #tpu.memory_space<vmem>>)
    %dma_wait3A_1513 = arith.constant 25 : i32
    %dma_wait3A_1514 = arith.constant 24 : i32
    %dma_wait3A_1515 = arith.constant 0 : i32
    %dma_wait3A_1516 = tpu.memref_slice %arg5[%dma_wait3A_1514, %dma_wait3A_1515] : memref<32x512xf32, #tpu.memory_space<vmem>> -> memref<1x256xf32, #tpu.memory_space<vmem>>
    %dma_wait3A_1517 = tpu.memref_squeeze %dma_wait3A_1516 : memref<1x256xf32, #tpu.memory_space<vmem>> -> memref<256xf32, #tpu.memory_space<vmem>>
    %dma_wait3A_1518 = arith.constant 0 : i32
    %dma_wait3A_1519 = tpu.memref_slice %arg3[%dma_wait3A_1513, %dma_wait3A_1518] : memref<60x256xf32, #tpu.memory_space<hbm>> -> memref<1x256xf32, #tpu.memory_space<hbm>>
    %dma_wait3A_1520 = tpu.memref_squeeze %dma_wait3A_1519 : memref<1x256xf32, #tpu.memory_space<hbm>> -> memref<256xf32, #tpu.memory_space<hbm>>
    %dma_wait3A_1521 = arith.constant 0 : i32
    %dma_wait3A_1522 = tpu.memref_slice %arg5[%dma_wait3A_1514, %dma_wait3A_1521] : memref<32x512xf32, #tpu.memory_space<vmem>> -> memref<1x256xf32, #tpu.memory_space<vmem>>
    %dma_wait3A_1523 = tpu.memref_squeeze %dma_wait3A_1522 : memref<1x256xf32, #tpu.memory_space<vmem>> -> memref<256xf32, #tpu.memory_space<vmem>>
    %dma_wait3A_1524 = arith.constant 0 : i32
    %dma_wait3A_1525 = tpu.memref_slice %arg3[%dma_wait3A_1513, %dma_wait3A_1524] : memref<60x256xf32, #tpu.memory_space<hbm>> -> memref<1x256xf32, #tpu.memory_space<hbm>>
    %dma_wait3A_1526 = tpu.memref_squeeze %dma_wait3A_1525 : memref<1x256xf32, #tpu.memory_space<hbm>> -> memref<256xf32, #tpu.memory_space<hbm>>
    tpu.wait_dma2 semaphore(%arg6 : memref<!tpu.dma_semaphore, #tpu.memory_space<semaphore_mem>>) src(%dma_wait3A_1526 : memref<256xf32, #tpu.memory_space<hbm>>) dst(%dma_wait3A_1523 : memref<256xf32, #tpu.memory_space<vmem>>)
    %dma_wait3A_1527 = arith.constant 24 : i32
    %dma_wait3A_1528 = arith.constant 256 : i32
    %dma_wait3A_1529 = tpu.memref_slice %arg5[%dma_wait3A_1527, %dma_wait3A_1528] : memref<32x512xf32, #tpu.memory_space<vmem>> -> memref<1x256xf32, #tpu.memory_space<vmem>>
    %dma_wait3A_1530 = tpu.memref_squeeze %dma_wait3A_1529 : memref<1x256xf32, #tpu.memory_space<vmem>> -> memref<256xf32, #tpu.memory_space<vmem>>
    %dma_wait3A_1531 = arith.constant 0 : i32
    %dma_wait3A_1532 = tpu.memref_slice %arg2[%add3A_2, %dma_wait3A_1531] : memref<60x256xf32, #tpu.memory_space<hbm>> -> memref<1x256xf32, #tpu.memory_space<hbm>>
    %dma_wait3A_1533 = tpu.memref_squeeze %dma_wait3A_1532 : memref<1x256xf32, #tpu.memory_space<hbm>> -> memref<256xf32, #tpu.memory_space<hbm>>
    %dma_wait3A_1534 = arith.constant 256 : i32
    %dma_wait3A_1535 = tpu.memref_slice %arg5[%dma_wait3A_1527, %dma_wait3A_1534] : memref<32x512xf32, #tpu.memory_space<vmem>> -> memref<1x256xf32, #tpu.memory_space<vmem>>
    %dma_wait3A_1536 = tpu.memref_squeeze %dma_wait3A_1535 : memref<1x256xf32, #tpu.memory_space<vmem>> -> memref<256xf32, #tpu.memory_space<vmem>>
    %dma_wait3A_1537 = arith.constant 0 : i32
    %dma_wait3A_1538 = tpu.memref_slice %arg2[%add3A_2, %dma_wait3A_1537] : memref<60x256xf32, #tpu.memory_space<hbm>> -> memref<1x256xf32, #tpu.memory_space<hbm>>
    %dma_wait3A_1539 = tpu.memref_squeeze %dma_wait3A_1538 : memref<1x256xf32, #tpu.memory_space<hbm>> -> memref<256xf32, #tpu.memory_space<hbm>>
    tpu.wait_dma2 semaphore(%arg6 : memref<!tpu.dma_semaphore, #tpu.memory_space<semaphore_mem>>) src(%dma_wait3A_1539 : memref<256xf32, #tpu.memory_space<hbm>>) dst(%dma_wait3A_1536 : memref<256xf32, #tpu.memory_space<vmem>>)
    %dma_wait3A_1540 = arith.constant 26 : i32
    %dma_wait3A_1541 = arith.constant 25 : i32
    %dma_wait3A_1542 = arith.constant 0 : i32
    %dma_wait3A_1543 = tpu.memref_slice %arg5[%dma_wait3A_1541, %dma_wait3A_1542] : memref<32x512xf32, #tpu.memory_space<vmem>> -> memref<1x256xf32, #tpu.memory_space<vmem>>
    %dma_wait3A_1544 = tpu.memref_squeeze %dma_wait3A_1543 : memref<1x256xf32, #tpu.memory_space<vmem>> -> memref<256xf32, #tpu.memory_space<vmem>>
    %dma_wait3A_1545 = arith.constant 0 : i32
    %dma_wait3A_1546 = tpu.memref_slice %arg3[%dma_wait3A_1540, %dma_wait3A_1545] : memref<60x256xf32, #tpu.memory_space<hbm>> -> memref<1x256xf32, #tpu.memory_space<hbm>>
    %dma_wait3A_1547 = tpu.memref_squeeze %dma_wait3A_1546 : memref<1x256xf32, #tpu.memory_space<hbm>> -> memref<256xf32, #tpu.memory_space<hbm>>
    %dma_wait3A_1548 = arith.constant 0 : i32
    %dma_wait3A_1549 = tpu.memref_slice %arg5[%dma_wait3A_1541, %dma_wait3A_1548] : memref<32x512xf32, #tpu.memory_space<vmem>> -> memref<1x256xf32, #tpu.memory_space<vmem>>
    %dma_wait3A_1550 = tpu.memref_squeeze %dma_wait3A_1549 : memref<1x256xf32, #tpu.memory_space<vmem>> -> memref<256xf32, #tpu.memory_space<vmem>>
    %dma_wait3A_1551 = arith.constant 0 : i32
    %dma_wait3A_1552 = tpu.memref_slice %arg3[%dma_wait3A_1540, %dma_wait3A_1551] : memref<60x256xf32, #tpu.memory_space<hbm>> -> memref<1x256xf32, #tpu.memory_space<hbm>>
    %dma_wait3A_1553 = tpu.memref_squeeze %dma_wait3A_1552 : memref<1x256xf32, #tpu.memory_space<hbm>> -> memref<256xf32, #tpu.memory_space<hbm>>
    tpu.wait_dma2 semaphore(%arg6 : memref<!tpu.dma_semaphore, #tpu.memory_space<semaphore_mem>>) src(%dma_wait3A_1553 : memref<256xf32, #tpu.memory_space<hbm>>) dst(%dma_wait3A_1550 : memref<256xf32, #tpu.memory_space<vmem>>)
    %dma_wait3A_1554 = arith.constant 25 : i32
    %dma_wait3A_1555 = arith.constant 256 : i32
    %dma_wait3A_1556 = tpu.memref_slice %arg5[%dma_wait3A_1554, %dma_wait3A_1555] : memref<32x512xf32, #tpu.memory_space<vmem>> -> memref<1x256xf32, #tpu.memory_space<vmem>>
    %dma_wait3A_1557 = tpu.memref_squeeze %dma_wait3A_1556 : memref<1x256xf32, #tpu.memory_space<vmem>> -> memref<256xf32, #tpu.memory_space<vmem>>
    %dma_wait3A_1558 = arith.constant 0 : i32
    %dma_wait3A_1559 = tpu.memref_slice %arg2[%add3A_2, %dma_wait3A_1558] : memref<60x256xf32, #tpu.memory_space<hbm>> -> memref<1x256xf32, #tpu.memory_space<hbm>>
    %dma_wait3A_1560 = tpu.memref_squeeze %dma_wait3A_1559 : memref<1x256xf32, #tpu.memory_space<hbm>> -> memref<256xf32, #tpu.memory_space<hbm>>
    %dma_wait3A_1561 = arith.constant 256 : i32
    %dma_wait3A_1562 = tpu.memref_slice %arg5[%dma_wait3A_1554, %dma_wait3A_1561] : memref<32x512xf32, #tpu.memory_space<vmem>> -> memref<1x256xf32, #tpu.memory_space<vmem>>
    %dma_wait3A_1563 = tpu.memref_squeeze %dma_wait3A_1562 : memref<1x256xf32, #tpu.memory_space<vmem>> -> memref<256xf32, #tpu.memory_space<vmem>>
    %dma_wait3A_1564 = arith.constant 0 : i32
    %dma_wait3A_1565 = tpu.memref_slice %arg2[%add3A_2, %dma_wait3A_1564] : memref<60x256xf32, #tpu.memory_space<hbm>> -> memref<1x256xf32, #tpu.memory_space<hbm>>
    %dma_wait3A_1566 = tpu.memref_squeeze %dma_wait3A_1565 : memref<1x256xf32, #tpu.memory_space<hbm>> -> memref<256xf32, #tpu.memory_space<hbm>>
    tpu.wait_dma2 semaphore(%arg6 : memref<!tpu.dma_semaphore, #tpu.memory_space<semaphore_mem>>) src(%dma_wait3A_1566 : memref<256xf32, #tpu.memory_space<hbm>>) dst(%dma_wait3A_1563 : memref<256xf32, #tpu.memory_space<vmem>>)
    %dma_wait3A_1567 = arith.constant 27 : i32
    %dma_wait3A_1568 = arith.constant 26 : i32
    %dma_wait3A_1569 = arith.constant 0 : i32
    %dma_wait3A_1570 = tpu.memref_slice %arg5[%dma_wait3A_1568, %dma_wait3A_1569] : memref<32x512xf32, #tpu.memory_space<vmem>> -> memref<1x256xf32, #tpu.memory_space<vmem>>
    %dma_wait3A_1571 = tpu.memref_squeeze %dma_wait3A_1570 : memref<1x256xf32, #tpu.memory_space<vmem>> -> memref<256xf32, #tpu.memory_space<vmem>>
    %dma_wait3A_1572 = arith.constant 0 : i32
    %dma_wait3A_1573 = tpu.memref_slice %arg3[%dma_wait3A_1567, %dma_wait3A_1572] : memref<60x256xf32, #tpu.memory_space<hbm>> -> memref<1x256xf32, #tpu.memory_space<hbm>>
    %dma_wait3A_1574 = tpu.memref_squeeze %dma_wait3A_1573 : memref<1x256xf32, #tpu.memory_space<hbm>> -> memref<256xf32, #tpu.memory_space<hbm>>
    %dma_wait3A_1575 = arith.constant 0 : i32
    %dma_wait3A_1576 = tpu.memref_slice %arg5[%dma_wait3A_1568, %dma_wait3A_1575] : memref<32x512xf32, #tpu.memory_space<vmem>> -> memref<1x256xf32, #tpu.memory_space<vmem>>
    %dma_wait3A_1577 = tpu.memref_squeeze %dma_wait3A_1576 : memref<1x256xf32, #tpu.memory_space<vmem>> -> memref<256xf32, #tpu.memory_space<vmem>>
    %dma_wait3A_1578 = arith.constant 0 : i32
    %dma_wait3A_1579 = tpu.memref_slice %arg3[%dma_wait3A_1567, %dma_wait3A_1578] : memref<60x256xf32, #tpu.memory_space<hbm>> -> memref<1x256xf32, #tpu.memory_space<hbm>>
    %dma_wait3A_1580 = tpu.memref_squeeze %dma_wait3A_1579 : memref<1x256xf32, #tpu.memory_space<hbm>> -> memref<256xf32, #tpu.memory_space<hbm>>
    tpu.wait_dma2 semaphore(%arg6 : memref<!tpu.dma_semaphore, #tpu.memory_space<semaphore_mem>>) src(%dma_wait3A_1580 : memref<256xf32, #tpu.memory_space<hbm>>) dst(%dma_wait3A_1577 : memref<256xf32, #tpu.memory_space<vmem>>)
    %dma_wait3A_1581 = arith.constant 26 : i32
    %dma_wait3A_1582 = arith.constant 256 : i32
    %dma_wait3A_1583 = tpu.memref_slice %arg5[%dma_wait3A_1581, %dma_wait3A_1582] : memref<32x512xf32, #tpu.memory_space<vmem>> -> memref<1x256xf32, #tpu.memory_space<vmem>>
    %dma_wait3A_1584 = tpu.memref_squeeze %dma_wait3A_1583 : memref<1x256xf32, #tpu.memory_space<vmem>> -> memref<256xf32, #tpu.memory_space<vmem>>
    %dma_wait3A_1585 = arith.constant 0 : i32
    %dma_wait3A_1586 = tpu.memref_slice %arg2[%add3A_2, %dma_wait3A_1585] : memref<60x256xf32, #tpu.memory_space<hbm>> -> memref<1x256xf32, #tpu.memory_space<hbm>>
    %dma_wait3A_1587 = tpu.memref_squeeze %dma_wait3A_1586 : memref<1x256xf32, #tpu.memory_space<hbm>> -> memref<256xf32, #tpu.memory_space<hbm>>
    %dma_wait3A_1588 = arith.constant 256 : i32
    %dma_wait3A_1589 = tpu.memref_slice %arg5[%dma_wait3A_1581, %dma_wait3A_1588] : memref<32x512xf32, #tpu.memory_space<vmem>> -> memref<1x256xf32, #tpu.memory_space<vmem>>
    %dma_wait3A_1590 = tpu.memref_squeeze %dma_wait3A_1589 : memref<1x256xf32, #tpu.memory_space<vmem>> -> memref<256xf32, #tpu.memory_space<vmem>>
    %dma_wait3A_1591 = arith.constant 0 : i32
    %dma_wait3A_1592 = tpu.memref_slice %arg2[%add3A_2, %dma_wait3A_1591] : memref<60x256xf32, #tpu.memory_space<hbm>> -> memref<1x256xf32, #tpu.memory_space<hbm>>
    %dma_wait3A_1593 = tpu.memref_squeeze %dma_wait3A_1592 : memref<1x256xf32, #tpu.memory_space<hbm>> -> memref<256xf32, #tpu.memory_space<hbm>>
    tpu.wait_dma2 semaphore(%arg6 : memref<!tpu.dma_semaphore, #tpu.memory_space<semaphore_mem>>) src(%dma_wait3A_1593 : memref<256xf32, #tpu.memory_space<hbm>>) dst(%dma_wait3A_1590 : memref<256xf32, #tpu.memory_space<vmem>>)
    %dma_wait3A_1594 = arith.constant 28 : i32
    %dma_wait3A_1595 = arith.constant 27 : i32
    %dma_wait3A_1596 = arith.constant 0 : i32
    %dma_wait3A_1597 = tpu.memref_slice %arg5[%dma_wait3A_1595, %dma_wait3A_1596] : memref<32x512xf32, #tpu.memory_space<vmem>> -> memref<1x256xf32, #tpu.memory_space<vmem>>
    %dma_wait3A_1598 = tpu.memref_squeeze %dma_wait3A_1597 : memref<1x256xf32, #tpu.memory_space<vmem>> -> memref<256xf32, #tpu.memory_space<vmem>>
    %dma_wait3A_1599 = arith.constant 0 : i32
    %dma_wait3A_1600 = tpu.memref_slice %arg3[%dma_wait3A_1594, %dma_wait3A_1599] : memref<60x256xf32, #tpu.memory_space<hbm>> -> memref<1x256xf32, #tpu.memory_space<hbm>>
    %dma_wait3A_1601 = tpu.memref_squeeze %dma_wait3A_1600 : memref<1x256xf32, #tpu.memory_space<hbm>> -> memref<256xf32, #tpu.memory_space<hbm>>
    %dma_wait3A_1602 = arith.constant 0 : i32
    %dma_wait3A_1603 = tpu.memref_slice %arg5[%dma_wait3A_1595, %dma_wait3A_1602] : memref<32x512xf32, #tpu.memory_space<vmem>> -> memref<1x256xf32, #tpu.memory_space<vmem>>
    %dma_wait3A_1604 = tpu.memref_squeeze %dma_wait3A_1603 : memref<1x256xf32, #tpu.memory_space<vmem>> -> memref<256xf32, #tpu.memory_space<vmem>>
    %dma_wait3A_1605 = arith.constant 0 : i32
    %dma_wait3A_1606 = tpu.memref_slice %arg3[%dma_wait3A_1594, %dma_wait3A_1605] : memref<60x256xf32, #tpu.memory_space<hbm>> -> memref<1x256xf32, #tpu.memory_space<hbm>>
    %dma_wait3A_1607 = tpu.memref_squeeze %dma_wait3A_1606 : memref<1x256xf32, #tpu.memory_space<hbm>> -> memref<256xf32, #tpu.memory_space<hbm>>
    tpu.wait_dma2 semaphore(%arg6 : memref<!tpu.dma_semaphore, #tpu.memory_space<semaphore_mem>>) src(%dma_wait3A_1607 : memref<256xf32, #tpu.memory_space<hbm>>) dst(%dma_wait3A_1604 : memref<256xf32, #tpu.memory_space<vmem>>)
    %dma_wait3A_1608 = arith.constant 27 : i32
    %dma_wait3A_1609 = arith.constant 256 : i32
    %dma_wait3A_1610 = tpu.memref_slice %arg5[%dma_wait3A_1608, %dma_wait3A_1609] : memref<32x512xf32, #tpu.memory_space<vmem>> -> memref<1x256xf32, #tpu.memory_space<vmem>>
    %dma_wait3A_1611 = tpu.memref_squeeze %dma_wait3A_1610 : memref<1x256xf32, #tpu.memory_space<vmem>> -> memref<256xf32, #tpu.memory_space<vmem>>
    %dma_wait3A_1612 = arith.constant 0 : i32
    %dma_wait3A_1613 = tpu.memref_slice %arg2[%add3A_2, %dma_wait3A_1612] : memref<60x256xf32, #tpu.memory_space<hbm>> -> memref<1x256xf32, #tpu.memory_space<hbm>>
    %dma_wait3A_1614 = tpu.memref_squeeze %dma_wait3A_1613 : memref<1x256xf32, #tpu.memory_space<hbm>> -> memref<256xf32, #tpu.memory_space<hbm>>
    %dma_wait3A_1615 = arith.constant 256 : i32
    %dma_wait3A_1616 = tpu.memref_slice %arg5[%dma_wait3A_1608, %dma_wait3A_1615] : memref<32x512xf32, #tpu.memory_space<vmem>> -> memref<1x256xf32, #tpu.memory_space<vmem>>
    %dma_wait3A_1617 = tpu.memref_squeeze %dma_wait3A_1616 : memref<1x256xf32, #tpu.memory_space<vmem>> -> memref<256xf32, #tpu.memory_space<vmem>>
    %dma_wait3A_1618 = arith.constant 0 : i32
    %dma_wait3A_1619 = tpu.memref_slice %arg2[%add3A_2, %dma_wait3A_1618] : memref<60x256xf32, #tpu.memory_space<hbm>> -> memref<1x256xf32, #tpu.memory_space<hbm>>
    %dma_wait3A_1620 = tpu.memref_squeeze %dma_wait3A_1619 : memref<1x256xf32, #tpu.memory_space<hbm>> -> memref<256xf32, #tpu.memory_space<hbm>>
    tpu.wait_dma2 semaphore(%arg6 : memref<!tpu.dma_semaphore, #tpu.memory_space<semaphore_mem>>) src(%dma_wait3A_1620 : memref<256xf32, #tpu.memory_space<hbm>>) dst(%dma_wait3A_1617 : memref<256xf32, #tpu.memory_space<vmem>>)
    %dma_wait3A_1621 = arith.constant 29 : i32
    %dma_wait3A_1622 = arith.constant 28 : i32
    %dma_wait3A_1623 = arith.constant 0 : i32
    %dma_wait3A_1624 = tpu.memref_slice %arg5[%dma_wait3A_1622, %dma_wait3A_1623] : memref<32x512xf32, #tpu.memory_space<vmem>> -> memref<1x256xf32, #tpu.memory_space<vmem>>
    %dma_wait3A_1625 = tpu.memref_squeeze %dma_wait3A_1624 : memref<1x256xf32, #tpu.memory_space<vmem>> -> memref<256xf32, #tpu.memory_space<vmem>>
    %dma_wait3A_1626 = arith.constant 0 : i32
    %dma_wait3A_1627 = tpu.memref_slice %arg3[%dma_wait3A_1621, %dma_wait3A_1626] : memref<60x256xf32, #tpu.memory_space<hbm>> -> memref<1x256xf32, #tpu.memory_space<hbm>>
    %dma_wait3A_1628 = tpu.memref_squeeze %dma_wait3A_1627 : memref<1x256xf32, #tpu.memory_space<hbm>> -> memref<256xf32, #tpu.memory_space<hbm>>
    %dma_wait3A_1629 = arith.constant 0 : i32
    %dma_wait3A_1630 = tpu.memref_slice %arg5[%dma_wait3A_1622, %dma_wait3A_1629] : memref<32x512xf32, #tpu.memory_space<vmem>> -> memref<1x256xf32, #tpu.memory_space<vmem>>
    %dma_wait3A_1631 = tpu.memref_squeeze %dma_wait3A_1630 : memref<1x256xf32, #tpu.memory_space<vmem>> -> memref<256xf32, #tpu.memory_space<vmem>>
    %dma_wait3A_1632 = arith.constant 0 : i32
    %dma_wait3A_1633 = tpu.memref_slice %arg3[%dma_wait3A_1621, %dma_wait3A_1632] : memref<60x256xf32, #tpu.memory_space<hbm>> -> memref<1x256xf32, #tpu.memory_space<hbm>>
    %dma_wait3A_1634 = tpu.memref_squeeze %dma_wait3A_1633 : memref<1x256xf32, #tpu.memory_space<hbm>> -> memref<256xf32, #tpu.memory_space<hbm>>
    tpu.wait_dma2 semaphore(%arg6 : memref<!tpu.dma_semaphore, #tpu.memory_space<semaphore_mem>>) src(%dma_wait3A_1634 : memref<256xf32, #tpu.memory_space<hbm>>) dst(%dma_wait3A_1631 : memref<256xf32, #tpu.memory_space<vmem>>)
    %dma_wait3A_1635 = arith.constant 28 : i32
    %dma_wait3A_1636 = arith.constant 256 : i32
    %dma_wait3A_1637 = tpu.memref_slice %arg5[%dma_wait3A_1635, %dma_wait3A_1636] : memref<32x512xf32, #tpu.memory_space<vmem>> -> memref<1x256xf32, #tpu.memory_space<vmem>>
    %dma_wait3A_1638 = tpu.memref_squeeze %dma_wait3A_1637 : memref<1x256xf32, #tpu.memory_space<vmem>> -> memref<256xf32, #tpu.memory_space<vmem>>
    %dma_wait3A_1639 = arith.constant 0 : i32
    %dma_wait3A_1640 = tpu.memref_slice %arg2[%add3A_2, %dma_wait3A_1639] : memref<60x256xf32, #tpu.memory_space<hbm>> -> memref<1x256xf32, #tpu.memory_space<hbm>>
    %dma_wait3A_1641 = tpu.memref_squeeze %dma_wait3A_1640 : memref<1x256xf32, #tpu.memory_space<hbm>> -> memref<256xf32, #tpu.memory_space<hbm>>
    %dma_wait3A_1642 = arith.constant 256 : i32
    %dma_wait3A_1643 = tpu.memref_slice %arg5[%dma_wait3A_1635, %dma_wait3A_1642] : memref<32x512xf32, #tpu.memory_space<vmem>> -> memref<1x256xf32, #tpu.memory_space<vmem>>
    %dma_wait3A_1644 = tpu.memref_squeeze %dma_wait3A_1643 : memref<1x256xf32, #tpu.memory_space<vmem>> -> memref<256xf32, #tpu.memory_space<vmem>>
    %dma_wait3A_1645 = arith.constant 0 : i32
    %dma_wait3A_1646 = tpu.memref_slice %arg2[%add3A_2, %dma_wait3A_1645] : memref<60x256xf32, #tpu.memory_space<hbm>> -> memref<1x256xf32, #tpu.memory_space<hbm>>
    %dma_wait3A_1647 = tpu.memref_squeeze %dma_wait3A_1646 : memref<1x256xf32, #tpu.memory_space<hbm>> -> memref<256xf32, #tpu.memory_space<hbm>>
    tpu.wait_dma2 semaphore(%arg6 : memref<!tpu.dma_semaphore, #tpu.memory_space<semaphore_mem>>) src(%dma_wait3A_1647 : memref<256xf32, #tpu.memory_space<hbm>>) dst(%dma_wait3A_1644 : memref<256xf32, #tpu.memory_space<vmem>>)
    %dma_wait3A_1648 = arith.constant 30 : i32
    %dma_wait3A_1649 = arith.constant 29 : i32
    %dma_wait3A_1650 = arith.constant 0 : i32
    %dma_wait3A_1651 = tpu.memref_slice %arg5[%dma_wait3A_1649, %dma_wait3A_1650] : memref<32x512xf32, #tpu.memory_space<vmem>> -> memref<1x256xf32, #tpu.memory_space<vmem>>
    %dma_wait3A_1652 = tpu.memref_squeeze %dma_wait3A_1651 : memref<1x256xf32, #tpu.memory_space<vmem>> -> memref<256xf32, #tpu.memory_space<vmem>>
    %dma_wait3A_1653 = arith.constant 0 : i32
    %dma_wait3A_1654 = tpu.memref_slice %arg3[%dma_wait3A_1648, %dma_wait3A_1653] : memref<60x256xf32, #tpu.memory_space<hbm>> -> memref<1x256xf32, #tpu.memory_space<hbm>>
    %dma_wait3A_1655 = tpu.memref_squeeze %dma_wait3A_1654 : memref<1x256xf32, #tpu.memory_space<hbm>> -> memref<256xf32, #tpu.memory_space<hbm>>
    %dma_wait3A_1656 = arith.constant 0 : i32
    %dma_wait3A_1657 = tpu.memref_slice %arg5[%dma_wait3A_1649, %dma_wait3A_1656] : memref<32x512xf32, #tpu.memory_space<vmem>> -> memref<1x256xf32, #tpu.memory_space<vmem>>
    %dma_wait3A_1658 = tpu.memref_squeeze %dma_wait3A_1657 : memref<1x256xf32, #tpu.memory_space<vmem>> -> memref<256xf32, #tpu.memory_space<vmem>>
    %dma_wait3A_1659 = arith.constant 0 : i32
    %dma_wait3A_1660 = tpu.memref_slice %arg3[%dma_wait3A_1648, %dma_wait3A_1659] : memref<60x256xf32, #tpu.memory_space<hbm>> -> memref<1x256xf32, #tpu.memory_space<hbm>>
    %dma_wait3A_1661 = tpu.memref_squeeze %dma_wait3A_1660 : memref<1x256xf32, #tpu.memory_space<hbm>> -> memref<256xf32, #tpu.memory_space<hbm>>
    tpu.wait_dma2 semaphore(%arg6 : memref<!tpu.dma_semaphore, #tpu.memory_space<semaphore_mem>>) src(%dma_wait3A_1661 : memref<256xf32, #tpu.memory_space<hbm>>) dst(%dma_wait3A_1658 : memref<256xf32, #tpu.memory_space<vmem>>)
    %dma_wait3A_1662 = arith.constant 29 : i32
    %dma_wait3A_1663 = arith.constant 256 : i32
    %dma_wait3A_1664 = tpu.memref_slice %arg5[%dma_wait3A_1662, %dma_wait3A_1663] : memref<32x512xf32, #tpu.memory_space<vmem>> -> memref<1x256xf32, #tpu.memory_space<vmem>>
    %dma_wait3A_1665 = tpu.memref_squeeze %dma_wait3A_1664 : memref<1x256xf32, #tpu.memory_space<vmem>> -> memref<256xf32, #tpu.memory_space<vmem>>
    %dma_wait3A_1666 = arith.constant 0 : i32
    %dma_wait3A_1667 = tpu.memref_slice %arg2[%add3A_2, %dma_wait3A_1666] : memref<60x256xf32, #tpu.memory_space<hbm>> -> memref<1x256xf32, #tpu.memory_space<hbm>>
    %dma_wait3A_1668 = tpu.memref_squeeze %dma_wait3A_1667 : memref<1x256xf32, #tpu.memory_space<hbm>> -> memref<256xf32, #tpu.memory_space<hbm>>
    %dma_wait3A_1669 = arith.constant 256 : i32
    %dma_wait3A_1670 = tpu.memref_slice %arg5[%dma_wait3A_1662, %dma_wait3A_1669] : memref<32x512xf32, #tpu.memory_space<vmem>> -> memref<1x256xf32, #tpu.memory_space<vmem>>
    %dma_wait3A_1671 = tpu.memref_squeeze %dma_wait3A_1670 : memref<1x256xf32, #tpu.memory_space<vmem>> -> memref<256xf32, #tpu.memory_space<vmem>>
    %dma_wait3A_1672 = arith.constant 0 : i32
    %dma_wait3A_1673 = tpu.memref_slice %arg2[%add3A_2, %dma_wait3A_1672] : memref<60x256xf32, #tpu.memory_space<hbm>> -> memref<1x256xf32, #tpu.memory_space<hbm>>
    %dma_wait3A_1674 = tpu.memref_squeeze %dma_wait3A_1673 : memref<1x256xf32, #tpu.memory_space<hbm>> -> memref<256xf32, #tpu.memory_space<hbm>>
    tpu.wait_dma2 semaphore(%arg6 : memref<!tpu.dma_semaphore, #tpu.memory_space<semaphore_mem>>) src(%dma_wait3A_1674 : memref<256xf32, #tpu.memory_space<hbm>>) dst(%dma_wait3A_1671 : memref<256xf32, #tpu.memory_space<vmem>>)
    %dma_wait3A_1675 = arith.constant 31 : i32
    %dma_wait3A_1676 = arith.constant 30 : i32
    %dma_wait3A_1677 = arith.constant 0 : i32
    %dma_wait3A_1678 = tpu.memref_slice %arg5[%dma_wait3A_1676, %dma_wait3A_1677] : memref<32x512xf32, #tpu.memory_space<vmem>> -> memref<1x256xf32, #tpu.memory_space<vmem>>
    %dma_wait3A_1679 = tpu.memref_squeeze %dma_wait3A_1678 : memref<1x256xf32, #tpu.memory_space<vmem>> -> memref<256xf32, #tpu.memory_space<vmem>>
    %dma_wait3A_1680 = arith.constant 0 : i32
    %dma_wait3A_1681 = tpu.memref_slice %arg3[%dma_wait3A_1675, %dma_wait3A_1680] : memref<60x256xf32, #tpu.memory_space<hbm>> -> memref<1x256xf32, #tpu.memory_space<hbm>>
    %dma_wait3A_1682 = tpu.memref_squeeze %dma_wait3A_1681 : memref<1x256xf32, #tpu.memory_space<hbm>> -> memref<256xf32, #tpu.memory_space<hbm>>
    %dma_wait3A_1683 = arith.constant 0 : i32
    %dma_wait3A_1684 = tpu.memref_slice %arg5[%dma_wait3A_1676, %dma_wait3A_1683] : memref<32x512xf32, #tpu.memory_space<vmem>> -> memref<1x256xf32, #tpu.memory_space<vmem>>
    %dma_wait3A_1685 = tpu.memref_squeeze %dma_wait3A_1684 : memref<1x256xf32, #tpu.memory_space<vmem>> -> memref<256xf32, #tpu.memory_space<vmem>>
    %dma_wait3A_1686 = arith.constant 0 : i32
    %dma_wait3A_1687 = tpu.memref_slice %arg3[%dma_wait3A_1675, %dma_wait3A_1686] : memref<60x256xf32, #tpu.memory_space<hbm>> -> memref<1x256xf32, #tpu.memory_space<hbm>>
    %dma_wait3A_1688 = tpu.memref_squeeze %dma_wait3A_1687 : memref<1x256xf32, #tpu.memory_space<hbm>> -> memref<256xf32, #tpu.memory_space<hbm>>
    tpu.wait_dma2 semaphore(%arg6 : memref<!tpu.dma_semaphore, #tpu.memory_space<semaphore_mem>>) src(%dma_wait3A_1688 : memref<256xf32, #tpu.memory_space<hbm>>) dst(%dma_wait3A_1685 : memref<256xf32, #tpu.memory_space<vmem>>)
    %dma_wait3A_1689 = arith.constant 30 : i32
    %dma_wait3A_1690 = arith.constant 256 : i32
    %dma_wait3A_1691 = tpu.memref_slice %arg5[%dma_wait3A_1689, %dma_wait3A_1690] : memref<32x512xf32, #tpu.memory_space<vmem>> -> memref<1x256xf32, #tpu.memory_space<vmem>>
    %dma_wait3A_1692 = tpu.memref_squeeze %dma_wait3A_1691 : memref<1x256xf32, #tpu.memory_space<vmem>> -> memref<256xf32, #tpu.memory_space<vmem>>
    %dma_wait3A_1693 = arith.constant 0 : i32
    %dma_wait3A_1694 = tpu.memref_slice %arg2[%add3A_2, %dma_wait3A_1693] : memref<60x256xf32, #tpu.memory_space<hbm>> -> memref<1x256xf32, #tpu.memory_space<hbm>>
    %dma_wait3A_1695 = tpu.memref_squeeze %dma_wait3A_1694 : memref<1x256xf32, #tpu.memory_space<hbm>> -> memref<256xf32, #tpu.memory_space<hbm>>
    %dma_wait3A_1696 = arith.constant 256 : i32
    %dma_wait3A_1697 = tpu.memref_slice %arg5[%dma_wait3A_1689, %dma_wait3A_1696] : memref<32x512xf32, #tpu.memory_space<vmem>> -> memref<1x256xf32, #tpu.memory_space<vmem>>
    %dma_wait3A_1698 = tpu.memref_squeeze %dma_wait3A_1697 : memref<1x256xf32, #tpu.memory_space<vmem>> -> memref<256xf32, #tpu.memory_space<vmem>>
    %dma_wait3A_1699 = arith.constant 0 : i32
    %dma_wait3A_1700 = tpu.memref_slice %arg2[%add3A_2, %dma_wait3A_1699] : memref<60x256xf32, #tpu.memory_space<hbm>> -> memref<1x256xf32, #tpu.memory_space<hbm>>
    %dma_wait3A_1701 = tpu.memref_squeeze %dma_wait3A_1700 : memref<1x256xf32, #tpu.memory_space<hbm>> -> memref<256xf32, #tpu.memory_space<hbm>>
    tpu.wait_dma2 semaphore(%arg6 : memref<!tpu.dma_semaphore, #tpu.memory_space<semaphore_mem>>) src(%dma_wait3A_1701 : memref<256xf32, #tpu.memory_space<hbm>>) dst(%dma_wait3A_1698 : memref<256xf32, #tpu.memory_space<vmem>>)
    %dma_wait3A_1702 = arith.constant 32 : i32
    %dma_wait3A_1703 = arith.constant 31 : i32
    %dma_wait3A_1704 = arith.constant 0 : i32
    %dma_wait3A_1705 = tpu.memref_slice %arg5[%dma_wait3A_1703, %dma_wait3A_1704] : memref<32x512xf32, #tpu.memory_space<vmem>> -> memref<1x256xf32, #tpu.memory_space<vmem>>
    %dma_wait3A_1706 = tpu.memref_squeeze %dma_wait3A_1705 : memref<1x256xf32, #tpu.memory_space<vmem>> -> memref<256xf32, #tpu.memory_space<vmem>>
    %dma_wait3A_1707 = arith.constant 0 : i32
    %dma_wait3A_1708 = tpu.memref_slice %arg3[%dma_wait3A_1702, %dma_wait3A_1707] : memref<60x256xf32, #tpu.memory_space<hbm>> -> memref<1x256xf32, #tpu.memory_space<hbm>>
    %dma_wait3A_1709 = tpu.memref_squeeze %dma_wait3A_1708 : memref<1x256xf32, #tpu.memory_space<hbm>> -> memref<256xf32, #tpu.memory_space<hbm>>
    %dma_wait3A_1710 = arith.constant 0 : i32
    %dma_wait3A_1711 = tpu.memref_slice %arg5[%dma_wait3A_1703, %dma_wait3A_1710] : memref<32x512xf32, #tpu.memory_space<vmem>> -> memref<1x256xf32, #tpu.memory_space<vmem>>
    %dma_wait3A_1712 = tpu.memref_squeeze %dma_wait3A_1711 : memref<1x256xf32, #tpu.memory_space<vmem>> -> memref<256xf32, #tpu.memory_space<vmem>>
    %dma_wait3A_1713 = arith.constant 0 : i32
    %dma_wait3A_1714 = tpu.memref_slice %arg3[%dma_wait3A_1702, %dma_wait3A_1713] : memref<60x256xf32, #tpu.memory_space<hbm>> -> memref<1x256xf32, #tpu.memory_space<hbm>>
    %dma_wait3A_1715 = tpu.memref_squeeze %dma_wait3A_1714 : memref<1x256xf32, #tpu.memory_space<hbm>> -> memref<256xf32, #tpu.memory_space<hbm>>
    tpu.wait_dma2 semaphore(%arg6 : memref<!tpu.dma_semaphore, #tpu.memory_space<semaphore_mem>>) src(%dma_wait3A_1715 : memref<256xf32, #tpu.memory_space<hbm>>) dst(%dma_wait3A_1712 : memref<256xf32, #tpu.memory_space<vmem>>)
    %dma_wait3A_1716 = arith.constant 31 : i32
    %dma_wait3A_1717 = arith.constant 256 : i32
    %dma_wait3A_1718 = tpu.memref_slice %arg5[%dma_wait3A_1716, %dma_wait3A_1717] : memref<32x512xf32, #tpu.memory_space<vmem>> -> memref<1x256xf32, #tpu.memory_space<vmem>>
    %dma_wait3A_1719 = tpu.memref_squeeze %dma_wait3A_1718 : memref<1x256xf32, #tpu.memory_space<vmem>> -> memref<256xf32, #tpu.memory_space<vmem>>
    %dma_wait3A_1720 = arith.constant 0 : i32
    %dma_wait3A_1721 = tpu.memref_slice %arg2[%add3A_2, %dma_wait3A_1720] : memref<60x256xf32, #tpu.memory_space<hbm>> -> memref<1x256xf32, #tpu.memory_space<hbm>>
    %dma_wait3A_1722 = tpu.memref_squeeze %dma_wait3A_1721 : memref<1x256xf32, #tpu.memory_space<hbm>> -> memref<256xf32, #tpu.memory_space<hbm>>
    %dma_wait3A_1723 = arith.constant 256 : i32
    %dma_wait3A_1724 = tpu.memref_slice %arg5[%dma_wait3A_1716, %dma_wait3A_1723] : memref<32x512xf32, #tpu.memory_space<vmem>> -> memref<1x256xf32, #tpu.memory_space<vmem>>
    %dma_wait3A_1725 = tpu.memref_squeeze %dma_wait3A_1724 : memref<1x256xf32, #tpu.memory_space<vmem>> -> memref<256xf32, #tpu.memory_space<vmem>>
    %dma_wait3A_1726 = arith.constant 0 : i32
    %dma_wait3A_1727 = tpu.memref_slice %arg2[%add3A_2, %dma_wait3A_1726] : memref<60x256xf32, #tpu.memory_space<hbm>> -> memref<1x256xf32, #tpu.memory_space<hbm>>
    %dma_wait3A_1728 = tpu.memref_squeeze %dma_wait3A_1727 : memref<1x256xf32, #tpu.memory_space<hbm>> -> memref<256xf32, #tpu.memory_space<hbm>>
    tpu.wait_dma2 semaphore(%arg6 : memref<!tpu.dma_semaphore, #tpu.memory_space<semaphore_mem>>) src(%dma_wait3A_1728 : memref<256xf32, #tpu.memory_space<hbm>>) dst(%dma_wait3A_1725 : memref<256xf32, #tpu.memory_space<vmem>>)
    %mul3A_1729 = arith.constant 32 : i32
    %mul3A_1730 = arith.muli %add3A, %mul3A_1729 : i32
    %mul3A_1731 = arith.constant 32 : i32
    %mul3A_1732 = arith.muli %add3A, %mul3A_1731 : i32
    %mul3A_1733 = arith.constant 32 : i32
    %mul3A_1734 = arith.muli %add3A, %mul3A_1733 : i32
    %mul3A_1735 = arith.constant 32 : i32
    %mul3A_1736 = arith.muli %add3A, %mul3A_1735 : i32
    %mul3A_1737 = arith.constant 32 : i32
    %mul3A_1738 = arith.muli %add3A, %mul3A_1737 : i32
    %mul3A_1739 = arith.constant 32 : i32
    %mul3A_1740 = arith.muli %add3A, %mul3A_1739 : i32
    %mul3A_1741 = arith.constant 32 : i32
    %mul3A_1742 = arith.muli %add3A, %mul3A_1741 : i32
    %mul3A_1743 = arith.constant 32 : i32
    %mul3A_1744 = arith.muli %add3A, %mul3A_1743 : i32
    %mul3A_1745 = arith.constant 32 : i32
    %mul3A_1746 = arith.muli %add3A, %mul3A_1745 : i32
    %mul3A_1747 = arith.constant 32 : i32
    %mul3A_1748 = arith.muli %add3A, %mul3A_1747 : i32
    %mul3A_1749 = arith.constant 32 : i32
    %mul3A_1750 = arith.muli %add3A, %mul3A_1749 : i32
    %mul3A_1751 = arith.constant 32 : i32
    %mul3A_1752 = arith.muli %add3A, %mul3A_1751 : i32
    %mul3A_1753 = arith.constant 32 : i32
    %mul3A_1754 = arith.muli %add3A, %mul3A_1753 : i32
    %mul3A_1755 = arith.constant 32 : i32
    %mul3A_1756 = arith.muli %add3A, %mul3A_1755 : i32
    %mul3A_1757 = arith.constant 32 : i32
    %mul3A_1758 = arith.muli %add3A, %mul3A_1757 : i32
    %mul3A_1759 = arith.constant 32 : i32
    %mul3A_1760 = arith.muli %add3A, %mul3A_1759 : i32
    %dma_start3A_1761 = arith.constant 0 : i32
    %dma_start3A_1762 = arith.constant 0 : i32
    %dma_start3A_1763 = tpu.memref_slice %arg4[%dma_start3A_1761, %mul3A_1730, %dma_start3A_1762] : memref<16x1024x512xf32, #tpu.memory_space<hbm>> -> memref<1x32x512xf32, #tpu.memory_space<hbm>>
    %dma_start3A_1764 = tpu.memref_squeeze %dma_start3A_1763 : memref<1x32x512xf32, #tpu.memory_space<hbm>> -> memref<32x512xf32, #tpu.memory_space<hbm>>
    %dma_start3A_1765 = arith.constant 0 : i32
    %dma_start3A_1766 = tpu.memref_slice %arg4[%dma_start3A_1761, %mul3A_1730, %dma_start3A_1765] : memref<16x1024x512xf32, #tpu.memory_space<hbm>> -> memref<1x32x512xf32, #tpu.memory_space<hbm>>
    %dma_start3A_1767 = tpu.memref_squeeze %dma_start3A_1766 : memref<1x32x512xf32, #tpu.memory_space<hbm>> -> memref<32x512xf32, #tpu.memory_space<hbm>>
    tpu.enqueue_dma source(%arg5 : memref<32x512xf32, #tpu.memory_space<vmem>>) target(%dma_start3A_1767 : memref<32x512xf32, #tpu.memory_space<hbm>>) target_semaphore(%arg7 : memref<!tpu.dma_semaphore, #tpu.memory_space<semaphore_mem>>)
    %dma_start3A_1768 = arith.constant 1 : i32
    %dma_start3A_1769 = arith.constant 0 : i32
    %dma_start3A_1770 = tpu.memref_slice %arg4[%dma_start3A_1768, %mul3A_1732, %dma_start3A_1769] : memref<16x1024x512xf32, #tpu.memory_space<hbm>> -> memref<1x32x512xf32, #tpu.memory_space<hbm>>
    %dma_start3A_1771 = tpu.memref_squeeze %dma_start3A_1770 : memref<1x32x512xf32, #tpu.memory_space<hbm>> -> memref<32x512xf32, #tpu.memory_space<hbm>>
    %dma_start3A_1772 = arith.constant 0 : i32
    %dma_start3A_1773 = tpu.memref_slice %arg4[%dma_start3A_1768, %mul3A_1732, %dma_start3A_1772] : memref<16x1024x512xf32, #tpu.memory_space<hbm>> -> memref<1x32x512xf32, #tpu.memory_space<hbm>>
    %dma_start3A_1774 = tpu.memref_squeeze %dma_start3A_1773 : memref<1x32x512xf32, #tpu.memory_space<hbm>> -> memref<32x512xf32, #tpu.memory_space<hbm>>
    tpu.enqueue_dma source(%arg5 : memref<32x512xf32, #tpu.memory_space<vmem>>) target(%dma_start3A_1774 : memref<32x512xf32, #tpu.memory_space<hbm>>) target_semaphore(%arg7 : memref<!tpu.dma_semaphore, #tpu.memory_space<semaphore_mem>>)
    %dma_start3A_1775 = arith.constant 2 : i32
    %dma_start3A_1776 = arith.constant 0 : i32
    %dma_start3A_1777 = tpu.memref_slice %arg4[%dma_start3A_1775, %mul3A_1734, %dma_start3A_1776] : memref<16x1024x512xf32, #tpu.memory_space<hbm>> -> memref<1x32x512xf32, #tpu.memory_space<hbm>>
    %dma_start3A_1778 = tpu.memref_squeeze %dma_start3A_1777 : memref<1x32x512xf32, #tpu.memory_space<hbm>> -> memref<32x512xf32, #tpu.memory_space<hbm>>
    %dma_start3A_1779 = arith.constant 0 : i32
    %dma_start3A_1780 = tpu.memref_slice %arg4[%dma_start3A_1775, %mul3A_1734, %dma_start3A_1779] : memref<16x1024x512xf32, #tpu.memory_space<hbm>> -> memref<1x32x512xf32, #tpu.memory_space<hbm>>
    %dma_start3A_1781 = tpu.memref_squeeze %dma_start3A_1780 : memref<1x32x512xf32, #tpu.memory_space<hbm>> -> memref<32x512xf32, #tpu.memory_space<hbm>>
    tpu.enqueue_dma source(%arg5 : memref<32x512xf32, #tpu.memory_space<vmem>>) target(%dma_start3A_1781 : memref<32x512xf32, #tpu.memory_space<hbm>>) target_semaphore(%arg7 : memref<!tpu.dma_semaphore, #tpu.memory_space<semaphore_mem>>)
    %dma_start3A_1782 = arith.constant 3 : i32
    %dma_start3A_1783 = arith.constant 0 : i32
    %dma_start3A_1784 = tpu.memref_slice %arg4[%dma_start3A_1782, %mul3A_1736, %dma_start3A_1783] : memref<16x1024x512xf32, #tpu.memory_space<hbm>> -> memref<1x32x512xf32, #tpu.memory_space<hbm>>
    %dma_start3A_1785 = tpu.memref_squeeze %dma_start3A_1784 : memref<1x32x512xf32, #tpu.memory_space<hbm>> -> memref<32x512xf32, #tpu.memory_space<hbm>>
    %dma_start3A_1786 = arith.constant 0 : i32
    %dma_start3A_1787 = tpu.memref_slice %arg4[%dma_start3A_1782, %mul3A_1736, %dma_start3A_1786] : memref<16x1024x512xf32, #tpu.memory_space<hbm>> -> memref<1x32x512xf32, #tpu.memory_space<hbm>>
    %dma_start3A_1788 = tpu.memref_squeeze %dma_start3A_1787 : memref<1x32x512xf32, #tpu.memory_space<hbm>> -> memref<32x512xf32, #tpu.memory_space<hbm>>
    tpu.enqueue_dma source(%arg5 : memref<32x512xf32, #tpu.memory_space<vmem>>) target(%dma_start3A_1788 : memref<32x512xf32, #tpu.memory_space<hbm>>) target_semaphore(%arg7 : memref<!tpu.dma_semaphore, #tpu.memory_space<semaphore_mem>>)
    %dma_start3A_1789 = arith.constant 4 : i32
    %dma_start3A_1790 = arith.constant 0 : i32
    %dma_start3A_1791 = tpu.memref_slice %arg4[%dma_start3A_1789, %mul3A_1738, %dma_start3A_1790] : memref<16x1024x512xf32, #tpu.memory_space<hbm>> -> memref<1x32x512xf32, #tpu.memory_space<hbm>>
    %dma_start3A_1792 = tpu.memref_squeeze %dma_start3A_1791 : memref<1x32x512xf32, #tpu.memory_space<hbm>> -> memref<32x512xf32, #tpu.memory_space<hbm>>
    %dma_start3A_1793 = arith.constant 0 : i32
    %dma_start3A_1794 = tpu.memref_slice %arg4[%dma_start3A_1789, %mul3A_1738, %dma_start3A_1793] : memref<16x1024x512xf32, #tpu.memory_space<hbm>> -> memref<1x32x512xf32, #tpu.memory_space<hbm>>
    %dma_start3A_1795 = tpu.memref_squeeze %dma_start3A_1794 : memref<1x32x512xf32, #tpu.memory_space<hbm>> -> memref<32x512xf32, #tpu.memory_space<hbm>>
    tpu.enqueue_dma source(%arg5 : memref<32x512xf32, #tpu.memory_space<vmem>>) target(%dma_start3A_1795 : memref<32x512xf32, #tpu.memory_space<hbm>>) target_semaphore(%arg7 : memref<!tpu.dma_semaphore, #tpu.memory_space<semaphore_mem>>)
    %dma_start3A_1796 = arith.constant 5 : i32
    %dma_start3A_1797 = arith.constant 0 : i32
    %dma_start3A_1798 = tpu.memref_slice %arg4[%dma_start3A_1796, %mul3A_1740, %dma_start3A_1797] : memref<16x1024x512xf32, #tpu.memory_space<hbm>> -> memref<1x32x512xf32, #tpu.memory_space<hbm>>
    %dma_start3A_1799 = tpu.memref_squeeze %dma_start3A_1798 : memref<1x32x512xf32, #tpu.memory_space<hbm>> -> memref<32x512xf32, #tpu.memory_space<hbm>>
    %dma_start3A_1800 = arith.constant 0 : i32
    %dma_start3A_1801 = tpu.memref_slice %arg4[%dma_start3A_1796, %mul3A_1740, %dma_start3A_1800] : memref<16x1024x512xf32, #tpu.memory_space<hbm>> -> memref<1x32x512xf32, #tpu.memory_space<hbm>>
    %dma_start3A_1802 = tpu.memref_squeeze %dma_start3A_1801 : memref<1x32x512xf32, #tpu.memory_space<hbm>> -> memref<32x512xf32, #tpu.memory_space<hbm>>
    tpu.enqueue_dma source(%arg5 : memref<32x512xf32, #tpu.memory_space<vmem>>) target(%dma_start3A_1802 : memref<32x512xf32, #tpu.memory_space<hbm>>) target_semaphore(%arg7 : memref<!tpu.dma_semaphore, #tpu.memory_space<semaphore_mem>>)
    %dma_start3A_1803 = arith.constant 6 : i32
    %dma_start3A_1804 = arith.constant 0 : i32
    %dma_start3A_1805 = tpu.memref_slice %arg4[%dma_start3A_1803, %mul3A_1742, %dma_start3A_1804] : memref<16x1024x512xf32, #tpu.memory_space<hbm>> -> memref<1x32x512xf32, #tpu.memory_space<hbm>>
    %dma_start3A_1806 = tpu.memref_squeeze %dma_start3A_1805 : memref<1x32x512xf32, #tpu.memory_space<hbm>> -> memref<32x512xf32, #tpu.memory_space<hbm>>
    %dma_start3A_1807 = arith.constant 0 : i32
    %dma_start3A_1808 = tpu.memref_slice %arg4[%dma_start3A_1803, %mul3A_1742, %dma_start3A_1807] : memref<16x1024x512xf32, #tpu.memory_space<hbm>> -> memref<1x32x512xf32, #tpu.memory_space<hbm>>
    %dma_start3A_1809 = tpu.memref_squeeze %dma_start3A_1808 : memref<1x32x512xf32, #tpu.memory_space<hbm>> -> memref<32x512xf32, #tpu.memory_space<hbm>>
    tpu.enqueue_dma source(%arg5 : memref<32x512xf32, #tpu.memory_space<vmem>>) target(%dma_start3A_1809 : memref<32x512xf32, #tpu.memory_space<hbm>>) target_semaphore(%arg7 : memref<!tpu.dma_semaphore, #tpu.memory_space<semaphore_mem>>)
    %dma_start3A_1810 = arith.constant 7 : i32
    %dma_start3A_1811 = arith.constant 0 : i32
    %dma_start3A_1812 = tpu.memref_slice %arg4[%dma_start3A_1810, %mul3A_1744, %dma_start3A_1811] : memref<16x1024x512xf32, #tpu.memory_space<hbm>> -> memref<1x32x512xf32, #tpu.memory_space<hbm>>
    %dma_start3A_1813 = tpu.memref_squeeze %dma_start3A_1812 : memref<1x32x512xf32, #tpu.memory_space<hbm>> -> memref<32x512xf32, #tpu.memory_space<hbm>>
    %dma_start3A_1814 = arith.constant 0 : i32
    %dma_start3A_1815 = tpu.memref_slice %arg4[%dma_start3A_1810, %mul3A_1744, %dma_start3A_1814] : memref<16x1024x512xf32, #tpu.memory_space<hbm>> -> memref<1x32x512xf32, #tpu.memory_space<hbm>>
    %dma_start3A_1816 = tpu.memref_squeeze %dma_start3A_1815 : memref<1x32x512xf32, #tpu.memory_space<hbm>> -> memref<32x512xf32, #tpu.memory_space<hbm>>
    tpu.enqueue_dma source(%arg5 : memref<32x512xf32, #tpu.memory_space<vmem>>) target(%dma_start3A_1816 : memref<32x512xf32, #tpu.memory_space<hbm>>) target_semaphore(%arg7 : memref<!tpu.dma_semaphore, #tpu.memory_space<semaphore_mem>>)
    %dma_start3A_1817 = arith.constant 8 : i32
    %dma_start3A_1818 = arith.constant 0 : i32
    %dma_start3A_1819 = tpu.memref_slice %arg4[%dma_start3A_1817, %mul3A_1746, %dma_start3A_1818] : memref<16x1024x512xf32, #tpu.memory_space<hbm>> -> memref<1x32x512xf32, #tpu.memory_space<hbm>>
    %dma_start3A_1820 = tpu.memref_squeeze %dma_start3A_1819 : memref<1x32x512xf32, #tpu.memory_space<hbm>> -> memref<32x512xf32, #tpu.memory_space<hbm>>
    %dma_start3A_1821 = arith.constant 0 : i32
    %dma_start3A_1822 = tpu.memref_slice %arg4[%dma_start3A_1817, %mul3A_1746, %dma_start3A_1821] : memref<16x1024x512xf32, #tpu.memory_space<hbm>> -> memref<1x32x512xf32, #tpu.memory_space<hbm>>
    %dma_start3A_1823 = tpu.memref_squeeze %dma_start3A_1822 : memref<1x32x512xf32, #tpu.memory_space<hbm>> -> memref<32x512xf32, #tpu.memory_space<hbm>>
    tpu.enqueue_dma source(%arg5 : memref<32x512xf32, #tpu.memory_space<vmem>>) target(%dma_start3A_1823 : memref<32x512xf32, #tpu.memory_space<hbm>>) target_semaphore(%arg7 : memref<!tpu.dma_semaphore, #tpu.memory_space<semaphore_mem>>)
    %dma_start3A_1824 = arith.constant 9 : i32
    %dma_start3A_1825 = arith.constant 0 : i32
    %dma_start3A_1826 = tpu.memref_slice %arg4[%dma_start3A_1824, %mul3A_1748, %dma_start3A_1825] : memref<16x1024x512xf32, #tpu.memory_space<hbm>> -> memref<1x32x512xf32, #tpu.memory_space<hbm>>
    %dma_start3A_1827 = tpu.memref_squeeze %dma_start3A_1826 : memref<1x32x512xf32, #tpu.memory_space<hbm>> -> memref<32x512xf32, #tpu.memory_space<hbm>>
    %dma_start3A_1828 = arith.constant 0 : i32
    %dma_start3A_1829 = tpu.memref_slice %arg4[%dma_start3A_1824, %mul3A_1748, %dma_start3A_1828] : memref<16x1024x512xf32, #tpu.memory_space<hbm>> -> memref<1x32x512xf32, #tpu.memory_space<hbm>>
    %dma_start3A_1830 = tpu.memref_squeeze %dma_start3A_1829 : memref<1x32x512xf32, #tpu.memory_space<hbm>> -> memref<32x512xf32, #tpu.memory_space<hbm>>
    tpu.enqueue_dma source(%arg5 : memref<32x512xf32, #tpu.memory_space<vmem>>) target(%dma_start3A_1830 : memref<32x512xf32, #tpu.memory_space<hbm>>) target_semaphore(%arg7 : memref<!tpu.dma_semaphore, #tpu.memory_space<semaphore_mem>>)
    %dma_start3A_1831 = arith.constant 10 : i32
    %dma_start3A_1832 = arith.constant 0 : i32
    %dma_start3A_1833 = tpu.memref_slice %arg4[%dma_start3A_1831, %mul3A_1750, %dma_start3A_1832] : memref<16x1024x512xf32, #tpu.memory_space<hbm>> -> memref<1x32x512xf32, #tpu.memory_space<hbm>>
    %dma_start3A_1834 = tpu.memref_squeeze %dma_start3A_1833 : memref<1x32x512xf32, #tpu.memory_space<hbm>> -> memref<32x512xf32, #tpu.memory_space<hbm>>
    %dma_start3A_1835 = arith.constant 0 : i32
    %dma_start3A_1836 = tpu.memref_slice %arg4[%dma_start3A_1831, %mul3A_1750, %dma_start3A_1835] : memref<16x1024x512xf32, #tpu.memory_space<hbm>> -> memref<1x32x512xf32, #tpu.memory_space<hbm>>
    %dma_start3A_1837 = tpu.memref_squeeze %dma_start3A_1836 : memref<1x32x512xf32, #tpu.memory_space<hbm>> -> memref<32x512xf32, #tpu.memory_space<hbm>>
    tpu.enqueue_dma source(%arg5 : memref<32x512xf32, #tpu.memory_space<vmem>>) target(%dma_start3A_1837 : memref<32x512xf32, #tpu.memory_space<hbm>>) target_semaphore(%arg7 : memref<!tpu.dma_semaphore, #tpu.memory_space<semaphore_mem>>)
    %dma_start3A_1838 = arith.constant 11 : i32
    %dma_start3A_1839 = arith.constant 0 : i32
    %dma_start3A_1840 = tpu.memref_slice %arg4[%dma_start3A_1838, %mul3A_1752, %dma_start3A_1839] : memref<16x1024x512xf32, #tpu.memory_space<hbm>> -> memref<1x32x512xf32, #tpu.memory_space<hbm>>
    %dma_start3A_1841 = tpu.memref_squeeze %dma_start3A_1840 : memref<1x32x512xf32, #tpu.memory_space<hbm>> -> memref<32x512xf32, #tpu.memory_space<hbm>>
    %dma_start3A_1842 = arith.constant 0 : i32
    %dma_start3A_1843 = tpu.memref_slice %arg4[%dma_start3A_1838, %mul3A_1752, %dma_start3A_1842] : memref<16x1024x512xf32, #tpu.memory_space<hbm>> -> memref<1x32x512xf32, #tpu.memory_space<hbm>>
    %dma_start3A_1844 = tpu.memref_squeeze %dma_start3A_1843 : memref<1x32x512xf32, #tpu.memory_space<hbm>> -> memref<32x512xf32, #tpu.memory_space<hbm>>
    tpu.enqueue_dma source(%arg5 : memref<32x512xf32, #tpu.memory_space<vmem>>) target(%dma_start3A_1844 : memref<32x512xf32, #tpu.memory_space<hbm>>) target_semaphore(%arg7 : memref<!tpu.dma_semaphore, #tpu.memory_space<semaphore_mem>>)
    %dma_start3A_1845 = arith.constant 12 : i32
    %dma_start3A_1846 = arith.constant 0 : i32
    %dma_start3A_1847 = tpu.memref_slice %arg4[%dma_start3A_1845, %mul3A_1754, %dma_start3A_1846] : memref<16x1024x512xf32, #tpu.memory_space<hbm>> -> memref<1x32x512xf32, #tpu.memory_space<hbm>>
    %dma_start3A_1848 = tpu.memref_squeeze %dma_start3A_1847 : memref<1x32x512xf32, #tpu.memory_space<hbm>> -> memref<32x512xf32, #tpu.memory_space<hbm>>
    %dma_start3A_1849 = arith.constant 0 : i32
    %dma_start3A_1850 = tpu.memref_slice %arg4[%dma_start3A_1845, %mul3A_1754, %dma_start3A_1849] : memref<16x1024x512xf32, #tpu.memory_space<hbm>> -> memref<1x32x512xf32, #tpu.memory_space<hbm>>
    %dma_start3A_1851 = tpu.memref_squeeze %dma_start3A_1850 : memref<1x32x512xf32, #tpu.memory_space<hbm>> -> memref<32x512xf32, #tpu.memory_space<hbm>>
    tpu.enqueue_dma source(%arg5 : memref<32x512xf32, #tpu.memory_space<vmem>>) target(%dma_start3A_1851 : memref<32x512xf32, #tpu.memory_space<hbm>>) target_semaphore(%arg7 : memref<!tpu.dma_semaphore, #tpu.memory_space<semaphore_mem>>)
    %dma_start3A_1852 = arith.constant 13 : i32
    %dma_start3A_1853 = arith.constant 0 : i32
    %dma_start3A_1854 = tpu.memref_slice %arg4[%dma_start3A_1852, %mul3A_1756, %dma_start3A_1853] : memref<16x1024x512xf32, #tpu.memory_space<hbm>> -> memref<1x32x512xf32, #tpu.memory_space<hbm>>
    %dma_start3A_1855 = tpu.memref_squeeze %dma_start3A_1854 : memref<1x32x512xf32, #tpu.memory_space<hbm>> -> memref<32x512xf32, #tpu.memory_space<hbm>>
    %dma_start3A_1856 = arith.constant 0 : i32
    %dma_start3A_1857 = tpu.memref_slice %arg4[%dma_start3A_1852, %mul3A_1756, %dma_start3A_1856] : memref<16x1024x512xf32, #tpu.memory_space<hbm>> -> memref<1x32x512xf32, #tpu.memory_space<hbm>>
    %dma_start3A_1858 = tpu.memref_squeeze %dma_start3A_1857 : memref<1x32x512xf32, #tpu.memory_space<hbm>> -> memref<32x512xf32, #tpu.memory_space<hbm>>
    tpu.enqueue_dma source(%arg5 : memref<32x512xf32, #tpu.memory_space<vmem>>) target(%dma_start3A_1858 : memref<32x512xf32, #tpu.memory_space<hbm>>) target_semaphore(%arg7 : memref<!tpu.dma_semaphore, #tpu.memory_space<semaphore_mem>>)
    %dma_start3A_1859 = arith.constant 14 : i32
    %dma_start3A_1860 = arith.constant 0 : i32
    %dma_start3A_1861 = tpu.memref_slice %arg4[%dma_start3A_1859, %mul3A_1758, %dma_start3A_1860] : memref<16x1024x512xf32, #tpu.memory_space<hbm>> -> memref<1x32x512xf32, #tpu.memory_space<hbm>>
    %dma_start3A_1862 = tpu.memref_squeeze %dma_start3A_1861 : memref<1x32x512xf32, #tpu.memory_space<hbm>> -> memref<32x512xf32, #tpu.memory_space<hbm>>
    %dma_start3A_1863 = arith.constant 0 : i32
    %dma_start3A_1864 = tpu.memref_slice %arg4[%dma_start3A_1859, %mul3A_1758, %dma_start3A_1863] : memref<16x1024x512xf32, #tpu.memory_space<hbm>> -> memref<1x32x512xf32, #tpu.memory_space<hbm>>
    %dma_start3A_1865 = tpu.memref_squeeze %dma_start3A_1864 : memref<1x32x512xf32, #tpu.memory_space<hbm>> -> memref<32x512xf32, #tpu.memory_space<hbm>>
    tpu.enqueue_dma source(%arg5 : memref<32x512xf32, #tpu.memory_space<vmem>>) target(%dma_start3A_1865 : memref<32x512xf32, #tpu.memory_space<hbm>>) target_semaphore(%arg7 : memref<!tpu.dma_semaphore, #tpu.memory_space<semaphore_mem>>)
    %dma_start3A_1866 = arith.constant 15 : i32
    %dma_start3A_1867 = arith.constant 0 : i32
    %dma_start3A_1868 = tpu.memref_slice %arg4[%dma_start3A_1866, %mul3A_1760, %dma_start3A_1867] : memref<16x1024x512xf32, #tpu.memory_space<hbm>> -> memref<1x32x512xf32, #tpu.memory_space<hbm>>
    %dma_start3A_1869 = tpu.memref_squeeze %dma_start3A_1868 : memref<1x32x512xf32, #tpu.memory_space<hbm>> -> memref<32x512xf32, #tpu.memory_space<hbm>>
    %dma_start3A_1870 = arith.constant 0 : i32
    %dma_start3A_1871 = tpu.memref_slice %arg4[%dma_start3A_1866, %mul3A_1760, %dma_start3A_1870] : memref<16x1024x512xf32, #tpu.memory_space<hbm>> -> memref<1x32x512xf32, #tpu.memory_space<hbm>>
    %dma_start3A_1872 = tpu.memref_squeeze %dma_start3A_1871 : memref<1x32x512xf32, #tpu.memory_space<hbm>> -> memref<32x512xf32, #tpu.memory_space<hbm>>
    tpu.enqueue_dma source(%arg5 : memref<32x512xf32, #tpu.memory_space<vmem>>) target(%dma_start3A_1872 : memref<32x512xf32, #tpu.memory_space<hbm>>) target_semaphore(%arg7 : memref<!tpu.dma_semaphore, #tpu.memory_space<semaphore_mem>>)
    %dma_wait3A_1873 = arith.constant 0 : i32
    %dma_wait3A_1874 = arith.constant 0 : i32
    %dma_wait3A_1875 = tpu.memref_slice %arg4[%dma_wait3A_1873, %mul3A_1730, %dma_wait3A_1874] : memref<16x1024x512xf32, #tpu.memory_space<hbm>> -> memref<1x32x512xf32, #tpu.memory_space<hbm>>
    %dma_wait3A_1876 = tpu.memref_squeeze %dma_wait3A_1875 : memref<1x32x512xf32, #tpu.memory_space<hbm>> -> memref<32x512xf32, #tpu.memory_space<hbm>>
    %dma_wait3A_1877 = arith.constant 0 : i32
    %dma_wait3A_1878 = tpu.memref_slice %arg4[%dma_wait3A_1873, %mul3A_1730, %dma_wait3A_1877] : memref<16x1024x512xf32, #tpu.memory_space<hbm>> -> memref<1x32x512xf32, #tpu.memory_space<hbm>>
    %dma_wait3A_1879 = tpu.memref_squeeze %dma_wait3A_1878 : memref<1x32x512xf32, #tpu.memory_space<hbm>> -> memref<32x512xf32, #tpu.memory_space<hbm>>
    tpu.wait_dma2 semaphore(%arg7 : memref<!tpu.dma_semaphore, #tpu.memory_space<semaphore_mem>>) src(%arg5 : memref<32x512xf32, #tpu.memory_space<vmem>>) dst(%dma_wait3A_1879 : memref<32x512xf32, #tpu.memory_space<hbm>>)
    %dma_wait3A_1880 = arith.constant 1 : i32
    %dma_wait3A_1881 = arith.constant 0 : i32
    %dma_wait3A_1882 = tpu.memref_slice %arg4[%dma_wait3A_1880, %mul3A_1732, %dma_wait3A_1881] : memref<16x1024x512xf32, #tpu.memory_space<hbm>> -> memref<1x32x512xf32, #tpu.memory_space<hbm>>
    %dma_wait3A_1883 = tpu.memref_squeeze %dma_wait3A_1882 : memref<1x32x512xf32, #tpu.memory_space<hbm>> -> memref<32x512xf32, #tpu.memory_space<hbm>>
    %dma_wait3A_1884 = arith.constant 0 : i32
    %dma_wait3A_1885 = tpu.memref_slice %arg4[%dma_wait3A_1880, %mul3A_1732, %dma_wait3A_1884] : memref<16x1024x512xf32, #tpu.memory_space<hbm>> -> memref<1x32x512xf32, #tpu.memory_space<hbm>>
    %dma_wait3A_1886 = tpu.memref_squeeze %dma_wait3A_1885 : memref<1x32x512xf32, #tpu.memory_space<hbm>> -> memref<32x512xf32, #tpu.memory_space<hbm>>
    tpu.wait_dma2 semaphore(%arg7 : memref<!tpu.dma_semaphore, #tpu.memory_space<semaphore_mem>>) src(%arg5 : memref<32x512xf32, #tpu.memory_space<vmem>>) dst(%dma_wait3A_1886 : memref<32x512xf32, #tpu.memory_space<hbm>>)
    %dma_wait3A_1887 = arith.constant 2 : i32
    %dma_wait3A_1888 = arith.constant 0 : i32
    %dma_wait3A_1889 = tpu.memref_slice %arg4[%dma_wait3A_1887, %mul3A_1734, %dma_wait3A_1888] : memref<16x1024x512xf32, #tpu.memory_space<hbm>> -> memref<1x32x512xf32, #tpu.memory_space<hbm>>
    %dma_wait3A_1890 = tpu.memref_squeeze %dma_wait3A_1889 : memref<1x32x512xf32, #tpu.memory_space<hbm>> -> memref<32x512xf32, #tpu.memory_space<hbm>>
    %dma_wait3A_1891 = arith.constant 0 : i32
    %dma_wait3A_1892 = tpu.memref_slice %arg4[%dma_wait3A_1887, %mul3A_1734, %dma_wait3A_1891] : memref<16x1024x512xf32, #tpu.memory_space<hbm>> -> memref<1x32x512xf32, #tpu.memory_space<hbm>>
    %dma_wait3A_1893 = tpu.memref_squeeze %dma_wait3A_1892 : memref<1x32x512xf32, #tpu.memory_space<hbm>> -> memref<32x512xf32, #tpu.memory_space<hbm>>
    tpu.wait_dma2 semaphore(%arg7 : memref<!tpu.dma_semaphore, #tpu.memory_space<semaphore_mem>>) src(%arg5 : memref<32x512xf32, #tpu.memory_space<vmem>>) dst(%dma_wait3A_1893 : memref<32x512xf32, #tpu.memory_space<hbm>>)
    %dma_wait3A_1894 = arith.constant 3 : i32
    %dma_wait3A_1895 = arith.constant 0 : i32
    %dma_wait3A_1896 = tpu.memref_slice %arg4[%dma_wait3A_1894, %mul3A_1736, %dma_wait3A_1895] : memref<16x1024x512xf32, #tpu.memory_space<hbm>> -> memref<1x32x512xf32, #tpu.memory_space<hbm>>
    %dma_wait3A_1897 = tpu.memref_squeeze %dma_wait3A_1896 : memref<1x32x512xf32, #tpu.memory_space<hbm>> -> memref<32x512xf32, #tpu.memory_space<hbm>>
    %dma_wait3A_1898 = arith.constant 0 : i32
    %dma_wait3A_1899 = tpu.memref_slice %arg4[%dma_wait3A_1894, %mul3A_1736, %dma_wait3A_1898] : memref<16x1024x512xf32, #tpu.memory_space<hbm>> -> memref<1x32x512xf32, #tpu.memory_space<hbm>>
    %dma_wait3A_1900 = tpu.memref_squeeze %dma_wait3A_1899 : memref<1x32x512xf32, #tpu.memory_space<hbm>> -> memref<32x512xf32, #tpu.memory_space<hbm>>
    tpu.wait_dma2 semaphore(%arg7 : memref<!tpu.dma_semaphore, #tpu.memory_space<semaphore_mem>>) src(%arg5 : memref<32x512xf32, #tpu.memory_space<vmem>>) dst(%dma_wait3A_1900 : memref<32x512xf32, #tpu.memory_space<hbm>>)
    %dma_wait3A_1901 = arith.constant 4 : i32
    %dma_wait3A_1902 = arith.constant 0 : i32
    %dma_wait3A_1903 = tpu.memref_slice %arg4[%dma_wait3A_1901, %mul3A_1738, %dma_wait3A_1902] : memref<16x1024x512xf32, #tpu.memory_space<hbm>> -> memref<1x32x512xf32, #tpu.memory_space<hbm>>
    %dma_wait3A_1904 = tpu.memref_squeeze %dma_wait3A_1903 : memref<1x32x512xf32, #tpu.memory_space<hbm>> -> memref<32x512xf32, #tpu.memory_space<hbm>>
    %dma_wait3A_1905 = arith.constant 0 : i32
    %dma_wait3A_1906 = tpu.memref_slice %arg4[%dma_wait3A_1901, %mul3A_1738, %dma_wait3A_1905] : memref<16x1024x512xf32, #tpu.memory_space<hbm>> -> memref<1x32x512xf32, #tpu.memory_space<hbm>>
    %dma_wait3A_1907 = tpu.memref_squeeze %dma_wait3A_1906 : memref<1x32x512xf32, #tpu.memory_space<hbm>> -> memref<32x512xf32, #tpu.memory_space<hbm>>
    tpu.wait_dma2 semaphore(%arg7 : memref<!tpu.dma_semaphore, #tpu.memory_space<semaphore_mem>>) src(%arg5 : memref<32x512xf32, #tpu.memory_space<vmem>>) dst(%dma_wait3A_1907 : memref<32x512xf32, #tpu.memory_space<hbm>>)
    %dma_wait3A_1908 = arith.constant 5 : i32
    %dma_wait3A_1909 = arith.constant 0 : i32
    %dma_wait3A_1910 = tpu.memref_slice %arg4[%dma_wait3A_1908, %mul3A_1740, %dma_wait3A_1909] : memref<16x1024x512xf32, #tpu.memory_space<hbm>> -> memref<1x32x512xf32, #tpu.memory_space<hbm>>
    %dma_wait3A_1911 = tpu.memref_squeeze %dma_wait3A_1910 : memref<1x32x512xf32, #tpu.memory_space<hbm>> -> memref<32x512xf32, #tpu.memory_space<hbm>>
    %dma_wait3A_1912 = arith.constant 0 : i32
    %dma_wait3A_1913 = tpu.memref_slice %arg4[%dma_wait3A_1908, %mul3A_1740, %dma_wait3A_1912] : memref<16x1024x512xf32, #tpu.memory_space<hbm>> -> memref<1x32x512xf32, #tpu.memory_space<hbm>>
    %dma_wait3A_1914 = tpu.memref_squeeze %dma_wait3A_1913 : memref<1x32x512xf32, #tpu.memory_space<hbm>> -> memref<32x512xf32, #tpu.memory_space<hbm>>
    tpu.wait_dma2 semaphore(%arg7 : memref<!tpu.dma_semaphore, #tpu.memory_space<semaphore_mem>>) src(%arg5 : memref<32x512xf32, #tpu.memory_space<vmem>>) dst(%dma_wait3A_1914 : memref<32x512xf32, #tpu.memory_space<hbm>>)
    %dma_wait3A_1915 = arith.constant 6 : i32
    %dma_wait3A_1916 = arith.constant 0 : i32
    %dma_wait3A_1917 = tpu.memref_slice %arg4[%dma_wait3A_1915, %mul3A_1742, %dma_wait3A_1916] : memref<16x1024x512xf32, #tpu.memory_space<hbm>> -> memref<1x32x512xf32, #tpu.memory_space<hbm>>
    %dma_wait3A_1918 = tpu.memref_squeeze %dma_wait3A_1917 : memref<1x32x512xf32, #tpu.memory_space<hbm>> -> memref<32x512xf32, #tpu.memory_space<hbm>>
    %dma_wait3A_1919 = arith.constant 0 : i32
    %dma_wait3A_1920 = tpu.memref_slice %arg4[%dma_wait3A_1915, %mul3A_1742, %dma_wait3A_1919] : memref<16x1024x512xf32, #tpu.memory_space<hbm>> -> memref<1x32x512xf32, #tpu.memory_space<hbm>>
    %dma_wait3A_1921 = tpu.memref_squeeze %dma_wait3A_1920 : memref<1x32x512xf32, #tpu.memory_space<hbm>> -> memref<32x512xf32, #tpu.memory_space<hbm>>
    tpu.wait_dma2 semaphore(%arg7 : memref<!tpu.dma_semaphore, #tpu.memory_space<semaphore_mem>>) src(%arg5 : memref<32x512xf32, #tpu.memory_space<vmem>>) dst(%dma_wait3A_1921 : memref<32x512xf32, #tpu.memory_space<hbm>>)
    %dma_wait3A_1922 = arith.constant 7 : i32
    %dma_wait3A_1923 = arith.constant 0 : i32
    %dma_wait3A_1924 = tpu.memref_slice %arg4[%dma_wait3A_1922, %mul3A_1744, %dma_wait3A_1923] : memref<16x1024x512xf32, #tpu.memory_space<hbm>> -> memref<1x32x512xf32, #tpu.memory_space<hbm>>
    %dma_wait3A_1925 = tpu.memref_squeeze %dma_wait3A_1924 : memref<1x32x512xf32, #tpu.memory_space<hbm>> -> memref<32x512xf32, #tpu.memory_space<hbm>>
    %dma_wait3A_1926 = arith.constant 0 : i32
    %dma_wait3A_1927 = tpu.memref_slice %arg4[%dma_wait3A_1922, %mul3A_1744, %dma_wait3A_1926] : memref<16x1024x512xf32, #tpu.memory_space<hbm>> -> memref<1x32x512xf32, #tpu.memory_space<hbm>>
    %dma_wait3A_1928 = tpu.memref_squeeze %dma_wait3A_1927 : memref<1x32x512xf32, #tpu.memory_space<hbm>> -> memref<32x512xf32, #tpu.memory_space<hbm>>
    tpu.wait_dma2 semaphore(%arg7 : memref<!tpu.dma_semaphore, #tpu.memory_space<semaphore_mem>>) src(%arg5 : memref<32x512xf32, #tpu.memory_space<vmem>>) dst(%dma_wait3A_1928 : memref<32x512xf32, #tpu.memory_space<hbm>>)
    %dma_wait3A_1929 = arith.constant 8 : i32
    %dma_wait3A_1930 = arith.constant 0 : i32
    %dma_wait3A_1931 = tpu.memref_slice %arg4[%dma_wait3A_1929, %mul3A_1746, %dma_wait3A_1930] : memref<16x1024x512xf32, #tpu.memory_space<hbm>> -> memref<1x32x512xf32, #tpu.memory_space<hbm>>
    %dma_wait3A_1932 = tpu.memref_squeeze %dma_wait3A_1931 : memref<1x32x512xf32, #tpu.memory_space<hbm>> -> memref<32x512xf32, #tpu.memory_space<hbm>>
    %dma_wait3A_1933 = arith.constant 0 : i32
    %dma_wait3A_1934 = tpu.memref_slice %arg4[%dma_wait3A_1929, %mul3A_1746, %dma_wait3A_1933] : memref<16x1024x512xf32, #tpu.memory_space<hbm>> -> memref<1x32x512xf32, #tpu.memory_space<hbm>>
    %dma_wait3A_1935 = tpu.memref_squeeze %dma_wait3A_1934 : memref<1x32x512xf32, #tpu.memory_space<hbm>> -> memref<32x512xf32, #tpu.memory_space<hbm>>
    tpu.wait_dma2 semaphore(%arg7 : memref<!tpu.dma_semaphore, #tpu.memory_space<semaphore_mem>>) src(%arg5 : memref<32x512xf32, #tpu.memory_space<vmem>>) dst(%dma_wait3A_1935 : memref<32x512xf32, #tpu.memory_space<hbm>>)
    %dma_wait3A_1936 = arith.constant 9 : i32
    %dma_wait3A_1937 = arith.constant 0 : i32
    %dma_wait3A_1938 = tpu.memref_slice %arg4[%dma_wait3A_1936, %mul3A_1748, %dma_wait3A_1937] : memref<16x1024x512xf32, #tpu.memory_space<hbm>> -> memref<1x32x512xf32, #tpu.memory_space<hbm>>
    %dma_wait3A_1939 = tpu.memref_squeeze %dma_wait3A_1938 : memref<1x32x512xf32, #tpu.memory_space<hbm>> -> memref<32x512xf32, #tpu.memory_space<hbm>>
    %dma_wait3A_1940 = arith.constant 0 : i32
    %dma_wait3A_1941 = tpu.memref_slice %arg4[%dma_wait3A_1936, %mul3A_1748, %dma_wait3A_1940] : memref<16x1024x512xf32, #tpu.memory_space<hbm>> -> memref<1x32x512xf32, #tpu.memory_space<hbm>>
    %dma_wait3A_1942 = tpu.memref_squeeze %dma_wait3A_1941 : memref<1x32x512xf32, #tpu.memory_space<hbm>> -> memref<32x512xf32, #tpu.memory_space<hbm>>
    tpu.wait_dma2 semaphore(%arg7 : memref<!tpu.dma_semaphore, #tpu.memory_space<semaphore_mem>>) src(%arg5 : memref<32x512xf32, #tpu.memory_space<vmem>>) dst(%dma_wait3A_1942 : memref<32x512xf32, #tpu.memory_space<hbm>>)
    %dma_wait3A_1943 = arith.constant 10 : i32
    %dma_wait3A_1944 = arith.constant 0 : i32
    %dma_wait3A_1945 = tpu.memref_slice %arg4[%dma_wait3A_1943, %mul3A_1750, %dma_wait3A_1944] : memref<16x1024x512xf32, #tpu.memory_space<hbm>> -> memref<1x32x512xf32, #tpu.memory_space<hbm>>
    %dma_wait3A_1946 = tpu.memref_squeeze %dma_wait3A_1945 : memref<1x32x512xf32, #tpu.memory_space<hbm>> -> memref<32x512xf32, #tpu.memory_space<hbm>>
    %dma_wait3A_1947 = arith.constant 0 : i32
    %dma_wait3A_1948 = tpu.memref_slice %arg4[%dma_wait3A_1943, %mul3A_1750, %dma_wait3A_1947] : memref<16x1024x512xf32, #tpu.memory_space<hbm>> -> memref<1x32x512xf32, #tpu.memory_space<hbm>>
    %dma_wait3A_1949 = tpu.memref_squeeze %dma_wait3A_1948 : memref<1x32x512xf32, #tpu.memory_space<hbm>> -> memref<32x512xf32, #tpu.memory_space<hbm>>
    tpu.wait_dma2 semaphore(%arg7 : memref<!tpu.dma_semaphore, #tpu.memory_space<semaphore_mem>>) src(%arg5 : memref<32x512xf32, #tpu.memory_space<vmem>>) dst(%dma_wait3A_1949 : memref<32x512xf32, #tpu.memory_space<hbm>>)
    %dma_wait3A_1950 = arith.constant 11 : i32
    %dma_wait3A_1951 = arith.constant 0 : i32
    %dma_wait3A_1952 = tpu.memref_slice %arg4[%dma_wait3A_1950, %mul3A_1752, %dma_wait3A_1951] : memref<16x1024x512xf32, #tpu.memory_space<hbm>> -> memref<1x32x512xf32, #tpu.memory_space<hbm>>
    %dma_wait3A_1953 = tpu.memref_squeeze %dma_wait3A_1952 : memref<1x32x512xf32, #tpu.memory_space<hbm>> -> memref<32x512xf32, #tpu.memory_space<hbm>>
    %dma_wait3A_1954 = arith.constant 0 : i32
    %dma_wait3A_1955 = tpu.memref_slice %arg4[%dma_wait3A_1950, %mul3A_1752, %dma_wait3A_1954] : memref<16x1024x512xf32, #tpu.memory_space<hbm>> -> memref<1x32x512xf32, #tpu.memory_space<hbm>>
    %dma_wait3A_1956 = tpu.memref_squeeze %dma_wait3A_1955 : memref<1x32x512xf32, #tpu.memory_space<hbm>> -> memref<32x512xf32, #tpu.memory_space<hbm>>
    tpu.wait_dma2 semaphore(%arg7 : memref<!tpu.dma_semaphore, #tpu.memory_space<semaphore_mem>>) src(%arg5 : memref<32x512xf32, #tpu.memory_space<vmem>>) dst(%dma_wait3A_1956 : memref<32x512xf32, #tpu.memory_space<hbm>>)
    %dma_wait3A_1957 = arith.constant 12 : i32
    %dma_wait3A_1958 = arith.constant 0 : i32
    %dma_wait3A_1959 = tpu.memref_slice %arg4[%dma_wait3A_1957, %mul3A_1754, %dma_wait3A_1958] : memref<16x1024x512xf32, #tpu.memory_space<hbm>> -> memref<1x32x512xf32, #tpu.memory_space<hbm>>
    %dma_wait3A_1960 = tpu.memref_squeeze %dma_wait3A_1959 : memref<1x32x512xf32, #tpu.memory_space<hbm>> -> memref<32x512xf32, #tpu.memory_space<hbm>>
    %dma_wait3A_1961 = arith.constant 0 : i32
    %dma_wait3A_1962 = tpu.memref_slice %arg4[%dma_wait3A_1957, %mul3A_1754, %dma_wait3A_1961] : memref<16x1024x512xf32, #tpu.memory_space<hbm>> -> memref<1x32x512xf32, #tpu.memory_space<hbm>>
    %dma_wait3A_1963 = tpu.memref_squeeze %dma_wait3A_1962 : memref<1x32x512xf32, #tpu.memory_space<hbm>> -> memref<32x512xf32, #tpu.memory_space<hbm>>
    tpu.wait_dma2 semaphore(%arg7 : memref<!tpu.dma_semaphore, #tpu.memory_space<semaphore_mem>>) src(%arg5 : memref<32x512xf32, #tpu.memory_space<vmem>>) dst(%dma_wait3A_1963 : memref<32x512xf32, #tpu.memory_space<hbm>>)
    %dma_wait3A_1964 = arith.constant 13 : i32
    %dma_wait3A_1965 = arith.constant 0 : i32
    %dma_wait3A_1966 = tpu.memref_slice %arg4[%dma_wait3A_1964, %mul3A_1756, %dma_wait3A_1965] : memref<16x1024x512xf32, #tpu.memory_space<hbm>> -> memref<1x32x512xf32, #tpu.memory_space<hbm>>
    %dma_wait3A_1967 = tpu.memref_squeeze %dma_wait3A_1966 : memref<1x32x512xf32, #tpu.memory_space<hbm>> -> memref<32x512xf32, #tpu.memory_space<hbm>>
    %dma_wait3A_1968 = arith.constant 0 : i32
    %dma_wait3A_1969 = tpu.memref_slice %arg4[%dma_wait3A_1964, %mul3A_1756, %dma_wait3A_1968] : memref<16x1024x512xf32, #tpu.memory_space<hbm>> -> memref<1x32x512xf32, #tpu.memory_space<hbm>>
    %dma_wait3A_1970 = tpu.memref_squeeze %dma_wait3A_1969 : memref<1x32x512xf32, #tpu.memory_space<hbm>> -> memref<32x512xf32, #tpu.memory_space<hbm>>
    tpu.wait_dma2 semaphore(%arg7 : memref<!tpu.dma_semaphore, #tpu.memory_space<semaphore_mem>>) src(%arg5 : memref<32x512xf32, #tpu.memory_space<vmem>>) dst(%dma_wait3A_1970 : memref<32x512xf32, #tpu.memory_space<hbm>>)
    %dma_wait3A_1971 = arith.constant 14 : i32
    %dma_wait3A_1972 = arith.constant 0 : i32
    %dma_wait3A_1973 = tpu.memref_slice %arg4[%dma_wait3A_1971, %mul3A_1758, %dma_wait3A_1972] : memref<16x1024x512xf32, #tpu.memory_space<hbm>> -> memref<1x32x512xf32, #tpu.memory_space<hbm>>
    %dma_wait3A_1974 = tpu.memref_squeeze %dma_wait3A_1973 : memref<1x32x512xf32, #tpu.memory_space<hbm>> -> memref<32x512xf32, #tpu.memory_space<hbm>>
    %dma_wait3A_1975 = arith.constant 0 : i32
    %dma_wait3A_1976 = tpu.memref_slice %arg4[%dma_wait3A_1971, %mul3A_1758, %dma_wait3A_1975] : memref<16x1024x512xf32, #tpu.memory_space<hbm>> -> memref<1x32x512xf32, #tpu.memory_space<hbm>>
    %dma_wait3A_1977 = tpu.memref_squeeze %dma_wait3A_1976 : memref<1x32x512xf32, #tpu.memory_space<hbm>> -> memref<32x512xf32, #tpu.memory_space<hbm>>
    tpu.wait_dma2 semaphore(%arg7 : memref<!tpu.dma_semaphore, #tpu.memory_space<semaphore_mem>>) src(%arg5 : memref<32x512xf32, #tpu.memory_space<vmem>>) dst(%dma_wait3A_1977 : memref<32x512xf32, #tpu.memory_space<hbm>>)
    %dma_wait3A_1978 = arith.constant 15 : i32
    %dma_wait3A_1979 = arith.constant 0 : i32
    %dma_wait3A_1980 = tpu.memref_slice %arg4[%dma_wait3A_1978, %mul3A_1760, %dma_wait3A_1979] : memref<16x1024x512xf32, #tpu.memory_space<hbm>> -> memref<1x32x512xf32, #tpu.memory_space<hbm>>
    %dma_wait3A_1981 = tpu.memref_squeeze %dma_wait3A_1980 : memref<1x32x512xf32, #tpu.memory_space<hbm>> -> memref<32x512xf32, #tpu.memory_space<hbm>>
    %dma_wait3A_1982 = arith.constant 0 : i32
    %dma_wait3A_1983 = tpu.memref_slice %arg4[%dma_wait3A_1978, %mul3A_1760, %dma_wait3A_1982] : memref<16x1024x512xf32, #tpu.memory_space<hbm>> -> memref<1x32x512xf32, #tpu.memory_space<hbm>>
    %dma_wait3A_1984 = tpu.memref_squeeze %dma_wait3A_1983 : memref<1x32x512xf32, #tpu.memory_space<hbm>> -> memref<32x512xf32, #tpu.memory_space<hbm>>
    tpu.wait_dma2 semaphore(%arg7 : memref<!tpu.dma_semaphore, #tpu.memory_space<semaphore_mem>>) src(%arg5 : memref<32x512xf32, #tpu.memory_space<vmem>>) dst(%dma_wait3A_1984 : memref<32x512xf32, #tpu.memory_space<hbm>>)
    return
  }
}

module attributes {stable_mosaic.version = 14 : i64} {
  func.func @_tc_kernel(%arg0: memref<60x256xf32, #tpu.memory_space<vmem>>, %arg1: memref<60x256xf32, #tpu.memory_space<vmem>>, %arg2: memref<60x256xf32, #tpu.memory_space<vmem>>, %arg3: memref<64x512xf32, #tpu.memory_space<vmem>>, %arg4: memref<48x1024x512xf32, #tpu.memory_space<any>>, %arg5: memref<1x1024x512xf32, #tpu.memory_space<vmem>>, %arg6: memref<2x!tpu.dma_semaphore, #tpu.memory_space<semaphore_mem>>) attributes {dimension_semantics = [], scalar_prefetch = 0 : i64, scratch_operands = 2 : i64, tpu.core_type = #tpu.core_type<tc>} {
    %get3A = arith.constant 1 : index
    %get3A_0 = arith.constant 0 : index
    %get3A_1 = vector.load %arg1[%get3A, %get3A_0] : memref<60x256xf32, #tpu.memory_space<vmem>>, vector<32x256xf32>
    %get3A_2 = arith.constant 1 : index
    %get3A_3 = arith.constant 0 : index
    %get3A_4 = vector.load %arg0[%get3A_2, %get3A_3] : memref<60x256xf32, #tpu.memory_space<vmem>>, vector<32x256xf32>
    %broadcast_in_dim3A = vector.shape_cast %get3A_1 : vector<32x256xf32> to vector<1x32x256xf32>
    %broadcast_in_dim3A_5 = vector.shape_cast %broadcast_in_dim3A : vector<1x32x256xf32> to vector<1x32x256xf32>
    %broadcast_in_dim3A_6 = vector.broadcast %broadcast_in_dim3A_5 : vector<1x32x256xf32> to vector<32x32x256xf32>
    %reshape3A = vector.shape_cast %broadcast_in_dim3A_6 : vector<32x32x256xf32> to vector<1024x256xf32>
    %broadcast_in_dim3A_7 = vector.shape_cast %get3A_4 : vector<32x256xf32> to vector<32x1x256xf32>
    %broadcast_in_dim3A_8 = vector.shape_cast %broadcast_in_dim3A_7 : vector<32x1x256xf32> to vector<32x1x256xf32>
    %broadcast_in_dim3A_9 = vector.broadcast %broadcast_in_dim3A_8 : vector<32x1x256xf32> to vector<32x32x256xf32>
    %reshape3A_10 = vector.shape_cast %broadcast_in_dim3A_9 : vector<32x32x256xf32> to vector<1024x256xf32>
    %concatenate3A = tpu.concatenate %reshape3A, %reshape3A_10 in 1 : vector<1024x256xf32>, vector<1024x256xf32> -> vector<1024x512xf32>
    %broadcast_in_dim3A_11 = vector.shape_cast %concatenate3A : vector<1024x512xf32> to vector<1x1024x512xf32>
    %swap3A = arith.constant 0 : index
    %swap3A_12 = arith.constant 0 : index
    %swap3A_13 = arith.constant 0 : index
    %swap3A_14 = vector.load %arg5[%swap3A, %swap3A_12, %swap3A_13] : memref<1x1024x512xf32, #tpu.memory_space<vmem>>, vector<1x1024x512xf32>
    tpu.vector_store %arg5[%swap3A, %swap3A_12, %swap3A_13], %broadcast_in_dim3A_11 {strides = array<i32>} : memref<1x1024x512xf32, #tpu.memory_space<vmem>>, vector<1x1024x512xf32>,
    %get3A_15 = arith.constant 0 : index
    %get3A_16 = arith.constant 0 : index
    %get3A_17 = vector.load %arg2[%get3A_15, %get3A_16] : memref<60x256xf32, #tpu.memory_space<vmem>>, vector<1x256xf32>
    %get3A_18 = vector.shape_cast %get3A_17 : vector<1x256xf32> to vector<256xf32>
    %concatenate3A_19 = tpu.concatenate %get3A_18, %get3A_18 in 0 : vector<256xf32>, vector<256xf32> -> vector<512xf32>
    %broadcast_in_dim3A_20 = vector.shape_cast %concatenate3A_19 : vector<512xf32> to vector<1x512xf32>
    %broadcast_in_dim3A_21 = vector.shape_cast %broadcast_in_dim3A_20 : vector<1x512xf32> to vector<1x512xf32>
    %broadcast_in_dim3A_22 = vector.broadcast %broadcast_in_dim3A_21 : vector<1x512xf32> to vector<64x512xf32>
    %swap3A_23 = arith.constant 0 : index
    %swap3A_24 = arith.constant 0 : index
    %swap3A_25 = vector.load %arg3[%swap3A_23, %swap3A_24] : memref<64x512xf32, #tpu.memory_space<vmem>>, vector<64x512xf32>
    tpu.vector_store %arg3[%swap3A_23, %swap3A_24], %broadcast_in_dim3A_22 {strides = array<i32>} : memref<64x512xf32, #tpu.memory_space<vmem>>, vector<64x512xf32>,
    %dma_start3A = arith.constant 0 : i32
    %dma_start3A_26 = tpu.memref_slice %arg6[%dma_start3A] : memref<2x!tpu.dma_semaphore, #tpu.memory_space<semaphore_mem>> -> memref<1x!tpu.dma_semaphore, #tpu.memory_space<semaphore_mem>>
    %dma_start3A_27 = tpu.memref_squeeze %dma_start3A_26 : memref<1x!tpu.dma_semaphore, #tpu.memory_space<semaphore_mem>> -> memref<!tpu.dma_semaphore, #tpu.memory_space<semaphore_mem>>
    %dma_start3A_28 = arith.constant 0 : i32
    %dma_start3A_29 = arith.constant 0 : i32
    %dma_start3A_30 = arith.constant 0 : i32
    %dma_start3A_31 = tpu.memref_slice %arg4[%dma_start3A_28, %dma_start3A_29, %dma_start3A_30] : memref<48x1024x512xf32, #tpu.memory_space<any>> -> memref<1x1024x512xf32, #tpu.memory_space<any>>
    tpu.enqueue_dma source(%arg5 : memref<1x1024x512xf32, #tpu.memory_space<vmem>>) target(%dma_start3A_31 : memref<1x1024x512xf32, #tpu.memory_space<any>>) target_semaphore(%dma_start3A_27 : memref<!tpu.dma_semaphore, #tpu.memory_space<semaphore_mem>>)
    %dma_start3A_32 = arith.constant 1 : i32
    %dma_start3A_33 = tpu.memref_slice %arg6[%dma_start3A_32] : memref<2x!tpu.dma_semaphore, #tpu.memory_space<semaphore_mem>> -> memref<1x!tpu.dma_semaphore, #tpu.memory_space<semaphore_mem>>
    %dma_start3A_34 = tpu.memref_squeeze %dma_start3A_33 : memref<1x!tpu.dma_semaphore, #tpu.memory_space<semaphore_mem>> -> memref<!tpu.dma_semaphore, #tpu.memory_space<semaphore_mem>>
    %dma_start3A_35 = arith.constant 1 : i32
    %dma_start3A_36 = arith.constant 0 : i32
    %dma_start3A_37 = arith.constant 0 : i32
    %dma_start3A_38 = tpu.memref_slice %arg4[%dma_start3A_35, %dma_start3A_36, %dma_start3A_37] : memref<48x1024x512xf32, #tpu.memory_space<any>> -> memref<1x1024x512xf32, #tpu.memory_space<any>>
    tpu.enqueue_dma source(%arg5 : memref<1x1024x512xf32, #tpu.memory_space<vmem>>) target(%dma_start3A_38 : memref<1x1024x512xf32, #tpu.memory_space<any>>) target_semaphore(%dma_start3A_34 : memref<!tpu.dma_semaphore, #tpu.memory_space<semaphore_mem>>)
    %dma_start3A_39 = arith.constant 0 : i32
    %dma_start3A_40 = tpu.memref_slice %arg6[%dma_start3A_39] : memref<2x!tpu.dma_semaphore, #tpu.memory_space<semaphore_mem>> -> memref<1x!tpu.dma_semaphore, #tpu.memory_space<semaphore_mem>>
    %dma_start3A_41 = tpu.memref_squeeze %dma_start3A_40 : memref<1x!tpu.dma_semaphore, #tpu.memory_space<semaphore_mem>> -> memref<!tpu.dma_semaphore, #tpu.memory_space<semaphore_mem>>
    %dma_start3A_42 = arith.constant 2 : i32
    %dma_start3A_43 = arith.constant 0 : i32
    %dma_start3A_44 = arith.constant 0 : i32
    %dma_start3A_45 = tpu.memref_slice %arg4[%dma_start3A_42, %dma_start3A_43, %dma_start3A_44] : memref<48x1024x512xf32, #tpu.memory_space<any>> -> memref<1x1024x512xf32, #tpu.memory_space<any>>
    tpu.enqueue_dma source(%arg5 : memref<1x1024x512xf32, #tpu.memory_space<vmem>>) target(%dma_start3A_45 : memref<1x1024x512xf32, #tpu.memory_space<any>>) target_semaphore(%dma_start3A_41 : memref<!tpu.dma_semaphore, #tpu.memory_space<semaphore_mem>>)
    %dma_start3A_46 = arith.constant 1 : i32
    %dma_start3A_47 = tpu.memref_slice %arg6[%dma_start3A_46] : memref<2x!tpu.dma_semaphore, #tpu.memory_space<semaphore_mem>> -> memref<1x!tpu.dma_semaphore, #tpu.memory_space<semaphore_mem>>
    %dma_start3A_48 = tpu.memref_squeeze %dma_start3A_47 : memref<1x!tpu.dma_semaphore, #tpu.memory_space<semaphore_mem>> -> memref<!tpu.dma_semaphore, #tpu.memory_space<semaphore_mem>>
    %dma_start3A_49 = arith.constant 3 : i32
    %dma_start3A_50 = arith.constant 0 : i32
    %dma_start3A_51 = arith.constant 0 : i32
    %dma_start3A_52 = tpu.memref_slice %arg4[%dma_start3A_49, %dma_start3A_50, %dma_start3A_51] : memref<48x1024x512xf32, #tpu.memory_space<any>> -> memref<1x1024x512xf32, #tpu.memory_space<any>>
    tpu.enqueue_dma source(%arg5 : memref<1x1024x512xf32, #tpu.memory_space<vmem>>) target(%dma_start3A_52 : memref<1x1024x512xf32, #tpu.memory_space<any>>) target_semaphore(%dma_start3A_48 : memref<!tpu.dma_semaphore, #tpu.memory_space<semaphore_mem>>)
    %dma_start3A_53 = arith.constant 0 : i32
    %dma_start3A_54 = tpu.memref_slice %arg6[%dma_start3A_53] : memref<2x!tpu.dma_semaphore, #tpu.memory_space<semaphore_mem>> -> memref<1x!tpu.dma_semaphore, #tpu.memory_space<semaphore_mem>>
    %dma_start3A_55 = tpu.memref_squeeze %dma_start3A_54 : memref<1x!tpu.dma_semaphore, #tpu.memory_space<semaphore_mem>> -> memref<!tpu.dma_semaphore, #tpu.memory_space<semaphore_mem>>
    %dma_start3A_56 = arith.constant 4 : i32
    %dma_start3A_57 = arith.constant 0 : i32
    %dma_start3A_58 = arith.constant 0 : i32
    %dma_start3A_59 = tpu.memref_slice %arg4[%dma_start3A_56, %dma_start3A_57, %dma_start3A_58] : memref<48x1024x512xf32, #tpu.memory_space<any>> -> memref<1x1024x512xf32, #tpu.memory_space<any>>
    tpu.enqueue_dma source(%arg5 : memref<1x1024x512xf32, #tpu.memory_space<vmem>>) target(%dma_start3A_59 : memref<1x1024x512xf32, #tpu.memory_space<any>>) target_semaphore(%dma_start3A_55 : memref<!tpu.dma_semaphore, #tpu.memory_space<semaphore_mem>>)
    %dma_start3A_60 = arith.constant 1 : i32
    %dma_start3A_61 = tpu.memref_slice %arg6[%dma_start3A_60] : memref<2x!tpu.dma_semaphore, #tpu.memory_space<semaphore_mem>> -> memref<1x!tpu.dma_semaphore, #tpu.memory_space<semaphore_mem>>
    %dma_start3A_62 = tpu.memref_squeeze %dma_start3A_61 : memref<1x!tpu.dma_semaphore, #tpu.memory_space<semaphore_mem>> -> memref<!tpu.dma_semaphore, #tpu.memory_space<semaphore_mem>>
    %dma_start3A_63 = arith.constant 5 : i32
    %dma_start3A_64 = arith.constant 0 : i32
    %dma_start3A_65 = arith.constant 0 : i32
    %dma_start3A_66 = tpu.memref_slice %arg4[%dma_start3A_63, %dma_start3A_64, %dma_start3A_65] : memref<48x1024x512xf32, #tpu.memory_space<any>> -> memref<1x1024x512xf32, #tpu.memory_space<any>>
    tpu.enqueue_dma source(%arg5 : memref<1x1024x512xf32, #tpu.memory_space<vmem>>) target(%dma_start3A_66 : memref<1x1024x512xf32, #tpu.memory_space<any>>) target_semaphore(%dma_start3A_62 : memref<!tpu.dma_semaphore, #tpu.memory_space<semaphore_mem>>)
    %dma_start3A_67 = arith.constant 0 : i32
    %dma_start3A_68 = tpu.memref_slice %arg6[%dma_start3A_67] : memref<2x!tpu.dma_semaphore, #tpu.memory_space<semaphore_mem>> -> memref<1x!tpu.dma_semaphore, #tpu.memory_space<semaphore_mem>>
    %dma_start3A_69 = tpu.memref_squeeze %dma_start3A_68 : memref<1x!tpu.dma_semaphore, #tpu.memory_space<semaphore_mem>> -> memref<!tpu.dma_semaphore, #tpu.memory_space<semaphore_mem>>
    %dma_start3A_70 = arith.constant 6 : i32
    %dma_start3A_71 = arith.constant 0 : i32
    %dma_start3A_72 = arith.constant 0 : i32
    %dma_start3A_73 = tpu.memref_slice %arg4[%dma_start3A_70, %dma_start3A_71, %dma_start3A_72] : memref<48x1024x512xf32, #tpu.memory_space<any>> -> memref<1x1024x512xf32, #tpu.memory_space<any>>
    tpu.enqueue_dma source(%arg5 : memref<1x1024x512xf32, #tpu.memory_space<vmem>>) target(%dma_start3A_73 : memref<1x1024x512xf32, #tpu.memory_space<any>>) target_semaphore(%dma_start3A_69 : memref<!tpu.dma_semaphore, #tpu.memory_space<semaphore_mem>>)
    %dma_start3A_74 = arith.constant 1 : i32
    %dma_start3A_75 = tpu.memref_slice %arg6[%dma_start3A_74] : memref<2x!tpu.dma_semaphore, #tpu.memory_space<semaphore_mem>> -> memref<1x!tpu.dma_semaphore, #tpu.memory_space<semaphore_mem>>
    %dma_start3A_76 = tpu.memref_squeeze %dma_start3A_75 : memref<1x!tpu.dma_semaphore, #tpu.memory_space<semaphore_mem>> -> memref<!tpu.dma_semaphore, #tpu.memory_space<semaphore_mem>>
    %dma_start3A_77 = arith.constant 7 : i32
    %dma_start3A_78 = arith.constant 0 : i32
    %dma_start3A_79 = arith.constant 0 : i32
    %dma_start3A_80 = tpu.memref_slice %arg4[%dma_start3A_77, %dma_start3A_78, %dma_start3A_79] : memref<48x1024x512xf32, #tpu.memory_space<any>> -> memref<1x1024x512xf32, #tpu.memory_space<any>>
    tpu.enqueue_dma source(%arg5 : memref<1x1024x512xf32, #tpu.memory_space<vmem>>) target(%dma_start3A_80 : memref<1x1024x512xf32, #tpu.memory_space<any>>) target_semaphore(%dma_start3A_76 : memref<!tpu.dma_semaphore, #tpu.memory_space<semaphore_mem>>)
    %dma_start3A_81 = arith.constant 0 : i32
    %dma_start3A_82 = tpu.memref_slice %arg6[%dma_start3A_81] : memref<2x!tpu.dma_semaphore, #tpu.memory_space<semaphore_mem>> -> memref<1x!tpu.dma_semaphore, #tpu.memory_space<semaphore_mem>>
    %dma_start3A_83 = tpu.memref_squeeze %dma_start3A_82 : memref<1x!tpu.dma_semaphore, #tpu.memory_space<semaphore_mem>> -> memref<!tpu.dma_semaphore, #tpu.memory_space<semaphore_mem>>
    %dma_start3A_84 = arith.constant 8 : i32
    %dma_start3A_85 = arith.constant 0 : i32
    %dma_start3A_86 = arith.constant 0 : i32
    %dma_start3A_87 = tpu.memref_slice %arg4[%dma_start3A_84, %dma_start3A_85, %dma_start3A_86] : memref<48x1024x512xf32, #tpu.memory_space<any>> -> memref<1x1024x512xf32, #tpu.memory_space<any>>
    tpu.enqueue_dma source(%arg5 : memref<1x1024x512xf32, #tpu.memory_space<vmem>>) target(%dma_start3A_87 : memref<1x1024x512xf32, #tpu.memory_space<any>>) target_semaphore(%dma_start3A_83 : memref<!tpu.dma_semaphore, #tpu.memory_space<semaphore_mem>>)
    %dma_start3A_88 = arith.constant 1 : i32
    %dma_start3A_89 = tpu.memref_slice %arg6[%dma_start3A_88] : memref<2x!tpu.dma_semaphore, #tpu.memory_space<semaphore_mem>> -> memref<1x!tpu.dma_semaphore, #tpu.memory_space<semaphore_mem>>
    %dma_start3A_90 = tpu.memref_squeeze %dma_start3A_89 : memref<1x!tpu.dma_semaphore, #tpu.memory_space<semaphore_mem>> -> memref<!tpu.dma_semaphore, #tpu.memory_space<semaphore_mem>>
    %dma_start3A_91 = arith.constant 9 : i32
    %dma_start3A_92 = arith.constant 0 : i32
    %dma_start3A_93 = arith.constant 0 : i32
    %dma_start3A_94 = tpu.memref_slice %arg4[%dma_start3A_91, %dma_start3A_92, %dma_start3A_93] : memref<48x1024x512xf32, #tpu.memory_space<any>> -> memref<1x1024x512xf32, #tpu.memory_space<any>>
    tpu.enqueue_dma source(%arg5 : memref<1x1024x512xf32, #tpu.memory_space<vmem>>) target(%dma_start3A_94 : memref<1x1024x512xf32, #tpu.memory_space<any>>) target_semaphore(%dma_start3A_90 : memref<!tpu.dma_semaphore, #tpu.memory_space<semaphore_mem>>)
    %dma_start3A_95 = arith.constant 0 : i32
    %dma_start3A_96 = tpu.memref_slice %arg6[%dma_start3A_95] : memref<2x!tpu.dma_semaphore, #tpu.memory_space<semaphore_mem>> -> memref<1x!tpu.dma_semaphore, #tpu.memory_space<semaphore_mem>>
    %dma_start3A_97 = tpu.memref_squeeze %dma_start3A_96 : memref<1x!tpu.dma_semaphore, #tpu.memory_space<semaphore_mem>> -> memref<!tpu.dma_semaphore, #tpu.memory_space<semaphore_mem>>
    %dma_start3A_98 = arith.constant 10 : i32
    %dma_start3A_99 = arith.constant 0 : i32
    %dma_start3A_100 = arith.constant 0 : i32
    %dma_start3A_101 = tpu.memref_slice %arg4[%dma_start3A_98, %dma_start3A_99, %dma_start3A_100] : memref<48x1024x512xf32, #tpu.memory_space<any>> -> memref<1x1024x512xf32, #tpu.memory_space<any>>
    tpu.enqueue_dma source(%arg5 : memref<1x1024x512xf32, #tpu.memory_space<vmem>>) target(%dma_start3A_101 : memref<1x1024x512xf32, #tpu.memory_space<any>>) target_semaphore(%dma_start3A_97 : memref<!tpu.dma_semaphore, #tpu.memory_space<semaphore_mem>>)
    %dma_start3A_102 = arith.constant 1 : i32
    %dma_start3A_103 = tpu.memref_slice %arg6[%dma_start3A_102] : memref<2x!tpu.dma_semaphore, #tpu.memory_space<semaphore_mem>> -> memref<1x!tpu.dma_semaphore, #tpu.memory_space<semaphore_mem>>
    %dma_start3A_104 = tpu.memref_squeeze %dma_start3A_103 : memref<1x!tpu.dma_semaphore, #tpu.memory_space<semaphore_mem>> -> memref<!tpu.dma_semaphore, #tpu.memory_space<semaphore_mem>>
    %dma_start3A_105 = arith.constant 11 : i32
    %dma_start3A_106 = arith.constant 0 : i32
    %dma_start3A_107 = arith.constant 0 : i32
    %dma_start3A_108 = tpu.memref_slice %arg4[%dma_start3A_105, %dma_start3A_106, %dma_start3A_107] : memref<48x1024x512xf32, #tpu.memory_space<any>> -> memref<1x1024x512xf32, #tpu.memory_space<any>>
    tpu.enqueue_dma source(%arg5 : memref<1x1024x512xf32, #tpu.memory_space<vmem>>) target(%dma_start3A_108 : memref<1x1024x512xf32, #tpu.memory_space<any>>) target_semaphore(%dma_start3A_104 : memref<!tpu.dma_semaphore, #tpu.memory_space<semaphore_mem>>)
    %dma_start3A_109 = arith.constant 0 : i32
    %dma_start3A_110 = tpu.memref_slice %arg6[%dma_start3A_109] : memref<2x!tpu.dma_semaphore, #tpu.memory_space<semaphore_mem>> -> memref<1x!tpu.dma_semaphore, #tpu.memory_space<semaphore_mem>>
    %dma_start3A_111 = tpu.memref_squeeze %dma_start3A_110 : memref<1x!tpu.dma_semaphore, #tpu.memory_space<semaphore_mem>> -> memref<!tpu.dma_semaphore, #tpu.memory_space<semaphore_mem>>
    %dma_start3A_112 = arith.constant 12 : i32
    %dma_start3A_113 = arith.constant 0 : i32
    %dma_start3A_114 = arith.constant 0 : i32
    %dma_start3A_115 = tpu.memref_slice %arg4[%dma_start3A_112, %dma_start3A_113, %dma_start3A_114] : memref<48x1024x512xf32, #tpu.memory_space<any>> -> memref<1x1024x512xf32, #tpu.memory_space<any>>
    tpu.enqueue_dma source(%arg5 : memref<1x1024x512xf32, #tpu.memory_space<vmem>>) target(%dma_start3A_115 : memref<1x1024x512xf32, #tpu.memory_space<any>>) target_semaphore(%dma_start3A_111 : memref<!tpu.dma_semaphore, #tpu.memory_space<semaphore_mem>>)
    %dma_start3A_116 = arith.constant 1 : i32
    %dma_start3A_117 = tpu.memref_slice %arg6[%dma_start3A_116] : memref<2x!tpu.dma_semaphore, #tpu.memory_space<semaphore_mem>> -> memref<1x!tpu.dma_semaphore, #tpu.memory_space<semaphore_mem>>
    %dma_start3A_118 = tpu.memref_squeeze %dma_start3A_117 : memref<1x!tpu.dma_semaphore, #tpu.memory_space<semaphore_mem>> -> memref<!tpu.dma_semaphore, #tpu.memory_space<semaphore_mem>>
    %dma_start3A_119 = arith.constant 13 : i32
    %dma_start3A_120 = arith.constant 0 : i32
    %dma_start3A_121 = arith.constant 0 : i32
    %dma_start3A_122 = tpu.memref_slice %arg4[%dma_start3A_119, %dma_start3A_120, %dma_start3A_121] : memref<48x1024x512xf32, #tpu.memory_space<any>> -> memref<1x1024x512xf32, #tpu.memory_space<any>>
    tpu.enqueue_dma source(%arg5 : memref<1x1024x512xf32, #tpu.memory_space<vmem>>) target(%dma_start3A_122 : memref<1x1024x512xf32, #tpu.memory_space<any>>) target_semaphore(%dma_start3A_118 : memref<!tpu.dma_semaphore, #tpu.memory_space<semaphore_mem>>)
    %dma_start3A_123 = arith.constant 0 : i32
    %dma_start3A_124 = tpu.memref_slice %arg6[%dma_start3A_123] : memref<2x!tpu.dma_semaphore, #tpu.memory_space<semaphore_mem>> -> memref<1x!tpu.dma_semaphore, #tpu.memory_space<semaphore_mem>>
    %dma_start3A_125 = tpu.memref_squeeze %dma_start3A_124 : memref<1x!tpu.dma_semaphore, #tpu.memory_space<semaphore_mem>> -> memref<!tpu.dma_semaphore, #tpu.memory_space<semaphore_mem>>
    %dma_start3A_126 = arith.constant 14 : i32
    %dma_start3A_127 = arith.constant 0 : i32
    %dma_start3A_128 = arith.constant 0 : i32
    %dma_start3A_129 = tpu.memref_slice %arg4[%dma_start3A_126, %dma_start3A_127, %dma_start3A_128] : memref<48x1024x512xf32, #tpu.memory_space<any>> -> memref<1x1024x512xf32, #tpu.memory_space<any>>
    tpu.enqueue_dma source(%arg5 : memref<1x1024x512xf32, #tpu.memory_space<vmem>>) target(%dma_start3A_129 : memref<1x1024x512xf32, #tpu.memory_space<any>>) target_semaphore(%dma_start3A_125 : memref<!tpu.dma_semaphore, #tpu.memory_space<semaphore_mem>>)
    %dma_start3A_130 = arith.constant 1 : i32
    %dma_start3A_131 = tpu.memref_slice %arg6[%dma_start3A_130] : memref<2x!tpu.dma_semaphore, #tpu.memory_space<semaphore_mem>> -> memref<1x!tpu.dma_semaphore, #tpu.memory_space<semaphore_mem>>
    %dma_start3A_132 = tpu.memref_squeeze %dma_start3A_131 : memref<1x!tpu.dma_semaphore, #tpu.memory_space<semaphore_mem>> -> memref<!tpu.dma_semaphore, #tpu.memory_space<semaphore_mem>>
    %dma_start3A_133 = arith.constant 15 : i32
    %dma_start3A_134 = arith.constant 0 : i32
    %dma_start3A_135 = arith.constant 0 : i32
    %dma_start3A_136 = tpu.memref_slice %arg4[%dma_start3A_133, %dma_start3A_134, %dma_start3A_135] : memref<48x1024x512xf32, #tpu.memory_space<any>> -> memref<1x1024x512xf32, #tpu.memory_space<any>>
    tpu.enqueue_dma source(%arg5 : memref<1x1024x512xf32, #tpu.memory_space<vmem>>) target(%dma_start3A_136 : memref<1x1024x512xf32, #tpu.memory_space<any>>) target_semaphore(%dma_start3A_132 : memref<!tpu.dma_semaphore, #tpu.memory_space<semaphore_mem>>)
    %dma_start3A_137 = arith.constant 0 : i32
    %dma_start3A_138 = tpu.memref_slice %arg6[%dma_start3A_137] : memref<2x!tpu.dma_semaphore, #tpu.memory_space<semaphore_mem>> -> memref<1x!tpu.dma_semaphore, #tpu.memory_space<semaphore_mem>>
    %dma_start3A_139 = tpu.memref_squeeze %dma_start3A_138 : memref<1x!tpu.dma_semaphore, #tpu.memory_space<semaphore_mem>> -> memref<!tpu.dma_semaphore, #tpu.memory_space<semaphore_mem>>
    %dma_start3A_140 = arith.constant 16 : i32
    %dma_start3A_141 = arith.constant 0 : i32
    %dma_start3A_142 = arith.constant 0 : i32
    %dma_start3A_143 = tpu.memref_slice %arg4[%dma_start3A_140, %dma_start3A_141, %dma_start3A_142] : memref<48x1024x512xf32, #tpu.memory_space<any>> -> memref<1x1024x512xf32, #tpu.memory_space<any>>
    tpu.enqueue_dma source(%arg5 : memref<1x1024x512xf32, #tpu.memory_space<vmem>>) target(%dma_start3A_143 : memref<1x1024x512xf32, #tpu.memory_space<any>>) target_semaphore(%dma_start3A_139 : memref<!tpu.dma_semaphore, #tpu.memory_space<semaphore_mem>>)
    %dma_start3A_144 = arith.constant 1 : i32
    %dma_start3A_145 = tpu.memref_slice %arg6[%dma_start3A_144] : memref<2x!tpu.dma_semaphore, #tpu.memory_space<semaphore_mem>> -> memref<1x!tpu.dma_semaphore, #tpu.memory_space<semaphore_mem>>
    %dma_start3A_146 = tpu.memref_squeeze %dma_start3A_145 : memref<1x!tpu.dma_semaphore, #tpu.memory_space<semaphore_mem>> -> memref<!tpu.dma_semaphore, #tpu.memory_space<semaphore_mem>>
    %dma_start3A_147 = arith.constant 17 : i32
    %dma_start3A_148 = arith.constant 0 : i32
    %dma_start3A_149 = arith.constant 0 : i32
    %dma_start3A_150 = tpu.memref_slice %arg4[%dma_start3A_147, %dma_start3A_148, %dma_start3A_149] : memref<48x1024x512xf32, #tpu.memory_space<any>> -> memref<1x1024x512xf32, #tpu.memory_space<any>>
    tpu.enqueue_dma source(%arg5 : memref<1x1024x512xf32, #tpu.memory_space<vmem>>) target(%dma_start3A_150 : memref<1x1024x512xf32, #tpu.memory_space<any>>) target_semaphore(%dma_start3A_146 : memref<!tpu.dma_semaphore, #tpu.memory_space<semaphore_mem>>)
    %dma_start3A_151 = arith.constant 0 : i32
    %dma_start3A_152 = tpu.memref_slice %arg6[%dma_start3A_151] : memref<2x!tpu.dma_semaphore, #tpu.memory_space<semaphore_mem>> -> memref<1x!tpu.dma_semaphore, #tpu.memory_space<semaphore_mem>>
    %dma_start3A_153 = tpu.memref_squeeze %dma_start3A_152 : memref<1x!tpu.dma_semaphore, #tpu.memory_space<semaphore_mem>> -> memref<!tpu.dma_semaphore, #tpu.memory_space<semaphore_mem>>
    %dma_start3A_154 = arith.constant 18 : i32
    %dma_start3A_155 = arith.constant 0 : i32
    %dma_start3A_156 = arith.constant 0 : i32
    %dma_start3A_157 = tpu.memref_slice %arg4[%dma_start3A_154, %dma_start3A_155, %dma_start3A_156] : memref<48x1024x512xf32, #tpu.memory_space<any>> -> memref<1x1024x512xf32, #tpu.memory_space<any>>
    tpu.enqueue_dma source(%arg5 : memref<1x1024x512xf32, #tpu.memory_space<vmem>>) target(%dma_start3A_157 : memref<1x1024x512xf32, #tpu.memory_space<any>>) target_semaphore(%dma_start3A_153 : memref<!tpu.dma_semaphore, #tpu.memory_space<semaphore_mem>>)
    %dma_start3A_158 = arith.constant 1 : i32
    %dma_start3A_159 = tpu.memref_slice %arg6[%dma_start3A_158] : memref<2x!tpu.dma_semaphore, #tpu.memory_space<semaphore_mem>> -> memref<1x!tpu.dma_semaphore, #tpu.memory_space<semaphore_mem>>
    %dma_start3A_160 = tpu.memref_squeeze %dma_start3A_159 : memref<1x!tpu.dma_semaphore, #tpu.memory_space<semaphore_mem>> -> memref<!tpu.dma_semaphore, #tpu.memory_space<semaphore_mem>>
    %dma_start3A_161 = arith.constant 19 : i32
    %dma_start3A_162 = arith.constant 0 : i32
    %dma_start3A_163 = arith.constant 0 : i32
    %dma_start3A_164 = tpu.memref_slice %arg4[%dma_start3A_161, %dma_start3A_162, %dma_start3A_163] : memref<48x1024x512xf32, #tpu.memory_space<any>> -> memref<1x1024x512xf32, #tpu.memory_space<any>>
    tpu.enqueue_dma source(%arg5 : memref<1x1024x512xf32, #tpu.memory_space<vmem>>) target(%dma_start3A_164 : memref<1x1024x512xf32, #tpu.memory_space<any>>) target_semaphore(%dma_start3A_160 : memref<!tpu.dma_semaphore, #tpu.memory_space<semaphore_mem>>)
    %dma_start3A_165 = arith.constant 0 : i32
    %dma_start3A_166 = tpu.memref_slice %arg6[%dma_start3A_165] : memref<2x!tpu.dma_semaphore, #tpu.memory_space<semaphore_mem>> -> memref<1x!tpu.dma_semaphore, #tpu.memory_space<semaphore_mem>>
    %dma_start3A_167 = tpu.memref_squeeze %dma_start3A_166 : memref<1x!tpu.dma_semaphore, #tpu.memory_space<semaphore_mem>> -> memref<!tpu.dma_semaphore, #tpu.memory_space<semaphore_mem>>
    %dma_start3A_168 = arith.constant 20 : i32
    %dma_start3A_169 = arith.constant 0 : i32
    %dma_start3A_170 = arith.constant 0 : i32
    %dma_start3A_171 = tpu.memref_slice %arg4[%dma_start3A_168, %dma_start3A_169, %dma_start3A_170] : memref<48x1024x512xf32, #tpu.memory_space<any>> -> memref<1x1024x512xf32, #tpu.memory_space<any>>
    tpu.enqueue_dma source(%arg5 : memref<1x1024x512xf32, #tpu.memory_space<vmem>>) target(%dma_start3A_171 : memref<1x1024x512xf32, #tpu.memory_space<any>>) target_semaphore(%dma_start3A_167 : memref<!tpu.dma_semaphore, #tpu.memory_space<semaphore_mem>>)
    %dma_start3A_172 = arith.constant 1 : i32
    %dma_start3A_173 = tpu.memref_slice %arg6[%dma_start3A_172] : memref<2x!tpu.dma_semaphore, #tpu.memory_space<semaphore_mem>> -> memref<1x!tpu.dma_semaphore, #tpu.memory_space<semaphore_mem>>
    %dma_start3A_174 = tpu.memref_squeeze %dma_start3A_173 : memref<1x!tpu.dma_semaphore, #tpu.memory_space<semaphore_mem>> -> memref<!tpu.dma_semaphore, #tpu.memory_space<semaphore_mem>>
    %dma_start3A_175 = arith.constant 21 : i32
    %dma_start3A_176 = arith.constant 0 : i32
    %dma_start3A_177 = arith.constant 0 : i32
    %dma_start3A_178 = tpu.memref_slice %arg4[%dma_start3A_175, %dma_start3A_176, %dma_start3A_177] : memref<48x1024x512xf32, #tpu.memory_space<any>> -> memref<1x1024x512xf32, #tpu.memory_space<any>>
    tpu.enqueue_dma source(%arg5 : memref<1x1024x512xf32, #tpu.memory_space<vmem>>) target(%dma_start3A_178 : memref<1x1024x512xf32, #tpu.memory_space<any>>) target_semaphore(%dma_start3A_174 : memref<!tpu.dma_semaphore, #tpu.memory_space<semaphore_mem>>)
    %dma_start3A_179 = arith.constant 0 : i32
    %dma_start3A_180 = tpu.memref_slice %arg6[%dma_start3A_179] : memref<2x!tpu.dma_semaphore, #tpu.memory_space<semaphore_mem>> -> memref<1x!tpu.dma_semaphore, #tpu.memory_space<semaphore_mem>>
    %dma_start3A_181 = tpu.memref_squeeze %dma_start3A_180 : memref<1x!tpu.dma_semaphore, #tpu.memory_space<semaphore_mem>> -> memref<!tpu.dma_semaphore, #tpu.memory_space<semaphore_mem>>
    %dma_start3A_182 = arith.constant 22 : i32
    %dma_start3A_183 = arith.constant 0 : i32
    %dma_start3A_184 = arith.constant 0 : i32
    %dma_start3A_185 = tpu.memref_slice %arg4[%dma_start3A_182, %dma_start3A_183, %dma_start3A_184] : memref<48x1024x512xf32, #tpu.memory_space<any>> -> memref<1x1024x512xf32, #tpu.memory_space<any>>
    tpu.enqueue_dma source(%arg5 : memref<1x1024x512xf32, #tpu.memory_space<vmem>>) target(%dma_start3A_185 : memref<1x1024x512xf32, #tpu.memory_space<any>>) target_semaphore(%dma_start3A_181 : memref<!tpu.dma_semaphore, #tpu.memory_space<semaphore_mem>>)
    %dma_start3A_186 = arith.constant 1 : i32
    %dma_start3A_187 = tpu.memref_slice %arg6[%dma_start3A_186] : memref<2x!tpu.dma_semaphore, #tpu.memory_space<semaphore_mem>> -> memref<1x!tpu.dma_semaphore, #tpu.memory_space<semaphore_mem>>
    %dma_start3A_188 = tpu.memref_squeeze %dma_start3A_187 : memref<1x!tpu.dma_semaphore, #tpu.memory_space<semaphore_mem>> -> memref<!tpu.dma_semaphore, #tpu.memory_space<semaphore_mem>>
    %dma_start3A_189 = arith.constant 23 : i32
    %dma_start3A_190 = arith.constant 0 : i32
    %dma_start3A_191 = arith.constant 0 : i32
    %dma_start3A_192 = tpu.memref_slice %arg4[%dma_start3A_189, %dma_start3A_190, %dma_start3A_191] : memref<48x1024x512xf32, #tpu.memory_space<any>> -> memref<1x1024x512xf32, #tpu.memory_space<any>>
    tpu.enqueue_dma source(%arg5 : memref<1x1024x512xf32, #tpu.memory_space<vmem>>) target(%dma_start3A_192 : memref<1x1024x512xf32, #tpu.memory_space<any>>) target_semaphore(%dma_start3A_188 : memref<!tpu.dma_semaphore, #tpu.memory_space<semaphore_mem>>)
    %dma_start3A_193 = arith.constant 0 : i32
    %dma_start3A_194 = tpu.memref_slice %arg6[%dma_start3A_193] : memref<2x!tpu.dma_semaphore, #tpu.memory_space<semaphore_mem>> -> memref<1x!tpu.dma_semaphore, #tpu.memory_space<semaphore_mem>>
    %dma_start3A_195 = tpu.memref_squeeze %dma_start3A_194 : memref<1x!tpu.dma_semaphore, #tpu.memory_space<semaphore_mem>> -> memref<!tpu.dma_semaphore, #tpu.memory_space<semaphore_mem>>
    %dma_start3A_196 = arith.constant 24 : i32
    %dma_start3A_197 = arith.constant 0 : i32
    %dma_start3A_198 = arith.constant 0 : i32
    %dma_start3A_199 = tpu.memref_slice %arg4[%dma_start3A_196, %dma_start3A_197, %dma_start3A_198] : memref<48x1024x512xf32, #tpu.memory_space<any>> -> memref<1x1024x512xf32, #tpu.memory_space<any>>
    tpu.enqueue_dma source(%arg5 : memref<1x1024x512xf32, #tpu.memory_space<vmem>>) target(%dma_start3A_199 : memref<1x1024x512xf32, #tpu.memory_space<any>>) target_semaphore(%dma_start3A_195 : memref<!tpu.dma_semaphore, #tpu.memory_space<semaphore_mem>>)
    %dma_start3A_200 = arith.constant 1 : i32
    %dma_start3A_201 = tpu.memref_slice %arg6[%dma_start3A_200] : memref<2x!tpu.dma_semaphore, #tpu.memory_space<semaphore_mem>> -> memref<1x!tpu.dma_semaphore, #tpu.memory_space<semaphore_mem>>
    %dma_start3A_202 = tpu.memref_squeeze %dma_start3A_201 : memref<1x!tpu.dma_semaphore, #tpu.memory_space<semaphore_mem>> -> memref<!tpu.dma_semaphore, #tpu.memory_space<semaphore_mem>>
    %dma_start3A_203 = arith.constant 25 : i32
    %dma_start3A_204 = arith.constant 0 : i32
    %dma_start3A_205 = arith.constant 0 : i32
    %dma_start3A_206 = tpu.memref_slice %arg4[%dma_start3A_203, %dma_start3A_204, %dma_start3A_205] : memref<48x1024x512xf32, #tpu.memory_space<any>> -> memref<1x1024x512xf32, #tpu.memory_space<any>>
    tpu.enqueue_dma source(%arg5 : memref<1x1024x512xf32, #tpu.memory_space<vmem>>) target(%dma_start3A_206 : memref<1x1024x512xf32, #tpu.memory_space<any>>) target_semaphore(%dma_start3A_202 : memref<!tpu.dma_semaphore, #tpu.memory_space<semaphore_mem>>)
    %dma_start3A_207 = arith.constant 0 : i32
    %dma_start3A_208 = tpu.memref_slice %arg6[%dma_start3A_207] : memref<2x!tpu.dma_semaphore, #tpu.memory_space<semaphore_mem>> -> memref<1x!tpu.dma_semaphore, #tpu.memory_space<semaphore_mem>>
    %dma_start3A_209 = tpu.memref_squeeze %dma_start3A_208 : memref<1x!tpu.dma_semaphore, #tpu.memory_space<semaphore_mem>> -> memref<!tpu.dma_semaphore, #tpu.memory_space<semaphore_mem>>
    %dma_start3A_210 = arith.constant 26 : i32
    %dma_start3A_211 = arith.constant 0 : i32
    %dma_start3A_212 = arith.constant 0 : i32
    %dma_start3A_213 = tpu.memref_slice %arg4[%dma_start3A_210, %dma_start3A_211, %dma_start3A_212] : memref<48x1024x512xf32, #tpu.memory_space<any>> -> memref<1x1024x512xf32, #tpu.memory_space<any>>
    tpu.enqueue_dma source(%arg5 : memref<1x1024x512xf32, #tpu.memory_space<vmem>>) target(%dma_start3A_213 : memref<1x1024x512xf32, #tpu.memory_space<any>>) target_semaphore(%dma_start3A_209 : memref<!tpu.dma_semaphore, #tpu.memory_space<semaphore_mem>>)
    %dma_start3A_214 = arith.constant 1 : i32
    %dma_start3A_215 = tpu.memref_slice %arg6[%dma_start3A_214] : memref<2x!tpu.dma_semaphore, #tpu.memory_space<semaphore_mem>> -> memref<1x!tpu.dma_semaphore, #tpu.memory_space<semaphore_mem>>
    %dma_start3A_216 = tpu.memref_squeeze %dma_start3A_215 : memref<1x!tpu.dma_semaphore, #tpu.memory_space<semaphore_mem>> -> memref<!tpu.dma_semaphore, #tpu.memory_space<semaphore_mem>>
    %dma_start3A_217 = arith.constant 27 : i32
    %dma_start3A_218 = arith.constant 0 : i32
    %dma_start3A_219 = arith.constant 0 : i32
    %dma_start3A_220 = tpu.memref_slice %arg4[%dma_start3A_217, %dma_start3A_218, %dma_start3A_219] : memref<48x1024x512xf32, #tpu.memory_space<any>> -> memref<1x1024x512xf32, #tpu.memory_space<any>>
    tpu.enqueue_dma source(%arg5 : memref<1x1024x512xf32, #tpu.memory_space<vmem>>) target(%dma_start3A_220 : memref<1x1024x512xf32, #tpu.memory_space<any>>) target_semaphore(%dma_start3A_216 : memref<!tpu.dma_semaphore, #tpu.memory_space<semaphore_mem>>)
    %dma_start3A_221 = arith.constant 0 : i32
    %dma_start3A_222 = tpu.memref_slice %arg6[%dma_start3A_221] : memref<2x!tpu.dma_semaphore, #tpu.memory_space<semaphore_mem>> -> memref<1x!tpu.dma_semaphore, #tpu.memory_space<semaphore_mem>>
    %dma_start3A_223 = tpu.memref_squeeze %dma_start3A_222 : memref<1x!tpu.dma_semaphore, #tpu.memory_space<semaphore_mem>> -> memref<!tpu.dma_semaphore, #tpu.memory_space<semaphore_mem>>
    %dma_start3A_224 = arith.constant 28 : i32
    %dma_start3A_225 = arith.constant 0 : i32
    %dma_start3A_226 = arith.constant 0 : i32
    %dma_start3A_227 = tpu.memref_slice %arg4[%dma_start3A_224, %dma_start3A_225, %dma_start3A_226] : memref<48x1024x512xf32, #tpu.memory_space<any>> -> memref<1x1024x512xf32, #tpu.memory_space<any>>
    tpu.enqueue_dma source(%arg5 : memref<1x1024x512xf32, #tpu.memory_space<vmem>>) target(%dma_start3A_227 : memref<1x1024x512xf32, #tpu.memory_space<any>>) target_semaphore(%dma_start3A_223 : memref<!tpu.dma_semaphore, #tpu.memory_space<semaphore_mem>>)
    %dma_start3A_228 = arith.constant 1 : i32
    %dma_start3A_229 = tpu.memref_slice %arg6[%dma_start3A_228] : memref<2x!tpu.dma_semaphore, #tpu.memory_space<semaphore_mem>> -> memref<1x!tpu.dma_semaphore, #tpu.memory_space<semaphore_mem>>
    %dma_start3A_230 = tpu.memref_squeeze %dma_start3A_229 : memref<1x!tpu.dma_semaphore, #tpu.memory_space<semaphore_mem>> -> memref<!tpu.dma_semaphore, #tpu.memory_space<semaphore_mem>>
    %dma_start3A_231 = arith.constant 29 : i32
    %dma_start3A_232 = arith.constant 0 : i32
    %dma_start3A_233 = arith.constant 0 : i32
    %dma_start3A_234 = tpu.memref_slice %arg4[%dma_start3A_231, %dma_start3A_232, %dma_start3A_233] : memref<48x1024x512xf32, #tpu.memory_space<any>> -> memref<1x1024x512xf32, #tpu.memory_space<any>>
    tpu.enqueue_dma source(%arg5 : memref<1x1024x512xf32, #tpu.memory_space<vmem>>) target(%dma_start3A_234 : memref<1x1024x512xf32, #tpu.memory_space<any>>) target_semaphore(%dma_start3A_230 : memref<!tpu.dma_semaphore, #tpu.memory_space<semaphore_mem>>)
    %dma_start3A_235 = arith.constant 0 : i32
    %dma_start3A_236 = tpu.memref_slice %arg6[%dma_start3A_235] : memref<2x!tpu.dma_semaphore, #tpu.memory_space<semaphore_mem>> -> memref<1x!tpu.dma_semaphore, #tpu.memory_space<semaphore_mem>>
    %dma_start3A_237 = tpu.memref_squeeze %dma_start3A_236 : memref<1x!tpu.dma_semaphore, #tpu.memory_space<semaphore_mem>> -> memref<!tpu.dma_semaphore, #tpu.memory_space<semaphore_mem>>
    %dma_start3A_238 = arith.constant 30 : i32
    %dma_start3A_239 = arith.constant 0 : i32
    %dma_start3A_240 = arith.constant 0 : i32
    %dma_start3A_241 = tpu.memref_slice %arg4[%dma_start3A_238, %dma_start3A_239, %dma_start3A_240] : memref<48x1024x512xf32, #tpu.memory_space<any>> -> memref<1x1024x512xf32, #tpu.memory_space<any>>
    tpu.enqueue_dma source(%arg5 : memref<1x1024x512xf32, #tpu.memory_space<vmem>>) target(%dma_start3A_241 : memref<1x1024x512xf32, #tpu.memory_space<any>>) target_semaphore(%dma_start3A_237 : memref<!tpu.dma_semaphore, #tpu.memory_space<semaphore_mem>>)
    %dma_start3A_242 = arith.constant 1 : i32
    %dma_start3A_243 = tpu.memref_slice %arg6[%dma_start3A_242] : memref<2x!tpu.dma_semaphore, #tpu.memory_space<semaphore_mem>> -> memref<1x!tpu.dma_semaphore, #tpu.memory_space<semaphore_mem>>
    %dma_start3A_244 = tpu.memref_squeeze %dma_start3A_243 : memref<1x!tpu.dma_semaphore, #tpu.memory_space<semaphore_mem>> -> memref<!tpu.dma_semaphore, #tpu.memory_space<semaphore_mem>>
    %dma_start3A_245 = arith.constant 31 : i32
    %dma_start3A_246 = arith.constant 0 : i32
    %dma_start3A_247 = arith.constant 0 : i32
    %dma_start3A_248 = tpu.memref_slice %arg4[%dma_start3A_245, %dma_start3A_246, %dma_start3A_247] : memref<48x1024x512xf32, #tpu.memory_space<any>> -> memref<1x1024x512xf32, #tpu.memory_space<any>>
    tpu.enqueue_dma source(%arg5 : memref<1x1024x512xf32, #tpu.memory_space<vmem>>) target(%dma_start3A_248 : memref<1x1024x512xf32, #tpu.memory_space<any>>) target_semaphore(%dma_start3A_244 : memref<!tpu.dma_semaphore, #tpu.memory_space<semaphore_mem>>)
    %dma_start3A_249 = arith.constant 0 : i32
    %dma_start3A_250 = tpu.memref_slice %arg6[%dma_start3A_249] : memref<2x!tpu.dma_semaphore, #tpu.memory_space<semaphore_mem>> -> memref<1x!tpu.dma_semaphore, #tpu.memory_space<semaphore_mem>>
    %dma_start3A_251 = tpu.memref_squeeze %dma_start3A_250 : memref<1x!tpu.dma_semaphore, #tpu.memory_space<semaphore_mem>> -> memref<!tpu.dma_semaphore, #tpu.memory_space<semaphore_mem>>
    %dma_start3A_252 = arith.constant 32 : i32
    %dma_start3A_253 = arith.constant 0 : i32
    %dma_start3A_254 = arith.constant 0 : i32
    %dma_start3A_255 = tpu.memref_slice %arg4[%dma_start3A_252, %dma_start3A_253, %dma_start3A_254] : memref<48x1024x512xf32, #tpu.memory_space<any>> -> memref<1x1024x512xf32, #tpu.memory_space<any>>
    tpu.enqueue_dma source(%arg5 : memref<1x1024x512xf32, #tpu.memory_space<vmem>>) target(%dma_start3A_255 : memref<1x1024x512xf32, #tpu.memory_space<any>>) target_semaphore(%dma_start3A_251 : memref<!tpu.dma_semaphore, #tpu.memory_space<semaphore_mem>>)
    %dma_start3A_256 = arith.constant 1 : i32
    %dma_start3A_257 = tpu.memref_slice %arg6[%dma_start3A_256] : memref<2x!tpu.dma_semaphore, #tpu.memory_space<semaphore_mem>> -> memref<1x!tpu.dma_semaphore, #tpu.memory_space<semaphore_mem>>
    %dma_start3A_258 = tpu.memref_squeeze %dma_start3A_257 : memref<1x!tpu.dma_semaphore, #tpu.memory_space<semaphore_mem>> -> memref<!tpu.dma_semaphore, #tpu.memory_space<semaphore_mem>>
    %dma_start3A_259 = arith.constant 33 : i32
    %dma_start3A_260 = arith.constant 0 : i32
    %dma_start3A_261 = arith.constant 0 : i32
    %dma_start3A_262 = tpu.memref_slice %arg4[%dma_start3A_259, %dma_start3A_260, %dma_start3A_261] : memref<48x1024x512xf32, #tpu.memory_space<any>> -> memref<1x1024x512xf32, #tpu.memory_space<any>>
    tpu.enqueue_dma source(%arg5 : memref<1x1024x512xf32, #tpu.memory_space<vmem>>) target(%dma_start3A_262 : memref<1x1024x512xf32, #tpu.memory_space<any>>) target_semaphore(%dma_start3A_258 : memref<!tpu.dma_semaphore, #tpu.memory_space<semaphore_mem>>)
    %dma_start3A_263 = arith.constant 0 : i32
    %dma_start3A_264 = tpu.memref_slice %arg6[%dma_start3A_263] : memref<2x!tpu.dma_semaphore, #tpu.memory_space<semaphore_mem>> -> memref<1x!tpu.dma_semaphore, #tpu.memory_space<semaphore_mem>>
    %dma_start3A_265 = tpu.memref_squeeze %dma_start3A_264 : memref<1x!tpu.dma_semaphore, #tpu.memory_space<semaphore_mem>> -> memref<!tpu.dma_semaphore, #tpu.memory_space<semaphore_mem>>
    %dma_start3A_266 = arith.constant 34 : i32
    %dma_start3A_267 = arith.constant 0 : i32
    %dma_start3A_268 = arith.constant 0 : i32
    %dma_start3A_269 = tpu.memref_slice %arg4[%dma_start3A_266, %dma_start3A_267, %dma_start3A_268] : memref<48x1024x512xf32, #tpu.memory_space<any>> -> memref<1x1024x512xf32, #tpu.memory_space<any>>
    tpu.enqueue_dma source(%arg5 : memref<1x1024x512xf32, #tpu.memory_space<vmem>>) target(%dma_start3A_269 : memref<1x1024x512xf32, #tpu.memory_space<any>>) target_semaphore(%dma_start3A_265 : memref<!tpu.dma_semaphore, #tpu.memory_space<semaphore_mem>>)
    %dma_start3A_270 = arith.constant 1 : i32
    %dma_start3A_271 = tpu.memref_slice %arg6[%dma_start3A_270] : memref<2x!tpu.dma_semaphore, #tpu.memory_space<semaphore_mem>> -> memref<1x!tpu.dma_semaphore, #tpu.memory_space<semaphore_mem>>
    %dma_start3A_272 = tpu.memref_squeeze %dma_start3A_271 : memref<1x!tpu.dma_semaphore, #tpu.memory_space<semaphore_mem>> -> memref<!tpu.dma_semaphore, #tpu.memory_space<semaphore_mem>>
    %dma_start3A_273 = arith.constant 35 : i32
    %dma_start3A_274 = arith.constant 0 : i32
    %dma_start3A_275 = arith.constant 0 : i32
    %dma_start3A_276 = tpu.memref_slice %arg4[%dma_start3A_273, %dma_start3A_274, %dma_start3A_275] : memref<48x1024x512xf32, #tpu.memory_space<any>> -> memref<1x1024x512xf32, #tpu.memory_space<any>>
    tpu.enqueue_dma source(%arg5 : memref<1x1024x512xf32, #tpu.memory_space<vmem>>) target(%dma_start3A_276 : memref<1x1024x512xf32, #tpu.memory_space<any>>) target_semaphore(%dma_start3A_272 : memref<!tpu.dma_semaphore, #tpu.memory_space<semaphore_mem>>)
    %dma_start3A_277 = arith.constant 0 : i32
    %dma_start3A_278 = tpu.memref_slice %arg6[%dma_start3A_277] : memref<2x!tpu.dma_semaphore, #tpu.memory_space<semaphore_mem>> -> memref<1x!tpu.dma_semaphore, #tpu.memory_space<semaphore_mem>>
    %dma_start3A_279 = tpu.memref_squeeze %dma_start3A_278 : memref<1x!tpu.dma_semaphore, #tpu.memory_space<semaphore_mem>> -> memref<!tpu.dma_semaphore, #tpu.memory_space<semaphore_mem>>
    %dma_start3A_280 = arith.constant 36 : i32
    %dma_start3A_281 = arith.constant 0 : i32
    %dma_start3A_282 = arith.constant 0 : i32
    %dma_start3A_283 = tpu.memref_slice %arg4[%dma_start3A_280, %dma_start3A_281, %dma_start3A_282] : memref<48x1024x512xf32, #tpu.memory_space<any>> -> memref<1x1024x512xf32, #tpu.memory_space<any>>
    tpu.enqueue_dma source(%arg5 : memref<1x1024x512xf32, #tpu.memory_space<vmem>>) target(%dma_start3A_283 : memref<1x1024x512xf32, #tpu.memory_space<any>>) target_semaphore(%dma_start3A_279 : memref<!tpu.dma_semaphore, #tpu.memory_space<semaphore_mem>>)
    %dma_start3A_284 = arith.constant 1 : i32
    %dma_start3A_285 = tpu.memref_slice %arg6[%dma_start3A_284] : memref<2x!tpu.dma_semaphore, #tpu.memory_space<semaphore_mem>> -> memref<1x!tpu.dma_semaphore, #tpu.memory_space<semaphore_mem>>
    %dma_start3A_286 = tpu.memref_squeeze %dma_start3A_285 : memref<1x!tpu.dma_semaphore, #tpu.memory_space<semaphore_mem>> -> memref<!tpu.dma_semaphore, #tpu.memory_space<semaphore_mem>>
    %dma_start3A_287 = arith.constant 37 : i32
    %dma_start3A_288 = arith.constant 0 : i32
    %dma_start3A_289 = arith.constant 0 : i32
    %dma_start3A_290 = tpu.memref_slice %arg4[%dma_start3A_287, %dma_start3A_288, %dma_start3A_289] : memref<48x1024x512xf32, #tpu.memory_space<any>> -> memref<1x1024x512xf32, #tpu.memory_space<any>>
    tpu.enqueue_dma source(%arg5 : memref<1x1024x512xf32, #tpu.memory_space<vmem>>) target(%dma_start3A_290 : memref<1x1024x512xf32, #tpu.memory_space<any>>) target_semaphore(%dma_start3A_286 : memref<!tpu.dma_semaphore, #tpu.memory_space<semaphore_mem>>)
    %dma_start3A_291 = arith.constant 0 : i32
    %dma_start3A_292 = tpu.memref_slice %arg6[%dma_start3A_291] : memref<2x!tpu.dma_semaphore, #tpu.memory_space<semaphore_mem>> -> memref<1x!tpu.dma_semaphore, #tpu.memory_space<semaphore_mem>>
    %dma_start3A_293 = tpu.memref_squeeze %dma_start3A_292 : memref<1x!tpu.dma_semaphore, #tpu.memory_space<semaphore_mem>> -> memref<!tpu.dma_semaphore, #tpu.memory_space<semaphore_mem>>
    %dma_start3A_294 = arith.constant 38 : i32
    %dma_start3A_295 = arith.constant 0 : i32
    %dma_start3A_296 = arith.constant 0 : i32
    %dma_start3A_297 = tpu.memref_slice %arg4[%dma_start3A_294, %dma_start3A_295, %dma_start3A_296] : memref<48x1024x512xf32, #tpu.memory_space<any>> -> memref<1x1024x512xf32, #tpu.memory_space<any>>
    tpu.enqueue_dma source(%arg5 : memref<1x1024x512xf32, #tpu.memory_space<vmem>>) target(%dma_start3A_297 : memref<1x1024x512xf32, #tpu.memory_space<any>>) target_semaphore(%dma_start3A_293 : memref<!tpu.dma_semaphore, #tpu.memory_space<semaphore_mem>>)
    %dma_start3A_298 = arith.constant 1 : i32
    %dma_start3A_299 = tpu.memref_slice %arg6[%dma_start3A_298] : memref<2x!tpu.dma_semaphore, #tpu.memory_space<semaphore_mem>> -> memref<1x!tpu.dma_semaphore, #tpu.memory_space<semaphore_mem>>
    %dma_start3A_300 = tpu.memref_squeeze %dma_start3A_299 : memref<1x!tpu.dma_semaphore, #tpu.memory_space<semaphore_mem>> -> memref<!tpu.dma_semaphore, #tpu.memory_space<semaphore_mem>>
    %dma_start3A_301 = arith.constant 39 : i32
    %dma_start3A_302 = arith.constant 0 : i32
    %dma_start3A_303 = arith.constant 0 : i32
    %dma_start3A_304 = tpu.memref_slice %arg4[%dma_start3A_301, %dma_start3A_302, %dma_start3A_303] : memref<48x1024x512xf32, #tpu.memory_space<any>> -> memref<1x1024x512xf32, #tpu.memory_space<any>>
    tpu.enqueue_dma source(%arg5 : memref<1x1024x512xf32, #tpu.memory_space<vmem>>) target(%dma_start3A_304 : memref<1x1024x512xf32, #tpu.memory_space<any>>) target_semaphore(%dma_start3A_300 : memref<!tpu.dma_semaphore, #tpu.memory_space<semaphore_mem>>)
    %dma_start3A_305 = arith.constant 0 : i32
    %dma_start3A_306 = tpu.memref_slice %arg6[%dma_start3A_305] : memref<2x!tpu.dma_semaphore, #tpu.memory_space<semaphore_mem>> -> memref<1x!tpu.dma_semaphore, #tpu.memory_space<semaphore_mem>>
    %dma_start3A_307 = tpu.memref_squeeze %dma_start3A_306 : memref<1x!tpu.dma_semaphore, #tpu.memory_space<semaphore_mem>> -> memref<!tpu.dma_semaphore, #tpu.memory_space<semaphore_mem>>
    %dma_start3A_308 = arith.constant 40 : i32
    %dma_start3A_309 = arith.constant 0 : i32
    %dma_start3A_310 = arith.constant 0 : i32
    %dma_start3A_311 = tpu.memref_slice %arg4[%dma_start3A_308, %dma_start3A_309, %dma_start3A_310] : memref<48x1024x512xf32, #tpu.memory_space<any>> -> memref<1x1024x512xf32, #tpu.memory_space<any>>
    tpu.enqueue_dma source(%arg5 : memref<1x1024x512xf32, #tpu.memory_space<vmem>>) target(%dma_start3A_311 : memref<1x1024x512xf32, #tpu.memory_space<any>>) target_semaphore(%dma_start3A_307 : memref<!tpu.dma_semaphore, #tpu.memory_space<semaphore_mem>>)
    %dma_start3A_312 = arith.constant 1 : i32
    %dma_start3A_313 = tpu.memref_slice %arg6[%dma_start3A_312] : memref<2x!tpu.dma_semaphore, #tpu.memory_space<semaphore_mem>> -> memref<1x!tpu.dma_semaphore, #tpu.memory_space<semaphore_mem>>
    %dma_start3A_314 = tpu.memref_squeeze %dma_start3A_313 : memref<1x!tpu.dma_semaphore, #tpu.memory_space<semaphore_mem>> -> memref<!tpu.dma_semaphore, #tpu.memory_space<semaphore_mem>>
    %dma_start3A_315 = arith.constant 41 : i32
    %dma_start3A_316 = arith.constant 0 : i32
    %dma_start3A_317 = arith.constant 0 : i32
    %dma_start3A_318 = tpu.memref_slice %arg4[%dma_start3A_315, %dma_start3A_316, %dma_start3A_317] : memref<48x1024x512xf32, #tpu.memory_space<any>> -> memref<1x1024x512xf32, #tpu.memory_space<any>>
    tpu.enqueue_dma source(%arg5 : memref<1x1024x512xf32, #tpu.memory_space<vmem>>) target(%dma_start3A_318 : memref<1x1024x512xf32, #tpu.memory_space<any>>) target_semaphore(%dma_start3A_314 : memref<!tpu.dma_semaphore, #tpu.memory_space<semaphore_mem>>)
    %dma_start3A_319 = arith.constant 0 : i32
    %dma_start3A_320 = tpu.memref_slice %arg6[%dma_start3A_319] : memref<2x!tpu.dma_semaphore, #tpu.memory_space<semaphore_mem>> -> memref<1x!tpu.dma_semaphore, #tpu.memory_space<semaphore_mem>>
    %dma_start3A_321 = tpu.memref_squeeze %dma_start3A_320 : memref<1x!tpu.dma_semaphore, #tpu.memory_space<semaphore_mem>> -> memref<!tpu.dma_semaphore, #tpu.memory_space<semaphore_mem>>
    %dma_start3A_322 = arith.constant 42 : i32
    %dma_start3A_323 = arith.constant 0 : i32
    %dma_start3A_324 = arith.constant 0 : i32
    %dma_start3A_325 = tpu.memref_slice %arg4[%dma_start3A_322, %dma_start3A_323, %dma_start3A_324] : memref<48x1024x512xf32, #tpu.memory_space<any>> -> memref<1x1024x512xf32, #tpu.memory_space<any>>
    tpu.enqueue_dma source(%arg5 : memref<1x1024x512xf32, #tpu.memory_space<vmem>>) target(%dma_start3A_325 : memref<1x1024x512xf32, #tpu.memory_space<any>>) target_semaphore(%dma_start3A_321 : memref<!tpu.dma_semaphore, #tpu.memory_space<semaphore_mem>>)
    %dma_start3A_326 = arith.constant 1 : i32
    %dma_start3A_327 = tpu.memref_slice %arg6[%dma_start3A_326] : memref<2x!tpu.dma_semaphore, #tpu.memory_space<semaphore_mem>> -> memref<1x!tpu.dma_semaphore, #tpu.memory_space<semaphore_mem>>
    %dma_start3A_328 = tpu.memref_squeeze %dma_start3A_327 : memref<1x!tpu.dma_semaphore, #tpu.memory_space<semaphore_mem>> -> memref<!tpu.dma_semaphore, #tpu.memory_space<semaphore_mem>>
    %dma_start3A_329 = arith.constant 43 : i32
    %dma_start3A_330 = arith.constant 0 : i32
    %dma_start3A_331 = arith.constant 0 : i32
    %dma_start3A_332 = tpu.memref_slice %arg4[%dma_start3A_329, %dma_start3A_330, %dma_start3A_331] : memref<48x1024x512xf32, #tpu.memory_space<any>> -> memref<1x1024x512xf32, #tpu.memory_space<any>>
    tpu.enqueue_dma source(%arg5 : memref<1x1024x512xf32, #tpu.memory_space<vmem>>) target(%dma_start3A_332 : memref<1x1024x512xf32, #tpu.memory_space<any>>) target_semaphore(%dma_start3A_328 : memref<!tpu.dma_semaphore, #tpu.memory_space<semaphore_mem>>)
    %dma_start3A_333 = arith.constant 0 : i32
    %dma_start3A_334 = tpu.memref_slice %arg6[%dma_start3A_333] : memref<2x!tpu.dma_semaphore, #tpu.memory_space<semaphore_mem>> -> memref<1x!tpu.dma_semaphore, #tpu.memory_space<semaphore_mem>>
    %dma_start3A_335 = tpu.memref_squeeze %dma_start3A_334 : memref<1x!tpu.dma_semaphore, #tpu.memory_space<semaphore_mem>> -> memref<!tpu.dma_semaphore, #tpu.memory_space<semaphore_mem>>
    %dma_start3A_336 = arith.constant 44 : i32
    %dma_start3A_337 = arith.constant 0 : i32
    %dma_start3A_338 = arith.constant 0 : i32
    %dma_start3A_339 = tpu.memref_slice %arg4[%dma_start3A_336, %dma_start3A_337, %dma_start3A_338] : memref<48x1024x512xf32, #tpu.memory_space<any>> -> memref<1x1024x512xf32, #tpu.memory_space<any>>
    tpu.enqueue_dma source(%arg5 : memref<1x1024x512xf32, #tpu.memory_space<vmem>>) target(%dma_start3A_339 : memref<1x1024x512xf32, #tpu.memory_space<any>>) target_semaphore(%dma_start3A_335 : memref<!tpu.dma_semaphore, #tpu.memory_space<semaphore_mem>>)
    %dma_start3A_340 = arith.constant 1 : i32
    %dma_start3A_341 = tpu.memref_slice %arg6[%dma_start3A_340] : memref<2x!tpu.dma_semaphore, #tpu.memory_space<semaphore_mem>> -> memref<1x!tpu.dma_semaphore, #tpu.memory_space<semaphore_mem>>
    %dma_start3A_342 = tpu.memref_squeeze %dma_start3A_341 : memref<1x!tpu.dma_semaphore, #tpu.memory_space<semaphore_mem>> -> memref<!tpu.dma_semaphore, #tpu.memory_space<semaphore_mem>>
    %dma_start3A_343 = arith.constant 45 : i32
    %dma_start3A_344 = arith.constant 0 : i32
    %dma_start3A_345 = arith.constant 0 : i32
    %dma_start3A_346 = tpu.memref_slice %arg4[%dma_start3A_343, %dma_start3A_344, %dma_start3A_345] : memref<48x1024x512xf32, #tpu.memory_space<any>> -> memref<1x1024x512xf32, #tpu.memory_space<any>>
    tpu.enqueue_dma source(%arg5 : memref<1x1024x512xf32, #tpu.memory_space<vmem>>) target(%dma_start3A_346 : memref<1x1024x512xf32, #tpu.memory_space<any>>) target_semaphore(%dma_start3A_342 : memref<!tpu.dma_semaphore, #tpu.memory_space<semaphore_mem>>)
    %dma_start3A_347 = arith.constant 0 : i32
    %dma_start3A_348 = tpu.memref_slice %arg6[%dma_start3A_347] : memref<2x!tpu.dma_semaphore, #tpu.memory_space<semaphore_mem>> -> memref<1x!tpu.dma_semaphore, #tpu.memory_space<semaphore_mem>>
    %dma_start3A_349 = tpu.memref_squeeze %dma_start3A_348 : memref<1x!tpu.dma_semaphore, #tpu.memory_space<semaphore_mem>> -> memref<!tpu.dma_semaphore, #tpu.memory_space<semaphore_mem>>
    %dma_start3A_350 = arith.constant 46 : i32
    %dma_start3A_351 = arith.constant 0 : i32
    %dma_start3A_352 = arith.constant 0 : i32
    %dma_start3A_353 = tpu.memref_slice %arg4[%dma_start3A_350, %dma_start3A_351, %dma_start3A_352] : memref<48x1024x512xf32, #tpu.memory_space<any>> -> memref<1x1024x512xf32, #tpu.memory_space<any>>
    tpu.enqueue_dma source(%arg5 : memref<1x1024x512xf32, #tpu.memory_space<vmem>>) target(%dma_start3A_353 : memref<1x1024x512xf32, #tpu.memory_space<any>>) target_semaphore(%dma_start3A_349 : memref<!tpu.dma_semaphore, #tpu.memory_space<semaphore_mem>>)
    %dma_start3A_354 = arith.constant 1 : i32
    %dma_start3A_355 = tpu.memref_slice %arg6[%dma_start3A_354] : memref<2x!tpu.dma_semaphore, #tpu.memory_space<semaphore_mem>> -> memref<1x!tpu.dma_semaphore, #tpu.memory_space<semaphore_mem>>
    %dma_start3A_356 = tpu.memref_squeeze %dma_start3A_355 : memref<1x!tpu.dma_semaphore, #tpu.memory_space<semaphore_mem>> -> memref<!tpu.dma_semaphore, #tpu.memory_space<semaphore_mem>>
    %dma_start3A_357 = arith.constant 47 : i32
    %dma_start3A_358 = arith.constant 0 : i32
    %dma_start3A_359 = arith.constant 0 : i32
    %dma_start3A_360 = tpu.memref_slice %arg4[%dma_start3A_357, %dma_start3A_358, %dma_start3A_359] : memref<48x1024x512xf32, #tpu.memory_space<any>> -> memref<1x1024x512xf32, #tpu.memory_space<any>>
    tpu.enqueue_dma source(%arg5 : memref<1x1024x512xf32, #tpu.memory_space<vmem>>) target(%dma_start3A_360 : memref<1x1024x512xf32, #tpu.memory_space<any>>) target_semaphore(%dma_start3A_356 : memref<!tpu.dma_semaphore, #tpu.memory_space<semaphore_mem>>)
    %dma_wait3A = arith.constant 0 : i32
    %dma_wait3A_361 = tpu.memref_slice %arg6[%dma_wait3A] : memref<2x!tpu.dma_semaphore, #tpu.memory_space<semaphore_mem>> -> memref<1x!tpu.dma_semaphore, #tpu.memory_space<semaphore_mem>>
    %dma_wait3A_362 = tpu.memref_squeeze %dma_wait3A_361 : memref<1x!tpu.dma_semaphore, #tpu.memory_space<semaphore_mem>> -> memref<!tpu.dma_semaphore, #tpu.memory_space<semaphore_mem>>
    %dma_wait3A_363 = arith.constant 0 : i32
    %dma_wait3A_364 = arith.constant 0 : i32
    %dma_wait3A_365 = arith.constant 0 : i32
    %dma_wait3A_366 = tpu.memref_slice %arg4[%dma_wait3A_363, %dma_wait3A_364, %dma_wait3A_365] : memref<48x1024x512xf32, #tpu.memory_space<any>> -> memref<1x1024x512xf32, #tpu.memory_space<any>>
    tpu.wait_dma2 semaphore(%dma_wait3A_362 : memref<!tpu.dma_semaphore, #tpu.memory_space<semaphore_mem>>) src(%arg5 : memref<1x1024x512xf32, #tpu.memory_space<vmem>>) dst(%dma_wait3A_366 : memref<1x1024x512xf32, #tpu.memory_space<any>>)
    %dma_wait3A_367 = arith.constant 1 : i32
    %dma_wait3A_368 = tpu.memref_slice %arg6[%dma_wait3A_367] : memref<2x!tpu.dma_semaphore, #tpu.memory_space<semaphore_mem>> -> memref<1x!tpu.dma_semaphore, #tpu.memory_space<semaphore_mem>>
    %dma_wait3A_369 = tpu.memref_squeeze %dma_wait3A_368 : memref<1x!tpu.dma_semaphore, #tpu.memory_space<semaphore_mem>> -> memref<!tpu.dma_semaphore, #tpu.memory_space<semaphore_mem>>
    %dma_wait3A_370 = arith.constant 1 : i32
    %dma_wait3A_371 = arith.constant 0 : i32
    %dma_wait3A_372 = arith.constant 0 : i32
    %dma_wait3A_373 = tpu.memref_slice %arg4[%dma_wait3A_370, %dma_wait3A_371, %dma_wait3A_372] : memref<48x1024x512xf32, #tpu.memory_space<any>> -> memref<1x1024x512xf32, #tpu.memory_space<any>>
    tpu.wait_dma2 semaphore(%dma_wait3A_369 : memref<!tpu.dma_semaphore, #tpu.memory_space<semaphore_mem>>) src(%arg5 : memref<1x1024x512xf32, #tpu.memory_space<vmem>>) dst(%dma_wait3A_373 : memref<1x1024x512xf32, #tpu.memory_space<any>>)
    %dma_wait3A_374 = arith.constant 0 : i32
    %dma_wait3A_375 = tpu.memref_slice %arg6[%dma_wait3A_374] : memref<2x!tpu.dma_semaphore, #tpu.memory_space<semaphore_mem>> -> memref<1x!tpu.dma_semaphore, #tpu.memory_space<semaphore_mem>>
    %dma_wait3A_376 = tpu.memref_squeeze %dma_wait3A_375 : memref<1x!tpu.dma_semaphore, #tpu.memory_space<semaphore_mem>> -> memref<!tpu.dma_semaphore, #tpu.memory_space<semaphore_mem>>
    %dma_wait3A_377 = arith.constant 2 : i32
    %dma_wait3A_378 = arith.constant 0 : i32
    %dma_wait3A_379 = arith.constant 0 : i32
    %dma_wait3A_380 = tpu.memref_slice %arg4[%dma_wait3A_377, %dma_wait3A_378, %dma_wait3A_379] : memref<48x1024x512xf32, #tpu.memory_space<any>> -> memref<1x1024x512xf32, #tpu.memory_space<any>>
    tpu.wait_dma2 semaphore(%dma_wait3A_376 : memref<!tpu.dma_semaphore, #tpu.memory_space<semaphore_mem>>) src(%arg5 : memref<1x1024x512xf32, #tpu.memory_space<vmem>>) dst(%dma_wait3A_380 : memref<1x1024x512xf32, #tpu.memory_space<any>>)
    %dma_wait3A_381 = arith.constant 1 : i32
    %dma_wait3A_382 = tpu.memref_slice %arg6[%dma_wait3A_381] : memref<2x!tpu.dma_semaphore, #tpu.memory_space<semaphore_mem>> -> memref<1x!tpu.dma_semaphore, #tpu.memory_space<semaphore_mem>>
    %dma_wait3A_383 = tpu.memref_squeeze %dma_wait3A_382 : memref<1x!tpu.dma_semaphore, #tpu.memory_space<semaphore_mem>> -> memref<!tpu.dma_semaphore, #tpu.memory_space<semaphore_mem>>
    %dma_wait3A_384 = arith.constant 3 : i32
    %dma_wait3A_385 = arith.constant 0 : i32
    %dma_wait3A_386 = arith.constant 0 : i32
    %dma_wait3A_387 = tpu.memref_slice %arg4[%dma_wait3A_384, %dma_wait3A_385, %dma_wait3A_386] : memref<48x1024x512xf32, #tpu.memory_space<any>> -> memref<1x1024x512xf32, #tpu.memory_space<any>>
    tpu.wait_dma2 semaphore(%dma_wait3A_383 : memref<!tpu.dma_semaphore, #tpu.memory_space<semaphore_mem>>) src(%arg5 : memref<1x1024x512xf32, #tpu.memory_space<vmem>>) dst(%dma_wait3A_387 : memref<1x1024x512xf32, #tpu.memory_space<any>>)
    %dma_wait3A_388 = arith.constant 0 : i32
    %dma_wait3A_389 = tpu.memref_slice %arg6[%dma_wait3A_388] : memref<2x!tpu.dma_semaphore, #tpu.memory_space<semaphore_mem>> -> memref<1x!tpu.dma_semaphore, #tpu.memory_space<semaphore_mem>>
    %dma_wait3A_390 = tpu.memref_squeeze %dma_wait3A_389 : memref<1x!tpu.dma_semaphore, #tpu.memory_space<semaphore_mem>> -> memref<!tpu.dma_semaphore, #tpu.memory_space<semaphore_mem>>
    %dma_wait3A_391 = arith.constant 4 : i32
    %dma_wait3A_392 = arith.constant 0 : i32
    %dma_wait3A_393 = arith.constant 0 : i32
    %dma_wait3A_394 = tpu.memref_slice %arg4[%dma_wait3A_391, %dma_wait3A_392, %dma_wait3A_393] : memref<48x1024x512xf32, #tpu.memory_space<any>> -> memref<1x1024x512xf32, #tpu.memory_space<any>>
    tpu.wait_dma2 semaphore(%dma_wait3A_390 : memref<!tpu.dma_semaphore, #tpu.memory_space<semaphore_mem>>) src(%arg5 : memref<1x1024x512xf32, #tpu.memory_space<vmem>>) dst(%dma_wait3A_394 : memref<1x1024x512xf32, #tpu.memory_space<any>>)
    %dma_wait3A_395 = arith.constant 1 : i32
    %dma_wait3A_396 = tpu.memref_slice %arg6[%dma_wait3A_395] : memref<2x!tpu.dma_semaphore, #tpu.memory_space<semaphore_mem>> -> memref<1x!tpu.dma_semaphore, #tpu.memory_space<semaphore_mem>>
    %dma_wait3A_397 = tpu.memref_squeeze %dma_wait3A_396 : memref<1x!tpu.dma_semaphore, #tpu.memory_space<semaphore_mem>> -> memref<!tpu.dma_semaphore, #tpu.memory_space<semaphore_mem>>
    %dma_wait3A_398 = arith.constant 5 : i32
    %dma_wait3A_399 = arith.constant 0 : i32
    %dma_wait3A_400 = arith.constant 0 : i32
    %dma_wait3A_401 = tpu.memref_slice %arg4[%dma_wait3A_398, %dma_wait3A_399, %dma_wait3A_400] : memref<48x1024x512xf32, #tpu.memory_space<any>> -> memref<1x1024x512xf32, #tpu.memory_space<any>>
    tpu.wait_dma2 semaphore(%dma_wait3A_397 : memref<!tpu.dma_semaphore, #tpu.memory_space<semaphore_mem>>) src(%arg5 : memref<1x1024x512xf32, #tpu.memory_space<vmem>>) dst(%dma_wait3A_401 : memref<1x1024x512xf32, #tpu.memory_space<any>>)
    %dma_wait3A_402 = arith.constant 0 : i32
    %dma_wait3A_403 = tpu.memref_slice %arg6[%dma_wait3A_402] : memref<2x!tpu.dma_semaphore, #tpu.memory_space<semaphore_mem>> -> memref<1x!tpu.dma_semaphore, #tpu.memory_space<semaphore_mem>>
    %dma_wait3A_404 = tpu.memref_squeeze %dma_wait3A_403 : memref<1x!tpu.dma_semaphore, #tpu.memory_space<semaphore_mem>> -> memref<!tpu.dma_semaphore, #tpu.memory_space<semaphore_mem>>
    %dma_wait3A_405 = arith.constant 6 : i32
    %dma_wait3A_406 = arith.constant 0 : i32
    %dma_wait3A_407 = arith.constant 0 : i32
    %dma_wait3A_408 = tpu.memref_slice %arg4[%dma_wait3A_405, %dma_wait3A_406, %dma_wait3A_407] : memref<48x1024x512xf32, #tpu.memory_space<any>> -> memref<1x1024x512xf32, #tpu.memory_space<any>>
    tpu.wait_dma2 semaphore(%dma_wait3A_404 : memref<!tpu.dma_semaphore, #tpu.memory_space<semaphore_mem>>) src(%arg5 : memref<1x1024x512xf32, #tpu.memory_space<vmem>>) dst(%dma_wait3A_408 : memref<1x1024x512xf32, #tpu.memory_space<any>>)
    %dma_wait3A_409 = arith.constant 1 : i32
    %dma_wait3A_410 = tpu.memref_slice %arg6[%dma_wait3A_409] : memref<2x!tpu.dma_semaphore, #tpu.memory_space<semaphore_mem>> -> memref<1x!tpu.dma_semaphore, #tpu.memory_space<semaphore_mem>>
    %dma_wait3A_411 = tpu.memref_squeeze %dma_wait3A_410 : memref<1x!tpu.dma_semaphore, #tpu.memory_space<semaphore_mem>> -> memref<!tpu.dma_semaphore, #tpu.memory_space<semaphore_mem>>
    %dma_wait3A_412 = arith.constant 7 : i32
    %dma_wait3A_413 = arith.constant 0 : i32
    %dma_wait3A_414 = arith.constant 0 : i32
    %dma_wait3A_415 = tpu.memref_slice %arg4[%dma_wait3A_412, %dma_wait3A_413, %dma_wait3A_414] : memref<48x1024x512xf32, #tpu.memory_space<any>> -> memref<1x1024x512xf32, #tpu.memory_space<any>>
    tpu.wait_dma2 semaphore(%dma_wait3A_411 : memref<!tpu.dma_semaphore, #tpu.memory_space<semaphore_mem>>) src(%arg5 : memref<1x1024x512xf32, #tpu.memory_space<vmem>>) dst(%dma_wait3A_415 : memref<1x1024x512xf32, #tpu.memory_space<any>>)
    %dma_wait3A_416 = arith.constant 0 : i32
    %dma_wait3A_417 = tpu.memref_slice %arg6[%dma_wait3A_416] : memref<2x!tpu.dma_semaphore, #tpu.memory_space<semaphore_mem>> -> memref<1x!tpu.dma_semaphore, #tpu.memory_space<semaphore_mem>>
    %dma_wait3A_418 = tpu.memref_squeeze %dma_wait3A_417 : memref<1x!tpu.dma_semaphore, #tpu.memory_space<semaphore_mem>> -> memref<!tpu.dma_semaphore, #tpu.memory_space<semaphore_mem>>
    %dma_wait3A_419 = arith.constant 8 : i32
    %dma_wait3A_420 = arith.constant 0 : i32
    %dma_wait3A_421 = arith.constant 0 : i32
    %dma_wait3A_422 = tpu.memref_slice %arg4[%dma_wait3A_419, %dma_wait3A_420, %dma_wait3A_421] : memref<48x1024x512xf32, #tpu.memory_space<any>> -> memref<1x1024x512xf32, #tpu.memory_space<any>>
    tpu.wait_dma2 semaphore(%dma_wait3A_418 : memref<!tpu.dma_semaphore, #tpu.memory_space<semaphore_mem>>) src(%arg5 : memref<1x1024x512xf32, #tpu.memory_space<vmem>>) dst(%dma_wait3A_422 : memref<1x1024x512xf32, #tpu.memory_space<any>>)
    %dma_wait3A_423 = arith.constant 1 : i32
    %dma_wait3A_424 = tpu.memref_slice %arg6[%dma_wait3A_423] : memref<2x!tpu.dma_semaphore, #tpu.memory_space<semaphore_mem>> -> memref<1x!tpu.dma_semaphore, #tpu.memory_space<semaphore_mem>>
    %dma_wait3A_425 = tpu.memref_squeeze %dma_wait3A_424 : memref<1x!tpu.dma_semaphore, #tpu.memory_space<semaphore_mem>> -> memref<!tpu.dma_semaphore, #tpu.memory_space<semaphore_mem>>
    %dma_wait3A_426 = arith.constant 9 : i32
    %dma_wait3A_427 = arith.constant 0 : i32
    %dma_wait3A_428 = arith.constant 0 : i32
    %dma_wait3A_429 = tpu.memref_slice %arg4[%dma_wait3A_426, %dma_wait3A_427, %dma_wait3A_428] : memref<48x1024x512xf32, #tpu.memory_space<any>> -> memref<1x1024x512xf32, #tpu.memory_space<any>>
    tpu.wait_dma2 semaphore(%dma_wait3A_425 : memref<!tpu.dma_semaphore, #tpu.memory_space<semaphore_mem>>) src(%arg5 : memref<1x1024x512xf32, #tpu.memory_space<vmem>>) dst(%dma_wait3A_429 : memref<1x1024x512xf32, #tpu.memory_space<any>>)
    %dma_wait3A_430 = arith.constant 0 : i32
    %dma_wait3A_431 = tpu.memref_slice %arg6[%dma_wait3A_430] : memref<2x!tpu.dma_semaphore, #tpu.memory_space<semaphore_mem>> -> memref<1x!tpu.dma_semaphore, #tpu.memory_space<semaphore_mem>>
    %dma_wait3A_432 = tpu.memref_squeeze %dma_wait3A_431 : memref<1x!tpu.dma_semaphore, #tpu.memory_space<semaphore_mem>> -> memref<!tpu.dma_semaphore, #tpu.memory_space<semaphore_mem>>
    %dma_wait3A_433 = arith.constant 10 : i32
    %dma_wait3A_434 = arith.constant 0 : i32
    %dma_wait3A_435 = arith.constant 0 : i32
    %dma_wait3A_436 = tpu.memref_slice %arg4[%dma_wait3A_433, %dma_wait3A_434, %dma_wait3A_435] : memref<48x1024x512xf32, #tpu.memory_space<any>> -> memref<1x1024x512xf32, #tpu.memory_space<any>>
    tpu.wait_dma2 semaphore(%dma_wait3A_432 : memref<!tpu.dma_semaphore, #tpu.memory_space<semaphore_mem>>) src(%arg5 : memref<1x1024x512xf32, #tpu.memory_space<vmem>>) dst(%dma_wait3A_436 : memref<1x1024x512xf32, #tpu.memory_space<any>>)
    %dma_wait3A_437 = arith.constant 1 : i32
    %dma_wait3A_438 = tpu.memref_slice %arg6[%dma_wait3A_437] : memref<2x!tpu.dma_semaphore, #tpu.memory_space<semaphore_mem>> -> memref<1x!tpu.dma_semaphore, #tpu.memory_space<semaphore_mem>>
    %dma_wait3A_439 = tpu.memref_squeeze %dma_wait3A_438 : memref<1x!tpu.dma_semaphore, #tpu.memory_space<semaphore_mem>> -> memref<!tpu.dma_semaphore, #tpu.memory_space<semaphore_mem>>
    %dma_wait3A_440 = arith.constant 11 : i32
    %dma_wait3A_441 = arith.constant 0 : i32
    %dma_wait3A_442 = arith.constant 0 : i32
    %dma_wait3A_443 = tpu.memref_slice %arg4[%dma_wait3A_440, %dma_wait3A_441, %dma_wait3A_442] : memref<48x1024x512xf32, #tpu.memory_space<any>> -> memref<1x1024x512xf32, #tpu.memory_space<any>>
    tpu.wait_dma2 semaphore(%dma_wait3A_439 : memref<!tpu.dma_semaphore, #tpu.memory_space<semaphore_mem>>) src(%arg5 : memref<1x1024x512xf32, #tpu.memory_space<vmem>>) dst(%dma_wait3A_443 : memref<1x1024x512xf32, #tpu.memory_space<any>>)
    %dma_wait3A_444 = arith.constant 0 : i32
    %dma_wait3A_445 = tpu.memref_slice %arg6[%dma_wait3A_444] : memref<2x!tpu.dma_semaphore, #tpu.memory_space<semaphore_mem>> -> memref<1x!tpu.dma_semaphore, #tpu.memory_space<semaphore_mem>>
    %dma_wait3A_446 = tpu.memref_squeeze %dma_wait3A_445 : memref<1x!tpu.dma_semaphore, #tpu.memory_space<semaphore_mem>> -> memref<!tpu.dma_semaphore, #tpu.memory_space<semaphore_mem>>
    %dma_wait3A_447 = arith.constant 12 : i32
    %dma_wait3A_448 = arith.constant 0 : i32
    %dma_wait3A_449 = arith.constant 0 : i32
    %dma_wait3A_450 = tpu.memref_slice %arg4[%dma_wait3A_447, %dma_wait3A_448, %dma_wait3A_449] : memref<48x1024x512xf32, #tpu.memory_space<any>> -> memref<1x1024x512xf32, #tpu.memory_space<any>>
    tpu.wait_dma2 semaphore(%dma_wait3A_446 : memref<!tpu.dma_semaphore, #tpu.memory_space<semaphore_mem>>) src(%arg5 : memref<1x1024x512xf32, #tpu.memory_space<vmem>>) dst(%dma_wait3A_450 : memref<1x1024x512xf32, #tpu.memory_space<any>>)
    %dma_wait3A_451 = arith.constant 1 : i32
    %dma_wait3A_452 = tpu.memref_slice %arg6[%dma_wait3A_451] : memref<2x!tpu.dma_semaphore, #tpu.memory_space<semaphore_mem>> -> memref<1x!tpu.dma_semaphore, #tpu.memory_space<semaphore_mem>>
    %dma_wait3A_453 = tpu.memref_squeeze %dma_wait3A_452 : memref<1x!tpu.dma_semaphore, #tpu.memory_space<semaphore_mem>> -> memref<!tpu.dma_semaphore, #tpu.memory_space<semaphore_mem>>
    %dma_wait3A_454 = arith.constant 13 : i32
    %dma_wait3A_455 = arith.constant 0 : i32
    %dma_wait3A_456 = arith.constant 0 : i32
    %dma_wait3A_457 = tpu.memref_slice %arg4[%dma_wait3A_454, %dma_wait3A_455, %dma_wait3A_456] : memref<48x1024x512xf32, #tpu.memory_space<any>> -> memref<1x1024x512xf32, #tpu.memory_space<any>>
    tpu.wait_dma2 semaphore(%dma_wait3A_453 : memref<!tpu.dma_semaphore, #tpu.memory_space<semaphore_mem>>) src(%arg5 : memref<1x1024x512xf32, #tpu.memory_space<vmem>>) dst(%dma_wait3A_457 : memref<1x1024x512xf32, #tpu.memory_space<any>>)
    %dma_wait3A_458 = arith.constant 0 : i32
    %dma_wait3A_459 = tpu.memref_slice %arg6[%dma_wait3A_458] : memref<2x!tpu.dma_semaphore, #tpu.memory_space<semaphore_mem>> -> memref<1x!tpu.dma_semaphore, #tpu.memory_space<semaphore_mem>>
    %dma_wait3A_460 = tpu.memref_squeeze %dma_wait3A_459 : memref<1x!tpu.dma_semaphore, #tpu.memory_space<semaphore_mem>> -> memref<!tpu.dma_semaphore, #tpu.memory_space<semaphore_mem>>
    %dma_wait3A_461 = arith.constant 14 : i32
    %dma_wait3A_462 = arith.constant 0 : i32
    %dma_wait3A_463 = arith.constant 0 : i32
    %dma_wait3A_464 = tpu.memref_slice %arg4[%dma_wait3A_461, %dma_wait3A_462, %dma_wait3A_463] : memref<48x1024x512xf32, #tpu.memory_space<any>> -> memref<1x1024x512xf32, #tpu.memory_space<any>>
    tpu.wait_dma2 semaphore(%dma_wait3A_460 : memref<!tpu.dma_semaphore, #tpu.memory_space<semaphore_mem>>) src(%arg5 : memref<1x1024x512xf32, #tpu.memory_space<vmem>>) dst(%dma_wait3A_464 : memref<1x1024x512xf32, #tpu.memory_space<any>>)
    %dma_wait3A_465 = arith.constant 1 : i32
    %dma_wait3A_466 = tpu.memref_slice %arg6[%dma_wait3A_465] : memref<2x!tpu.dma_semaphore, #tpu.memory_space<semaphore_mem>> -> memref<1x!tpu.dma_semaphore, #tpu.memory_space<semaphore_mem>>
    %dma_wait3A_467 = tpu.memref_squeeze %dma_wait3A_466 : memref<1x!tpu.dma_semaphore, #tpu.memory_space<semaphore_mem>> -> memref<!tpu.dma_semaphore, #tpu.memory_space<semaphore_mem>>
    %dma_wait3A_468 = arith.constant 15 : i32
    %dma_wait3A_469 = arith.constant 0 : i32
    %dma_wait3A_470 = arith.constant 0 : i32
    %dma_wait3A_471 = tpu.memref_slice %arg4[%dma_wait3A_468, %dma_wait3A_469, %dma_wait3A_470] : memref<48x1024x512xf32, #tpu.memory_space<any>> -> memref<1x1024x512xf32, #tpu.memory_space<any>>
    tpu.wait_dma2 semaphore(%dma_wait3A_467 : memref<!tpu.dma_semaphore, #tpu.memory_space<semaphore_mem>>) src(%arg5 : memref<1x1024x512xf32, #tpu.memory_space<vmem>>) dst(%dma_wait3A_471 : memref<1x1024x512xf32, #tpu.memory_space<any>>)
    %dma_wait3A_472 = arith.constant 0 : i32
    %dma_wait3A_473 = tpu.memref_slice %arg6[%dma_wait3A_472] : memref<2x!tpu.dma_semaphore, #tpu.memory_space<semaphore_mem>> -> memref<1x!tpu.dma_semaphore, #tpu.memory_space<semaphore_mem>>
    %dma_wait3A_474 = tpu.memref_squeeze %dma_wait3A_473 : memref<1x!tpu.dma_semaphore, #tpu.memory_space<semaphore_mem>> -> memref<!tpu.dma_semaphore, #tpu.memory_space<semaphore_mem>>
    %dma_wait3A_475 = arith.constant 16 : i32
    %dma_wait3A_476 = arith.constant 0 : i32
    %dma_wait3A_477 = arith.constant 0 : i32
    %dma_wait3A_478 = tpu.memref_slice %arg4[%dma_wait3A_475, %dma_wait3A_476, %dma_wait3A_477] : memref<48x1024x512xf32, #tpu.memory_space<any>> -> memref<1x1024x512xf32, #tpu.memory_space<any>>
    tpu.wait_dma2 semaphore(%dma_wait3A_474 : memref<!tpu.dma_semaphore, #tpu.memory_space<semaphore_mem>>) src(%arg5 : memref<1x1024x512xf32, #tpu.memory_space<vmem>>) dst(%dma_wait3A_478 : memref<1x1024x512xf32, #tpu.memory_space<any>>)
    %dma_wait3A_479 = arith.constant 1 : i32
    %dma_wait3A_480 = tpu.memref_slice %arg6[%dma_wait3A_479] : memref<2x!tpu.dma_semaphore, #tpu.memory_space<semaphore_mem>> -> memref<1x!tpu.dma_semaphore, #tpu.memory_space<semaphore_mem>>
    %dma_wait3A_481 = tpu.memref_squeeze %dma_wait3A_480 : memref<1x!tpu.dma_semaphore, #tpu.memory_space<semaphore_mem>> -> memref<!tpu.dma_semaphore, #tpu.memory_space<semaphore_mem>>
    %dma_wait3A_482 = arith.constant 17 : i32
    %dma_wait3A_483 = arith.constant 0 : i32
    %dma_wait3A_484 = arith.constant 0 : i32
    %dma_wait3A_485 = tpu.memref_slice %arg4[%dma_wait3A_482, %dma_wait3A_483, %dma_wait3A_484] : memref<48x1024x512xf32, #tpu.memory_space<any>> -> memref<1x1024x512xf32, #tpu.memory_space<any>>
    tpu.wait_dma2 semaphore(%dma_wait3A_481 : memref<!tpu.dma_semaphore, #tpu.memory_space<semaphore_mem>>) src(%arg5 : memref<1x1024x512xf32, #tpu.memory_space<vmem>>) dst(%dma_wait3A_485 : memref<1x1024x512xf32, #tpu.memory_space<any>>)
    %dma_wait3A_486 = arith.constant 0 : i32
    %dma_wait3A_487 = tpu.memref_slice %arg6[%dma_wait3A_486] : memref<2x!tpu.dma_semaphore, #tpu.memory_space<semaphore_mem>> -> memref<1x!tpu.dma_semaphore, #tpu.memory_space<semaphore_mem>>
    %dma_wait3A_488 = tpu.memref_squeeze %dma_wait3A_487 : memref<1x!tpu.dma_semaphore, #tpu.memory_space<semaphore_mem>> -> memref<!tpu.dma_semaphore, #tpu.memory_space<semaphore_mem>>
    %dma_wait3A_489 = arith.constant 18 : i32
    %dma_wait3A_490 = arith.constant 0 : i32
    %dma_wait3A_491 = arith.constant 0 : i32
    %dma_wait3A_492 = tpu.memref_slice %arg4[%dma_wait3A_489, %dma_wait3A_490, %dma_wait3A_491] : memref<48x1024x512xf32, #tpu.memory_space<any>> -> memref<1x1024x512xf32, #tpu.memory_space<any>>
    tpu.wait_dma2 semaphore(%dma_wait3A_488 : memref<!tpu.dma_semaphore, #tpu.memory_space<semaphore_mem>>) src(%arg5 : memref<1x1024x512xf32, #tpu.memory_space<vmem>>) dst(%dma_wait3A_492 : memref<1x1024x512xf32, #tpu.memory_space<any>>)
    %dma_wait3A_493 = arith.constant 1 : i32
    %dma_wait3A_494 = tpu.memref_slice %arg6[%dma_wait3A_493] : memref<2x!tpu.dma_semaphore, #tpu.memory_space<semaphore_mem>> -> memref<1x!tpu.dma_semaphore, #tpu.memory_space<semaphore_mem>>
    %dma_wait3A_495 = tpu.memref_squeeze %dma_wait3A_494 : memref<1x!tpu.dma_semaphore, #tpu.memory_space<semaphore_mem>> -> memref<!tpu.dma_semaphore, #tpu.memory_space<semaphore_mem>>
    %dma_wait3A_496 = arith.constant 19 : i32
    %dma_wait3A_497 = arith.constant 0 : i32
    %dma_wait3A_498 = arith.constant 0 : i32
    %dma_wait3A_499 = tpu.memref_slice %arg4[%dma_wait3A_496, %dma_wait3A_497, %dma_wait3A_498] : memref<48x1024x512xf32, #tpu.memory_space<any>> -> memref<1x1024x512xf32, #tpu.memory_space<any>>
    tpu.wait_dma2 semaphore(%dma_wait3A_495 : memref<!tpu.dma_semaphore, #tpu.memory_space<semaphore_mem>>) src(%arg5 : memref<1x1024x512xf32, #tpu.memory_space<vmem>>) dst(%dma_wait3A_499 : memref<1x1024x512xf32, #tpu.memory_space<any>>)
    %dma_wait3A_500 = arith.constant 0 : i32
    %dma_wait3A_501 = tpu.memref_slice %arg6[%dma_wait3A_500] : memref<2x!tpu.dma_semaphore, #tpu.memory_space<semaphore_mem>> -> memref<1x!tpu.dma_semaphore, #tpu.memory_space<semaphore_mem>>
    %dma_wait3A_502 = tpu.memref_squeeze %dma_wait3A_501 : memref<1x!tpu.dma_semaphore, #tpu.memory_space<semaphore_mem>> -> memref<!tpu.dma_semaphore, #tpu.memory_space<semaphore_mem>>
    %dma_wait3A_503 = arith.constant 20 : i32
    %dma_wait3A_504 = arith.constant 0 : i32
    %dma_wait3A_505 = arith.constant 0 : i32
    %dma_wait3A_506 = tpu.memref_slice %arg4[%dma_wait3A_503, %dma_wait3A_504, %dma_wait3A_505] : memref<48x1024x512xf32, #tpu.memory_space<any>> -> memref<1x1024x512xf32, #tpu.memory_space<any>>
    tpu.wait_dma2 semaphore(%dma_wait3A_502 : memref<!tpu.dma_semaphore, #tpu.memory_space<semaphore_mem>>) src(%arg5 : memref<1x1024x512xf32, #tpu.memory_space<vmem>>) dst(%dma_wait3A_506 : memref<1x1024x512xf32, #tpu.memory_space<any>>)
    %dma_wait3A_507 = arith.constant 1 : i32
    %dma_wait3A_508 = tpu.memref_slice %arg6[%dma_wait3A_507] : memref<2x!tpu.dma_semaphore, #tpu.memory_space<semaphore_mem>> -> memref<1x!tpu.dma_semaphore, #tpu.memory_space<semaphore_mem>>
    %dma_wait3A_509 = tpu.memref_squeeze %dma_wait3A_508 : memref<1x!tpu.dma_semaphore, #tpu.memory_space<semaphore_mem>> -> memref<!tpu.dma_semaphore, #tpu.memory_space<semaphore_mem>>
    %dma_wait3A_510 = arith.constant 21 : i32
    %dma_wait3A_511 = arith.constant 0 : i32
    %dma_wait3A_512 = arith.constant 0 : i32
    %dma_wait3A_513 = tpu.memref_slice %arg4[%dma_wait3A_510, %dma_wait3A_511, %dma_wait3A_512] : memref<48x1024x512xf32, #tpu.memory_space<any>> -> memref<1x1024x512xf32, #tpu.memory_space<any>>
    tpu.wait_dma2 semaphore(%dma_wait3A_509 : memref<!tpu.dma_semaphore, #tpu.memory_space<semaphore_mem>>) src(%arg5 : memref<1x1024x512xf32, #tpu.memory_space<vmem>>) dst(%dma_wait3A_513 : memref<1x1024x512xf32, #tpu.memory_space<any>>)
    %dma_wait3A_514 = arith.constant 0 : i32
    %dma_wait3A_515 = tpu.memref_slice %arg6[%dma_wait3A_514] : memref<2x!tpu.dma_semaphore, #tpu.memory_space<semaphore_mem>> -> memref<1x!tpu.dma_semaphore, #tpu.memory_space<semaphore_mem>>
    %dma_wait3A_516 = tpu.memref_squeeze %dma_wait3A_515 : memref<1x!tpu.dma_semaphore, #tpu.memory_space<semaphore_mem>> -> memref<!tpu.dma_semaphore, #tpu.memory_space<semaphore_mem>>
    %dma_wait3A_517 = arith.constant 22 : i32
    %dma_wait3A_518 = arith.constant 0 : i32
    %dma_wait3A_519 = arith.constant 0 : i32
    %dma_wait3A_520 = tpu.memref_slice %arg4[%dma_wait3A_517, %dma_wait3A_518, %dma_wait3A_519] : memref<48x1024x512xf32, #tpu.memory_space<any>> -> memref<1x1024x512xf32, #tpu.memory_space<any>>
    tpu.wait_dma2 semaphore(%dma_wait3A_516 : memref<!tpu.dma_semaphore, #tpu.memory_space<semaphore_mem>>) src(%arg5 : memref<1x1024x512xf32, #tpu.memory_space<vmem>>) dst(%dma_wait3A_520 : memref<1x1024x512xf32, #tpu.memory_space<any>>)
    %dma_wait3A_521 = arith.constant 1 : i32
    %dma_wait3A_522 = tpu.memref_slice %arg6[%dma_wait3A_521] : memref<2x!tpu.dma_semaphore, #tpu.memory_space<semaphore_mem>> -> memref<1x!tpu.dma_semaphore, #tpu.memory_space<semaphore_mem>>
    %dma_wait3A_523 = tpu.memref_squeeze %dma_wait3A_522 : memref<1x!tpu.dma_semaphore, #tpu.memory_space<semaphore_mem>> -> memref<!tpu.dma_semaphore, #tpu.memory_space<semaphore_mem>>
    %dma_wait3A_524 = arith.constant 23 : i32
    %dma_wait3A_525 = arith.constant 0 : i32
    %dma_wait3A_526 = arith.constant 0 : i32
    %dma_wait3A_527 = tpu.memref_slice %arg4[%dma_wait3A_524, %dma_wait3A_525, %dma_wait3A_526] : memref<48x1024x512xf32, #tpu.memory_space<any>> -> memref<1x1024x512xf32, #tpu.memory_space<any>>
    tpu.wait_dma2 semaphore(%dma_wait3A_523 : memref<!tpu.dma_semaphore, #tpu.memory_space<semaphore_mem>>) src(%arg5 : memref<1x1024x512xf32, #tpu.memory_space<vmem>>) dst(%dma_wait3A_527 : memref<1x1024x512xf32, #tpu.memory_space<any>>)
    %dma_wait3A_528 = arith.constant 0 : i32
    %dma_wait3A_529 = tpu.memref_slice %arg6[%dma_wait3A_528] : memref<2x!tpu.dma_semaphore, #tpu.memory_space<semaphore_mem>> -> memref<1x!tpu.dma_semaphore, #tpu.memory_space<semaphore_mem>>
    %dma_wait3A_530 = tpu.memref_squeeze %dma_wait3A_529 : memref<1x!tpu.dma_semaphore, #tpu.memory_space<semaphore_mem>> -> memref<!tpu.dma_semaphore, #tpu.memory_space<semaphore_mem>>
    %dma_wait3A_531 = arith.constant 24 : i32
    %dma_wait3A_532 = arith.constant 0 : i32
    %dma_wait3A_533 = arith.constant 0 : i32
    %dma_wait3A_534 = tpu.memref_slice %arg4[%dma_wait3A_531, %dma_wait3A_532, %dma_wait3A_533] : memref<48x1024x512xf32, #tpu.memory_space<any>> -> memref<1x1024x512xf32, #tpu.memory_space<any>>
    tpu.wait_dma2 semaphore(%dma_wait3A_530 : memref<!tpu.dma_semaphore, #tpu.memory_space<semaphore_mem>>) src(%arg5 : memref<1x1024x512xf32, #tpu.memory_space<vmem>>) dst(%dma_wait3A_534 : memref<1x1024x512xf32, #tpu.memory_space<any>>)
    %dma_wait3A_535 = arith.constant 1 : i32
    %dma_wait3A_536 = tpu.memref_slice %arg6[%dma_wait3A_535] : memref<2x!tpu.dma_semaphore, #tpu.memory_space<semaphore_mem>> -> memref<1x!tpu.dma_semaphore, #tpu.memory_space<semaphore_mem>>
    %dma_wait3A_537 = tpu.memref_squeeze %dma_wait3A_536 : memref<1x!tpu.dma_semaphore, #tpu.memory_space<semaphore_mem>> -> memref<!tpu.dma_semaphore, #tpu.memory_space<semaphore_mem>>
    %dma_wait3A_538 = arith.constant 25 : i32
    %dma_wait3A_539 = arith.constant 0 : i32
    %dma_wait3A_540 = arith.constant 0 : i32
    %dma_wait3A_541 = tpu.memref_slice %arg4[%dma_wait3A_538, %dma_wait3A_539, %dma_wait3A_540] : memref<48x1024x512xf32, #tpu.memory_space<any>> -> memref<1x1024x512xf32, #tpu.memory_space<any>>
    tpu.wait_dma2 semaphore(%dma_wait3A_537 : memref<!tpu.dma_semaphore, #tpu.memory_space<semaphore_mem>>) src(%arg5 : memref<1x1024x512xf32, #tpu.memory_space<vmem>>) dst(%dma_wait3A_541 : memref<1x1024x512xf32, #tpu.memory_space<any>>)
    %dma_wait3A_542 = arith.constant 0 : i32
    %dma_wait3A_543 = tpu.memref_slice %arg6[%dma_wait3A_542] : memref<2x!tpu.dma_semaphore, #tpu.memory_space<semaphore_mem>> -> memref<1x!tpu.dma_semaphore, #tpu.memory_space<semaphore_mem>>
    %dma_wait3A_544 = tpu.memref_squeeze %dma_wait3A_543 : memref<1x!tpu.dma_semaphore, #tpu.memory_space<semaphore_mem>> -> memref<!tpu.dma_semaphore, #tpu.memory_space<semaphore_mem>>
    %dma_wait3A_545 = arith.constant 26 : i32
    %dma_wait3A_546 = arith.constant 0 : i32
    %dma_wait3A_547 = arith.constant 0 : i32
    %dma_wait3A_548 = tpu.memref_slice %arg4[%dma_wait3A_545, %dma_wait3A_546, %dma_wait3A_547] : memref<48x1024x512xf32, #tpu.memory_space<any>> -> memref<1x1024x512xf32, #tpu.memory_space<any>>
    tpu.wait_dma2 semaphore(%dma_wait3A_544 : memref<!tpu.dma_semaphore, #tpu.memory_space<semaphore_mem>>) src(%arg5 : memref<1x1024x512xf32, #tpu.memory_space<vmem>>) dst(%dma_wait3A_548 : memref<1x1024x512xf32, #tpu.memory_space<any>>)
    %dma_wait3A_549 = arith.constant 1 : i32
    %dma_wait3A_550 = tpu.memref_slice %arg6[%dma_wait3A_549] : memref<2x!tpu.dma_semaphore, #tpu.memory_space<semaphore_mem>> -> memref<1x!tpu.dma_semaphore, #tpu.memory_space<semaphore_mem>>
    %dma_wait3A_551 = tpu.memref_squeeze %dma_wait3A_550 : memref<1x!tpu.dma_semaphore, #tpu.memory_space<semaphore_mem>> -> memref<!tpu.dma_semaphore, #tpu.memory_space<semaphore_mem>>
    %dma_wait3A_552 = arith.constant 27 : i32
    %dma_wait3A_553 = arith.constant 0 : i32
    %dma_wait3A_554 = arith.constant 0 : i32
    %dma_wait3A_555 = tpu.memref_slice %arg4[%dma_wait3A_552, %dma_wait3A_553, %dma_wait3A_554] : memref<48x1024x512xf32, #tpu.memory_space<any>> -> memref<1x1024x512xf32, #tpu.memory_space<any>>
    tpu.wait_dma2 semaphore(%dma_wait3A_551 : memref<!tpu.dma_semaphore, #tpu.memory_space<semaphore_mem>>) src(%arg5 : memref<1x1024x512xf32, #tpu.memory_space<vmem>>) dst(%dma_wait3A_555 : memref<1x1024x512xf32, #tpu.memory_space<any>>)
    %dma_wait3A_556 = arith.constant 0 : i32
    %dma_wait3A_557 = tpu.memref_slice %arg6[%dma_wait3A_556] : memref<2x!tpu.dma_semaphore, #tpu.memory_space<semaphore_mem>> -> memref<1x!tpu.dma_semaphore, #tpu.memory_space<semaphore_mem>>
    %dma_wait3A_558 = tpu.memref_squeeze %dma_wait3A_557 : memref<1x!tpu.dma_semaphore, #tpu.memory_space<semaphore_mem>> -> memref<!tpu.dma_semaphore, #tpu.memory_space<semaphore_mem>>
    %dma_wait3A_559 = arith.constant 28 : i32
    %dma_wait3A_560 = arith.constant 0 : i32
    %dma_wait3A_561 = arith.constant 0 : i32
    %dma_wait3A_562 = tpu.memref_slice %arg4[%dma_wait3A_559, %dma_wait3A_560, %dma_wait3A_561] : memref<48x1024x512xf32, #tpu.memory_space<any>> -> memref<1x1024x512xf32, #tpu.memory_space<any>>
    tpu.wait_dma2 semaphore(%dma_wait3A_558 : memref<!tpu.dma_semaphore, #tpu.memory_space<semaphore_mem>>) src(%arg5 : memref<1x1024x512xf32, #tpu.memory_space<vmem>>) dst(%dma_wait3A_562 : memref<1x1024x512xf32, #tpu.memory_space<any>>)
    %dma_wait3A_563 = arith.constant 1 : i32
    %dma_wait3A_564 = tpu.memref_slice %arg6[%dma_wait3A_563] : memref<2x!tpu.dma_semaphore, #tpu.memory_space<semaphore_mem>> -> memref<1x!tpu.dma_semaphore, #tpu.memory_space<semaphore_mem>>
    %dma_wait3A_565 = tpu.memref_squeeze %dma_wait3A_564 : memref<1x!tpu.dma_semaphore, #tpu.memory_space<semaphore_mem>> -> memref<!tpu.dma_semaphore, #tpu.memory_space<semaphore_mem>>
    %dma_wait3A_566 = arith.constant 29 : i32
    %dma_wait3A_567 = arith.constant 0 : i32
    %dma_wait3A_568 = arith.constant 0 : i32
    %dma_wait3A_569 = tpu.memref_slice %arg4[%dma_wait3A_566, %dma_wait3A_567, %dma_wait3A_568] : memref<48x1024x512xf32, #tpu.memory_space<any>> -> memref<1x1024x512xf32, #tpu.memory_space<any>>
    tpu.wait_dma2 semaphore(%dma_wait3A_565 : memref<!tpu.dma_semaphore, #tpu.memory_space<semaphore_mem>>) src(%arg5 : memref<1x1024x512xf32, #tpu.memory_space<vmem>>) dst(%dma_wait3A_569 : memref<1x1024x512xf32, #tpu.memory_space<any>>)
    %dma_wait3A_570 = arith.constant 0 : i32
    %dma_wait3A_571 = tpu.memref_slice %arg6[%dma_wait3A_570] : memref<2x!tpu.dma_semaphore, #tpu.memory_space<semaphore_mem>> -> memref<1x!tpu.dma_semaphore, #tpu.memory_space<semaphore_mem>>
    %dma_wait3A_572 = tpu.memref_squeeze %dma_wait3A_571 : memref<1x!tpu.dma_semaphore, #tpu.memory_space<semaphore_mem>> -> memref<!tpu.dma_semaphore, #tpu.memory_space<semaphore_mem>>
    %dma_wait3A_573 = arith.constant 30 : i32
    %dma_wait3A_574 = arith.constant 0 : i32
    %dma_wait3A_575 = arith.constant 0 : i32
    %dma_wait3A_576 = tpu.memref_slice %arg4[%dma_wait3A_573, %dma_wait3A_574, %dma_wait3A_575] : memref<48x1024x512xf32, #tpu.memory_space<any>> -> memref<1x1024x512xf32, #tpu.memory_space<any>>
    tpu.wait_dma2 semaphore(%dma_wait3A_572 : memref<!tpu.dma_semaphore, #tpu.memory_space<semaphore_mem>>) src(%arg5 : memref<1x1024x512xf32, #tpu.memory_space<vmem>>) dst(%dma_wait3A_576 : memref<1x1024x512xf32, #tpu.memory_space<any>>)
    %dma_wait3A_577 = arith.constant 1 : i32
    %dma_wait3A_578 = tpu.memref_slice %arg6[%dma_wait3A_577] : memref<2x!tpu.dma_semaphore, #tpu.memory_space<semaphore_mem>> -> memref<1x!tpu.dma_semaphore, #tpu.memory_space<semaphore_mem>>
    %dma_wait3A_579 = tpu.memref_squeeze %dma_wait3A_578 : memref<1x!tpu.dma_semaphore, #tpu.memory_space<semaphore_mem>> -> memref<!tpu.dma_semaphore, #tpu.memory_space<semaphore_mem>>
    %dma_wait3A_580 = arith.constant 31 : i32
    %dma_wait3A_581 = arith.constant 0 : i32
    %dma_wait3A_582 = arith.constant 0 : i32
    %dma_wait3A_583 = tpu.memref_slice %arg4[%dma_wait3A_580, %dma_wait3A_581, %dma_wait3A_582] : memref<48x1024x512xf32, #tpu.memory_space<any>> -> memref<1x1024x512xf32, #tpu.memory_space<any>>
    tpu.wait_dma2 semaphore(%dma_wait3A_579 : memref<!tpu.dma_semaphore, #tpu.memory_space<semaphore_mem>>) src(%arg5 : memref<1x1024x512xf32, #tpu.memory_space<vmem>>) dst(%dma_wait3A_583 : memref<1x1024x512xf32, #tpu.memory_space<any>>)
    %dma_wait3A_584 = arith.constant 0 : i32
    %dma_wait3A_585 = tpu.memref_slice %arg6[%dma_wait3A_584] : memref<2x!tpu.dma_semaphore, #tpu.memory_space<semaphore_mem>> -> memref<1x!tpu.dma_semaphore, #tpu.memory_space<semaphore_mem>>
    %dma_wait3A_586 = tpu.memref_squeeze %dma_wait3A_585 : memref<1x!tpu.dma_semaphore, #tpu.memory_space<semaphore_mem>> -> memref<!tpu.dma_semaphore, #tpu.memory_space<semaphore_mem>>
    %dma_wait3A_587 = arith.constant 32 : i32
    %dma_wait3A_588 = arith.constant 0 : i32
    %dma_wait3A_589 = arith.constant 0 : i32
    %dma_wait3A_590 = tpu.memref_slice %arg4[%dma_wait3A_587, %dma_wait3A_588, %dma_wait3A_589] : memref<48x1024x512xf32, #tpu.memory_space<any>> -> memref<1x1024x512xf32, #tpu.memory_space<any>>
    tpu.wait_dma2 semaphore(%dma_wait3A_586 : memref<!tpu.dma_semaphore, #tpu.memory_space<semaphore_mem>>) src(%arg5 : memref<1x1024x512xf32, #tpu.memory_space<vmem>>) dst(%dma_wait3A_590 : memref<1x1024x512xf32, #tpu.memory_space<any>>)
    %dma_wait3A_591 = arith.constant 1 : i32
    %dma_wait3A_592 = tpu.memref_slice %arg6[%dma_wait3A_591] : memref<2x!tpu.dma_semaphore, #tpu.memory_space<semaphore_mem>> -> memref<1x!tpu.dma_semaphore, #tpu.memory_space<semaphore_mem>>
    %dma_wait3A_593 = tpu.memref_squeeze %dma_wait3A_592 : memref<1x!tpu.dma_semaphore, #tpu.memory_space<semaphore_mem>> -> memref<!tpu.dma_semaphore, #tpu.memory_space<semaphore_mem>>
    %dma_wait3A_594 = arith.constant 33 : i32
    %dma_wait3A_595 = arith.constant 0 : i32
    %dma_wait3A_596 = arith.constant 0 : i32
    %dma_wait3A_597 = tpu.memref_slice %arg4[%dma_wait3A_594, %dma_wait3A_595, %dma_wait3A_596] : memref<48x1024x512xf32, #tpu.memory_space<any>> -> memref<1x1024x512xf32, #tpu.memory_space<any>>
    tpu.wait_dma2 semaphore(%dma_wait3A_593 : memref<!tpu.dma_semaphore, #tpu.memory_space<semaphore_mem>>) src(%arg5 : memref<1x1024x512xf32, #tpu.memory_space<vmem>>) dst(%dma_wait3A_597 : memref<1x1024x512xf32, #tpu.memory_space<any>>)
    %dma_wait3A_598 = arith.constant 0 : i32
    %dma_wait3A_599 = tpu.memref_slice %arg6[%dma_wait3A_598] : memref<2x!tpu.dma_semaphore, #tpu.memory_space<semaphore_mem>> -> memref<1x!tpu.dma_semaphore, #tpu.memory_space<semaphore_mem>>
    %dma_wait3A_600 = tpu.memref_squeeze %dma_wait3A_599 : memref<1x!tpu.dma_semaphore, #tpu.memory_space<semaphore_mem>> -> memref<!tpu.dma_semaphore, #tpu.memory_space<semaphore_mem>>
    %dma_wait3A_601 = arith.constant 34 : i32
    %dma_wait3A_602 = arith.constant 0 : i32
    %dma_wait3A_603 = arith.constant 0 : i32
    %dma_wait3A_604 = tpu.memref_slice %arg4[%dma_wait3A_601, %dma_wait3A_602, %dma_wait3A_603] : memref<48x1024x512xf32, #tpu.memory_space<any>> -> memref<1x1024x512xf32, #tpu.memory_space<any>>
    tpu.wait_dma2 semaphore(%dma_wait3A_600 : memref<!tpu.dma_semaphore, #tpu.memory_space<semaphore_mem>>) src(%arg5 : memref<1x1024x512xf32, #tpu.memory_space<vmem>>) dst(%dma_wait3A_604 : memref<1x1024x512xf32, #tpu.memory_space<any>>)
    %dma_wait3A_605 = arith.constant 1 : i32
    %dma_wait3A_606 = tpu.memref_slice %arg6[%dma_wait3A_605] : memref<2x!tpu.dma_semaphore, #tpu.memory_space<semaphore_mem>> -> memref<1x!tpu.dma_semaphore, #tpu.memory_space<semaphore_mem>>
    %dma_wait3A_607 = tpu.memref_squeeze %dma_wait3A_606 : memref<1x!tpu.dma_semaphore, #tpu.memory_space<semaphore_mem>> -> memref<!tpu.dma_semaphore, #tpu.memory_space<semaphore_mem>>
    %dma_wait3A_608 = arith.constant 35 : i32
    %dma_wait3A_609 = arith.constant 0 : i32
    %dma_wait3A_610 = arith.constant 0 : i32
    %dma_wait3A_611 = tpu.memref_slice %arg4[%dma_wait3A_608, %dma_wait3A_609, %dma_wait3A_610] : memref<48x1024x512xf32, #tpu.memory_space<any>> -> memref<1x1024x512xf32, #tpu.memory_space<any>>
    tpu.wait_dma2 semaphore(%dma_wait3A_607 : memref<!tpu.dma_semaphore, #tpu.memory_space<semaphore_mem>>) src(%arg5 : memref<1x1024x512xf32, #tpu.memory_space<vmem>>) dst(%dma_wait3A_611 : memref<1x1024x512xf32, #tpu.memory_space<any>>)
    %dma_wait3A_612 = arith.constant 0 : i32
    %dma_wait3A_613 = tpu.memref_slice %arg6[%dma_wait3A_612] : memref<2x!tpu.dma_semaphore, #tpu.memory_space<semaphore_mem>> -> memref<1x!tpu.dma_semaphore, #tpu.memory_space<semaphore_mem>>
    %dma_wait3A_614 = tpu.memref_squeeze %dma_wait3A_613 : memref<1x!tpu.dma_semaphore, #tpu.memory_space<semaphore_mem>> -> memref<!tpu.dma_semaphore, #tpu.memory_space<semaphore_mem>>
    %dma_wait3A_615 = arith.constant 36 : i32
    %dma_wait3A_616 = arith.constant 0 : i32
    %dma_wait3A_617 = arith.constant 0 : i32
    %dma_wait3A_618 = tpu.memref_slice %arg4[%dma_wait3A_615, %dma_wait3A_616, %dma_wait3A_617] : memref<48x1024x512xf32, #tpu.memory_space<any>> -> memref<1x1024x512xf32, #tpu.memory_space<any>>
    tpu.wait_dma2 semaphore(%dma_wait3A_614 : memref<!tpu.dma_semaphore, #tpu.memory_space<semaphore_mem>>) src(%arg5 : memref<1x1024x512xf32, #tpu.memory_space<vmem>>) dst(%dma_wait3A_618 : memref<1x1024x512xf32, #tpu.memory_space<any>>)
    %dma_wait3A_619 = arith.constant 1 : i32
    %dma_wait3A_620 = tpu.memref_slice %arg6[%dma_wait3A_619] : memref<2x!tpu.dma_semaphore, #tpu.memory_space<semaphore_mem>> -> memref<1x!tpu.dma_semaphore, #tpu.memory_space<semaphore_mem>>
    %dma_wait3A_621 = tpu.memref_squeeze %dma_wait3A_620 : memref<1x!tpu.dma_semaphore, #tpu.memory_space<semaphore_mem>> -> memref<!tpu.dma_semaphore, #tpu.memory_space<semaphore_mem>>
    %dma_wait3A_622 = arith.constant 37 : i32
    %dma_wait3A_623 = arith.constant 0 : i32
    %dma_wait3A_624 = arith.constant 0 : i32
    %dma_wait3A_625 = tpu.memref_slice %arg4[%dma_wait3A_622, %dma_wait3A_623, %dma_wait3A_624] : memref<48x1024x512xf32, #tpu.memory_space<any>> -> memref<1x1024x512xf32, #tpu.memory_space<any>>
    tpu.wait_dma2 semaphore(%dma_wait3A_621 : memref<!tpu.dma_semaphore, #tpu.memory_space<semaphore_mem>>) src(%arg5 : memref<1x1024x512xf32, #tpu.memory_space<vmem>>) dst(%dma_wait3A_625 : memref<1x1024x512xf32, #tpu.memory_space<any>>)
    %dma_wait3A_626 = arith.constant 0 : i32
    %dma_wait3A_627 = tpu.memref_slice %arg6[%dma_wait3A_626] : memref<2x!tpu.dma_semaphore, #tpu.memory_space<semaphore_mem>> -> memref<1x!tpu.dma_semaphore, #tpu.memory_space<semaphore_mem>>
    %dma_wait3A_628 = tpu.memref_squeeze %dma_wait3A_627 : memref<1x!tpu.dma_semaphore, #tpu.memory_space<semaphore_mem>> -> memref<!tpu.dma_semaphore, #tpu.memory_space<semaphore_mem>>
    %dma_wait3A_629 = arith.constant 38 : i32
    %dma_wait3A_630 = arith.constant 0 : i32
    %dma_wait3A_631 = arith.constant 0 : i32
    %dma_wait3A_632 = tpu.memref_slice %arg4[%dma_wait3A_629, %dma_wait3A_630, %dma_wait3A_631] : memref<48x1024x512xf32, #tpu.memory_space<any>> -> memref<1x1024x512xf32, #tpu.memory_space<any>>
    tpu.wait_dma2 semaphore(%dma_wait3A_628 : memref<!tpu.dma_semaphore, #tpu.memory_space<semaphore_mem>>) src(%arg5 : memref<1x1024x512xf32, #tpu.memory_space<vmem>>) dst(%dma_wait3A_632 : memref<1x1024x512xf32, #tpu.memory_space<any>>)
    %dma_wait3A_633 = arith.constant 1 : i32
    %dma_wait3A_634 = tpu.memref_slice %arg6[%dma_wait3A_633] : memref<2x!tpu.dma_semaphore, #tpu.memory_space<semaphore_mem>> -> memref<1x!tpu.dma_semaphore, #tpu.memory_space<semaphore_mem>>
    %dma_wait3A_635 = tpu.memref_squeeze %dma_wait3A_634 : memref<1x!tpu.dma_semaphore, #tpu.memory_space<semaphore_mem>> -> memref<!tpu.dma_semaphore, #tpu.memory_space<semaphore_mem>>
    %dma_wait3A_636 = arith.constant 39 : i32
    %dma_wait3A_637 = arith.constant 0 : i32
    %dma_wait3A_638 = arith.constant 0 : i32
    %dma_wait3A_639 = tpu.memref_slice %arg4[%dma_wait3A_636, %dma_wait3A_637, %dma_wait3A_638] : memref<48x1024x512xf32, #tpu.memory_space<any>> -> memref<1x1024x512xf32, #tpu.memory_space<any>>
    tpu.wait_dma2 semaphore(%dma_wait3A_635 : memref<!tpu.dma_semaphore, #tpu.memory_space<semaphore_mem>>) src(%arg5 : memref<1x1024x512xf32, #tpu.memory_space<vmem>>) dst(%dma_wait3A_639 : memref<1x1024x512xf32, #tpu.memory_space<any>>)
    %dma_wait3A_640 = arith.constant 0 : i32
    %dma_wait3A_641 = tpu.memref_slice %arg6[%dma_wait3A_640] : memref<2x!tpu.dma_semaphore, #tpu.memory_space<semaphore_mem>> -> memref<1x!tpu.dma_semaphore, #tpu.memory_space<semaphore_mem>>
    %dma_wait3A_642 = tpu.memref_squeeze %dma_wait3A_641 : memref<1x!tpu.dma_semaphore, #tpu.memory_space<semaphore_mem>> -> memref<!tpu.dma_semaphore, #tpu.memory_space<semaphore_mem>>
    %dma_wait3A_643 = arith.constant 40 : i32
    %dma_wait3A_644 = arith.constant 0 : i32
    %dma_wait3A_645 = arith.constant 0 : i32
    %dma_wait3A_646 = tpu.memref_slice %arg4[%dma_wait3A_643, %dma_wait3A_644, %dma_wait3A_645] : memref<48x1024x512xf32, #tpu.memory_space<any>> -> memref<1x1024x512xf32, #tpu.memory_space<any>>
    tpu.wait_dma2 semaphore(%dma_wait3A_642 : memref<!tpu.dma_semaphore, #tpu.memory_space<semaphore_mem>>) src(%arg5 : memref<1x1024x512xf32, #tpu.memory_space<vmem>>) dst(%dma_wait3A_646 : memref<1x1024x512xf32, #tpu.memory_space<any>>)
    %dma_wait3A_647 = arith.constant 1 : i32
    %dma_wait3A_648 = tpu.memref_slice %arg6[%dma_wait3A_647] : memref<2x!tpu.dma_semaphore, #tpu.memory_space<semaphore_mem>> -> memref<1x!tpu.dma_semaphore, #tpu.memory_space<semaphore_mem>>
    %dma_wait3A_649 = tpu.memref_squeeze %dma_wait3A_648 : memref<1x!tpu.dma_semaphore, #tpu.memory_space<semaphore_mem>> -> memref<!tpu.dma_semaphore, #tpu.memory_space<semaphore_mem>>
    %dma_wait3A_650 = arith.constant 41 : i32
    %dma_wait3A_651 = arith.constant 0 : i32
    %dma_wait3A_652 = arith.constant 0 : i32
    %dma_wait3A_653 = tpu.memref_slice %arg4[%dma_wait3A_650, %dma_wait3A_651, %dma_wait3A_652] : memref<48x1024x512xf32, #tpu.memory_space<any>> -> memref<1x1024x512xf32, #tpu.memory_space<any>>
    tpu.wait_dma2 semaphore(%dma_wait3A_649 : memref<!tpu.dma_semaphore, #tpu.memory_space<semaphore_mem>>) src(%arg5 : memref<1x1024x512xf32, #tpu.memory_space<vmem>>) dst(%dma_wait3A_653 : memref<1x1024x512xf32, #tpu.memory_space<any>>)
    %dma_wait3A_654 = arith.constant 0 : i32
    %dma_wait3A_655 = tpu.memref_slice %arg6[%dma_wait3A_654] : memref<2x!tpu.dma_semaphore, #tpu.memory_space<semaphore_mem>> -> memref<1x!tpu.dma_semaphore, #tpu.memory_space<semaphore_mem>>
    %dma_wait3A_656 = tpu.memref_squeeze %dma_wait3A_655 : memref<1x!tpu.dma_semaphore, #tpu.memory_space<semaphore_mem>> -> memref<!tpu.dma_semaphore, #tpu.memory_space<semaphore_mem>>
    %dma_wait3A_657 = arith.constant 42 : i32
    %dma_wait3A_658 = arith.constant 0 : i32
    %dma_wait3A_659 = arith.constant 0 : i32
    %dma_wait3A_660 = tpu.memref_slice %arg4[%dma_wait3A_657, %dma_wait3A_658, %dma_wait3A_659] : memref<48x1024x512xf32, #tpu.memory_space<any>> -> memref<1x1024x512xf32, #tpu.memory_space<any>>
    tpu.wait_dma2 semaphore(%dma_wait3A_656 : memref<!tpu.dma_semaphore, #tpu.memory_space<semaphore_mem>>) src(%arg5 : memref<1x1024x512xf32, #tpu.memory_space<vmem>>) dst(%dma_wait3A_660 : memref<1x1024x512xf32, #tpu.memory_space<any>>)
    %dma_wait3A_661 = arith.constant 1 : i32
    %dma_wait3A_662 = tpu.memref_slice %arg6[%dma_wait3A_661] : memref<2x!tpu.dma_semaphore, #tpu.memory_space<semaphore_mem>> -> memref<1x!tpu.dma_semaphore, #tpu.memory_space<semaphore_mem>>
    %dma_wait3A_663 = tpu.memref_squeeze %dma_wait3A_662 : memref<1x!tpu.dma_semaphore, #tpu.memory_space<semaphore_mem>> -> memref<!tpu.dma_semaphore, #tpu.memory_space<semaphore_mem>>
    %dma_wait3A_664 = arith.constant 43 : i32
    %dma_wait3A_665 = arith.constant 0 : i32
    %dma_wait3A_666 = arith.constant 0 : i32
    %dma_wait3A_667 = tpu.memref_slice %arg4[%dma_wait3A_664, %dma_wait3A_665, %dma_wait3A_666] : memref<48x1024x512xf32, #tpu.memory_space<any>> -> memref<1x1024x512xf32, #tpu.memory_space<any>>
    tpu.wait_dma2 semaphore(%dma_wait3A_663 : memref<!tpu.dma_semaphore, #tpu.memory_space<semaphore_mem>>) src(%arg5 : memref<1x1024x512xf32, #tpu.memory_space<vmem>>) dst(%dma_wait3A_667 : memref<1x1024x512xf32, #tpu.memory_space<any>>)
    %dma_wait3A_668 = arith.constant 0 : i32
    %dma_wait3A_669 = tpu.memref_slice %arg6[%dma_wait3A_668] : memref<2x!tpu.dma_semaphore, #tpu.memory_space<semaphore_mem>> -> memref<1x!tpu.dma_semaphore, #tpu.memory_space<semaphore_mem>>
    %dma_wait3A_670 = tpu.memref_squeeze %dma_wait3A_669 : memref<1x!tpu.dma_semaphore, #tpu.memory_space<semaphore_mem>> -> memref<!tpu.dma_semaphore, #tpu.memory_space<semaphore_mem>>
    %dma_wait3A_671 = arith.constant 44 : i32
    %dma_wait3A_672 = arith.constant 0 : i32
    %dma_wait3A_673 = arith.constant 0 : i32
    %dma_wait3A_674 = tpu.memref_slice %arg4[%dma_wait3A_671, %dma_wait3A_672, %dma_wait3A_673] : memref<48x1024x512xf32, #tpu.memory_space<any>> -> memref<1x1024x512xf32, #tpu.memory_space<any>>
    tpu.wait_dma2 semaphore(%dma_wait3A_670 : memref<!tpu.dma_semaphore, #tpu.memory_space<semaphore_mem>>) src(%arg5 : memref<1x1024x512xf32, #tpu.memory_space<vmem>>) dst(%dma_wait3A_674 : memref<1x1024x512xf32, #tpu.memory_space<any>>)
    %dma_wait3A_675 = arith.constant 1 : i32
    %dma_wait3A_676 = tpu.memref_slice %arg6[%dma_wait3A_675] : memref<2x!tpu.dma_semaphore, #tpu.memory_space<semaphore_mem>> -> memref<1x!tpu.dma_semaphore, #tpu.memory_space<semaphore_mem>>
    %dma_wait3A_677 = tpu.memref_squeeze %dma_wait3A_676 : memref<1x!tpu.dma_semaphore, #tpu.memory_space<semaphore_mem>> -> memref<!tpu.dma_semaphore, #tpu.memory_space<semaphore_mem>>
    %dma_wait3A_678 = arith.constant 45 : i32
    %dma_wait3A_679 = arith.constant 0 : i32
    %dma_wait3A_680 = arith.constant 0 : i32
    %dma_wait3A_681 = tpu.memref_slice %arg4[%dma_wait3A_678, %dma_wait3A_679, %dma_wait3A_680] : memref<48x1024x512xf32, #tpu.memory_space<any>> -> memref<1x1024x512xf32, #tpu.memory_space<any>>
    tpu.wait_dma2 semaphore(%dma_wait3A_677 : memref<!tpu.dma_semaphore, #tpu.memory_space<semaphore_mem>>) src(%arg5 : memref<1x1024x512xf32, #tpu.memory_space<vmem>>) dst(%dma_wait3A_681 : memref<1x1024x512xf32, #tpu.memory_space<any>>)
    %dma_wait3A_682 = arith.constant 0 : i32
    %dma_wait3A_683 = tpu.memref_slice %arg6[%dma_wait3A_682] : memref<2x!tpu.dma_semaphore, #tpu.memory_space<semaphore_mem>> -> memref<1x!tpu.dma_semaphore, #tpu.memory_space<semaphore_mem>>
    %dma_wait3A_684 = tpu.memref_squeeze %dma_wait3A_683 : memref<1x!tpu.dma_semaphore, #tpu.memory_space<semaphore_mem>> -> memref<!tpu.dma_semaphore, #tpu.memory_space<semaphore_mem>>
    %dma_wait3A_685 = arith.constant 46 : i32
    %dma_wait3A_686 = arith.constant 0 : i32
    %dma_wait3A_687 = arith.constant 0 : i32
    %dma_wait3A_688 = tpu.memref_slice %arg4[%dma_wait3A_685, %dma_wait3A_686, %dma_wait3A_687] : memref<48x1024x512xf32, #tpu.memory_space<any>> -> memref<1x1024x512xf32, #tpu.memory_space<any>>
    tpu.wait_dma2 semaphore(%dma_wait3A_684 : memref<!tpu.dma_semaphore, #tpu.memory_space<semaphore_mem>>) src(%arg5 : memref<1x1024x512xf32, #tpu.memory_space<vmem>>) dst(%dma_wait3A_688 : memref<1x1024x512xf32, #tpu.memory_space<any>>)
    %dma_wait3A_689 = arith.constant 1 : i32
    %dma_wait3A_690 = tpu.memref_slice %arg6[%dma_wait3A_689] : memref<2x!tpu.dma_semaphore, #tpu.memory_space<semaphore_mem>> -> memref<1x!tpu.dma_semaphore, #tpu.memory_space<semaphore_mem>>
    %dma_wait3A_691 = tpu.memref_squeeze %dma_wait3A_690 : memref<1x!tpu.dma_semaphore, #tpu.memory_space<semaphore_mem>> -> memref<!tpu.dma_semaphore, #tpu.memory_space<semaphore_mem>>
    %dma_wait3A_692 = arith.constant 47 : i32
    %dma_wait3A_693 = arith.constant 0 : i32
    %dma_wait3A_694 = arith.constant 0 : i32
    %dma_wait3A_695 = tpu.memref_slice %arg4[%dma_wait3A_692, %dma_wait3A_693, %dma_wait3A_694] : memref<48x1024x512xf32, #tpu.memory_space<any>> -> memref<1x1024x512xf32, #tpu.memory_space<any>>
    tpu.wait_dma2 semaphore(%dma_wait3A_691 : memref<!tpu.dma_semaphore, #tpu.memory_space<semaphore_mem>>) src(%arg5 : memref<1x1024x512xf32, #tpu.memory_space<vmem>>) dst(%dma_wait3A_695 : memref<1x1024x512xf32, #tpu.memory_space<any>>)
    return
  }
}

</mosaic_0001>

<sc_bundles>
// kernel: kernel.4.cloned.1.call-start
scs
__scs_entry_jumppad:
0x0: {  	(pc) =	sbr.rel $0x88, $3  }
0x1: {  	(tag) =	ssettag $0x0;
	lr =	simm.s32 $0x1  }
0x2: {  	[smem:$0x3F9E] =	sst lr;
	_ =	strace $0xD0000000  }
0x3: {  	_ = 	snop  }
0x4: {  	_ = 	snop  }
0x5: {  	_ = 	snop  }
0x6: {  	_ = 	snop  }
0x7: {  	_ = 	snop  }
__scs_overlays_trampoline_lowered:
0x8: {  	[smem:$0x3FAD] =	sst s0  }
0x9: {  	[smem:$0x3FAE] =	sst s1  }
0xa: {  	[smem:$0x3FAF] =	sst s2  }
0xb: {  	[smem:$0x3FB0] =	sst s3  }
0xc: {  	[smem:$0x3FB1] =	sst s4  }
0xd: {  	[smem:$0x3FB2] =	sst s5  }
0xe: {  	[smem:$0x3FB3] =	sst s6  }
0xf: {  	[smem:$0x3FB4] =	sst s7  }
0x10: {  	[smem:$0x3FB5] =	sst s8  }
0x11: {  	[smem:$0x3FB6] =	sst s9;
	s0 =	simm.s32 @!p0 $0x0  }
0x12: {  	s1 =	sld [smem:$0x3F9C];
	s0 =	simm.s32 @p0 $0x1  }
0x13: {  	[smem:$0x3FB7] =	sst s0;
	s0 =	simm.s32 @!p1 $0x0  }
0x14: {  	s2 =	sld [smem:$0x3F9B];
	s0 =	simm.s32 @p1 $0x1  }
0x15: {  	[smem:$0x3FB8] =	sst s0;
	s0 =	simm.s32 @!p2 $0x0  }
0x16: {  	s3 =	sld [smem:$0x3FDB];
	s0 =	simm.s32 @p2 $0x1  }
0x17: {  	s4 =	simm.s32 $0x1BF5;
	[smem:$0x3FBA] =	sst s0  }
0x18: {  	s0 =	sld [smem:$0x3F9D];
	_ =	swait.ge [sflag:s4], $0x0  }
0x19: {  	s7 =	sld [smem:$0x3F9E]  }
0x1a: {  	s8 =	sadd.s32 $0xFFFFE003, lr  }
0x1b: {  	s9 =	sadd.s32 $0xFFFFFEF7, lr;
	s5 =	simm.s32 $0xFFFFFFFF;
	p2 =	slt.u32 s8, $0xFFFFF086  }
0x1c: {  	p1 =	slt.u32 s9, $0xF7A;
	s5 =	simm.s32 @!p2 $0x0  }
0x1d: {  	s5 =	simm.s32 @p1 $0x1;
	p0 =	seq.s32 s7, s2  }
0x1e: {  	s7 =	smul.u32 @!p0 $0xF7A, s2;
	p2 =	seq.s32 @!p0 s5, $0x0  }
0x1f: {  	s9 =	smul.u32 $0xF7A, s1;
	s8 =	simm.s32 @!p0 $0x1BF5;
	p2 =	por !p2, p0  }
0x20: {  	[sflag:s8] =	ssyncset.s32 @!p0 $0xFFFFF086;
	s6 =	sadd.s32 @!p0 s3, s7;
	s7 =	simm.s32 @!p0 $0x108  }
0x21: {  	s3 =	sadd.s32 s3, s9;
	s6 =	sadd.s32 @!p0 $0x88, s6;
	s7 =	simm.s32 @p2 $0x1082  }
0x22: {  	[simem:s7], [sflag:s8] =	dma.local @!p0 [hbm:s6], $0xF7A  }
0x23: {  	s9 =	sor.u32 $0xD0000000, s2;
	s6 =	simm.s32 $0x108;
	_ =	swait.ge @!p0 [sflag:s8], $0x0  }
0x24: {  	s3 =	sadd.s32 $0x88, s3;
	s6 =	simm.s32 @!p1 $0x1082;
	[sflag:s4] =	ssyncset.s32 $0xFFFFF086  }
0x25: {  	[simem:s6], [sflag:s4] =	dma.local [hbm:s3], $0xF7A  }
0x26: {  	[smem:$0x3F9E] =	sst s1;
	(tag) =	ssettag s2;
	_ =	strace s9  }
0x27: {  	s1 =	sld [smem:$0x3FAE]  }
0x28: {  	s2 =	sld [smem:$0x3FAF]  }
0x29: {  	s4 =	sld [smem:$0x3FB1]  }
0x2a: {  	p0 =	seq.s32 s5, $0x0;
	s5 =	sld [smem:$0x3FB2]  }
0x2b: {  	s6 =	sld [smem:$0x3FB3]  }
0x2c: {  	s7 =	sld [smem:$0x3FB4]  }
0x2d: {  	s3 =	simm.s32 $0x108;
	s8 =	sld [smem:$0x3FB5]  }
0x2e: {  	s3 =	simm.s32 @!p0 $0x1082;
	s9 =	sld [smem:$0x3FB6]  }
0x2f: {  	lr =	sadd.s32 s0, s3;
	s0 =	sld [smem:$0x3FAD]  }
0x30: {  	s3 =	sld [smem:$0x3FB0]  }
0x31: {  	[smem:$0x3FB9] =	sst s10  }
0x32: {  	s10 =	sld [smem:$0x3FB7];
	_ =	sdelay $0x3  }
0x33: {  	p0 =	seq.s32 s10, $0x1;
	s10 =	sld [smem:$0x3FB9];
	_ =	sdelay $0x3  }
0x34: {  	[smem:$0x3FB9] =	sst s10  }
0x35: {  	s10 =	sld [smem:$0x3FB8];
	_ =	sdelay $0x3  }
0x36: {  	p1 =	seq.s32 s10, $0x1;
	s10 =	sld [smem:$0x3FB9];
	_ =	sdelay $0x3  }
0x37: {  	[smem:$0x3FB9] =	sst s10  }
0x38: {  	s10 =	sld [smem:$0x3FBA]  }
0x39: {  	_ = 	snop;
	(pc) =	sbr.ind lr, $3  }
0x3a: {  	_ = 	snop  }
0x3b: {  	_ = 	snop  }
0x3c: {  	p2 =	seq.s32 s10, $0x1;
	s10 =	sld [smem:$0x3FB9]  }
0x3d: {  	_ =	shalt  }
0x3e: {  	_ =	shalt  }
0x3f: {  	_ =	shalt  }
0x40: {  	_ =	shalt  }
0x41: {  	_ =	shalt  }
0x42: {  	_ =	shalt  }
0x43: {  	_ =	shalt  }
0x44: {  	_ =	shalt  }
0x45: {  	_ =	shalt  }
0x46: {  	_ =	shalt  }
0x47: {  	_ =	shalt  }
0x48: {  	_ =	shalt  }
0x49: {  	_ =	shalt  }
0x4a: {  	_ =	shalt  }
0x4b: {  	_ =	shalt  }
0x4c: {  	_ =	shalt  }
0x4d: {  	_ =	shalt  }
0x4e: {  	_ =	shalt  }
0x4f: {  	_ =	shalt  }
0x50: {  	_ =	shalt  }
0x51: {  	_ =	shalt  }
0x52: {  	_ =	shalt  }
0x53: {  	_ =	shalt  }
0x54: {  	_ =	shalt  }
0x55: {  	_ =	shalt  }
0x56: {  	_ =	shalt  }
0x57: {  	_ =	shalt  }
0x58: {  	_ =	shalt  }
0x59: {  	_ =	shalt  }
0x5a: {  	_ =	shalt  }
0x5b: {  	_ =	shalt  }
0x5c: {  	_ =	shalt  }
0x5d: {  	_ =	shalt  }
0x5e: {  	_ =	shalt  }
0x5f: {  	_ =	shalt  }
0x60: {  	_ =	shalt  }
0x61: {  	_ =	shalt  }
0x62: {  	_ =	shalt  }
0x63: {  	_ =	shalt  }
0x64: {  	_ =	shalt  }
0x65: {  	_ =	shalt  }
0x66: {  	_ =	shalt  }
0x67: {  	_ =	shalt  }
0x68: {  	_ =	shalt  }
0x69: {  	_ =	shalt  }
0x6a: {  	_ =	shalt  }
0x6b: {  	_ =	shalt  }
0x6c: {  	_ =	shalt  }
0x6d: {  	_ =	shalt  }
0x6e: {  	_ =	shalt  }
0x6f: {  	_ =	shalt  }
0x70: {  	_ =	shalt  }
0x71: {  	_ =	shalt  }
0x72: {  	_ =	shalt  }
0x73: {  	_ =	shalt  }
0x74: {  	_ =	shalt  }
0x75: {  	_ =	shalt  }
0x76: {  	_ =	shalt  }
0x77: {  	_ =	shalt  }
0x78: {  	_ =	shalt  }
0x79: {  	_ =	shalt  }
0x7a: {  	_ =	shalt  }
0x7b: {  	_ =	shalt  }
0x7c: {  	_ =	shalt  }
0x7d: {  	_ =	shalt  }
0x7e: {  	_ =	shalt  }
0x7f: {  	_ =	shalt  }
0x80: {  	_ =	shalt  }
0x81: {  	_ =	shalt  }
0x82: {  	_ =	shalt  }
0x83: {  	_ =	shalt  }
0x84: {  	_ =	shalt  }
0x85: {  	_ =	shalt  }
0x86: {  	_ =	shalt  }
0x87: {  	_ =	shalt  }
.Lfunc_end0:
.L_simem_size_0:
called_computation_lowered:
.L_overlay_start_0:
0x88: {  	s2 =	sld [smem:$0x3FD9]  }
0x89: {  	s3 =	sld [smem:$0x3FFE];
	_ =	sdelay $0x1  }
0x8a: {  	s1 =	srdreg.scid  }
0x8b: {  	s0 =	sand.u32 $0x1, s1  }
0x8c: {  	s17 =	sshll.u32 s0, $0xA;
	s2 =	sadd.s32 s3, s2  }
0x8d: {  	s2 =	sadd.s32 s2, s17  }
0x8e: {  	[smem:$0x3FC5] =	sst s2  }
0x8f: {  	_ = 	snop  }
0x90: {  	s2 =	sld [smem:$0x3FC9]  }
0x91: {  	s18 =	sld [smem:$0x3FC8];
	(tm) =	ssettm $0x1  }
0x92: {  	s4 =	sld [smem:$0x3FFB];
	_ =	sdelay $0x3  }
0x93: {  	_ =	strace s4  }
0x94: {  	s4 =	sld [smem:$0x3FFC];
	_ =	sdelay $0x3  }
0x95: {  	_ =	strace s4  }
0x96: {  	s4 =	sld [smem:$0x3FFD];
	_ =	sdelay $0x3  }
0x97: {  	_ =	strace s4  }
0x98: {  	_ =	strace $0x8FFFFFFF  }
0x99: {  	s19 =	sld [smem:$0x3FDB];
	_ =	sdelay $0x1  }
0x9a: {  	s5 =	simm.s32 $_scs_section_size  }
0x9b: {  	s6 =	simm.s32 $_size__tile_overlayer_lowered;
	s7 =	simm.s32 $_tile_overlayer_lowered  }
0x9c: {  	s22 =	simm.s32 $0x1BFF;
	s21 =	sshll.u32 s7, $0x1;
	s4 =	sadd.s32 s5, s19  }
0x9d: {  	s8 =	simm.s32 $0x0;
	s20 =	sshll.u32 s6, $0x1;
	s6 =	sadd.s32 s21, s4  }
0x9e: {  	[timem:s8], [sflag:s22] =	dma.local [hbm:s6], s20  }
0x9f: {  	_ =	swait.ge [sflag:s22], s20  }
0xa0: {  	s5 =	ssub.s32 $0x0, s20;
	[sflag:s22] =	ssyncset.done $0x0  }
0xa1: {  	[sflag:s22] =	ssyncadd.s32 s5;
	_ =	sdelay $0x1  }
0xa2: {  	s23 =	simm.s32 $0x1B8B  }
0xa3: {  	_ =	swait.ge [sflag:s23], $0x1  }
0xa4: {  	[sflag:s23] =	ssyncset.done $0x0  }
0xa5: {  	s25 =	simm.s32 $0x1B8E;
	s24 =	sld [smem:$0x3FFE];
	[sflag:s23] =	ssyncadd.s32 $0xFFFFFFFF  }
0xa6: {  	s26 =	simm.s32 $execute0_lowered;
	[smem:$0x3FD2] =	sst s25  }
0xa7: {  	s6 =	sshll.u32 s26, $0x1;
	_ =	strace $0x80000046;
	[dreg:$0x1] =	wrdreg $0xFFFFFFFF  }
0xa8: {  	s28 =	simm.s32 $_size_execute0_lowered;
	s4 =	sadd.s32 s4, s6;
	[dreg:$0x0] =	wrdreg $0x0  }
0xa9: {  	s6 =	sshll.u32 s28, $0x1;
	[dreg:$0x2] =	wrdreg s4  }
0xaa: {  	[dreg:$0x3] =	wrdreg s6  }
0xab: {  	[dreg:$0x4] =	wrdreg $0xC0  }
0xac: {  	_ =	task [dreg:s8], $0x5FFFF  }
0xad: {  	[dreg:$0x1] =	wrdreg $0xFFFFFFFF  }
0xae: {  	[dreg:$0x0] =	wrdreg $0x60  }
0xaf: {  	[dreg:$0x2] =	wrdreg s2  }
0xb0: {  	[dreg:$0x3] =	wrdreg s18  }
0xb1: {  	[dreg:$0x4] =	wrdreg s24  }
0xb2: {  	[dreg:$0x5] =	wrdreg $0x9  }
0xb3: {  	_ =	task.clear_ibuf [dreg:s8], $0x6FFFF;
	_ =	strace $0x90000046  }
0xb4: {  	s29 =	simm.s32 $0x9;
	_ =	strace $0x80000048  }
0xb5: {  	_ =	swait.ge [sflag:s29], $0x1  }
0xb6: {  	[sflag:s29] =	ssyncadd.s32 $0xFFFFFFFF  }
0xb7: {  	_ =	strace $0x90000048  }
0xb8: {  	_ =	sfence  }
0xb9: {  	s30 =	sld [smem:$0x0];
	_ =	sdelay $0x2  }
0xba: {  	s31 =	sshll.u32 s1, $0xD;
	s1 =	sshrl.u32 s1, $0x2  }
0xbb: {  	s3 =	sand.u32 $0x4000, s31;
	s1 =	sadd.s32 s1, s30  }
0xbc: {  	s0 =	sor.u32 s3, s0;
	s1 =	sshll.u32 s1, $0x11  }
0xbd: {  	s0 =	sor.u32 s1, s0  }
0xbe: {  	s0 =	sadd.s32 $0x8F2B, s0  }
0xbf: {  	[sflag:s0] =	ssyncadd.remote.s32 $0x1  }
0xc0: {  	_ =	sfence.sel $0xFFFF  }
0xc1: {  	[dreg:$0x0] =	wrdreg $0xFFFFFFFF;
	(pc) =	sbr.abs _section_cstart, $3  }
0xc2: {  	[dreg:$0x1] =	wrdreg $0xFFFFFFFF  }
0xc3: {  	_ =	task.clear_ibuf [dreg:s8], $0x2FFFF;
	_ =	strace $0x9FFFFFFF  }
0xc4: {  	(tm) =	ssettm $0x7FFFFFFF  }
0xc5: {  	_ =	shalt  }
tec
execute0_lowered:
.L_overlay_start_1:
0x0: {  	(tag) =	ssettag $0x1  }
0x1: {  	s2 =	rddreg [dreg:$0x0]  }
0x2: {  	s4 =	rddreg [dreg:$0x1]  }
0x3: {  	s5 =	rddreg [dreg:$0x2];
	s1 =	simm.s32 $0x0  }
0x4: {  	[smem:$0x7FF] =	sst s1;
	s0 =	sadd.s32 $0x10, s4  }
0x5: {  	s9 =	sadd.s32 $0x20, s4;
	_ =	strace $0x80000047;
	[dreg:$0x14] =	wrdreg s0  }
0x6: {  	s10 =	sadd.s32 $0x30, s4;
	[dreg:$0x16] =	wrdreg s9  }
0x7: {  	s11 =	sadd.s32 $0x40, s4;
	[dreg:$0x18] =	wrdreg s10  }
0x8: {  	s12 =	sadd.s32 $0x50, s4;
	[dreg:$0x1a] =	wrdreg s11  }
0x9: {  	s13 =	sadd.s32 $0x60, s4;
	[dreg:$0x1c] =	wrdreg s12  }
0xa: {  	s14 =	sadd.s32 $0x70, s4;
	[dreg:$0x1e] =	wrdreg s13  }
0xb: {  	s15 =	sadd.s32 $0x100, s4;
	[smem:$0x78C] =	sst s14  }
0xc: {  	s16 =	sadd.s32 $0x110, s4;
	[smem:$0x792] =	sst s15  }
0xd: {  	s17 =	sadd.s32 $0x120, s4;
	[smem:$0x798] =	sst s16  }
0xe: {  	s18 =	sadd.s32 $0x130, s4;
	[smem:$0x79E] =	sst s17  }
0xf: {  	s19 =	sadd.s32 $0x140, s4;
	[smem:$0x7A4] =	sst s18  }
0x10: {  	s20 =	sadd.s32 $0x150, s4;
	[smem:$0x7AA] =	sst s19  }
0x11: {  	s21 =	sadd.s32 $0x160, s4;
	[smem:$0x7B0] =	sst s20  }
0x12: {  	s22 =	sadd.s32 $0x170, s4;
	[smem:$0x7B6] =	sst s21  }
0x13: {  	s23 =	sadd.s32 $0x200, s4;
	[smem:$0x7BC] =	sst s22  }
0x14: {  	s24 =	sadd.s32 $0x210, s4;
	[smem:$0x7C2] =	sst s23  }
0x15: {  	s25 =	sadd.s32 $0x220, s4;
	[smem:$0x7C8] =	sst s24  }
0x16: {  	s26 =	sadd.s32 $0x230, s4;
	[smem:$0x7CE] =	sst s25  }
0x17: {  	s28 =	sadd.s32 $0x240, s4;
	[smem:$0x7D2] =	sst s26  }
0x18: {  	s29 =	sadd.s32 $0x250, s4;
	[smem:$0x7D6] =	sst s28  }
0x19: {  	s3 =	sadd.s32 $0x260, s4;
	[smem:$0x7DA] =	sst s29  }
0x1a: {  	s6 =	sadd.s32 $0x270, s4;
	[smem:$0x7DE] =	sst s3  }
0x1b: {  	s7 =	sadd.s32 $0x300, s4;
	[smem:$0x7E2] =	sst s6  }
0x1c: {  	s8 =	sadd.s32 $0x310, s4;
	[smem:$0x7E6] =	sst s7  }
0x1d: {  	[smem:$0x7EA] =	sst s8;
	s9 =	sadd.s32 $0x320, s4  }
0x1e: {  	s6 =	sadd.s32 $0x330, s4;
	[smem:$0x7EE] =	sst s9  }
0x1f: {  	s10 =	sadd.s32 $0x340, s4;
	[smem:$0x7F2] =	sst s6  }
0x20: {  	s12 =	sadd.s32 $0x350, s4;
	[smem:$0x7F4] =	sst s10  }
0x21: {  	s13 =	sadd.s32 $0x360, s4;
	[smem:$0x7F6] =	sst s12  }
0x22: {  	s15 =	sadd.s32 $0x370, s4;
	[smem:$0x7F8] =	sst s13  }
0x23: {  	s16 =	sadd.s32 $0x400, s4;
	[smem:$0x7FA] =	sst s15  }
0x24: {  	[smem:$0x7FC] =	sst s16;
	s10 =	sadd.s32 $0x90, s4  }
0x25: {  	s12 =	sadd.s32 $0xB0, s4;
	[dreg:$0x15] =	wrdreg s10  }
0x26: {  	s3 =	srdreg.scid;
	s13 =	sadd.s32 $0xC0, s4;
	[dreg:$0x19] =	wrdreg s12  }
0x27: {  	s7 =	stileid.u32;
	s15 =	sadd.s32 $0xE0, s4;
	[dreg:$0x1b] =	wrdreg s13  }
0x28: {  	s0 =	sand.u32 $0x1, s3;
	s16 =	sadd.s32 $0xF0, s4;
	[dreg:$0x1f] =	wrdreg s15  }
0x29: {  	s11 =	sshll.u32 s7, $0x1;
	s6 =	sadd.s32 $0x2C0, s4;
	[smem:$0x78D] =	sst s16  }
0x2a: {  	s3 =	sor.u32 s0, s11;
	s11 =	sadd.s32 $0xA0, s4;
	[smem:$0x7D7] =	sst s6  }
0x2b: {  	s10 =	sadd.s32 $0x380, s4;
	[dreg:$0x17] =	wrdreg s11  }
0x2c: {  	s12 =	sadd.s32 $0x3A0, s4;
	[smem:$0x7E7] =	sst s10  }
0x2d: {  	s13 =	sadd.s32 $0x3B0, s4;
	[smem:$0x7EF] =	sst s12  }
0x2e: {  	s15 =	sadd.s32 $0x3D0, s4;
	[smem:$0x7F3] =	sst s13  }
0x2f: {  	s16 =	sadd.s32 $0x3E0, s4;
	[smem:$0x7F7] =	sst s15  }
0x30: {  	s6 =	simm.s32 $0x580;
	[smem:$0x7F9] =	sst s16  }
0x31: {  	s11 =	sadd.s32 $0x390, s4;
	[smem:$0x77C] =	sst s6  }
0x32: {  	s10 =	simm.s32 $0x600;
	[smem:$0x7EB] =	sst s11  }
0x33: {  	s12 =	simm.s32 $0xE00;
	[smem:$0x780] =	sst s10  }
0x34: {  	s13 =	simm.s32 $0x280;
	[smem:$0x787] =	sst s12  }
0x35: {  	s15 =	simm.s32 $0xA80;
	[smem:$0x786] =	sst s13  }
0x36: {  	s16 =	simm.s32 $0xE80;
	[smem:$0x789] =	sst s15  }
0x37: {  	s14 =	sshll.u32 s3, $0xB;
	s6 =	simm.s32 $0x1480;
	[smem:$0x78B] =	sst s16  }
0x38: {  	s5 =	sadd.s32 s14, s5;
	s14 =	sadd.s32 $0xD0, s4;
	[smem:$0x79A] =	sst s6  }
0x39: {  	s11 =	simm.s32 $0xA00;
	[dreg:$0x1d] =	wrdreg s14  }
0x3a: {  	s10 =	simm.s32 $0x1500;
	[smem:$0x785] =	sst s11  }
0x3b: {  	s12 =	simm.s32 $0x1D00;
	[smem:$0x7A0] =	sst s10  }
0x3c: {  	s13 =	simm.s32 $0x1180;
	[smem:$0x7A9] =	sst s12  }
0x3d: {  	s15 =	simm.s32 $0x1980;
	[smem:$0x7A8] =	sst s13  }
0x3e: {  	s16 =	simm.s32 $0x1D80;
	[smem:$0x7AD] =	sst s15  }
0x3f: {  	s6 =	simm.s32 $0x1780;
	[smem:$0x7AF] =	sst s16  }
0x40: {  	s17 =	sadd.s32 $0xC00, s5;
	[smem:$0x7BE] =	sst s6  }
0x41: {  	s18 =	sadd.s32 $0x10C00, s5;
	[dreg:$0x4] =	wrdreg s17  }
0x42: {  	s19 =	sadd.s32 $0x20C00, s5;
	[dreg:$0x5] =	wrdreg s18  }
0x43: {  	s20 =	sadd.s32 $0x30C00, s5;
	[dreg:$0x6] =	wrdreg s19  }
0x44: {  	s21 =	sadd.s32 $0x40C00, s5;
	[dreg:$0x7] =	wrdreg s20  }
0x45: {  	s22 =	sadd.s32 $0x50C00, s5;
	[dreg:$0x8] =	wrdreg s21  }
0x46: {  	s23 =	sadd.s32 $0x60C00, s5;
	[dreg:$0x9] =	wrdreg s22  }
0x47: {  	s24 =	sadd.s32 $0x70C00, s5;
	[dreg:$0xa] =	wrdreg s23  }
0x48: {  	s25 =	sadd.s32 $0x80C00, s5;
	[dreg:$0xb] =	wrdreg s24  }
0x49: {  	s26 =	sadd.s32 $0x90C00, s5;
	[dreg:$0xc] =	wrdreg s25  }
0x4a: {  	s28 =	sadd.s32 $0xA0C00, s5;
	[dreg:$0xd] =	wrdreg s26  }
0x4b: {  	s29 =	sadd.s32 $0xB0C00, s5;
	[dreg:$0xe] =	wrdreg s28  }
0x4c: {  	s7 =	sadd.s32 $0xC0C00, s5;
	[dreg:$0xf] =	wrdreg s29  }
0x4d: {  	s8 =	sadd.s32 $0xD0C00, s5;
	[dreg:$0x10] =	wrdreg s7  }
0x4e: {  	s9 =	sadd.s32 $0xE0C00, s5;
	[dreg:$0x11] =	wrdreg s8  }
0x4f: {  	s5 =	sadd.s32 $0xF0C00, s5;
	[dreg:$0x12] =	wrdreg s9  }
0x50: {  	s14 =	sadd.s32 $0x3C0, s4;
	[dreg:$0x13] =	wrdreg s5  }
0x51: {  	s11 =	simm.s32 $0x1900;
	[smem:$0x7F5] =	sst s14  }
0x52: {  	s10 =	simm.s32 $0x2400;
	[smem:$0x7A7] =	sst s11  }
0x53: {  	s12 =	simm.s32 $0x2C00;
	[smem:$0x7C4] =	sst s10  }
0x54: {  	s13 =	simm.s32 $0x2080;
	[smem:$0x7CD] =	sst s12  }
0x55: {  	s15 =	simm.s32 $0x2880;
	[smem:$0x7CC] =	sst s13  }
0x56: {  	s16 =	simm.s32 $0x2C80;
	[smem:$0x7D0] =	sst s15  }
0x57: {  	s6 =	simm.s32 $0x2680;
	[smem:$0x7D1] =	sst s16  }
0x58: {  	s17 =	sadd.s32 $0x180, s4;
	[smem:$0x76B] =	sst s6  }
0x59: {  	s18 =	sadd.s32 $0x190, s4;
	[smem:$0x793] =	sst s17  }
0x5a: {  	s19 =	sadd.s32 $0x1A0, s4;
	[smem:$0x799] =	sst s18  }
0x5b: {  	s20 =	sadd.s32 $0x1B0, s4;
	[smem:$0x79F] =	sst s19  }
0x5c: {  	s21 =	sadd.s32 $0x1C0, s4;
	[smem:$0x7A5] =	sst s20  }
0x5d: {  	s22 =	sadd.s32 $0x1D0, s4;
	[smem:$0x7AB] =	sst s21  }
0x5e: {  	s23 =	sadd.s32 $0x1E0, s4;
	[smem:$0x7B1] =	sst s22  }
0x5f: {  	s24 =	sadd.s32 $0x1F0, s4;
	[smem:$0x7B7] =	sst s23  }
0x60: {  	s25 =	sadd.s32 $0x280, s4;
	[smem:$0x7BD] =	sst s24  }
0x61: {  	s26 =	sadd.s32 $0x290, s4;
	[smem:$0x7C3] =	sst s25  }
0x62: {  	s28 =	sadd.s32 $0x2A0, s4;
	[smem:$0x7C9] =	sst s26  }
0x63: {  	s29 =	sadd.s32 $0x2B0, s4;
	[smem:$0x7CF] =	sst s28  }
0x64: {  	s7 =	sadd.s32 $0x2D0, s4;
	[smem:$0x7D3] =	sst s29  }
0x65: {  	s8 =	sadd.s32 $0x2E0, s4;
	[smem:$0x7DB] =	sst s7  }
0x66: {  	s9 =	sadd.s32 $0x2F0, s4;
	[smem:$0x7DF] =	sst s8  }
0x67: {  	s5 =	simm.s32 $0x180;
	[smem:$0x7E3] =	sst s9  }
0x68: {  	s14 =	simm.s32 $0x680;
	[smem:$0x77E] =	sst s5  }
0x69: {  	s11 =	simm.s32 $0x2800;
	[smem:$0x784] =	sst s14  }
0x6a: {  	s10 =	simm.s32 $0x2700;
	[smem:$0x7CB] =	sst s11  }
0x6b: {  	s17 =	sadd.s32 $0x3F0, s4;
	[smem:$0x769] =	sst s10  }
0x6c: {  	s4 =	sadd.s32 $0x480, s4;
	[smem:$0x7FB] =	sst s17  }
0x6d: {  	s18 =	simm.s32 $0x400;
	[smem:$0x7FD] =	sst s4  }
0x6e: {  	s19 =	simm.s32 $0x800;
	[smem:$0x773] =	sst s18  }
0x6f: {  	s20 =	simm.s32 $0xC00;
	[smem:$0x775] =	sst s19  }
0x70: {  	s21 =	simm.s32 $0x80;
	[smem:$0x777] =	sst s20  }
0x71: {  	s22 =	simm.s32 $0x480;
	[smem:$0x776] =	sst s21  }
0x72: {  	s23 =	simm.s32 $0x880;
	[smem:$0x774] =	sst s22  }
0x73: {  	s24 =	simm.s32 $0xC80;
	[smem:$0x779] =	sst s23  }
0x74: {  	s25 =	simm.s32 $0x100;
	[smem:$0x77B] =	sst s24  }
0x75: {  	s26 =	simm.s32 $0x500;
	[smem:$0x77A] =	sst s25  }
0x76: {  	s28 =	simm.s32 $0x900;
	[smem:$0x778] =	sst s26  }
0x77: {  	s29 =	simm.s32 $0xD00;
	[smem:$0x77D] =	sst s28  }
0x78: {  	s7 =	simm.s32 $0x980;
	[smem:$0x77F] =	sst s29  }
0x79: {  	s8 =	simm.s32 $0xD80;
	[smem:$0x781] =	sst s7  }
0x7a: {  	s9 =	simm.s32 $0x200;
	[smem:$0x783] =	sst s8  }
0x7b: {  	s5 =	simm.s32 $0x1080;
	[smem:$0x782] =	sst s9  }
0x7c: {  	s14 =	simm.s32 $0x1580;
	[smem:$0x79C] =	sst s5  }
0x7d: {  	s17 =	simm.s32 $0x300;
	[smem:$0x7A6] =	sst s14  }
0x7e: {  	s18 =	simm.s32 $0x700;
	[smem:$0x78A] =	sst s17  }
0x7f: {  	s19 =	simm.s32 $0xB00;
	[smem:$0x788] =	sst s18  }
0x80: {  	s20 =	simm.s32 $0xF00;
	[smem:$0x78F] =	sst s19  }
0x81: {  	s21 =	simm.s32 $0x380;
	[smem:$0x791] =	sst s20  }
0x82: {  	s22 =	simm.s32 $0x780;
	[smem:$0x790] =	sst s21  }
0x83: {  	s23 =	simm.s32 $0xB80;
	[smem:$0x78E] =	sst s22  }
0x84: {  	s24 =	simm.s32 $0xF80;
	[smem:$0x795] =	sst s23  }
0x85: {  	s25 =	simm.s32 $0x1000;
	[smem:$0x797] =	sst s24  }
0x86: {  	s26 =	simm.s32 $0x1400;
	[smem:$0x796] =	sst s25  }
0x87: {  	s28 =	simm.s32 $0x1800;
	[smem:$0x794] =	sst s26  }
0x88: {  	s29 =	simm.s32 $0x1C00;
	[smem:$0x79B] =	sst s28  }
0x89: {  	s7 =	simm.s32 $0x1880;
	[smem:$0x79D] =	sst s29  }
0x8a: {  	s8 =	simm.s32 $0x1C80;
	[smem:$0x7A1] =	sst s7  }
0x8b: {  	s9 =	simm.s32 $0x1100;
	[smem:$0x7A3] =	sst s8  }
0x8c: {  	s5 =	simm.s32 $0x1380;
	[smem:$0x7A2] =	sst s9  }
0x8d: {  	s14 =	simm.s32 $0x2480;
	[smem:$0x7C0] =	sst s5  }
0x8e: {  	s17 =	simm.s32 $0x1200;
	[smem:$0x7CA] =	sst s14  }
0x8f: {  	s18 =	simm.s32 $0x1600;
	[smem:$0x7AE] =	sst s17  }
0x90: {  	s19 =	simm.s32 $0x1A00;
	[smem:$0x7AC] =	sst s18  }
0x91: {  	s20 =	simm.s32 $0x1E00;
	[smem:$0x7B3] =	sst s19  }
0x92: {  	s21 =	simm.s32 $0x1280;
	[smem:$0x7B5] =	sst s20  }
0x93: {  	s22 =	simm.s32 $0x1680;
	[smem:$0x7B4] =	sst s21  }
0x94: {  	s23 =	simm.s32 $0x1A80;
	[smem:$0x7B2] =	sst s22  }
0x95: {  	s24 =	simm.s32 $0x1E80;
	[smem:$0x7B9] =	sst s23  }
0x96: {  	s25 =	simm.s32 $0x1300;
	[smem:$0x7BB] =	sst s24  }
0x97: {  	s26 =	simm.s32 $0x1700;
	[smem:$0x7BA] =	sst s25  }
0x98: {  	s28 =	simm.s32 $0x1B00;
	[smem:$0x7B8] =	sst s26  }
0x99: {  	s29 =	simm.s32 $0x1F00;
	[smem:$0x7BF] =	sst s28  }
0x9a: {  	s7 =	simm.s32 $0x1B80;
	[smem:$0x7C1] =	sst s29  }
0x9b: {  	s8 =	simm.s32 $0x1F80;
	[smem:$0x7C5] =	sst s7  }
0x9c: {  	s9 =	simm.s32 $0x2000;
	[smem:$0x7C7] =	sst s8  }
0x9d: {  	s5 =	simm.s32 $0x2280;
	[smem:$0x7C6] =	sst s9  }
0x9e: {  	s17 =	simm.s32 $0x2100;
	[smem:$0x76C] =	sst s5  }
0x9f: {  	s18 =	simm.s32 $0x2500;
	[smem:$0x772] =	sst s17  }
0xa0: {  	s19 =	simm.s32 $0x2900;
	[smem:$0x771] =	sst s18  }
0xa1: {  	s20 =	simm.s32 $0x2D00;
	[smem:$0x7D4] =	sst s19  }
0xa2: {  	s21 =	simm.s32 $0x2180;
	[smem:$0x7D5] =	sst s20  }
0xa3: {  	s22 =	simm.s32 $0x2580;
	[smem:$0x770] =	sst s21  }
0xa4: {  	s23 =	simm.s32 $0x2980;
	[smem:$0x76F] =	sst s22  }
0xa5: {  	s24 =	simm.s32 $0x2D80;
	[smem:$0x7D8] =	sst s23  }
0xa6: {  	s25 =	simm.s32 $0x2200;
	[smem:$0x7D9] =	sst s24  }
0xa7: {  	s26 =	simm.s32 $0x2600;
	[smem:$0x76E] =	sst s25  }
0xa8: {  	s28 =	simm.s32 $0x2A00;
	[smem:$0x76D] =	sst s26  }
0xa9: {  	s29 =	simm.s32 $0x2E00;
	[smem:$0x7DC] =	sst s28  }
0xaa: {  	s7 =	simm.s32 $0x2A80;
	[smem:$0x7DD] =	sst s29  }
0xab: {  	s8 =	simm.s32 $0x2E80;
	[smem:$0x7E0] =	sst s7  }
0xac: {  	s9 =	simm.s32 $0x2300;
	[smem:$0x7E1] =	sst s8  }
0xad: {  	s11 =	simm.s32 $0x2B00;
	[smem:$0x76A] =	sst s9  }
0xae: {  	s12 =	simm.s32 $0x2F00;
	[smem:$0x7E4] =	sst s11  }
0xaf: {  	s13 =	simm.s32 $0x2380;
	[smem:$0x7E5] =	sst s12  }
0xb0: {  	s14 =	simm.s32 $0x2780;
	[smem:$0x768] =	sst s13  }
0xb1: {  	s15 =	simm.s32 $0x2B80;
	[smem:$0x767] =	sst s14  }
0xb2: {  	s16 =	simm.s32 $0x2F80;
	[smem:$0x7E8] =	sst s15  }
0xb3: {  	[smem:$0x7E9] =	sst s16;
	s17 =	simm.s32 $0x3000  }
0xb4: {  	s18 =	simm.s32 $0x3400;
	[smem:$0x766] =	sst s17  }
0xb5: {  	s19 =	simm.s32 $0x3800;
	[smem:$0x765] =	sst s18  }
0xb6: {  	s20 =	simm.s32 $0x3C00;
	[smem:$0x7EC] =	sst s19  }
0xb7: {  	s21 =	simm.s32 $0x3080;
	[smem:$0x7ED] =	sst s20  }
0xb8: {  	s22 =	simm.s32 $0x3480;
	[smem:$0x764] =	sst s21  }
0xb9: {  	s23 =	simm.s32 $0x3880;
	[smem:$0x763] =	sst s22  }
0xba: {  	s24 =	simm.s32 $0x3C80;
	[smem:$0x7F0] =	sst s23  }
0xbb: {  	[smem:$0x7F1] =	sst s24  }
0xbc: {  	s9 =	sld [smem:$0x767]  }
0xbd: {  	s10 =	sld [smem:$0x768]  }
0xbe: {  	s11 =	sld [smem:$0x769]  }
0xbf: {  	s12 =	sld [smem:$0x76A]  }
0xc0: {  	s13 =	sld [smem:$0x76B]  }
0xc1: {  	s14 =	sld [smem:$0x76C]  }
0xc2: {  	s15 =	sld [smem:$0x76D]  }
0xc3: {  	s16 =	sld [smem:$0x76E]  }
0xc4: {  	s17 =	sld [smem:$0x76F]  }
0xc5: {  	s18 =	sld [smem:$0x770]  }
0xc6: {  	s19 =	sld [smem:$0x771]  }
0xc7: {  	s20 =	sld [smem:$0x772]  }
0xc8: {  	s25 =	rddreg [dreg:$0x14]  }
0xc9: {  	s21 =	sld [smem:$0x773]  }
0xca: {  	s22 =	rddreg [dreg:$0x15]  }
0xcb: {  	s23 =	sld [smem:$0x774]  }
0xcc: {  	s3 =	sadd.s32 $0x1, s3;
	s28 =	sld [smem:$0x775]  }
0xcd: {  	s26 =	sshll.u32 s3, $0x4;
	s29 =	sld [smem:$0x776]  }
0xce: {  	s4 =	sand.u32 $0x70, s26;
	s26 =	rddreg [dreg:$0x16]  }
0xcf: {  	s5 =	sld [smem:$0x763]  }
0xd0: {  	s24 =	sld [smem:$0x764]  }
0xd1: {  	s7 =	sld [smem:$0x765]  }
0xd2: {  	s3 =	sshll.u32 s3, $0x5;
	s8 =	sld [smem:$0x766]  }
0xd3: {  	[tilespmem:s1], [sflag:$0x1] =	stream.linear.gather [hbm4b:s25+s1], $0x80, $0x38;
	[tilespmem:$0x4000] =	vst v63  }
0xd4: {  	s3 =	sand.u32 $0x700, s3;
	s2 =	sadd.s32 s2, s4;
	s25 =	sld [smem:$0x777]  }
0xd5: {  	s6 =	sadd.s32 s3, s2;
	s3 =	sld [smem:$0x77A]  }
0xd6: {  	s2 =	sld [smem:$0x77C]  }
0xd7: {  	[tilespmem:s21], [sflag:$0x1] =	stream.linear.gather [hbm4b:s22+s1], $0x80, $0x38;
	[tilespmem:$0x4000] =	vst v63  }
0xd8: {  	s21 =	sld [smem:$0x778]  }
0xd9: {  	[tilespmem:s28], [sflag:$0x1] =	stream.linear.gather [hbm4b:s6+s1], $0x80, $0x38;
	[tilespmem:$0x4000] =	vst v63  }
0xda: {  	s4 =	sadd.s32 $0x80, s6;
	s28 =	rddreg [dreg:$0x17]  }
0xdb: {  	[tilespmem:s25], [sflag:$0x1] =	stream.linear.gather [hbm4b:s4+s1], $0x80, $0x38;
	[tilespmem:$0x4000] =	vst v63  }
0xdc: {  	s25 =	sld [smem:$0x77B]  }
0xdd: {  	[tilespmem:s29], [sflag:$0x1] =	stream.linear.gather [hbm4b:s26+s1], $0x80, $0x38;
	[tilespmem:$0x4000] =	vst v63  }
0xde: {  	s29 =	sld [smem:$0x779]  }
0xdf: {  	s26 =	rddreg [dreg:$0x18]  }
0xe0: {  	[tilespmem:s23], [sflag:$0x1] =	stream.linear.gather [hbm4b:s28+s1], $0x80, $0x38;
	[tilespmem:$0x4000] =	vst v63  }
0xe1: {  	s28 =	rddreg [dreg:$0x19]  }
0xe2: {  	[tilespmem:s29], [sflag:$0x1] =	stream.linear.gather [hbm4b:s6+s1], $0x80, $0x38;
	[tilespmem:$0x4000] =	vst v63  }
0xe3: {  	s29 =	sld [smem:$0x77D]  }
0xe4: {  	[tilespmem:s25], [sflag:$0x1] =	stream.linear.gather [hbm4b:s4+s1], $0x80, $0x38;
	[tilespmem:$0x4000] =	vst v63  }
0xe5: {  	s25 =	sld [smem:$0x77F]  }
0xe6: {  	[tilespmem:s3], [sflag:$0x1] =	stream.linear.gather [hbm4b:s26+s1], $0x80, $0x38;
	[tilespmem:$0x4000] =	vst v63  }
0xe7: {  	s3 =	sld [smem:$0x77E]  }
0xe8: {  	s26 =	rddreg [dreg:$0x1a]  }
0xe9: {  	[tilespmem:s21], [sflag:$0x1] =	stream.linear.gather [hbm4b:s28+s1], $0x80, $0x38;
	[tilespmem:$0x4000] =	vst v63  }
0xea: {  	s28 =	rddreg [dreg:$0x1b]  }
0xeb: {  	s21 =	sld [smem:$0x780]  }
0xec: {  	[tilespmem:s29], [sflag:$0x1] =	stream.linear.gather [hbm4b:s6+s1], $0x80, $0x38;
	[tilespmem:$0x4000] =	vst v63  }
0xed: {  	s29 =	sld [smem:$0x781]  }
0xee: {  	[tilespmem:s25], [sflag:$0x1] =	stream.linear.gather [hbm4b:s4+s1], $0x80, $0x38;
	[tilespmem:$0x4000] =	vst v63  }
0xef: {  	s25 =	sld [smem:$0x783]  }
0xf0: {  	[tilespmem:s3], [sflag:$0x1] =	stream.linear.gather [hbm4b:s26+s1], $0x80, $0x38;
	[tilespmem:$0x4000] =	vst v63  }
0xf1: {  	s3 =	sld [smem:$0x782]  }
0xf2: {  	s26 =	rddreg [dreg:$0x1c]  }
0xf3: {  	[tilespmem:s2], [sflag:$0x1] =	stream.linear.gather [hbm4b:s28+s1], $0x80, $0x38;
	[tilespmem:$0x4000] =	vst v63  }
0xf4: {  	s28 =	rddreg [dreg:$0x1d]  }
0xf5: {  	s2 =	sld [smem:$0x784]  }
0xf6: {  	[tilespmem:s29], [sflag:$0x1] =	stream.linear.gather [hbm4b:s6+s1], $0x80, $0x38;
	[tilespmem:$0x4000] =	vst v63  }
0xf7: {  	s29 =	sld [smem:$0x785]  }
0xf8: {  	[tilespmem:s25], [sflag:$0x1] =	stream.linear.gather [hbm4b:s4+s1], $0x80, $0x38;
	[tilespmem:$0x4000] =	vst v63  }
0xf9: {  	s25 =	sld [smem:$0x787]  }
0xfa: {  	[tilespmem:s3], [sflag:$0x1] =	stream.linear.gather [hbm4b:s26+s1], $0x80, $0x38;
	[tilespmem:$0x4000] =	vst v63  }
0xfb: {  	s3 =	sld [smem:$0x786]  }
0xfc: {  	s26 =	rddreg [dreg:$0x1e]  }
0xfd: {  	[tilespmem:s21], [sflag:$0x1] =	stream.linear.gather [hbm4b:s28+s1], $0x80, $0x38;
	[tilespmem:$0x4000] =	vst v63  }
0xfe: {  	s28 =	rddreg [dreg:$0x1f]  }
0xff: {  	s21 =	sld [smem:$0x788]  }
0x100: {  	[tilespmem:s29], [sflag:$0x1] =	stream.linear.gather [hbm4b:s6+s1], $0x80, $0x38;
	[tilespmem:$0x4000] =	vst v63  }
0x101: {  	s29 =	sld [smem:$0x789]  }
0x102: {  	[tilespmem:s25], [sflag:$0x1] =	stream.linear.gather [hbm4b:s4+s1], $0x80, $0x38;
	[tilespmem:$0x4000] =	vst v63  }
0x103: {  	s25 =	sld [smem:$0x78B]  }
0x104: {  	[tilespmem:s3], [sflag:$0x1] =	stream.linear.gather [hbm4b:s26+s1], $0x80, $0x38;
	[tilespmem:$0x4000] =	vst v63  }
0x105: {  	s3 =	sld [smem:$0x78A]  }
0x106: {  	s26 =	sld [smem:$0x78C]  }
0x107: {  	[tilespmem:s2], [sflag:$0x1] =	stream.linear.gather [hbm4b:s28+s1], $0x80, $0x38;
	[tilespmem:$0x4000] =	vst v63  }
0x108: {  	s28 =	sld [smem:$0x78D]  }
0x109: {  	s2 =	sld [smem:$0x78E]  }
0x10a: {  	[tilespmem:s29], [sflag:$0x1] =	stream.linear.gather [hbm4b:s6+s1], $0x80, $0x38;
	[tilespmem:$0x4000] =	vst v63  }
0x10b: {  	s29 =	sld [smem:$0x78F]  }
0x10c: {  	[tilespmem:s25], [sflag:$0x1] =	stream.linear.gather [hbm4b:s4+s1], $0x80, $0x38;
	[tilespmem:$0x4000] =	vst v63  }
0x10d: {  	s25 =	sld [smem:$0x791]  }
0x10e: {  	[tilespmem:s3], [sflag:$0x1] =	stream.linear.gather [hbm4b:s26+s1], $0x80, $0x38;
	[tilespmem:$0x4000] =	vst v63  }
0x10f: {  	s3 =	sld [smem:$0x790]  }
0x110: {  	s26 =	sld [smem:$0x792]  }
0x111: {  	[tilespmem:s21], [sflag:$0x1] =	stream.linear.gather [hbm4b:s28+s1], $0x80, $0x38;
	[tilespmem:$0x4000] =	vst v63  }
0x112: {  	s28 =	sld [smem:$0x793]  }
0x113: {  	s21 =	sld [smem:$0x794]  }
0x114: {  	[tilespmem:s29], [sflag:$0x1] =	stream.linear.gather [hbm4b:s6+s1], $0x80, $0x38;
	[tilespmem:$0x4000] =	vst v63  }
0x115: {  	s29 =	sld [smem:$0x795]  }
0x116: {  	[tilespmem:s25], [sflag:$0x1] =	stream.linear.gather [hbm4b:s4+s1], $0x80, $0x38;
	[tilespmem:$0x4000] =	vst v63  }
0x117: {  	s25 =	sld [smem:$0x797]  }
0x118: {  	[tilespmem:s3], [sflag:$0x1] =	stream.linear.gather [hbm4b:s26+s1], $0x80, $0x38;
	[tilespmem:$0x4000] =	vst v63  }
0x119: {  	s3 =	sld [smem:$0x796]  }
0x11a: {  	s26 =	sld [smem:$0x798]  }
0x11b: {  	[tilespmem:s2], [sflag:$0x1] =	stream.linear.gather [hbm4b:s28+s1], $0x80, $0x38;
	[tilespmem:$0x4000] =	vst v63  }
0x11c: {  	s28 =	sld [smem:$0x799]  }
0x11d: {  	s2 =	sld [smem:$0x79A]  }
0x11e: {  	[tilespmem:s29], [sflag:$0x1] =	stream.linear.gather [hbm4b:s6+s1], $0x80, $0x38;
	[tilespmem:$0x4000] =	vst v63  }
0x11f: {  	s29 =	sld [smem:$0x79B]  }
0x120: {  	[tilespmem:s25], [sflag:$0x1] =	stream.linear.gather [hbm4b:s4+s1], $0x80, $0x38;
	[tilespmem:$0x4000] =	vst v63  }
0x121: {  	s25 =	sld [smem:$0x79D]  }
0x122: {  	[tilespmem:s3], [sflag:$0x1] =	stream.linear.gather [hbm4b:s26+s1], $0x80, $0x38;
	[tilespmem:$0x4000] =	vst v63  }
0x123: {  	s3 =	sld [smem:$0x79C]  }
0x124: {  	s26 =	sld [smem:$0x79E]  }
0x125: {  	[tilespmem:s21], [sflag:$0x1] =	stream.linear.gather [hbm4b:s28+s1], $0x80, $0x38;
	[tilespmem:$0x4000] =	vst v63  }
0x126: {  	s28 =	sld [smem:$0x79F]  }
0x127: {  	s21 =	sld [smem:$0x7A0]  }
0x128: {  	[tilespmem:s29], [sflag:$0x1] =	stream.linear.gather [hbm4b:s6+s1], $0x80, $0x38;
	[tilespmem:$0x4000] =	vst v63  }
0x129: {  	s29 =	sld [smem:$0x7A1]  }
0x12a: {  	[tilespmem:s25], [sflag:$0x1] =	stream.linear.gather [hbm4b:s4+s1], $0x80, $0x38;
	[tilespmem:$0x4000] =	vst v63  }
0x12b: {  	s25 =	sld [smem:$0x7A3]  }
0x12c: {  	[tilespmem:s3], [sflag:$0x1] =	stream.linear.gather [hbm4b:s26+s1], $0x80, $0x38;
	[tilespmem:$0x4000] =	vst v63  }
0x12d: {  	s3 =	sld [smem:$0x7A2]  }
0x12e: {  	s26 =	sld [smem:$0x7A4]  }
0x12f: {  	[tilespmem:s2], [sflag:$0x1] =	stream.linear.gather [hbm4b:s28+s1], $0x80, $0x38;
	[tilespmem:$0x4000] =	vst v63  }
0x130: {  	s28 =	sld [smem:$0x7A5]  }
0x131: {  	s2 =	sld [smem:$0x7A6]  }
0x132: {  	[tilespmem:s29], [sflag:$0x1] =	stream.linear.gather [hbm4b:s6+s1], $0x80, $0x38;
	[tilespmem:$0x4000] =	vst v63  }
0x133: {  	s29 =	sld [smem:$0x7A7]  }
0x134: {  	[tilespmem:s25], [sflag:$0x1] =	stream.linear.gather [hbm4b:s4+s1], $0x80, $0x38;
	[tilespmem:$0x4000] =	vst v63  }
0x135: {  	s25 =	sld [smem:$0x7A9]  }
0x136: {  	[tilespmem:s3], [sflag:$0x1] =	stream.linear.gather [hbm4b:s26+s1], $0x80, $0x38;
	[tilespmem:$0x4000] =	vst v63  }
0x137: {  	s3 =	sld [smem:$0x7A8]  }
0x138: {  	s26 =	sld [smem:$0x7AA]  }
0x139: {  	[tilespmem:s21], [sflag:$0x1] =	stream.linear.gather [hbm4b:s28+s1], $0x80, $0x38;
	[tilespmem:$0x4000] =	vst v63  }
0x13a: {  	s28 =	sld [smem:$0x7AB]  }
0x13b: {  	s21 =	sld [smem:$0x7AC]  }
0x13c: {  	[tilespmem:s29], [sflag:$0x1] =	stream.linear.gather [hbm4b:s6+s1], $0x80, $0x38;
	[tilespmem:$0x4000] =	vst v63  }
0x13d: {  	s29 =	sld [smem:$0x7AD]  }
0x13e: {  	[tilespmem:s25], [sflag:$0x1] =	stream.linear.gather [hbm4b:s4+s1], $0x80, $0x38;
	[tilespmem:$0x4000] =	vst v63  }
0x13f: {  	s25 =	sld [smem:$0x7AF]  }
0x140: {  	[tilespmem:s3], [sflag:$0x1] =	stream.linear.gather [hbm4b:s26+s1], $0x80, $0x38;
	[tilespmem:$0x4000] =	vst v63  }
0x141: {  	s3 =	sld [smem:$0x7AE]  }
0x142: {  	s26 =	sld [smem:$0x7B0]  }
0x143: {  	[tilespmem:s2], [sflag:$0x1] =	stream.linear.gather [hbm4b:s28+s1], $0x80, $0x38;
	[tilespmem:$0x4000] =	vst v63  }
0x144: {  	s28 =	sld [smem:$0x7B1]  }
0x145: {  	s2 =	sld [smem:$0x7B2]  }
0x146: {  	[tilespmem:s29], [sflag:$0x1] =	stream.linear.gather [hbm4b:s6+s1], $0x80, $0x38;
	[tilespmem:$0x4000] =	vst v63  }
0x147: {  	s29 =	sld [smem:$0x7B3]  }
0x148: {  	[tilespmem:s25], [sflag:$0x1] =	stream.linear.gather [hbm4b:s4+s1], $0x80, $0x38;
	[tilespmem:$0x4000] =	vst v63  }
0x149: {  	s25 =	sld [smem:$0x7B5]  }
0x14a: {  	[tilespmem:s3], [sflag:$0x1] =	stream.linear.gather [hbm4b:s26+s1], $0x80, $0x38;
	[tilespmem:$0x4000] =	vst v63  }
0x14b: {  	s3 =	sld [smem:$0x7B4]  }
0x14c: {  	s26 =	sld [smem:$0x7B6]  }
0x14d: {  	[tilespmem:s21], [sflag:$0x1] =	stream.linear.gather [hbm4b:s28+s1], $0x80, $0x38;
	[tilespmem:$0x4000] =	vst v63  }
0x14e: {  	s28 =	sld [smem:$0x7B7]  }
0x14f: {  	s21 =	sld [smem:$0x7B8]  }
0x150: {  	[tilespmem:s29], [sflag:$0x1] =	stream.linear.gather [hbm4b:s6+s1], $0x80, $0x38;
	[tilespmem:$0x4000] =	vst v63  }
0x151: {  	s29 =	sld [smem:$0x7B9]  }
0x152: {  	[tilespmem:s25], [sflag:$0x1] =	stream.linear.gather [hbm4b:s4+s1], $0x80, $0x38;
	[tilespmem:$0x4000] =	vst v63  }
0x153: {  	s25 =	sld [smem:$0x7BB]  }
0x154: {  	[tilespmem:s3], [sflag:$0x1] =	stream.linear.gather [hbm4b:s26+s1], $0x80, $0x38;
	[tilespmem:$0x4000] =	vst v63  }
0x155: {  	s3 =	sld [smem:$0x7BA]  }
0x156: {  	s26 =	sld [smem:$0x7BC]  }
0x157: {  	[tilespmem:s2], [sflag:$0x1] =	stream.linear.gather [hbm4b:s28+s1], $0x80, $0x38;
	[tilespmem:$0x4000] =	vst v63  }
0x158: {  	s28 =	sld [smem:$0x7BD]  }
0x159: {  	s2 =	sld [smem:$0x7BE]  }
0x15a: {  	[tilespmem:s29], [sflag:$0x1] =	stream.linear.gather [hbm4b:s6+s1], $0x80, $0x38;
	[tilespmem:$0x4000] =	vst v63  }
0x15b: {  	s29 =	sld [smem:$0x7BF]  }
0x15c: {  	[tilespmem:s25], [sflag:$0x1] =	stream.linear.gather [hbm4b:s4+s1], $0x80, $0x38;
	[tilespmem:$0x4000] =	vst v63  }
0x15d: {  	s25 =	sld [smem:$0x7C1]  }
0x15e: {  	[tilespmem:s3], [sflag:$0x1] =	stream.linear.gather [hbm4b:s26+s1], $0x80, $0x38;
	[tilespmem:$0x4000] =	vst v63  }
0x15f: {  	s3 =	sld [smem:$0x7C0]  }
0x160: {  	s26 =	sld [smem:$0x7C2]  }
0x161: {  	[tilespmem:s21], [sflag:$0x1] =	stream.linear.gather [hbm4b:s28+s1], $0x80, $0x38;
	[tilespmem:$0x4000] =	vst v63  }
0x162: {  	s28 =	sld [smem:$0x7C3]  }
0x163: {  	s21 =	sld [smem:$0x7C4]  }
0x164: {  	[tilespmem:s29], [sflag:$0x1] =	stream.linear.gather [hbm4b:s6+s1], $0x80, $0x38;
	[tilespmem:$0x4000] =	vst v63  }
0x165: {  	s29 =	sld [smem:$0x7C5]  }
0x166: {  	[tilespmem:s25], [sflag:$0x1] =	stream.linear.gather [hbm4b:s4+s1], $0x80, $0x38;
	[tilespmem:$0x4000] =	vst v63  }
0x167: {  	s25 =	sld [smem:$0x7C7]  }
0x168: {  	[tilespmem:s3], [sflag:$0x1] =	stream.linear.gather [hbm4b:s26+s1], $0x80, $0x38;
	[tilespmem:$0x4000] =	vst v63  }
0x169: {  	s3 =	sld [smem:$0x7C6]  }
0x16a: {  	s26 =	sld [smem:$0x7C8]  }
0x16b: {  	[tilespmem:s2], [sflag:$0x1] =	stream.linear.gather [hbm4b:s28+s1], $0x80, $0x38;
	[tilespmem:$0x4000] =	vst v63  }
0x16c: {  	s28 =	sld [smem:$0x7C9]  }
0x16d: {  	[tilespmem:s29], [sflag:$0x1] =	stream.linear.gather [hbm4b:s6+s1], $0x80, $0x38;
	[tilespmem:$0x4000] =	vst v63  }
0x16e: {  	s2 =	sld [smem:$0x7CA]  }
0x16f: {  	[tilespmem:s25], [sflag:$0x1] =	stream.linear.gather [hbm4b:s4+s1], $0x80, $0x38;
	[tilespmem:$0x4000] =	vst v63  }
0x170: {  	s29 =	sld [smem:$0x7CB]  }
0x171: {  	[tilespmem:s3], [sflag:$0x1] =	stream.linear.gather [hbm4b:s26+s1], $0x80, $0x38;
	[tilespmem:$0x4000] =	vst v63  }
0x172: {  	s25 =	sld [smem:$0x7CD]  }
0x173: {  	[tilespmem:s21], [sflag:$0x1] =	stream.linear.gather [hbm4b:s28+s1], $0x80, $0x38;
	[tilespmem:$0x4000] =	vst v63  }
0x174: {  	s3 =	sld [smem:$0x7CC]  }
0x175: {  	[tilespmem:s29], [sflag:$0x1] =	stream.linear.gather [hbm4b:s6+s1], $0x80, $0x38;
	[tilespmem:$0x4000] =	vst v63  }
0x176: {  	s26 =	sld [smem:$0x7CE]  }
0x177: {  	[tilespmem:s25], [sflag:$0x1] =	stream.linear.gather [hbm4b:s4+s1], $0x80, $0x38;
	[tilespmem:$0x4000] =	vst v63  }
0x178: {  	s28 =	sld [smem:$0x7CF]  }
0x179: {  	[tilespmem:s3], [sflag:$0x1] =	stream.linear.gather [hbm4b:s26+s1], $0x80, $0x38;
	[tilespmem:$0x4000] =	vst v63  }
0x17a: {  	s29 =	sld [smem:$0x7D0]  }
0x17b: {  	[tilespmem:s2], [sflag:$0x1] =	stream.linear.gather [hbm4b:s28+s1], $0x80, $0x38;
	[tilespmem:$0x4000] =	vst v63  }
0x17c: {  	s3 =	sld [smem:$0x7D1]  }
0x17d: {  	[tilespmem:s29], [sflag:$0x1] =	stream.linear.gather [hbm4b:s6+s1], $0x80, $0x38;
	[tilespmem:$0x4000] =	vst v63  }
0x17e: {  	s22 =	sld [smem:$0x7D2]  }
0x17f: {  	[tilespmem:s3], [sflag:$0x1] =	stream.linear.gather [hbm4b:s4+s1], $0x80, $0x38;
	[tilespmem:$0x4000] =	vst v63  }
0x180: {  	s23 =	sld [smem:$0x7D3]  }
0x181: {  	[tilespmem:s20], [sflag:$0x1] =	stream.linear.gather [hbm4b:s22+s1], $0x80, $0x38;
	[tilespmem:$0x4000] =	vst v63  }
0x182: {  	s25 =	sld [smem:$0x7D4]  }
0x183: {  	[tilespmem:s19], [sflag:$0x1] =	stream.linear.gather [hbm4b:s23+s1], $0x80, $0x38;
	[tilespmem:$0x4000] =	vst v63  }
0x184: {  	s26 =	sld [smem:$0x7D5]  }
0x185: {  	[tilespmem:s25], [sflag:$0x1] =	stream.linear.gather [hbm4b:s6+s1], $0x80, $0x38;
	[tilespmem:$0x4000] =	vst v63  }
0x186: {  	s28 =	sld [smem:$0x7D6]  }
0x187: {  	[tilespmem:s26], [sflag:$0x1] =	stream.linear.gather [hbm4b:s4+s1], $0x80, $0x38;
	[tilespmem:$0x4000] =	vst v63  }
0x188: {  	s29 =	sld [smem:$0x7D7]  }
0x189: {  	[tilespmem:s18], [sflag:$0x1] =	stream.linear.gather [hbm4b:s28+s1], $0x80, $0x38;
	[tilespmem:$0x4000] =	vst v63  }
0x18a: {  	s3 =	sld [smem:$0x7D8]  }
0x18b: {  	[tilespmem:s17], [sflag:$0x1] =	stream.linear.gather [hbm4b:s29+s1], $0x80, $0x38;
	[tilespmem:$0x4000] =	vst v63  }
0x18c: {  	s17 =	sld [smem:$0x7D9]  }
0x18d: {  	[tilespmem:s3], [sflag:$0x1] =	stream.linear.gather [hbm4b:s6+s1], $0x80, $0x38;
	[tilespmem:$0x4000] =	vst v63  }
0x18e: {  	s18 =	sld [smem:$0x7DA]  }
0x18f: {  	[tilespmem:s17], [sflag:$0x1] =	stream.linear.gather [hbm4b:s4+s1], $0x80, $0x38;
	[tilespmem:$0x4000] =	vst v63  }
0x190: {  	s19 =	sld [smem:$0x7DB]  }
0x191: {  	[tilespmem:s16], [sflag:$0x1] =	stream.linear.gather [hbm4b:s18+s1], $0x80, $0x38;
	[tilespmem:$0x4000] =	vst v63  }
0x192: {  	s20 =	sld [smem:$0x7DC]  }
0x193: {  	[tilespmem:s15], [sflag:$0x1] =	stream.linear.gather [hbm4b:s19+s1], $0x80, $0x38;
	[tilespmem:$0x4000] =	vst v63  }
0x194: {  	s21 =	sld [smem:$0x7DD]  }
0x195: {  	[tilespmem:s20], [sflag:$0x1] =	stream.linear.gather [hbm4b:s6+s1], $0x80, $0x38;
	[tilespmem:$0x4000] =	vst v63  }
0x196: {  	s22 =	sld [smem:$0x7DE]  }
0x197: {  	[tilespmem:s21], [sflag:$0x1] =	stream.linear.gather [hbm4b:s4+s1], $0x80, $0x38;
	[tilespmem:$0x4000] =	vst v63  }
0x198: {  	s23 =	sld [smem:$0x7DF]  }
0x199: {  	[tilespmem:s14], [sflag:$0x1] =	stream.linear.gather [hbm4b:s22+s1], $0x80, $0x38;
	[tilespmem:$0x4000] =	vst v63  }
0x19a: {  	s25 =	sld [smem:$0x7E0]  }
0x19b: {  	[tilespmem:s13], [sflag:$0x1] =	stream.linear.gather [hbm4b:s23+s1], $0x80, $0x38;
	[tilespmem:$0x4000] =	vst v63  }
0x19c: {  	s26 =	sld [smem:$0x7E1]  }
0x19d: {  	[tilespmem:s25], [sflag:$0x1] =	stream.linear.gather [hbm4b:s6+s1], $0x80, $0x38;
	[tilespmem:$0x4000] =	vst v63  }
0x19e: {  	s28 =	sld [smem:$0x7E2]  }
0x19f: {  	[tilespmem:s26], [sflag:$0x1] =	stream.linear.gather [hbm4b:s4+s1], $0x80, $0x38;
	[tilespmem:$0x4000] =	vst v63  }
0x1a0: {  	s29 =	sld [smem:$0x7E3]  }
0x1a1: {  	[tilespmem:s12], [sflag:$0x1] =	stream.linear.gather [hbm4b:s28+s1], $0x80, $0x38;
	[tilespmem:$0x4000] =	vst v63  }
0x1a2: {  	s3 =	sld [smem:$0x7E4]  }
0x1a3: {  	[tilespmem:s11], [sflag:$0x1] =	stream.linear.gather [hbm4b:s29+s1], $0x80, $0x38;
	[tilespmem:$0x4000] =	vst v63  }
0x1a4: {  	s11 =	sld [smem:$0x7E5]  }
0x1a5: {  	[tilespmem:s3], [sflag:$0x1] =	stream.linear.gather [hbm4b:s6+s1], $0x80, $0x38;
	[tilespmem:$0x4000] =	vst v63  }
0x1a6: {  	s12 =	sld [smem:$0x7E6]  }
0x1a7: {  	[tilespmem:s11], [sflag:$0x1] =	stream.linear.gather [hbm4b:s4+s1], $0x80, $0x38;
	[tilespmem:$0x4000] =	vst v63  }
0x1a8: {  	s13 =	sld [smem:$0x7E7]  }
0x1a9: {  	[tilespmem:s10], [sflag:$0x1] =	stream.linear.gather [hbm4b:s12+s1], $0x80, $0x38;
	[tilespmem:$0x4000] =	vst v63  }
0x1aa: {  	s14 =	sld [smem:$0x7E8]  }
0x1ab: {  	[tilespmem:s9], [sflag:$0x1] =	stream.linear.gather [hbm4b:s13+s1], $0x80, $0x38;
	[tilespmem:$0x4000] =	vst v63  }
0x1ac: {  	s15 =	sld [smem:$0x7E9]  }
0x1ad: {  	[tilespmem:s14], [sflag:$0x1] =	stream.linear.gather [hbm4b:s6+s1], $0x80, $0x38;
	[tilespmem:$0x4000] =	vst v63  }
0x1ae: {  	s16 =	sld [smem:$0x7EA]  }
0x1af: {  	[tilespmem:s15], [sflag:$0x1] =	stream.linear.gather [hbm4b:s4+s1], $0x80, $0x38;
	[tilespmem:$0x4000] =	vst v63  }
0x1b0: {  	s17 =	sld [smem:$0x7EB]  }
0x1b1: {  	[tilespmem:s8], [sflag:$0x1] =	stream.linear.gather [hbm4b:s16+s1], $0x80, $0x38;
	[tilespmem:$0x4000] =	vst v63  }
0x1b2: {  	s18 =	sld [smem:$0x7EC]  }
0x1b3: {  	[tilespmem:s7], [sflag:$0x1] =	stream.linear.gather [hbm4b:s17+s1], $0x80, $0x38;
	[tilespmem:$0x4000] =	vst v63  }
0x1b4: {  	s19 =	sld [smem:$0x7ED]  }
0x1b5: {  	[tilespmem:s18], [sflag:$0x1] =	stream.linear.gather [hbm4b:s6+s1], $0x80, $0x38;
	[tilespmem:$0x4000] =	vst v63  }
0x1b6: {  	s20 =	sld [smem:$0x7EE]  }
0x1b7: {  	[tilespmem:s19], [sflag:$0x1] =	stream.linear.gather [hbm4b:s4+s1], $0x80, $0x38;
	[tilespmem:$0x4000] =	vst v63  }
0x1b8: {  	s21 =	sld [smem:$0x7EF]  }
0x1b9: {  	[tilespmem:s24], [sflag:$0x1] =	stream.linear.gather [hbm4b:s20+s1], $0x80, $0x38;
	[tilespmem:$0x4000] =	vst v63  }
0x1ba: {  	s22 =	sld [smem:$0x7F0]  }
0x1bb: {  	[tilespmem:s5], [sflag:$0x1] =	stream.linear.gather [hbm4b:s21+s1], $0x80, $0x38;
	[tilespmem:$0x4000] =	vst v63  }
0x1bc: {  	s23 =	sld [smem:$0x7F1]  }
0x1bd: {  	[tilespmem:s22], [sflag:$0x1] =	stream.linear.gather [hbm4b:s6+s1], $0x80, $0x38;
	[tilespmem:$0x4000] =	vst v63  }
0x1be: {  	s24 =	sld [smem:$0x7F2]  }
0x1bf: {  	[tilespmem:s23], [sflag:$0x1] =	stream.linear.gather [hbm4b:s4+s1], $0x80, $0x38;
	[tilespmem:$0x4000] =	vst v63  }
0x1c0: {  	s25 =	simm.s32 $0x3100;
	s26 =	sld [smem:$0x7F3]  }
0x1c1: {  	[tilespmem:s25], [sflag:$0x1] =	stream.linear.gather [hbm4b:s24+s1], $0x80, $0x38;
	[tilespmem:$0x4000] =	vst v63  }
0x1c2: {  	s28 =	simm.s32 $0x3500  }
0x1c3: {  	[tilespmem:s28], [sflag:$0x1] =	stream.linear.gather [hbm4b:s26+s1], $0x80, $0x38;
	[tilespmem:$0x4000] =	vst v63  }
0x1c4: {  	s29 =	simm.s32 $0x3900  }
0x1c5: {  	[tilespmem:s29], [sflag:$0x1] =	stream.linear.gather [hbm4b:s6+s1], $0x80, $0x38;
	[tilespmem:$0x4000] =	vst v63  }
0x1c6: {  	s2 =	simm.s32 $0x3D00;
	s5 =	sld [smem:$0x7F4]  }
0x1c7: {  	[tilespmem:s2], [sflag:$0x1] =	stream.linear.gather [hbm4b:s4+s1], $0x80, $0x38;
	[tilespmem:$0x4000] =	vst v63  }
0x1c8: {  	s8 =	sld [smem:$0x7F5];
	s7 =	simm.s32 $0x3180  }
0x1c9: {  	[tilespmem:s7], [sflag:$0x1] =	stream.linear.gather [hbm4b:s5+s1], $0x80, $0x38;
	[tilespmem:$0x4000] =	vst v63  }
0x1ca: {  	s9 =	simm.s32 $0x3580  }
0x1cb: {  	[tilespmem:s9], [sflag:$0x1] =	stream.linear.gather [hbm4b:s8+s1], $0x80, $0x38;
	[tilespmem:$0x4000] =	vst v63  }
0x1cc: {  	s10 =	simm.s32 $0x3980  }
0x1cd: {  	[tilespmem:s10], [sflag:$0x1] =	stream.linear.gather [hbm4b:s6+s1], $0x80, $0x38;
	[tilespmem:$0x4000] =	vst v63  }
0x1ce: {  	s11 =	simm.s32 $0x3D80;
	s12 =	sld [smem:$0x7F6]  }
0x1cf: {  	[tilespmem:s11], [sflag:$0x1] =	stream.linear.gather [hbm4b:s4+s1], $0x80, $0x38;
	[tilespmem:$0x4000] =	vst v63  }
0x1d0: {  	s13 =	simm.s32 $0x3200;
	s14 =	sld [smem:$0x7F7]  }
0x1d1: {  	[tilespmem:s13], [sflag:$0x1] =	stream.linear.gather [hbm4b:s12+s1], $0x80, $0x38;
	[tilespmem:$0x4000] =	vst v63  }
0x1d2: {  	s15 =	simm.s32 $0x3600  }
0x1d3: {  	[tilespmem:s15], [sflag:$0x1] =	stream.linear.gather [hbm4b:s14+s1], $0x80, $0x38;
	[tilespmem:$0x4000] =	vst v63  }
0x1d4: {  	s16 =	simm.s32 $0x3A00  }
0x1d5: {  	[tilespmem:s16], [sflag:$0x1] =	stream.linear.gather [hbm4b:s6+s1], $0x80, $0x38;
	[tilespmem:$0x4000] =	vst v63  }
0x1d6: {  	s17 =	simm.s32 $0x3E00;
	s18 =	sld [smem:$0x7F8]  }
0x1d7: {  	[tilespmem:s17], [sflag:$0x1] =	stream.linear.gather [hbm4b:s4+s1], $0x80, $0x38;
	[tilespmem:$0x4000] =	vst v63  }
0x1d8: {  	s19 =	simm.s32 $0x3280;
	s20 =	sld [smem:$0x7F9]  }
0x1d9: {  	[tilespmem:s19], [sflag:$0x1] =	stream.linear.gather [hbm4b:s18+s1], $0x80, $0x38;
	[tilespmem:$0x4000] =	vst v63  }
0x1da: {  	s21 =	simm.s32 $0x3680  }
0x1db: {  	[tilespmem:s21], [sflag:$0x1] =	stream.linear.gather [hbm4b:s20+s1], $0x80, $0x38;
	[tilespmem:$0x4000] =	vst v63  }
0x1dc: {  	s22 =	simm.s32 $0x3A80  }
0x1dd: {  	[tilespmem:s22], [sflag:$0x1] =	stream.linear.gather [hbm4b:s6+s1], $0x80, $0x38;
	[tilespmem:$0x4000] =	vst v63  }
0x1de: {  	s23 =	simm.s32 $0x3E80;
	s24 =	sld [smem:$0x7FA]  }
0x1df: {  	[tilespmem:s23], [sflag:$0x1] =	stream.linear.gather [hbm4b:s4+s1], $0x80, $0x38;
	[tilespmem:$0x4000] =	vst v63  }
0x1e0: {  	s25 =	simm.s32 $0x3300;
	s26 =	sld [smem:$0x7FB]  }
0x1e1: {  	[tilespmem:s25], [sflag:$0x1] =	stream.linear.gather [hbm4b:s24+s1], $0x80, $0x38;
	[tilespmem:$0x4000] =	vst v63  }
0x1e2: {  	s28 =	simm.s32 $0x3700  }
0x1e3: {  	[tilespmem:s28], [sflag:$0x1] =	stream.linear.gather [hbm4b:s26+s1], $0x80, $0x38;
	[tilespmem:$0x4000] =	vst v63  }
0x1e4: {  	s29 =	simm.s32 $0x3B00  }
0x1e5: {  	[tilespmem:s29], [sflag:$0x1] =	stream.linear.gather [hbm4b:s6+s1], $0x80, $0x38;
	[tilespmem:$0x4000] =	vst v63  }
0x1e6: {  	s2 =	simm.s32 $0x3F00;
	s5 =	sld [smem:$0x7FC]  }
0x1e7: {  	[tilespmem:s2], [sflag:$0x1] =	stream.linear.gather [hbm4b:s4+s1], $0x80, $0x38;
	[tilespmem:$0x4000] =	vst v63  }
0x1e8: {  	s7 =	simm.s32 $0x3380;
	s8 =	sld [smem:$0x7FD]  }
0x1e9: {  	[tilespmem:s7], [sflag:$0x1] =	stream.linear.gather [hbm4b:s5+s1], $0x80, $0x38;
	[tilespmem:$0x4000] =	vst v63  }
0x1ea: {  	s9 =	simm.s32 $0x3780  }
0x1eb: {  	[tilespmem:s9], [sflag:$0x1] =	stream.linear.gather [hbm4b:s8+s1], $0x80, $0x38;
	[tilespmem:$0x4000] =	vst v63  }
0x1ec: {  	s10 =	simm.s32 $0x3B80  }
0x1ed: {  	[tilespmem:s10], [sflag:$0x1] =	stream.linear.gather [hbm4b:s6+s1], $0x80, $0x38;
	[tilespmem:$0x4000] =	vst v63  }
0x1ee: {  	s30 =	simm.s32 $0x1;
	s11 =	simm.s32 $0x3F80  }
0x1ef: {  	[tilespmem:s11], [sflag:$0x1] =	stream.linear.gather [hbm4b:s4+s1], $0x80, $0x38;
	[tilespmem:$0x4000] =	vst v63  }
0x1f0: {  	_ =	swait.ge [sflag:s30], $0x100  }
0x1f1: {  	[sflag:s30] =	ssyncset.done $0x0  }
0x1f2: {  	[sflag:s30] =	ssyncadd.s32 $0xFFFFFF00  }
0x1f3: {  	_ =	swait.ge [sflag:s30], $0x100  }
0x1f4: {  	[sflag:s30] =	ssyncset.done $0x0  }
0x1f5: {  	[sflag:s30] =	ssyncadd.s32 $0xFFFFFF00  }
0x1f6: {  	_ =	swait.ge [sflag:s30], $0x100  }
0x1f7: {  	[sflag:s30] =	ssyncset.done $0x0  }
0x1f8: {  	[sflag:s30] =	ssyncadd.s32 $0xFFFFFF00  }
0x1f9: {  	_ =	swait.ge [sflag:s30], $0x100  }
0x1fa: {  	[sflag:s30] =	ssyncset.done $0x0  }
0x1fb: {  	[sflag:s30] =	ssyncadd.s32 $0xFFFFFF00  }
0x1fc: {  	_ =	swait.ge [sflag:s30], $0x100  }
0x1fd: {  	[sflag:s30] =	ssyncset.done $0x0  }
0x1fe: {  	[sflag:s30] =	ssyncadd.s32 $0xFFFFFF00  }
0x1ff: {  	_ =	swait.ge [sflag:s30], $0x100  }
0x200: {  	[sflag:s30] =	ssyncset.done $0x0  }
0x201: {  	[sflag:s30] =	ssyncadd.s32 $0xFFFFFF00  }
0x202: {  	_ =	swait.ge [sflag:s30], $0x100  }
0x203: {  	[sflag:s30] =	ssyncset.done $0x0  }
0x204: {  	[sflag:s30] =	ssyncadd.s32 $0xFFFFFF00  }
0x205: {  	_ =	swait.ge [sflag:s30], $0x100  }
0x206: {  	[sflag:s30] =	ssyncset.done $0x0  }
0x207: {  	[sflag:s30] =	ssyncadd.s32 $0xFFFFFF00  }
0x208: {  	_ =	swait.ge [sflag:s30], $0x100  }
0x209: {  	[sflag:s30] =	ssyncset.done $0x0  }
0x20a: {  	[sflag:s30] =	ssyncadd.s32 $0xFFFFFF00  }
0x20b: {  	_ =	swait.ge [sflag:s30], $0x100  }
0x20c: {  	[sflag:s30] =	ssyncset.done $0x0  }
0x20d: {  	[sflag:s30] =	ssyncadd.s32 $0xFFFFFF00  }
0x20e: {  	_ =	swait.ge [sflag:s30], $0x100  }
0x20f: {  	[sflag:s30] =	ssyncset.done $0x0  }
0x210: {  	[sflag:s30] =	ssyncadd.s32 $0xFFFFFF00  }
0x211: {  	_ =	swait.ge [sflag:s30], $0x100  }
0x212: {  	[sflag:s30] =	ssyncset.done $0x0  }
0x213: {  	[sflag:s30] =	ssyncadd.s32 $0xFFFFFF00  }
0x214: {  	_ =	swait.ge [sflag:s30], $0x100  }
0x215: {  	[sflag:s30] =	ssyncset.done $0x0  }
0x216: {  	[sflag:s30] =	ssyncadd.s32 $0xFFFFFF00  }
0x217: {  	_ =	swait.ge [sflag:s30], $0x100  }
0x218: {  	[sflag:s30] =	ssyncset.done $0x0  }
0x219: {  	[sflag:s30] =	ssyncadd.s32 $0xFFFFFF00  }
0x21a: {  	_ =	swait.ge [sflag:s30], $0x100  }
0x21b: {  	[sflag:s30] =	ssyncset.done $0x0  }
0x21c: {  	[sflag:s30] =	ssyncadd.s32 $0xFFFFFF00  }
0x21d: {  	_ =	swait.ge [sflag:s30], $0x100  }
0x21e: {  	[sflag:s30] =	ssyncset.done $0x0  }
0x21f: {  	[sflag:s30] =	ssyncadd.s32 $0xFFFFFF00  }
0x220: {  	_ =	swait.ge [sflag:s30], $0x100  }
0x221: {  	[sflag:s30] =	ssyncset.done $0x0  }
0x222: {  	[sflag:s30] =	ssyncadd.s32 $0xFFFFFF00  }
0x223: {  	_ =	swait.ge [sflag:s30], $0x100  }
0x224: {  	[sflag:s30] =	ssyncset.done $0x0  }
0x225: {  	[sflag:s30] =	ssyncadd.s32 $0xFFFFFF00  }
0x226: {  	_ =	swait.ge [sflag:s30], $0x100  }
0x227: {  	[sflag:s30] =	ssyncset.done $0x0  }
0x228: {  	[sflag:s30] =	ssyncadd.s32 $0xFFFFFF00  }
0x229: {  	_ =	swait.ge [sflag:s30], $0x100  }
0x22a: {  	[sflag:s30] =	ssyncset.done $0x0  }
0x22b: {  	[sflag:s30] =	ssyncadd.s32 $0xFFFFFF00  }
0x22c: {  	_ =	swait.ge [sflag:s30], $0x100  }
0x22d: {  	[sflag:s30] =	ssyncset.done $0x0  }
0x22e: {  	[sflag:s30] =	ssyncadd.s32 $0xFFFFFF00  }
0x22f: {  	_ =	swait.ge [sflag:s30], $0x100  }
0x230: {  	[sflag:s30] =	ssyncset.done $0x0  }
0x231: {  	[sflag:s30] =	ssyncadd.s32 $0xFFFFFF00  }
0x232: {  	_ =	swait.ge [sflag:s30], $0x100  }
0x233: {  	[sflag:s30] =	ssyncset.done $0x0  }
0x234: {  	[sflag:s30] =	ssyncadd.s32 $0xFFFFFF00  }
0x235: {  	_ =	swait.ge [sflag:s30], $0x100  }
0x236: {  	[sflag:s30] =	ssyncset.done $0x0  }
0x237: {  	[sflag:s30] =	ssyncadd.s32 $0xFFFFFF00  }
0x238: {  	_ =	swait.ge [sflag:s30], $0x100  }
0x239: {  	[sflag:s30] =	ssyncset.done $0x0  }
0x23a: {  	[sflag:s30] =	ssyncadd.s32 $0xFFFFFF00  }
0x23b: {  	_ =	swait.ge [sflag:s30], $0x100  }
0x23c: {  	[sflag:s30] =	ssyncset.done $0x0  }
0x23d: {  	[sflag:s30] =	ssyncadd.s32 $0xFFFFFF00  }
0x23e: {  	_ =	swait.ge [sflag:s30], $0x100  }
0x23f: {  	[sflag:s30] =	ssyncset.done $0x0  }
0x240: {  	[sflag:s30] =	ssyncadd.s32 $0xFFFFFF00  }
0x241: {  	_ =	swait.ge [sflag:s30], $0x100  }
0x242: {  	[sflag:s30] =	ssyncset.done $0x0  }
0x243: {  	[sflag:s30] =	ssyncadd.s32 $0xFFFFFF00  }
0x244: {  	_ =	swait.ge [sflag:s30], $0x100  }
0x245: {  	[sflag:s30] =	ssyncset.done $0x0  }
0x246: {  	[sflag:s30] =	ssyncadd.s32 $0xFFFFFF00  }
0x247: {  	_ =	swait.ge [sflag:s30], $0x100  }
0x248: {  	[sflag:s30] =	ssyncset.done $0x0  }
0x249: {  	[sflag:s30] =	ssyncadd.s32 $0xFFFFFF00  }
0x24a: {  	_ =	swait.ge [sflag:s30], $0x100  }
0x24b: {  	[sflag:s30] =	ssyncset.done $0x0  }
0x24c: {  	[sflag:s30] =	ssyncadd.s32 $0xFFFFFF00  }
0x24d: {  	_ =	swait.ge [sflag:s30], $0x100  }
0x24e: {  	[sflag:s30] =	ssyncset.done $0x0  }
0x24f: {  	[sflag:s30] =	ssyncadd.s32 $0xFFFFFF00  }
0x250: {  	_ =	swait.ge [sflag:s30], $0x100  }
0x251: {  	[sflag:s30] =	ssyncset.done $0x0  }
0x252: {  	[sflag:s30] =	ssyncadd.s32 $0xFFFFFF00  }
0x253: {  	_ =	swait.ge [sflag:s30], $0x100  }
0x254: {  	[sflag:s30] =	ssyncset.done $0x0  }
0x255: {  	[sflag:s30] =	ssyncadd.s32 $0xFFFFFF00  }
0x256: {  	_ =	swait.ge [sflag:s30], $0x100  }
0x257: {  	[sflag:s30] =	ssyncset.done $0x0  }
0x258: {  	[sflag:s30] =	ssyncadd.s32 $0xFFFFFF00  }
0x259: {  	_ =	swait.ge [sflag:s30], $0x100  }
0x25a: {  	[sflag:s30] =	ssyncset.done $0x0  }
0x25b: {  	[sflag:s30] =	ssyncadd.s32 $0xFFFFFF00  }
0x25c: {  	_ =	swait.ge [sflag:s30], $0x100  }
0x25d: {  	[sflag:s30] =	ssyncset.done $0x0  }
0x25e: {  	[sflag:s30] =	ssyncadd.s32 $0xFFFFFF00  }
0x25f: {  	_ =	swait.ge [sflag:s30], $0x100  }
0x260: {  	[sflag:s30] =	ssyncset.done $0x0  }
0x261: {  	[sflag:s30] =	ssyncadd.s32 $0xFFFFFF00  }
0x262: {  	_ =	swait.ge [sflag:s30], $0x100  }
0x263: {  	[sflag:s30] =	ssyncset.done $0x0  }
0x264: {  	[sflag:s30] =	ssyncadd.s32 $0xFFFFFF00  }
0x265: {  	_ =	swait.ge [sflag:s30], $0x100  }
0x266: {  	[sflag:s30] =	ssyncset.done $0x0  }
0x267: {  	[sflag:s30] =	ssyncadd.s32 $0xFFFFFF00  }
0x268: {  	_ =	swait.ge [sflag:s30], $0x100  }
0x269: {  	[sflag:s30] =	ssyncset.done $0x0  }
0x26a: {  	[sflag:s30] =	ssyncadd.s32 $0xFFFFFF00  }
0x26b: {  	_ =	swait.ge [sflag:s30], $0x100  }
0x26c: {  	[sflag:s30] =	ssyncset.done $0x0  }
0x26d: {  	[sflag:s30] =	ssyncadd.s32 $0xFFFFFF00  }
0x26e: {  	_ =	swait.ge [sflag:s30], $0x100  }
0x26f: {  	[sflag:s30] =	ssyncset.done $0x0  }
0x270: {  	[sflag:s30] =	ssyncadd.s32 $0xFFFFFF00  }
0x271: {  	_ =	swait.ge [sflag:s30], $0x100  }
0x272: {  	[sflag:s30] =	ssyncset.done $0x0  }
0x273: {  	[sflag:s30] =	ssyncadd.s32 $0xFFFFFF00  }
0x274: {  	_ =	swait.ge [sflag:s30], $0x100  }
0x275: {  	[sflag:s30] =	ssyncset.done $0x0  }
0x276: {  	[sflag:s30] =	ssyncadd.s32 $0xFFFFFF00  }
0x277: {  	_ =	swait.ge [sflag:s30], $0x100  }
0x278: {  	[sflag:s30] =	ssyncset.done $0x0  }
0x279: {  	[sflag:s30] =	ssyncadd.s32 $0xFFFFFF00  }
0x27a: {  	_ =	swait.ge [sflag:s30], $0x100  }
0x27b: {  	[sflag:s30] =	ssyncset.done $0x0  }
0x27c: {  	[sflag:s30] =	ssyncadd.s32 $0xFFFFFF00  }
0x27d: {  	_ =	swait.ge [sflag:s30], $0x100  }
0x27e: {  	[sflag:s30] =	ssyncset.done $0x0  }
0x27f: {  	[sflag:s30] =	ssyncadd.s32 $0xFFFFFF00  }
0x280: {  	_ =	swait.ge [sflag:s30], $0x100  }
0x281: {  	[sflag:s30] =	ssyncset.done $0x0  }
0x282: {  	[sflag:s30] =	ssyncadd.s32 $0xFFFFFF00  }
0x283: {  	_ =	swait.ge [sflag:s30], $0x100  }
0x284: {  	[sflag:s30] =	ssyncset.done $0x0  }
0x285: {  	[sflag:s30] =	ssyncadd.s32 $0xFFFFFF00  }
0x286: {  	_ =	swait.ge [sflag:s30], $0x100  }
0x287: {  	[sflag:s30] =	ssyncset.done $0x0  }
0x288: {  	[sflag:s30] =	ssyncadd.s32 $0xFFFFFF00  }
0x289: {  	_ =	swait.ge [sflag:s30], $0x100  }
0x28a: {  	[sflag:s30] =	ssyncset.done $0x0  }
0x28b: {  	[sflag:s30] =	ssyncadd.s32 $0xFFFFFF00  }
0x28c: {  	_ =	swait.ge [sflag:s30], $0x100  }
0x28d: {  	[sflag:s30] =	ssyncset.done $0x0  }
0x28e: {  	[sflag:s30] =	ssyncadd.s32 $0xFFFFFF00  }
0x28f: {  	_ =	swait.ge [sflag:s30], $0x100  }
0x290: {  	[sflag:s30] =	ssyncset.done $0x0  }
0x291: {  	[sflag:s30] =	ssyncadd.s32 $0xFFFFFF00  }
0x292: {  	_ =	swait.ge [sflag:s30], $0x100  }
0x293: {  	[sflag:s30] =	ssyncset.done $0x0  }
0x294: {  	[sflag:s30] =	ssyncadd.s32 $0xFFFFFF00  }
0x295: {  	_ =	swait.ge [sflag:s30], $0x100  }
0x296: {  	[sflag:s30] =	ssyncset.done $0x0  }
0x297: {  	[sflag:s30] =	ssyncadd.s32 $0xFFFFFF00  }
0x298: {  	_ =	swait.ge [sflag:s30], $0x100  }
0x299: {  	[sflag:s30] =	ssyncset.done $0x0  }
0x29a: {  	[sflag:s30] =	ssyncadd.s32 $0xFFFFFF00  }
0x29b: {  	_ =	swait.ge [sflag:s30], $0x100  }
0x29c: {  	[sflag:s30] =	ssyncset.done $0x0  }
0x29d: {  	[sflag:s30] =	ssyncadd.s32 $0xFFFFFF00  }
0x29e: {  	_ =	swait.ge [sflag:s30], $0x100  }
0x29f: {  	[sflag:s30] =	ssyncset.done $0x0  }
0x2a0: {  	[sflag:s30] =	ssyncadd.s32 $0xFFFFFF00  }
0x2a1: {  	_ =	swait.ge [sflag:s30], $0x100  }
0x2a2: {  	[sflag:s30] =	ssyncset.done $0x0  }
0x2a3: {  	[sflag:s30] =	ssyncadd.s32 $0xFFFFFF00  }
0x2a4: {  	_ =	swait.ge [sflag:s30], $0x100  }
0x2a5: {  	[sflag:s30] =	ssyncset.done $0x0  }
0x2a6: {  	[sflag:s30] =	ssyncadd.s32 $0xFFFFFF00  }
0x2a7: {  	_ =	swait.ge [sflag:s30], $0x100  }
0x2a8: {  	[sflag:s30] =	ssyncset.done $0x0  }
0x2a9: {  	[sflag:s30] =	ssyncadd.s32 $0xFFFFFF00  }
0x2aa: {  	_ =	swait.ge [sflag:s30], $0x100  }
0x2ab: {  	[sflag:s30] =	ssyncset.done $0x0  }
0x2ac: {  	[sflag:s30] =	ssyncadd.s32 $0xFFFFFF00  }
0x2ad: {  	_ =	swait.ge [sflag:s30], $0x100  }
0x2ae: {  	[sflag:s30] =	ssyncset.done $0x0  }
0x2af: {  	s12 =	rddreg [dreg:$0x4];
	[sflag:s30] =	ssyncadd.s32 $0xFFFFFF00  }
0x2b0: {  	[hbm4b:s12+s1] =	stream.linear.scatter [tilespmem:s1], [sflag:$0x2], $0x4000, $0x38;
	[tilespmem:$0x4000] =	vst v63  }
0x2b1: {  	s13 =	rddreg [dreg:$0x5]  }
0x2b2: {  	[hbm4b:s13+s1] =	stream.linear.scatter [tilespmem:s1], [sflag:$0x2], $0x4000, $0x38;
	[tilespmem:$0x4000] =	vst v63  }
0x2b3: {  	s14 =	rddreg [dreg:$0x6]  }
0x2b4: {  	[hbm4b:s14+s1] =	stream.linear.scatter [tilespmem:s1], [sflag:$0x2], $0x4000, $0x38;
	[tilespmem:$0x4000] =	vst v63  }
0x2b5: {  	s15 =	rddreg [dreg:$0x7]  }
0x2b6: {  	[hbm4b:s15+s1] =	stream.linear.scatter [tilespmem:s1], [sflag:$0x2], $0x4000, $0x38;
	[tilespmem:$0x4000] =	vst v63  }
0x2b7: {  	s16 =	rddreg [dreg:$0x8]  }
0x2b8: {  	[hbm4b:s16+s1] =	stream.linear.scatter [tilespmem:s1], [sflag:$0x2], $0x4000, $0x38;
	[tilespmem:$0x4000] =	vst v63  }
0x2b9: {  	s17 =	rddreg [dreg:$0x9]  }
0x2ba: {  	[hbm4b:s17+s1] =	stream.linear.scatter [tilespmem:s1], [sflag:$0x2], $0x4000, $0x38;
	[tilespmem:$0x4000] =	vst v63  }
0x2bb: {  	s18 =	rddreg [dreg:$0xa]  }
0x2bc: {  	[hbm4b:s18+s1] =	stream.linear.scatter [tilespmem:s1], [sflag:$0x2], $0x4000, $0x38;
	[tilespmem:$0x4000] =	vst v63  }
0x2bd: {  	s19 =	rddreg [dreg:$0xb]  }
0x2be: {  	[hbm4b:s19+s1] =	stream.linear.scatter [tilespmem:s1], [sflag:$0x2], $0x4000, $0x38;
	[tilespmem:$0x4000] =	vst v63  }
0x2bf: {  	s20 =	rddreg [dreg:$0xc]  }
0x2c0: {  	[hbm4b:s20+s1] =	stream.linear.scatter [tilespmem:s1], [sflag:$0x2], $0x4000, $0x38;
	[tilespmem:$0x4000] =	vst v63  }
0x2c1: {  	s21 =	rddreg [dreg:$0xd]  }
0x2c2: {  	[hbm4b:s21+s1] =	stream.linear.scatter [tilespmem:s1], [sflag:$0x2], $0x4000, $0x38;
	[tilespmem:$0x4000] =	vst v63  }
0x2c3: {  	s22 =	rddreg [dreg:$0xe]  }
0x2c4: {  	[hbm4b:s22+s1] =	stream.linear.scatter [tilespmem:s1], [sflag:$0x2], $0x4000, $0x38;
	[tilespmem:$0x4000] =	vst v63  }
0x2c5: {  	s23 =	rddreg [dreg:$0xf]  }
0x2c6: {  	[hbm4b:s23+s1] =	stream.linear.scatter [tilespmem:s1], [sflag:$0x2], $0x4000, $0x38;
	[tilespmem:$0x4000] =	vst v63  }
0x2c7: {  	s24 =	rddreg [dreg:$0x10]  }
0x2c8: {  	[hbm4b:s24+s1] =	stream.linear.scatter [tilespmem:s1], [sflag:$0x2], $0x4000, $0x38;
	[tilespmem:$0x4000] =	vst v63  }
0x2c9: {  	s25 =	rddreg [dreg:$0x11]  }
0x2ca: {  	[hbm4b:s25+s1] =	stream.linear.scatter [tilespmem:s1], [sflag:$0x2], $0x4000, $0x38;
	[tilespmem:$0x4000] =	vst v63  }
0x2cb: {  	s26 =	rddreg [dreg:$0x12]  }
0x2cc: {  	[hbm4b:s26+s1] =	stream.linear.scatter [tilespmem:s1], [sflag:$0x2], $0x4000, $0x38;
	[tilespmem:$0x4000] =	vst v63  }
0x2cd: {  	s31 =	simm.s32 $0x2;
	s28 =	rddreg [dreg:$0x13]  }
0x2ce: {  	[hbm4b:s28+s1] =	stream.linear.scatter [tilespmem:s1], [sflag:$0x2], $0x4000, $0x38;
	[tilespmem:$0x4000] =	vst v63  }
0x2cf: {  	_ =	swait.ge [sflag:s31], $0x4000  }
0x2d0: {  	[sflag:s31] =	ssyncset.done $0x0  }
0x2d1: {  	[sflag:s31] =	ssyncadd.s32 $0xFFFFC000  }
0x2d2: {  	_ =	swait.ge [sflag:s31], $0x4000  }
0x2d3: {  	[sflag:s31] =	ssyncset.done $0x0  }
0x2d4: {  	[sflag:s31] =	ssyncadd.s32 $0xFFFFC000  }
0x2d5: {  	_ =	swait.ge [sflag:s31], $0x4000  }
0x2d6: {  	[sflag:s31] =	ssyncset.done $0x0  }
0x2d7: {  	[sflag:s31] =	ssyncadd.s32 $0xFFFFC000  }
0x2d8: {  	_ =	swait.ge [sflag:s31], $0x4000  }
0x2d9: {  	[sflag:s31] =	ssyncset.done $0x0  }
0x2da: {  	[sflag:s31] =	ssyncadd.s32 $0xFFFFC000  }
0x2db: {  	_ =	swait.ge [sflag:s31], $0x4000  }
0x2dc: {  	[sflag:s31] =	ssyncset.done $0x0  }
0x2dd: {  	[sflag:s31] =	ssyncadd.s32 $0xFFFFC000  }
0x2de: {  	_ =	swait.ge [sflag:s31], $0x4000  }
0x2df: {  	[sflag:s31] =	ssyncset.done $0x0  }
0x2e0: {  	[sflag:s31] =	ssyncadd.s32 $0xFFFFC000  }
0x2e1: {  	_ =	swait.ge [sflag:s31], $0x4000  }
0x2e2: {  	[sflag:s31] =	ssyncset.done $0x0  }
0x2e3: {  	[sflag:s31] =	ssyncadd.s32 $0xFFFFC000  }
0x2e4: {  	_ =	swait.ge [sflag:s31], $0x4000  }
0x2e5: {  	[sflag:s31] =	ssyncset.done $0x0  }
0x2e6: {  	[sflag:s31] =	ssyncadd.s32 $0xFFFFC000  }
0x2e7: {  	_ =	swait.ge [sflag:s31], $0x4000  }
0x2e8: {  	[sflag:s31] =	ssyncset.done $0x0  }
0x2e9: {  	[sflag:s31] =	ssyncadd.s32 $0xFFFFC000  }
0x2ea: {  	_ =	swait.ge [sflag:s31], $0x4000  }
0x2eb: {  	[sflag:s31] =	ssyncset.done $0x0  }
0x2ec: {  	[sflag:s31] =	ssyncadd.s32 $0xFFFFC000  }
0x2ed: {  	_ =	swait.ge [sflag:s31], $0x4000  }
0x2ee: {  	[sflag:s31] =	ssyncset.done $0x0  }
0x2ef: {  	[sflag:s31] =	ssyncadd.s32 $0xFFFFC000  }
0x2f0: {  	_ =	swait.ge [sflag:s31], $0x4000  }
0x2f1: {  	[sflag:s31] =	ssyncset.done $0x0  }
0x2f2: {  	[sflag:s31] =	ssyncadd.s32 $0xFFFFC000  }
0x2f3: {  	_ =	swait.ge [sflag:s31], $0x4000  }
0x2f4: {  	s0 =	ssub.s32 $0x2, s0;
	[sflag:s31] =	ssyncset.done $0x0  }
0x2f5: {  	s29 =	sshrl.u32 s0, $0x1;
	[sflag:s31] =	ssyncadd.s32 $0xFFFFC000  }
0x2f6: {  	s0 =	ssub.s32 s0, s29;
	_ =	swait.ge [sflag:s31], $0x4000  }
0x2f7: {  	s0 =	smax.u32 s0, $0x1;
	[sflag:s31] =	ssyncset.done $0x0  }
0x2f8: {  	p0 =	sne.s32 s0, $0x1;
	[sflag:s31] =	ssyncadd.s32 $0xFFFFC000  }
.Ltmp0:
0x2f9: {  	_ =	swait.ge [sflag:s31], $0x4000;
	(pc) =	sbr.rel @!p0 .LBB2_2-.Ltmp0, $4  }
0x2fa: {  	[sflag:s31] =	ssyncset.done $0x0  }
0x2fb: {  	[sflag:s31] =	ssyncadd.s32 $0xFFFFC000  }
0x2fc: {  	_ =	swait.ge [sflag:s31], $0x4000  }
0x2fd: {  	s0 =	sadd.s32 $0xFFFFFFFF, s0;
	[sflag:s31] =	ssyncset.done $0x0  }
.LBB2_1:
0x2fe: {  	s2 =	sld [smem:$0x763]  }
0x2ff: {  	s28 =	sld [smem:$0x764]  }
0x300: {  	s3 =	sld [smem:$0x766]  }
0x301: {  	s5 =	sld [smem:$0x767]  }
0x302: {  	s7 =	sld [smem:$0x768]  }
0x303: {  	s8 =	sld [smem:$0x769]  }
0x304: {  	s9 =	sld [smem:$0x76A]  }
0x305: {  	s10 =	sld [smem:$0x76B]  }
0x306: {  	s11 =	sld [smem:$0x76C]  }
0x307: {  	s12 =	sld [smem:$0x76D]  }
0x308: {  	s13 =	sld [smem:$0x76E]  }
0x309: {  	s14 =	sld [smem:$0x76F]  }
0x30a: {  	s15 =	sld [smem:$0x770]  }
0x30b: {  	s16 =	sld [smem:$0x771]  }
0x30c: {  	s17 =	sld [smem:$0x772]  }
0x30d: {  	s18 =	sld [smem:$0x7CA]  }
0x30e: {  	s19 =	sld [smem:$0x7CC]  }
0x30f: {  	s20 =	sld [smem:$0x7C4]  }
0x310: {  	s21 =	sld [smem:$0x7C6]  }
0x311: {  	s29 =	sadd.s32 $0xFFFFFFFF, s0;
	s22 =	sld [smem:$0x7BE]  }
0x312: {  	[smem:$0x762] =	sst s29  }
0x313: {  	[smem:$0x761] =	sst s2  }
0x314: {  	[smem:$0x760] =	sst s28  }
0x315: {  	s2 =	sld [smem:$0x765]  }
0x316: {  	[smem:$0x75E] =	sst s3  }
0x317: {  	[smem:$0x75D] =	sst s5  }
0x318: {  	[smem:$0x75C] =	sst s7  }
0x319: {  	[smem:$0x75B] =	sst s8  }
0x31a: {  	[smem:$0x75A] =	sst s9  }
0x31b: {  	[smem:$0x759] =	sst s10  }
0x31c: {  	[smem:$0x758] =	sst s11  }
0x31d: {  	[smem:$0x757] =	sst s12  }
0x31e: {  	[smem:$0x756] =	sst s13  }
0x31f: {  	[smem:$0x755] =	sst s14  }
0x320: {  	[smem:$0x754] =	sst s15  }
0x321: {  	[smem:$0x753] =	sst s16  }
0x322: {  	[smem:$0x752] =	sst s17  }
0x323: {  	[smem:$0x751] =	sst s18  }
0x324: {  	[smem:$0x750] =	sst s19  }
0x325: {  	[smem:$0x74F] =	sst s20  }
0x326: {  	[smem:$0x74E] =	sst s21  }
0x327: {  	[smem:$0x75F] =	sst s2  }
0x328: {  	[sflag:s31] =	ssyncadd.s32 $0xFFFFC000;
	[smem:$0x74D] =	sst s22  }
0x329: {  	p0 =	sne.s32 s0, $0x1;
	s0 =	sld [smem:$0x7C0]  }
0x32a: {  	s23 =	sld [smem:$0x7B8]  }
0x32b: {  	s24 =	sld [smem:$0x7BA]  }
0x32c: {  	s25 =	sld [smem:$0x7B2]  }
0x32d: {  	s26 =	sld [smem:$0x7B4]  }
0x32e: {  	s28 =	sld [smem:$0x7AC]  }
0x32f: {  	s5 =	sld [smem:$0x7AE]  }
0x330: {  	s2 =	sld [smem:$0x7A6]  }
0x331: {  	s7 =	sld [smem:$0x7A8]  }
0x332: {  	s8 =	sld [smem:$0x7A0]  }
0x333: {  	s9 =	sld [smem:$0x7A2]  }
0x334: {  	s10 =	sld [smem:$0x79A]  }
0x335: {  	s11 =	sld [smem:$0x79C]  }
0x336: {  	s12 =	sld [smem:$0x794]  }
0x337: {  	s13 =	sld [smem:$0x796]  }
0x338: {  	s14 =	sld [smem:$0x78E]  }
0x339: {  	s15 =	sld [smem:$0x790]  }
0x33a: {  	s16 =	sld [smem:$0x788]  }
0x33b: {  	s17 =	sld [smem:$0x78A]  }
0x33c: {  	s18 =	sld [smem:$0x784]  }
0x33d: {  	s19 =	sld [smem:$0x786]  }
0x33e: {  	s20 =	sld [smem:$0x780]  }
0x33f: {  	s21 =	sld [smem:$0x782]  }
0x340: {  	s22 =	sld [smem:$0x77C]  }
0x341: {  	s3 =	sld [smem:$0x77A]  }
0x342: {  	s29 =	sld [smem:$0x773]  }
0x343: {  	[smem:$0x74C] =	sst s0  }
0x344: {  	[smem:$0x74B] =	sst s23  }
0x345: {  	[smem:$0x74A] =	sst s24  }
0x346: {  	[smem:$0x749] =	sst s25  }
0x347: {  	[smem:$0x748] =	sst s26  }
0x348: {  	[smem:$0x747] =	sst s28  }
0x349: {  	s23 =	sld [smem:$0x77E]  }
0x34a: {  	s0 =	sld [smem:$0x778]  }
0x34b: {  	s25 =	sld [smem:$0x774]  }
0x34c: {  	s26 =	sld [smem:$0x776]  }
0x34d: {  	s28 =	rddreg [dreg:$0x14]  }
0x34e: {  	s24 =	rddreg [dreg:$0x15]  }
0x34f: {  	[tilespmem:s1], [sflag:$0x1] =	stream.linear.gather [hbm4b:s28+s1], $0x80, $0x38;
	[tilespmem:$0x4000] =	vst v63  }
0x350: {  	s28 =	sld [smem:$0x775]  }
0x351: {  	[tilespmem:s29], [sflag:$0x1] =	stream.linear.gather [hbm4b:s24+s1], $0x80, $0x38;
	[tilespmem:$0x4000] =	vst v63  }
0x352: {  	s24 =	sld [smem:$0x777]  }
0x353: {  	s29 =	rddreg [dreg:$0x16]  }
0x354: {  	[tilespmem:s28], [sflag:$0x1] =	stream.linear.gather [hbm4b:s6+s1], $0x80, $0x38;
	[tilespmem:$0x4000] =	vst v63  }
0x355: {  	s28 =	rddreg [dreg:$0x19]  }
0x356: {  	[tilespmem:s24], [sflag:$0x1] =	stream.linear.gather [hbm4b:s4+s1], $0x80, $0x38;
	[tilespmem:$0x4000] =	vst v63  }
0x357: {  	s24 =	rddreg [dreg:$0x17]  }
0x358: {  	[tilespmem:s26], [sflag:$0x1] =	stream.linear.gather [hbm4b:s29+s1], $0x80, $0x38;
	[tilespmem:$0x4000] =	vst v63  }
0x359: {  	s29 =	sld [smem:$0x779]  }
0x35a: {  	s26 =	rddreg [dreg:$0x18]  }
0x35b: {  	[tilespmem:s25], [sflag:$0x1] =	stream.linear.gather [hbm4b:s24+s1], $0x80, $0x38;
	[tilespmem:$0x4000] =	vst v63  }
0x35c: {  	s25 =	sld [smem:$0x77B]  }
0x35d: {  	s24 =	rddreg [dreg:$0x1c]  }
0x35e: {  	[tilespmem:s29], [sflag:$0x1] =	stream.linear.gather [hbm4b:s6+s1], $0x80, $0x38;
	[tilespmem:$0x4000] =	vst v63  }
0x35f: {  	s29 =	sld [smem:$0x77D]  }
0x360: {  	[tilespmem:s25], [sflag:$0x1] =	stream.linear.gather [hbm4b:s4+s1], $0x80, $0x38;
	[tilespmem:$0x4000] =	vst v63  }
0x361: {  	s25 =	sld [smem:$0x77F]  }
0x362: {  	[tilespmem:s3], [sflag:$0x1] =	stream.linear.gather [hbm4b:s26+s1], $0x80, $0x38;
	[tilespmem:$0x4000] =	vst v63  }
0x363: {  	s26 =	rddreg [dreg:$0x1a]  }
0x364: {  	s3 =	sld [smem:$0x7C1]  }
0x365: {  	[tilespmem:s0], [sflag:$0x1] =	stream.linear.gather [hbm4b:s28+s1], $0x80, $0x38;
	[tilespmem:$0x4000] =	vst v63  }
0x366: {  	s28 =	rddreg [dreg:$0x1b]  }
0x367: {  	[tilespmem:s29], [sflag:$0x1] =	stream.linear.gather [hbm4b:s6+s1], $0x80, $0x38;
	[tilespmem:$0x4000] =	vst v63  }
0x368: {  	s29 =	sld [smem:$0x781]  }
0x369: {  	[tilespmem:s25], [sflag:$0x1] =	stream.linear.gather [hbm4b:s4+s1], $0x80, $0x38;
	[tilespmem:$0x4000] =	vst v63  }
0x36a: {  	s25 =	rddreg [dreg:$0x1d]  }
0x36b: {  	[tilespmem:s23], [sflag:$0x1] =	stream.linear.gather [hbm4b:s26+s1], $0x80, $0x38;
	[tilespmem:$0x4000] =	vst v63  }
0x36c: {  	s23 =	sld [smem:$0x783]  }
0x36d: {  	s26 =	sld [smem:$0x785]  }
0x36e: {  	[tilespmem:s22], [sflag:$0x1] =	stream.linear.gather [hbm4b:s28+s1], $0x80, $0x38;
	[tilespmem:$0x4000] =	vst v63  }
0x36f: {  	s28 =	sld [smem:$0x787]  }
0x370: {  	s22 =	sld [smem:$0x78B]  }
0x371: {  	[tilespmem:s29], [sflag:$0x1] =	stream.linear.gather [hbm4b:s6+s1], $0x80, $0x38;
	[tilespmem:$0x4000] =	vst v63  }
0x372: {  	s29 =	rddreg [dreg:$0x1e]  }
0x373: {  	[tilespmem:s23], [sflag:$0x1] =	stream.linear.gather [hbm4b:s4+s1], $0x80, $0x38;
	[tilespmem:$0x4000] =	vst v63  }
0x374: {  	s23 =	sld [smem:$0x78C]  }
0x375: {  	[tilespmem:s21], [sflag:$0x1] =	stream.linear.gather [hbm4b:s24+s1], $0x80, $0x38;
	[tilespmem:$0x4000] =	vst v63  }
0x376: {  	s21 =	sld [smem:$0x789]  }
0x377: {  	s24 =	sld [smem:$0x78D]  }
0x378: {  	[tilespmem:s20], [sflag:$0x1] =	stream.linear.gather [hbm4b:s25+s1], $0x80, $0x38;
	[tilespmem:$0x4000] =	vst v63  }
0x379: {  	s20 =	rddreg [dreg:$0x1f]  }
0x37a: {  	s25 =	sld [smem:$0x78F]  }
0x37b: {  	[tilespmem:s26], [sflag:$0x1] =	stream.linear.gather [hbm4b:s6+s1], $0x80, $0x38;
	[tilespmem:$0x4000] =	vst v63  }
0x37c: {  	s26 =	sld [smem:$0x791]  }
0x37d: {  	[tilespmem:s28], [sflag:$0x1] =	stream.linear.gather [hbm4b:s4+s1], $0x80, $0x38;
	[tilespmem:$0x4000] =	vst v63  }
0x37e: {  	s28 =	sld [smem:$0x792]  }
0x37f: {  	[tilespmem:s19], [sflag:$0x1] =	stream.linear.gather [hbm4b:s29+s1], $0x80, $0x38;
	[tilespmem:$0x4000] =	vst v63  }
0x380: {  	s29 =	sld [smem:$0x793]  }
0x381: {  	s19 =	sld [smem:$0x799]  }
0x382: {  	[tilespmem:s18], [sflag:$0x1] =	stream.linear.gather [hbm4b:s20+s1], $0x80, $0x38;
	[tilespmem:$0x4000] =	vst v63  }
0x383: {  	s18 =	sld [smem:$0x798]  }
0x384: {  	s20 =	sld [smem:$0x79B]  }
0x385: {  	[tilespmem:s21], [sflag:$0x1] =	stream.linear.gather [hbm4b:s6+s1], $0x80, $0x38;
	[tilespmem:$0x4000] =	vst v63  }
0x386: {  	s21 =	sld [smem:$0x79D]  }
0x387: {  	[tilespmem:s22], [sflag:$0x1] =	stream.linear.gather [hbm4b:s4+s1], $0x80, $0x38;
	[tilespmem:$0x4000] =	vst v63  }
0x388: {  	s22 =	sld [smem:$0x79E]  }
0x389: {  	[tilespmem:s17], [sflag:$0x1] =	stream.linear.gather [hbm4b:s23+s1], $0x80, $0x38;
	[tilespmem:$0x4000] =	vst v63  }
0x38a: {  	s17 =	sld [smem:$0x797]  }
0x38b: {  	s23 =	sld [smem:$0x79F]  }
0x38c: {  	[tilespmem:s16], [sflag:$0x1] =	stream.linear.gather [hbm4b:s24+s1], $0x80, $0x38;
	[tilespmem:$0x4000] =	vst v63  }
0x38d: {  	s16 =	sld [smem:$0x795]  }
0x38e: {  	s24 =	sld [smem:$0x7A1]  }
0x38f: {  	[tilespmem:s25], [sflag:$0x1] =	stream.linear.gather [hbm4b:s6+s1], $0x80, $0x38;
	[tilespmem:$0x4000] =	vst v63  }
0x390: {  	s25 =	sld [smem:$0x7A3]  }
0x391: {  	[tilespmem:s26], [sflag:$0x1] =	stream.linear.gather [hbm4b:s4+s1], $0x80, $0x38;
	[tilespmem:$0x4000] =	vst v63  }
0x392: {  	s26 =	sld [smem:$0x7A4]  }
0x393: {  	[tilespmem:s15], [sflag:$0x1] =	stream.linear.gather [hbm4b:s28+s1], $0x80, $0x38;
	[tilespmem:$0x4000] =	vst v63  }
0x394: {  	s28 =	sld [smem:$0x7A5]  }
0x395: {  	s15 =	sld [smem:$0x7B3]  }
0x396: {  	[tilespmem:s14], [sflag:$0x1] =	stream.linear.gather [hbm4b:s29+s1], $0x80, $0x38;
	[tilespmem:$0x4000] =	vst v63  }
0x397: {  	s29 =	sld [smem:$0x7A7]  }
0x398: {  	s14 =	sld [smem:$0x7B1]  }
0x399: {  	[tilespmem:s16], [sflag:$0x1] =	stream.linear.gather [hbm4b:s6+s1], $0x80, $0x38;
	[tilespmem:$0x4000] =	vst v63  }
0x39a: {  	s16 =	sld [smem:$0x747]  }
0x39b: {  	[tilespmem:s17], [sflag:$0x1] =	stream.linear.gather [hbm4b:s4+s1], $0x80, $0x38;
	[tilespmem:$0x4000] =	vst v63  }
0x39c: {  	s17 =	sld [smem:$0x7B5]  }
0x39d: {  	[tilespmem:s13], [sflag:$0x1] =	stream.linear.gather [hbm4b:s18+s1], $0x80, $0x38;
	[tilespmem:$0x4000] =	vst v63  }
0x39e: {  	s13 =	sld [smem:$0x7B0]  }
0x39f: {  	s18 =	sld [smem:$0x7B6]  }
0x3a0: {  	[tilespmem:s12], [sflag:$0x1] =	stream.linear.gather [hbm4b:s19+s1], $0x80, $0x38;
	[tilespmem:$0x4000] =	vst v63  }
0x3a1: {  	s12 =	sld [smem:$0x7AF]  }
0x3a2: {  	s19 =	sld [smem:$0x7B7]  }
0x3a3: {  	[tilespmem:s20], [sflag:$0x1] =	stream.linear.gather [hbm4b:s6+s1], $0x80, $0x38;
	[tilespmem:$0x4000] =	vst v63  }
0x3a4: {  	s20 =	sld [smem:$0x748]  }
0x3a5: {  	[tilespmem:s21], [sflag:$0x1] =	stream.linear.gather [hbm4b:s4+s1], $0x80, $0x38;
	[tilespmem:$0x4000] =	vst v63  }
0x3a6: {  	s21 =	sld [smem:$0x7B9]  }
0x3a7: {  	[tilespmem:s11], [sflag:$0x1] =	stream.linear.gather [hbm4b:s22+s1], $0x80, $0x38;
	[tilespmem:$0x4000] =	vst v63  }
0x3a8: {  	s11 =	sld [smem:$0x7AD]  }
0x3a9: {  	s22 =	sld [smem:$0x749]  }
0x3aa: {  	[tilespmem:s10], [sflag:$0x1] =	stream.linear.gather [hbm4b:s23+s1], $0x80, $0x38;
	[tilespmem:$0x4000] =	vst v63  }
0x3ab: {  	s10 =	sld [smem:$0x7AB]  }
0x3ac: {  	s23 =	sld [smem:$0x7BB]  }
0x3ad: {  	[tilespmem:s24], [sflag:$0x1] =	stream.linear.gather [hbm4b:s6+s1], $0x80, $0x38;
	[tilespmem:$0x4000] =	vst v63  }
0x3ae: {  	s24 =	sld [smem:$0x7BC]  }
0x3af: {  	[tilespmem:s25], [sflag:$0x1] =	stream.linear.gather [hbm4b:s4+s1], $0x80, $0x38;
	[tilespmem:$0x4000] =	vst v63  }
0x3b0: {  	s25 =	sld [smem:$0x7BD]  }
0x3b1: {  	[tilespmem:s9], [sflag:$0x1] =	stream.linear.gather [hbm4b:s26+s1], $0x80, $0x38;
	[tilespmem:$0x4000] =	vst v63  }
0x3b2: {  	s9 =	sld [smem:$0x7AA]  }
0x3b3: {  	s26 =	sld [smem:$0x74A]  }
0x3b4: {  	[tilespmem:s8], [sflag:$0x1] =	stream.linear.gather [hbm4b:s28+s1], $0x80, $0x38;
	[tilespmem:$0x4000] =	vst v63  }
0x3b5: {  	s8 =	sld [smem:$0x7A9]  }
0x3b6: {  	s28 =	sld [smem:$0x7BF]  }
0x3b7: {  	[tilespmem:s29], [sflag:$0x1] =	stream.linear.gather [hbm4b:s6+s1], $0x80, $0x38;
	[tilespmem:$0x4000] =	vst v63  }
0x3b8: {  	s29 =	sld [smem:$0x74B]  }
0x3b9: {  	[tilespmem:s8], [sflag:$0x1] =	stream.linear.gather [hbm4b:s4+s1], $0x80, $0x38;
	[tilespmem:$0x4000] =	vst v63  }
0x3ba: {  	s8 =	sld [smem:$0x74C]  }
0x3bb: {  	[tilespmem:s7], [sflag:$0x1] =	stream.linear.gather [hbm4b:s9+s1], $0x80, $0x38;
	[tilespmem:$0x4000] =	vst v63  }
0x3bc: {  	s7 =	sld [smem:$0x7C3]  }
0x3bd: {  	s9 =	sld [smem:$0x7C5]  }
0x3be: {  	[tilespmem:s2], [sflag:$0x1] =	stream.linear.gather [hbm4b:s10+s1], $0x80, $0x38;
	[tilespmem:$0x4000] =	vst v63  }
0x3bf: {  	s10 =	sld [smem:$0x74D]  }
0x3c0: {  	[tilespmem:s11], [sflag:$0x1] =	stream.linear.gather [hbm4b:s6+s1], $0x80, $0x38;
	[tilespmem:$0x4000] =	vst v63  }
0x3c1: {  	s11 =	sld [smem:$0x7C7]  }
0x3c2: {  	[tilespmem:s12], [sflag:$0x1] =	stream.linear.gather [hbm4b:s4+s1], $0x80, $0x38;
	[tilespmem:$0x4000] =	vst v63  }
0x3c3: {  	s12 =	sld [smem:$0x7C8]  }
0x3c4: {  	[tilespmem:s5], [sflag:$0x1] =	stream.linear.gather [hbm4b:s13+s1], $0x80, $0x38;
	[tilespmem:$0x4000] =	vst v63  }
0x3c5: {  	s5 =	sld [smem:$0x7C2]  }
0x3c6: {  	s13 =	sld [smem:$0x7C9]  }
0x3c7: {  	[tilespmem:s16], [sflag:$0x1] =	stream.linear.gather [hbm4b:s14+s1], $0x80, $0x38;
	[tilespmem:$0x4000] =	vst v63  }
0x3c8: {  	s14 =	sld [smem:$0x74E]  }
0x3c9: {  	s16 =	sld [smem:$0x74F]  }
0x3ca: {  	[tilespmem:s15], [sflag:$0x1] =	stream.linear.gather [hbm4b:s6+s1], $0x80, $0x38;
	[tilespmem:$0x4000] =	vst v63  }
0x3cb: {  	s15 =	sld [smem:$0x7CB]  }
0x3cc: {  	[tilespmem:s17], [sflag:$0x1] =	stream.linear.gather [hbm4b:s4+s1], $0x80, $0x38;
	[tilespmem:$0x4000] =	vst v63  }
0x3cd: {  	s17 =	sld [smem:$0x7CD]  }
0x3ce: {  	[tilespmem:s20], [sflag:$0x1] =	stream.linear.gather [hbm4b:s18+s1], $0x80, $0x38;
	[tilespmem:$0x4000] =	vst v63  }
0x3cf: {  	s18 =	sld [smem:$0x7CE]  }
0x3d0: {  	s20 =	sld [smem:$0x750]  }
0x3d1: {  	[tilespmem:s22], [sflag:$0x1] =	stream.linear.gather [hbm4b:s19+s1], $0x80, $0x38;
	[tilespmem:$0x4000] =	vst v63  }
0x3d2: {  	s19 =	sld [smem:$0x7CF]  }
0x3d3: {  	s22 =	sld [smem:$0x751]  }
0x3d4: {  	[tilespmem:s21], [sflag:$0x1] =	stream.linear.gather [hbm4b:s6+s1], $0x80, $0x38;
	[tilespmem:$0x4000] =	vst v63  }
0x3d5: {  	s21 =	sld [smem:$0x7D0]  }
0x3d6: {  	[tilespmem:s23], [sflag:$0x1] =	stream.linear.gather [hbm4b:s4+s1], $0x80, $0x38;
	[tilespmem:$0x4000] =	vst v63  }
0x3d7: {  	s23 =	sld [smem:$0x7D1]  }
0x3d8: {  	[tilespmem:s26], [sflag:$0x1] =	stream.linear.gather [hbm4b:s24+s1], $0x80, $0x38;
	[tilespmem:$0x4000] =	vst v63  }
0x3d9: {  	s24 =	sld [smem:$0x7D2]  }
0x3da: {  	s26 =	sld [smem:$0x752]  }
0x3db: {  	[tilespmem:s29], [sflag:$0x1] =	stream.linear.gather [hbm4b:s25+s1], $0x80, $0x38;
	[tilespmem:$0x4000] =	vst v63  }
0x3dc: {  	s25 =	sld [smem:$0x7D3]  }
0x3dd: {  	s29 =	sld [smem:$0x753]  }
0x3de: {  	[tilespmem:s28], [sflag:$0x1] =	stream.linear.gather [hbm4b:s6+s1], $0x80, $0x38;
	[tilespmem:$0x4000] =	vst v63  }
0x3df: {  	s28 =	sld [smem:$0x7D4]  }
0x3e0: {  	[tilespmem:s3], [sflag:$0x1] =	stream.linear.gather [hbm4b:s4+s1], $0x80, $0x38;
	[tilespmem:$0x4000] =	vst v63  }
0x3e1: {  	s3 =	sld [smem:$0x7D5]  }
0x3e2: {  	[tilespmem:s8], [sflag:$0x1] =	stream.linear.gather [hbm4b:s5+s1], $0x80, $0x38;
	[tilespmem:$0x4000] =	vst v63  }
0x3e3: {  	s5 =	sld [smem:$0x7D6]  }
0x3e4: {  	[tilespmem:s10], [sflag:$0x1] =	stream.linear.gather [hbm4b:s7+s1], $0x80, $0x38;
	[tilespmem:$0x4000] =	vst v63  }
0x3e5: {  	s8 =	sld [smem:$0x754]  }
0x3e6: {  	[tilespmem:s9], [sflag:$0x1] =	stream.linear.gather [hbm4b:s6+s1], $0x80, $0x38;
	[tilespmem:$0x4000] =	vst v63  }
0x3e7: {  	s7 =	sld [smem:$0x7D7]  }
0x3e8: {  	[tilespmem:s11], [sflag:$0x1] =	stream.linear.gather [hbm4b:s4+s1], $0x80, $0x38;
	[tilespmem:$0x4000] =	vst v63  }
0x3e9: {  	s10 =	sld [smem:$0x755]  }
0x3ea: {  	[tilespmem:s14], [sflag:$0x1] =	stream.linear.gather [hbm4b:s12+s1], $0x80, $0x38;
	[tilespmem:$0x4000] =	vst v63  }
0x3eb: {  	s9 =	sld [smem:$0x7D8]  }
0x3ec: {  	[tilespmem:s16], [sflag:$0x1] =	stream.linear.gather [hbm4b:s13+s1], $0x80, $0x38;
	[tilespmem:$0x4000] =	vst v63  }
0x3ed: {  	s11 =	sld [smem:$0x7D9]  }
0x3ee: {  	[tilespmem:s15], [sflag:$0x1] =	stream.linear.gather [hbm4b:s6+s1], $0x80, $0x38;
	[tilespmem:$0x4000] =	vst v63  }
0x3ef: {  	s12 =	sld [smem:$0x7DA]  }
0x3f0: {  	[tilespmem:s17], [sflag:$0x1] =	stream.linear.gather [hbm4b:s4+s1], $0x80, $0x38;
	[tilespmem:$0x4000] =	vst v63  }
0x3f1: {  	s14 =	sld [smem:$0x756]  }
0x3f2: {  	[tilespmem:s20], [sflag:$0x1] =	stream.linear.gather [hbm4b:s18+s1], $0x80, $0x38;
	[tilespmem:$0x4000] =	vst v63  }
0x3f3: {  	s13 =	sld [smem:$0x7DB]  }
0x3f4: {  	[tilespmem:s22], [sflag:$0x1] =	stream.linear.gather [hbm4b:s19+s1], $0x80, $0x38;
	[tilespmem:$0x4000] =	vst v63  }
0x3f5: {  	s16 =	sld [smem:$0x757]  }
0x3f6: {  	[tilespmem:s21], [sflag:$0x1] =	stream.linear.gather [hbm4b:s6+s1], $0x80, $0x38;
	[tilespmem:$0x4000] =	vst v63  }
0x3f7: {  	s15 =	sld [smem:$0x7DC]  }
0x3f8: {  	[tilespmem:s23], [sflag:$0x1] =	stream.linear.gather [hbm4b:s4+s1], $0x80, $0x38;
	[tilespmem:$0x4000] =	vst v63  }
0x3f9: {  	s17 =	sld [smem:$0x7DD]  }
0x3fa: {  	[tilespmem:s26], [sflag:$0x1] =	stream.linear.gather [hbm4b:s24+s1], $0x80, $0x38;
	[tilespmem:$0x4000] =	vst v63  }
0x3fb: {  	s18 =	sld [smem:$0x7DE]  }
0x3fc: {  	[tilespmem:s29], [sflag:$0x1] =	stream.linear.gather [hbm4b:s25+s1], $0x80, $0x38;
	[tilespmem:$0x4000] =	vst v63  }
0x3fd: {  	s20 =	sld [smem:$0x758]  }
0x3fe: {  	[tilespmem:s28], [sflag:$0x1] =	stream.linear.gather [hbm4b:s6+s1], $0x80, $0x38;
	[tilespmem:$0x4000] =	vst v63  }
0x3ff: {  	s19 =	sld [smem:$0x7DF]  }
0x400: {  	[tilespmem:s3], [sflag:$0x1] =	stream.linear.gather [hbm4b:s4+s1], $0x80, $0x38;
	[tilespmem:$0x4000] =	vst v63  }
0x401: {  	s22 =	sld [smem:$0x759]  }
0x402: {  	[tilespmem:s8], [sflag:$0x1] =	stream.linear.gather [hbm4b:s5+s1], $0x80, $0x38;
	[tilespmem:$0x4000] =	vst v63  }
0x403: {  	s21 =	sld [smem:$0x7E0]  }
0x404: {  	[tilespmem:s10], [sflag:$0x1] =	stream.linear.gather [hbm4b:s7+s1], $0x80, $0x38;
	[tilespmem:$0x4000] =	vst v63  }
0x405: {  	s23 =	sld [smem:$0x7E1]  }
0x406: {  	[tilespmem:s9], [sflag:$0x1] =	stream.linear.gather [hbm4b:s6+s1], $0x80, $0x38;
	[tilespmem:$0x4000] =	vst v63  }
0x407: {  	s24 =	sld [smem:$0x7E2]  }
0x408: {  	[tilespmem:s11], [sflag:$0x1] =	stream.linear.gather [hbm4b:s4+s1], $0x80, $0x38;
	[tilespmem:$0x4000] =	vst v63  }
0x409: {  	s26 =	sld [smem:$0x75A]  }
0x40a: {  	[tilespmem:s14], [sflag:$0x1] =	stream.linear.gather [hbm4b:s12+s1], $0x80, $0x38;
	[tilespmem:$0x4000] =	vst v63  }
0x40b: {  	s25 =	sld [smem:$0x7E3]  }
0x40c: {  	[tilespmem:s16], [sflag:$0x1] =	stream.linear.gather [hbm4b:s13+s1], $0x80, $0x38;
	[tilespmem:$0x4000] =	vst v63  }
0x40d: {  	s29 =	sld [smem:$0x75B]  }
0x40e: {  	[tilespmem:s15], [sflag:$0x1] =	stream.linear.gather [hbm4b:s6+s1], $0x80, $0x38;
	[tilespmem:$0x4000] =	vst v63  }
0x40f: {  	s28 =	sld [smem:$0x7E4]  }
0x410: {  	[tilespmem:s17], [sflag:$0x1] =	stream.linear.gather [hbm4b:s4+s1], $0x80, $0x38;
	[tilespmem:$0x4000] =	vst v63  }
0x411: {  	s5 =	sld [smem:$0x7E5]  }
0x412: {  	[tilespmem:s20], [sflag:$0x1] =	stream.linear.gather [hbm4b:s18+s1], $0x80, $0x38;
	[tilespmem:$0x4000] =	vst v63  }
0x413: {  	s8 =	sld [smem:$0x7E7]  }
0x414: {  	[tilespmem:s22], [sflag:$0x1] =	stream.linear.gather [hbm4b:s19+s1], $0x80, $0x38;
	[tilespmem:$0x4000] =	vst v63  }
0x415: {  	s7 =	sld [smem:$0x7E6]  }
0x416: {  	[tilespmem:s21], [sflag:$0x1] =	stream.linear.gather [hbm4b:s6+s1], $0x80, $0x38;
	[tilespmem:$0x4000] =	vst v63  }
0x417: {  	s10 =	sld [smem:$0x7E8]  }
0x418: {  	[tilespmem:s23], [sflag:$0x1] =	stream.linear.gather [hbm4b:s4+s1], $0x80, $0x38;
	[tilespmem:$0x4000] =	vst v63  }
0x419: {  	s9 =	sld [smem:$0x75C]  }
0x41a: {  	[tilespmem:s26], [sflag:$0x1] =	stream.linear.gather [hbm4b:s24+s1], $0x80, $0x38;
	[tilespmem:$0x4000] =	vst v63  }
0x41b: {  	s11 =	sld [smem:$0x75D]  }
0x41c: {  	[tilespmem:s29], [sflag:$0x1] =	stream.linear.gather [hbm4b:s25+s1], $0x80, $0x38;
	[tilespmem:$0x4000] =	vst v63  }
0x41d: {  	s12 =	sld [smem:$0x7E9]  }
0x41e: {  	[tilespmem:s28], [sflag:$0x1] =	stream.linear.gather [hbm4b:s6+s1], $0x80, $0x38;
	[tilespmem:$0x4000] =	vst v63  }
0x41f: {  	s14 =	sld [smem:$0x7EB]  }
0x420: {  	[tilespmem:s5], [sflag:$0x1] =	stream.linear.gather [hbm4b:s4+s1], $0x80, $0x38;
	[tilespmem:$0x4000] =	vst v63  }
0x421: {  	s13 =	sld [smem:$0x7EA]  }
0x422: {  	[tilespmem:s9], [sflag:$0x1] =	stream.linear.gather [hbm4b:s7+s1], $0x80, $0x38;
	[tilespmem:$0x4000] =	vst v63  }
0x423: {  	s16 =	sld [smem:$0x7EC]  }
0x424: {  	[tilespmem:s11], [sflag:$0x1] =	stream.linear.gather [hbm4b:s8+s1], $0x80, $0x38;
	[tilespmem:$0x4000] =	vst v63  }
0x425: {  	s15 =	sld [smem:$0x75E]  }
0x426: {  	[tilespmem:s10], [sflag:$0x1] =	stream.linear.gather [hbm4b:s6+s1], $0x80, $0x38;
	[tilespmem:$0x4000] =	vst v63  }
0x427: {  	s17 =	sld [smem:$0x75F]  }
0x428: {  	[tilespmem:s12], [sflag:$0x1] =	stream.linear.gather [hbm4b:s4+s1], $0x80, $0x38;
	[tilespmem:$0x4000] =	vst v63  }
0x429: {  	s18 =	sld [smem:$0x7ED]  }
0x42a: {  	[tilespmem:s15], [sflag:$0x1] =	stream.linear.gather [hbm4b:s13+s1], $0x80, $0x38;
	[tilespmem:$0x4000] =	vst v63  }
0x42b: {  	s20 =	sld [smem:$0x7EF]  }
0x42c: {  	[tilespmem:s17], [sflag:$0x1] =	stream.linear.gather [hbm4b:s14+s1], $0x80, $0x38;
	[tilespmem:$0x4000] =	vst v63  }
0x42d: {  	s19 =	sld [smem:$0x7EE]  }
0x42e: {  	[tilespmem:s16], [sflag:$0x1] =	stream.linear.gather [hbm4b:s6+s1], $0x80, $0x38;
	[tilespmem:$0x4000] =	vst v63  }
0x42f: {  	s21 =	sld [smem:$0x760]  }
0x430: {  	[tilespmem:s18], [sflag:$0x1] =	stream.linear.gather [hbm4b:s4+s1], $0x80, $0x38;
	[tilespmem:$0x4000] =	vst v63  }
0x431: {  	s23 =	sld [smem:$0x761]  }
0x432: {  	[tilespmem:s21], [sflag:$0x1] =	stream.linear.gather [hbm4b:s19+s1], $0x80, $0x38;
	[tilespmem:$0x4000] =	vst v63  }
0x433: {  	s22 =	sld [smem:$0x7F0]  }
0x434: {  	[tilespmem:s23], [sflag:$0x1] =	stream.linear.gather [hbm4b:s20+s1], $0x80, $0x38;
	[tilespmem:$0x4000] =	vst v63  }
0x435: {  	s24 =	sld [smem:$0x7F1]  }
0x436: {  	[tilespmem:s22], [sflag:$0x1] =	stream.linear.gather [hbm4b:s6+s1], $0x80, $0x38;
	[tilespmem:$0x4000] =	vst v63  }
0x437: {  	s25 =	sld [smem:$0x7F2]  }
0x438: {  	[tilespmem:s24], [sflag:$0x1] =	stream.linear.gather [hbm4b:s4+s1], $0x80, $0x38;
	[tilespmem:$0x4000] =	vst v63  }
0x439: {  	s26 =	sld [smem:$0x7F3];
	s28 =	simm.s32 $0x3100  }
0x43a: {  	[tilespmem:s28], [sflag:$0x1] =	stream.linear.gather [hbm4b:s25+s1], $0x80, $0x38;
	[tilespmem:$0x4000] =	vst v63  }
0x43b: {  	s29 =	simm.s32 $0x3500  }
0x43c: {  	[tilespmem:s29], [sflag:$0x1] =	stream.linear.gather [hbm4b:s26+s1], $0x80, $0x38;
	[tilespmem:$0x4000] =	vst v63  }
0x43d: {  	s3 =	simm.s32 $0x3900  }
0x43e: {  	[tilespmem:s3], [sflag:$0x1] =	stream.linear.gather [hbm4b:s6+s1], $0x80, $0x38;
	[tilespmem:$0x4000] =	vst v63  }
0x43f: {  	s5 =	sld [smem:$0x7F4];
	s7 =	simm.s32 $0x3D00  }
0x440: {  	[tilespmem:s7], [sflag:$0x1] =	stream.linear.gather [hbm4b:s4+s1], $0x80, $0x38;
	[tilespmem:$0x4000] =	vst v63  }
0x441: {  	s9 =	simm.s32 $0x3180;
	s8 =	sld [smem:$0x7F5]  }
0x442: {  	[tilespmem:s9], [sflag:$0x1] =	stream.linear.gather [hbm4b:s5+s1], $0x80, $0x38;
	[tilespmem:$0x4000] =	vst v63  }
0x443: {  	s10 =	simm.s32 $0x3580  }
0x444: {  	[tilespmem:s10], [sflag:$0x1] =	stream.linear.gather [hbm4b:s8+s1], $0x80, $0x38;
	[tilespmem:$0x4000] =	vst v63  }
0x445: {  	s11 =	simm.s32 $0x3980  }
0x446: {  	[tilespmem:s11], [sflag:$0x1] =	stream.linear.gather [hbm4b:s6+s1], $0x80, $0x38;
	[tilespmem:$0x4000] =	vst v63  }
0x447: {  	s12 =	sld [smem:$0x7F6];
	s13 =	simm.s32 $0x3D80  }
0x448: {  	[tilespmem:s13], [sflag:$0x1] =	stream.linear.gather [hbm4b:s4+s1], $0x80, $0x38;
	[tilespmem:$0x4000] =	vst v63  }
0x449: {  	s15 =	simm.s32 $0x3200;
	s14 =	sld [smem:$0x7F7]  }
0x44a: {  	[tilespmem:s15], [sflag:$0x1] =	stream.linear.gather [hbm4b:s12+s1], $0x80, $0x38;
	[tilespmem:$0x4000] =	vst v63  }
0x44b: {  	s16 =	simm.s32 $0x3600  }
0x44c: {  	[tilespmem:s16], [sflag:$0x1] =	stream.linear.gather [hbm4b:s14+s1], $0x80, $0x38;
	[tilespmem:$0x4000] =	vst v63  }
0x44d: {  	s17 =	simm.s32 $0x3A00  }
0x44e: {  	[tilespmem:s17], [sflag:$0x1] =	stream.linear.gather [hbm4b:s6+s1], $0x80, $0x38;
	[tilespmem:$0x4000] =	vst v63  }
0x44f: {  	s18 =	sld [smem:$0x7F8];
	s19 =	simm.s32 $0x3E00  }
0x450: {  	[tilespmem:s19], [sflag:$0x1] =	stream.linear.gather [hbm4b:s4+s1], $0x80, $0x38;
	[tilespmem:$0x4000] =	vst v63  }
0x451: {  	s21 =	simm.s32 $0x3280;
	s20 =	sld [smem:$0x7F9]  }
0x452: {  	[tilespmem:s21], [sflag:$0x1] =	stream.linear.gather [hbm4b:s18+s1], $0x80, $0x38;
	[tilespmem:$0x4000] =	vst v63  }
0x453: {  	s22 =	simm.s32 $0x3680  }
0x454: {  	[tilespmem:s22], [sflag:$0x1] =	stream.linear.gather [hbm4b:s20+s1], $0x80, $0x38;
	[tilespmem:$0x4000] =	vst v63  }
0x455: {  	s23 =	simm.s32 $0x3A80  }
0x456: {  	[tilespmem:s23], [sflag:$0x1] =	stream.linear.gather [hbm4b:s6+s1], $0x80, $0x38;
	[tilespmem:$0x4000] =	vst v63  }
0x457: {  	s24 =	sld [smem:$0x7FA];
	s25 =	simm.s32 $0x3E80  }
0x458: {  	[tilespmem:s25], [sflag:$0x1] =	stream.linear.gather [hbm4b:s4+s1], $0x80, $0x38;
	[tilespmem:$0x4000] =	vst v63  }
0x459: {  	s28 =	simm.s32 $0x3300;
	s26 =	sld [smem:$0x7FB]  }
0x45a: {  	[tilespmem:s28], [sflag:$0x1] =	stream.linear.gather [hbm4b:s24+s1], $0x80, $0x38;
	[tilespmem:$0x4000] =	vst v63  }
0x45b: {  	s29 =	simm.s32 $0x3700  }
0x45c: {  	[tilespmem:s29], [sflag:$0x1] =	stream.linear.gather [hbm4b:s26+s1], $0x80, $0x38;
	[tilespmem:$0x4000] =	vst v63  }
0x45d: {  	s3 =	simm.s32 $0x3B00  }
0x45e: {  	[tilespmem:s3], [sflag:$0x1] =	stream.linear.gather [hbm4b:s6+s1], $0x80, $0x38;
	[tilespmem:$0x4000] =	vst v63  }
0x45f: {  	s7 =	simm.s32 $0x3F00;
	s5 =	sld [smem:$0x7FC]  }
0x460: {  	[tilespmem:s7], [sflag:$0x1] =	stream.linear.gather [hbm4b:s4+s1], $0x80, $0x38;
	[tilespmem:$0x4000] =	vst v63  }
0x461: {  	s9 =	simm.s32 $0x3380;
	s8 =	sld [smem:$0x7FD]  }
0x462: {  	[tilespmem:s9], [sflag:$0x1] =	stream.linear.gather [hbm4b:s5+s1], $0x80, $0x38;
	[tilespmem:$0x4000] =	vst v63  }
0x463: {  	s10 =	simm.s32 $0x3780  }
0x464: {  	[tilespmem:s10], [sflag:$0x1] =	stream.linear.gather [hbm4b:s8+s1], $0x80, $0x38;
	[tilespmem:$0x4000] =	vst v63  }
0x465: {  	s11 =	simm.s32 $0x3B80  }
0x466: {  	[tilespmem:s11], [sflag:$0x1] =	stream.linear.gather [hbm4b:s6+s1], $0x80, $0x38;
	[tilespmem:$0x4000] =	vst v63  }
0x467: {  	s12 =	simm.s32 $0x3F80  }
0x468: {  	[tilespmem:s12], [sflag:$0x1] =	stream.linear.gather [hbm4b:s4+s1], $0x80, $0x38;
	[tilespmem:$0x4000] =	vst v63  }
0x469: {  	_ =	swait.ge [sflag:s30], $0x100  }
0x46a: {  	[sflag:s30] =	ssyncset.done $0x0  }
0x46b: {  	[sflag:s30] =	ssyncadd.s32 $0xFFFFFF00  }
0x46c: {  	_ =	swait.ge [sflag:s30], $0x100  }
0x46d: {  	[sflag:s30] =	ssyncset.done $0x0  }
0x46e: {  	[sflag:s30] =	ssyncadd.s32 $0xFFFFFF00  }
0x46f: {  	_ =	swait.ge [sflag:s30], $0x100  }
0x470: {  	[sflag:s30] =	ssyncset.done $0x0  }
0x471: {  	[sflag:s30] =	ssyncadd.s32 $0xFFFFFF00  }
0x472: {  	_ =	swait.ge [sflag:s30], $0x100  }
0x473: {  	[sflag:s30] =	ssyncset.done $0x0  }
0x474: {  	[sflag:s30] =	ssyncadd.s32 $0xFFFFFF00  }
0x475: {  	_ =	swait.ge [sflag:s30], $0x100  }
0x476: {  	[sflag:s30] =	ssyncset.done $0x0  }
0x477: {  	[sflag:s30] =	ssyncadd.s32 $0xFFFFFF00  }
0x478: {  	_ =	swait.ge [sflag:s30], $0x100  }
0x479: {  	[sflag:s30] =	ssyncset.done $0x0  }
0x47a: {  	[sflag:s30] =	ssyncadd.s32 $0xFFFFFF00  }
0x47b: {  	_ =	swait.ge [sflag:s30], $0x100  }
0x47c: {  	[sflag:s30] =	ssyncset.done $0x0  }
0x47d: {  	[sflag:s30] =	ssyncadd.s32 $0xFFFFFF00  }
0x47e: {  	_ =	swait.ge [sflag:s30], $0x100  }
0x47f: {  	[sflag:s30] =	ssyncset.done $0x0  }
0x480: {  	[sflag:s30] =	ssyncadd.s32 $0xFFFFFF00  }
0x481: {  	_ =	swait.ge [sflag:s30], $0x100  }
0x482: {  	[sflag:s30] =	ssyncset.done $0x0  }
0x483: {  	[sflag:s30] =	ssyncadd.s32 $0xFFFFFF00  }
0x484: {  	_ =	swait.ge [sflag:s30], $0x100  }
0x485: {  	[sflag:s30] =	ssyncset.done $0x0  }
0x486: {  	[sflag:s30] =	ssyncadd.s32 $0xFFFFFF00  }
0x487: {  	_ =	swait.ge [sflag:s30], $0x100  }
0x488: {  	[sflag:s30] =	ssyncset.done $0x0  }
0x489: {  	[sflag:s30] =	ssyncadd.s32 $0xFFFFFF00  }
0x48a: {  	_ =	swait.ge [sflag:s30], $0x100  }
0x48b: {  	[sflag:s30] =	ssyncset.done $0x0  }
0x48c: {  	[sflag:s30] =	ssyncadd.s32 $0xFFFFFF00  }
0x48d: {  	_ =	swait.ge [sflag:s30], $0x100  }
0x48e: {  	[sflag:s30] =	ssyncset.done $0x0  }
0x48f: {  	[sflag:s30] =	ssyncadd.s32 $0xFFFFFF00  }
0x490: {  	_ =	swait.ge [sflag:s30], $0x100  }
0x491: {  	[sflag:s30] =	ssyncset.done $0x0  }
0x492: {  	[sflag:s30] =	ssyncadd.s32 $0xFFFFFF00  }
0x493: {  	_ =	swait.ge [sflag:s30], $0x100  }
0x494: {  	[sflag:s30] =	ssyncset.done $0x0  }
0x495: {  	[sflag:s30] =	ssyncadd.s32 $0xFFFFFF00  }
0x496: {  	_ =	swait.ge [sflag:s30], $0x100  }
0x497: {  	[sflag:s30] =	ssyncset.done $0x0  }
0x498: {  	[sflag:s30] =	ssyncadd.s32 $0xFFFFFF00  }
0x499: {  	_ =	swait.ge [sflag:s30], $0x100  }
0x49a: {  	[sflag:s30] =	ssyncset.done $0x0  }
0x49b: {  	[sflag:s30] =	ssyncadd.s32 $0xFFFFFF00  }
0x49c: {  	_ =	swait.ge [sflag:s30], $0x100  }
0x49d: {  	[sflag:s30] =	ssyncset.done $0x0  }
0x49e: {  	[sflag:s30] =	ssyncadd.s32 $0xFFFFFF00  }
0x49f: {  	_ =	swait.ge [sflag:s30], $0x100  }
0x4a0: {  	[sflag:s30] =	ssyncset.done $0x0  }
0x4a1: {  	[sflag:s30] =	ssyncadd.s32 $0xFFFFFF00  }
0x4a2: {  	_ =	swait.ge [sflag:s30], $0x100  }
0x4a3: {  	[sflag:s30] =	ssyncset.done $0x0  }
0x4a4: {  	[sflag:s30] =	ssyncadd.s32 $0xFFFFFF00  }
0x4a5: {  	_ =	swait.ge [sflag:s30], $0x100  }
0x4a6: {  	[sflag:s30] =	ssyncset.done $0x0  }
0x4a7: {  	[sflag:s30] =	ssyncadd.s32 $0xFFFFFF00  }
0x4a8: {  	_ =	swait.ge [sflag:s30], $0x100  }
0x4a9: {  	[sflag:s30] =	ssyncset.done $0x0  }
0x4aa: {  	[sflag:s30] =	ssyncadd.s32 $0xFFFFFF00  }
0x4ab: {  	_ =	swait.ge [sflag:s30], $0x100  }
0x4ac: {  	[sflag:s30] =	ssyncset.done $0x0  }
0x4ad: {  	[sflag:s30] =	ssyncadd.s32 $0xFFFFFF00  }
0x4ae: {  	_ =	swait.ge [sflag:s30], $0x100  }
0x4af: {  	[sflag:s30] =	ssyncset.done $0x0  }
0x4b0: {  	[sflag:s30] =	ssyncadd.s32 $0xFFFFFF00  }
0x4b1: {  	_ =	swait.ge [sflag:s30], $0x100  }
0x4b2: {  	[sflag:s30] =	ssyncset.done $0x0  }
0x4b3: {  	[sflag:s30] =	ssyncadd.s32 $0xFFFFFF00  }
0x4b4: {  	_ =	swait.ge [sflag:s30], $0x100  }
0x4b5: {  	[sflag:s30] =	ssyncset.done $0x0  }
0x4b6: {  	[sflag:s30] =	ssyncadd.s32 $0xFFFFFF00  }
0x4b7: {  	_ =	swait.ge [sflag:s30], $0x100  }
0x4b8: {  	[sflag:s30] =	ssyncset.done $0x0  }
0x4b9: {  	[sflag:s30] =	ssyncadd.s32 $0xFFFFFF00  }
0x4ba: {  	_ =	swait.ge [sflag:s30], $0x100  }
0x4bb: {  	[sflag:s30] =	ssyncset.done $0x0  }
0x4bc: {  	[sflag:s30] =	ssyncadd.s32 $0xFFFFFF00  }
0x4bd: {  	_ =	swait.ge [sflag:s30], $0x100  }
0x4be: {  	[sflag:s30] =	ssyncset.done $0x0  }
0x4bf: {  	[sflag:s30] =	ssyncadd.s32 $0xFFFFFF00  }
0x4c0: {  	_ =	swait.ge [sflag:s30], $0x100  }
0x4c1: {  	[sflag:s30] =	ssyncset.done $0x0  }
0x4c2: {  	[sflag:s30] =	ssyncadd.s32 $0xFFFFFF00  }
0x4c3: {  	_ =	swait.ge [sflag:s30], $0x100  }
0x4c4: {  	[sflag:s30] =	ssyncset.done $0x0  }
0x4c5: {  	[sflag:s30] =	ssyncadd.s32 $0xFFFFFF00  }
0x4c6: {  	_ =	swait.ge [sflag:s30], $0x100  }
0x4c7: {  	[sflag:s30] =	ssyncset.done $0x0  }
0x4c8: {  	[sflag:s30] =	ssyncadd.s32 $0xFFFFFF00  }
0x4c9: {  	_ =	swait.ge [sflag:s30], $0x100  }
0x4ca: {  	[sflag:s30] =	ssyncset.done $0x0  }
0x4cb: {  	[sflag:s30] =	ssyncadd.s32 $0xFFFFFF00  }
0x4cc: {  	_ =	swait.ge [sflag:s30], $0x100  }
0x4cd: {  	[sflag:s30] =	ssyncset.done $0x0  }
0x4ce: {  	[sflag:s30] =	ssyncadd.s32 $0xFFFFFF00  }
0x4cf: {  	_ =	swait.ge [sflag:s30], $0x100  }
0x4d0: {  	[sflag:s30] =	ssyncset.done $0x0  }
0x4d1: {  	[sflag:s30] =	ssyncadd.s32 $0xFFFFFF00  }
0x4d2: {  	_ =	swait.ge [sflag:s30], $0x100  }
0x4d3: {  	[sflag:s30] =	ssyncset.done $0x0  }
0x4d4: {  	[sflag:s30] =	ssyncadd.s32 $0xFFFFFF00  }
0x4d5: {  	_ =	swait.ge [sflag:s30], $0x100  }
0x4d6: {  	[sflag:s30] =	ssyncset.done $0x0  }
0x4d7: {  	[sflag:s30] =	ssyncadd.s32 $0xFFFFFF00  }
0x4d8: {  	_ =	swait.ge [sflag:s30], $0x100  }
0x4d9: {  	[sflag:s30] =	ssyncset.done $0x0  }
0x4da: {  	[sflag:s30] =	ssyncadd.s32 $0xFFFFFF00  }
0x4db: {  	_ =	swait.ge [sflag:s30], $0x100  }
0x4dc: {  	[sflag:s30] =	ssyncset.done $0x0  }
0x4dd: {  	[sflag:s30] =	ssyncadd.s32 $0xFFFFFF00  }
0x4de: {  	_ =	swait.ge [sflag:s30], $0x100  }
0x4df: {  	[sflag:s30] =	ssyncset.done $0x0  }
0x4e0: {  	[sflag:s30] =	ssyncadd.s32 $0xFFFFFF00  }
0x4e1: {  	_ =	swait.ge [sflag:s30], $0x100  }
0x4e2: {  	[sflag:s30] =	ssyncset.done $0x0  }
0x4e3: {  	[sflag:s30] =	ssyncadd.s32 $0xFFFFFF00  }
0x4e4: {  	_ =	swait.ge [sflag:s30], $0x100  }
0x4e5: {  	[sflag:s30] =	ssyncset.done $0x0  }
0x4e6: {  	[sflag:s30] =	ssyncadd.s32 $0xFFFFFF00  }
0x4e7: {  	_ =	swait.ge [sflag:s30], $0x100  }
0x4e8: {  	[sflag:s30] =	ssyncset.done $0x0  }
0x4e9: {  	[sflag:s30] =	ssyncadd.s32 $0xFFFFFF00  }
0x4ea: {  	_ =	swait.ge [sflag:s30], $0x100  }
0x4eb: {  	[sflag:s30] =	ssyncset.done $0x0  }
0x4ec: {  	[sflag:s30] =	ssyncadd.s32 $0xFFFFFF00  }
0x4ed: {  	_ =	swait.ge [sflag:s30], $0x100  }
0x4ee: {  	[sflag:s30] =	ssyncset.done $0x0  }
0x4ef: {  	[sflag:s30] =	ssyncadd.s32 $0xFFFFFF00  }
0x4f0: {  	_ =	swait.ge [sflag:s30], $0x100  }
0x4f1: {  	[sflag:s30] =	ssyncset.done $0x0  }
0x4f2: {  	[sflag:s30] =	ssyncadd.s32 $0xFFFFFF00  }
0x4f3: {  	_ =	swait.ge [sflag:s30], $0x100  }
0x4f4: {  	[sflag:s30] =	ssyncset.done $0x0  }
0x4f5: {  	[sflag:s30] =	ssyncadd.s32 $0xFFFFFF00  }
0x4f6: {  	_ =	swait.ge [sflag:s30], $0x100  }
0x4f7: {  	[sflag:s30] =	ssyncset.done $0x0  }
0x4f8: {  	[sflag:s30] =	ssyncadd.s32 $0xFFFFFF00  }
0x4f9: {  	_ =	swait.ge [sflag:s30], $0x100  }
0x4fa: {  	[sflag:s30] =	ssyncset.done $0x0  }
0x4fb: {  	[sflag:s30] =	ssyncadd.s32 $0xFFFFFF00  }
0x4fc: {  	_ =	swait.ge [sflag:s30], $0x100  }
0x4fd: {  	[sflag:s30] =	ssyncset.done $0x0  }
0x4fe: {  	[sflag:s30] =	ssyncadd.s32 $0xFFFFFF00  }
0x4ff: {  	_ =	swait.ge [sflag:s30], $0x100  }
0x500: {  	[sflag:s30] =	ssyncset.done $0x0  }
0x501: {  	[sflag:s30] =	ssyncadd.s32 $0xFFFFFF00  }
0x502: {  	_ =	swait.ge [sflag:s30], $0x100  }
0x503: {  	[sflag:s30] =	ssyncset.done $0x0  }
0x504: {  	[sflag:s30] =	ssyncadd.s32 $0xFFFFFF00  }
0x505: {  	_ =	swait.ge [sflag:s30], $0x100  }
0x506: {  	[sflag:s30] =	ssyncset.done $0x0  }
0x507: {  	[sflag:s30] =	ssyncadd.s32 $0xFFFFFF00  }
0x508: {  	_ =	swait.ge [sflag:s30], $0x100  }
0x509: {  	[sflag:s30] =	ssyncset.done $0x0  }
0x50a: {  	[sflag:s30] =	ssyncadd.s32 $0xFFFFFF00  }
0x50b: {  	_ =	swait.ge [sflag:s30], $0x100  }
0x50c: {  	[sflag:s30] =	ssyncset.done $0x0  }
0x50d: {  	[sflag:s30] =	ssyncadd.s32 $0xFFFFFF00  }
0x50e: {  	_ =	swait.ge [sflag:s30], $0x100  }
0x50f: {  	[sflag:s30] =	ssyncset.done $0x0  }
0x510: {  	[sflag:s30] =	ssyncadd.s32 $0xFFFFFF00  }
0x511: {  	_ =	swait.ge [sflag:s30], $0x100  }
0x512: {  	[sflag:s30] =	ssyncset.done $0x0  }
0x513: {  	[sflag:s30] =	ssyncadd.s32 $0xFFFFFF00  }
0x514: {  	_ =	swait.ge [sflag:s30], $0x100  }
0x515: {  	[sflag:s30] =	ssyncset.done $0x0  }
0x516: {  	[sflag:s30] =	ssyncadd.s32 $0xFFFFFF00  }
0x517: {  	_ =	swait.ge [sflag:s30], $0x100  }
0x518: {  	[sflag:s30] =	ssyncset.done $0x0  }
0x519: {  	[sflag:s30] =	ssyncadd.s32 $0xFFFFFF00  }
0x51a: {  	_ =	swait.ge [sflag:s30], $0x100  }
0x51b: {  	[sflag:s30] =	ssyncset.done $0x0  }
0x51c: {  	[sflag:s30] =	ssyncadd.s32 $0xFFFFFF00  }
0x51d: {  	_ =	swait.ge [sflag:s30], $0x100  }
0x51e: {  	[sflag:s30] =	ssyncset.done $0x0  }
0x51f: {  	[sflag:s30] =	ssyncadd.s32 $0xFFFFFF00  }
0x520: {  	_ =	swait.ge [sflag:s30], $0x100  }
0x521: {  	[sflag:s30] =	ssyncset.done $0x0  }
0x522: {  	[sflag:s30] =	ssyncadd.s32 $0xFFFFFF00  }
0x523: {  	_ =	swait.ge [sflag:s30], $0x100  }
0x524: {  	[sflag:s30] =	ssyncset.done $0x0  }
0x525: {  	[sflag:s30] =	ssyncadd.s32 $0xFFFFFF00  }
0x526: {  	_ =	swait.ge [sflag:s30], $0x100  }
0x527: {  	[sflag:s30] =	ssyncset.done $0x0  }
0x528: {  	s13 =	rddreg [dreg:$0x4];
	[sflag:s30] =	ssyncadd.s32 $0xFFFFFF00  }
0x529: {  	[hbm4b:s13+s1] =	stream.linear.scatter [tilespmem:s1], [sflag:$0x2], $0x4000, $0x38;
	[tilespmem:$0x4000] =	vst v63  }
0x52a: {  	s14 =	rddreg [dreg:$0x5]  }
0x52b: {  	[hbm4b:s14+s1] =	stream.linear.scatter [tilespmem:s1], [sflag:$0x2], $0x4000, $0x38;
	[tilespmem:$0x4000] =	vst v63  }
0x52c: {  	s15 =	rddreg [dreg:$0x6]  }
0x52d: {  	[hbm4b:s15+s1] =	stream.linear.scatter [tilespmem:s1], [sflag:$0x2], $0x4000, $0x38;
	[tilespmem:$0x4000] =	vst v63  }
0x52e: {  	s16 =	rddreg [dreg:$0x7]  }
0x52f: {  	[hbm4b:s16+s1] =	stream.linear.scatter [tilespmem:s1], [sflag:$0x2], $0x4000, $0x38;
	[tilespmem:$0x4000] =	vst v63  }
0x530: {  	s17 =	rddreg [dreg:$0x8]  }
0x531: {  	[hbm4b:s17+s1] =	stream.linear.scatter [tilespmem:s1], [sflag:$0x2], $0x4000, $0x38;
	[tilespmem:$0x4000] =	vst v63  }
0x532: {  	s18 =	rddreg [dreg:$0x9]  }
0x533: {  	[hbm4b:s18+s1] =	stream.linear.scatter [tilespmem:s1], [sflag:$0x2], $0x4000, $0x38;
	[tilespmem:$0x4000] =	vst v63  }
0x534: {  	s19 =	rddreg [dreg:$0xa]  }
0x535: {  	[hbm4b:s19+s1] =	stream.linear.scatter [tilespmem:s1], [sflag:$0x2], $0x4000, $0x38;
	[tilespmem:$0x4000] =	vst v63  }
0x536: {  	s20 =	rddreg [dreg:$0xb]  }
0x537: {  	[hbm4b:s20+s1] =	stream.linear.scatter [tilespmem:s1], [sflag:$0x2], $0x4000, $0x38;
	[tilespmem:$0x4000] =	vst v63  }
0x538: {  	s21 =	rddreg [dreg:$0xc]  }
0x539: {  	[hbm4b:s21+s1] =	stream.linear.scatter [tilespmem:s1], [sflag:$0x2], $0x4000, $0x38;
	[tilespmem:$0x4000] =	vst v63  }
0x53a: {  	s22 =	rddreg [dreg:$0xd]  }
0x53b: {  	[hbm4b:s22+s1] =	stream.linear.scatter [tilespmem:s1], [sflag:$0x2], $0x4000, $0x38;
	[tilespmem:$0x4000] =	vst v63  }
0x53c: {  	s23 =	rddreg [dreg:$0xe]  }
0x53d: {  	[hbm4b:s23+s1] =	stream.linear.scatter [tilespmem:s1], [sflag:$0x2], $0x4000, $0x38;
	[tilespmem:$0x4000] =	vst v63  }
0x53e: {  	s24 =	rddreg [dreg:$0xf]  }
0x53f: {  	[hbm4b:s24+s1] =	stream.linear.scatter [tilespmem:s1], [sflag:$0x2], $0x4000, $0x38;
	[tilespmem:$0x4000] =	vst v63  }
0x540: {  	s25 =	rddreg [dreg:$0x10]  }
0x541: {  	[hbm4b:s25+s1] =	stream.linear.scatter [tilespmem:s1], [sflag:$0x2], $0x4000, $0x38;
	[tilespmem:$0x4000] =	vst v63  }
0x542: {  	s26 =	rddreg [dreg:$0x11]  }
0x543: {  	[hbm4b:s26+s1] =	stream.linear.scatter [tilespmem:s1], [sflag:$0x2], $0x4000, $0x38;
	[tilespmem:$0x4000] =	vst v63  }
0x544: {  	s28 =	rddreg [dreg:$0x12]  }
0x545: {  	[hbm4b:s28+s1] =	stream.linear.scatter [tilespmem:s1], [sflag:$0x2], $0x4000, $0x38;
	[tilespmem:$0x4000] =	vst v63  }
0x546: {  	s29 =	rddreg [dreg:$0x13]  }
0x547: {  	[hbm4b:s29+s1] =	stream.linear.scatter [tilespmem:s1], [sflag:$0x2], $0x4000, $0x38;
	[tilespmem:$0x4000] =	vst v63  }
0x548: {  	s0 =	sld [smem:$0x762];
	_ =	swait.ge [sflag:s31], $0x4000  }
0x549: {  	[sflag:s31] =	ssyncset.done $0x0  }
0x54a: {  	[sflag:s31] =	ssyncadd.s32 $0xFFFFC000  }
0x54b: {  	_ =	swait.ge [sflag:s31], $0x4000  }
0x54c: {  	[sflag:s31] =	ssyncset.done $0x0  }
0x54d: {  	[sflag:s31] =	ssyncadd.s32 $0xFFFFC000  }
0x54e: {  	_ =	swait.ge [sflag:s31], $0x4000  }
0x54f: {  	[sflag:s31] =	ssyncset.done $0x0  }
0x550: {  	[sflag:s31] =	ssyncadd.s32 $0xFFFFC000  }
0x551: {  	_ =	swait.ge [sflag:s31], $0x4000  }
0x552: {  	[sflag:s31] =	ssyncset.done $0x0  }
0x553: {  	[sflag:s31] =	ssyncadd.s32 $0xFFFFC000  }
0x554: {  	_ =	swait.ge [sflag:s31], $0x4000  }
0x555: {  	[sflag:s31] =	ssyncset.done $0x0  }
0x556: {  	[sflag:s31] =	ssyncadd.s32 $0xFFFFC000  }
0x557: {  	_ =	swait.ge [sflag:s31], $0x4000  }
0x558: {  	[sflag:s31] =	ssyncset.done $0x0  }
0x559: {  	[sflag:s31] =	ssyncadd.s32 $0xFFFFC000  }
0x55a: {  	_ =	swait.ge [sflag:s31], $0x4000  }
0x55b: {  	[sflag:s31] =	ssyncset.done $0x0  }
0x55c: {  	[sflag:s31] =	ssyncadd.s32 $0xFFFFC000  }
0x55d: {  	_ =	swait.ge [sflag:s31], $0x4000  }
0x55e: {  	[sflag:s31] =	ssyncset.done $0x0  }
0x55f: {  	[sflag:s31] =	ssyncadd.s32 $0xFFFFC000  }
0x560: {  	_ =	swait.ge [sflag:s31], $0x4000  }
0x561: {  	[sflag:s31] =	ssyncset.done $0x0  }
0x562: {  	[sflag:s31] =	ssyncadd.s32 $0xFFFFC000  }
0x563: {  	_ =	swait.ge [sflag:s31], $0x4000  }
0x564: {  	[sflag:s31] =	ssyncset.done $0x0  }
0x565: {  	[sflag:s31] =	ssyncadd.s32 $0xFFFFC000  }
0x566: {  	_ =	swait.ge [sflag:s31], $0x4000  }
0x567: {  	[sflag:s31] =	ssyncset.done $0x0  }
0x568: {  	[sflag:s31] =	ssyncadd.s32 $0xFFFFC000  }
0x569: {  	_ =	swait.ge [sflag:s31], $0x4000  }
0x56a: {  	[sflag:s31] =	ssyncset.done $0x0  }
0x56b: {  	[sflag:s31] =	ssyncadd.s32 $0xFFFFC000  }
0x56c: {  	_ =	swait.ge [sflag:s31], $0x4000  }
0x56d: {  	[sflag:s31] =	ssyncset.done $0x0  }
0x56e: {  	[sflag:s31] =	ssyncadd.s32 $0xFFFFC000  }
0x56f: {  	_ =	swait.ge [sflag:s31], $0x4000  }
0x570: {  	[sflag:s31] =	ssyncset.done $0x0  }
0x571: {  	[sflag:s31] =	ssyncadd.s32 $0xFFFFC000  }
.Ltmp1:
0x572: {  	_ =	swait.ge [sflag:s31], $0x4000;
	(pc) =	sbr.rel @p0 .LBB2_1-.Ltmp1, $4  }
0x573: {  	[sflag:s31] =	ssyncset.done $0x0  }
0x574: {  	[sflag:s31] =	ssyncadd.s32 $0xFFFFC000  }
0x575: {  	_ =	swait.ge [sflag:s31], $0x4000  }
0x576: {  	[sflag:s31] =	ssyncset.done $0x0  }
.LBB2_2:
0x577: {  	[sflag:s31] =	ssyncadd.s32 $0xFFFFC000  }
0x578: {  	_ =	sfence.sel $0x180000  }
0x579: {  	[bflag:$0x0] =	sbarrier.arrive $0xFFFF  }
0x57a: {  	_ =	strace $0x90000047  }
0x57b: {  	s0 =	stileid.u32;
	[bflag:$0x2] =	sbarrier.arrive $0xFFFF  }
0x57c: {  	p0 =	sne.s32 s0, $0x0;
	s0 =	rddreg [dreg:$0x3]  }
0x57d: {  	s0 =	sadd.s32 @!p0 $0x100000, s0  }
0x57e: {  	[sflag:s0] =	ssyncadd.tile.s32 @!p0 $0x1;
	_ =	shalt  }
.Lfunc_end2:
_tile_overlayer_lowered:
.L_overlay_start_2:
0x57f: {  	(tag) =	ssettag $0x2  }
0x580: {  	s0 =	rddreg [dreg:$0x0];
	s2 =	stileid.u32  }
0x581: {  	s1 =	rddreg [dreg:$0x1];
	p0 =	sne.s32 s2, $0x0  }
0x582: {  	s3 =	rddreg [dreg:$0x2];
	[bflag:$0x3] =	sbarrier.arrive $0xFFFF;
	s2 =	simm.s32 @!p0 $0x1C03  }
0x583: {  	[timem:s3], [sflag:s2] =	dma.local @!p0 [hbm:s0], s1  }
0x584: {  	s0 =	simm.s32 @!p0 $0x3  }
0x585: {  	_ =	swait.ge @!p0 [sflag:s0], s1  }
0x586: {  	s1 =	ssub.s32 @!p0 $0x0, s1;
	[sflag:s0] =	ssyncset.done @!p0 $0x0  }
0x587: {  	[sflag:s0] =	ssyncadd.s32 @!p0 s1  }
0x588: {  	[bflag:$0x3] =	sbarrier.arrive $0xFFFF  }
0x589: {  	_ =	shalt  }

</sc_bundles>
